<compile_context>
chip_gen: v7x
topology: tpu7x:2x2x1
jax: 0.10.2.dev20260603
libtpu: 0.0.44.dev20260713+nightly
codegen_flags: <defaults>
</compile_context>

<pallas_src>
import functools

import jax
import jax.numpy as jnp
from jax import lax
from jax.experimental import pallas as pl
from jax.experimental.pallas import tpu as pltpu
from jax.experimental.pallas import tpu_sc as plsc

N = 10000
E = 320000
F_IN = 128
HID = 384
NR = 256
NPAD = 10240

NUM_SC = 2
NUM_TILES = 16
LANES = 16
CPT = 4
CH = 4000
CHS = 2000

_mesh = functools.partial(
    plsc.VectorSubcoreMesh, core_axis_name="c", subcore_axis_name="s")


def _deg_body(edges_hbm, deg_hbm, ep_hbm, hist, srcbuf, dstbuf, packbuf, acc,
              tmp, shared):
    kind = lax.axis_index("c")
    sid = lax.axis_index("s")

    @pl.loop(0, NPAD // LANES)
    def _zero(i):
        hist[pl.ds(i * LANES, LANES)] = jnp.zeros((LANES,), jnp.float32)

    per_tile = E // NUM_TILES
    ones = jnp.ones((LANES,), jnp.float32)

    @pl.loop(0, per_tile // CH)
    def _chunk(ci):
        off = sid * per_tile + ci * CH
        pltpu.sync_copy(edges_hbm.at[pl.ds(off, CH)], srcbuf)
        pltpu.sync_copy(edges_hbm.at[pl.ds(E + off, CH)], dstbuf)

        @plsc.parallel_loop(0, CH // LANES, unroll=4)
        def _group(g):
            sl = pl.ds(g * LANES, LANES)
            sv = srcbuf[sl]
            dv = dstbuf[sl]
            idx = jnp.where(kind == 0, sv, dv)
            plsc.addupdate_scatter(hist, [idx], ones)
            packbuf[sl] = jnp.bitwise_or(sv, lax.shift_left(dv, 16))

        @pl.when(kind == 0)
        def _write_packed():
            pltpu.sync_copy(packbuf, ep_hbm.at[pl.ds(off, CH)])

    pltpu.sync_copy(hist, shared.at[sid])
    plsc.subcore_barrier()

    seg = NPAD // NUM_TILES
    base = sid * seg

    @pl.loop(0, seg // LANES)
    def _zacc(i):
        acc[pl.ds(i * LANES, LANES)] = jnp.zeros((LANES,), jnp.float32)

    for k in range(NUM_TILES):
        pltpu.sync_copy(shared.at[k, pl.ds(base, seg)], tmp)

        @pl.loop(0, seg // LANES)
        def _red(i):
            s = pl.ds(i * LANES, LANES)
            acc[s] = acc[s] + tmp[s]

    pltpu.sync_copy(acc, deg_hbm.at[pl.ds(kind * NPAD + base, seg)])


def _degrees(edge_index):
    kern = pl.kernel(
        _deg_body,
        out_type=(jax.ShapeDtypeStruct((2 * NPAD,), jnp.float32),
                  jax.ShapeDtypeStruct((E,), jnp.int32)),
        mesh=_mesh(),
        compiler_params=pltpu.CompilerParams(needs_layout_passes=False, use_tc_tiling_on_sc=False),
        scratch_types=[
            pltpu.VMEM((NPAD,), jnp.float32),
            pltpu.VMEM((CH,), jnp.int32),
            pltpu.VMEM((CH,), jnp.int32),
            pltpu.VMEM((CH,), jnp.int32),
            pltpu.VMEM((NPAD // NUM_TILES,), jnp.float32),
            pltpu.VMEM((NPAD // NUM_TILES,), jnp.float32),
            pltpu.VMEM_SHARED((NUM_TILES, NPAD), jnp.float32),
        ],
    )
    return kern(edge_index.reshape(2 * E))


def _seg_body(pp, width, ep_hbm, xp_hbm, agg_hbm, xcols, aggcols, idxbuf, sem0,
              sem1):
    wid = lax.axis_index("s") * NUM_SC + lax.axis_index("c")
    base = wid * pp

    pltpu.sync_copy(xp_hbm.at[pl.ds(base * NPAD, pp * NPAD)], xcols)

    @plsc.parallel_loop(0, 2 * pp * NPAD // LANES, unroll=8)
    def _zero(i):
        aggcols[pl.ds(i * LANES, LANES)] = jnp.zeros((LANES,), jnp.float32)

    def _process(buf_off):
        @plsc.parallel_loop(0, CHS // LANES, unroll=4)
        def _group(g):
            w = idxbuf[pl.ds(buf_off + g * LANES, LANES)]
            src = jnp.bitwise_and(w, 0xFFFF)
            dst = lax.shift_right_logical(w, 16)
            for j in range(pp):
                wv = plsc.load_gather(xcols, [src + j * NPAD])
                bb = plsc.bitcast(wv, jnp.bfloat16)
                va, vb = plsc.unpack(bb, format=plsc.PackFormat.INTERLEAVED)
                plsc.addupdate_scatter(aggcols, [dst + j * NPAD], va)
                plsc.addupdate_scatter(aggcols, [dst + (pp + j) * NPAD], vb)

    ncH = E // CHS
    pltpu.async_copy(ep_hbm.at[pl.ds(0, CHS)], idxbuf.at[pl.ds(0, CHS)], sem0)

    @pl.loop(0, ncH, step=2)
    def _chunk(ci):
        pltpu.async_copy(
            ep_hbm.at[pl.ds((ci + 1) * CHS, CHS)],
            idxbuf.at[pl.ds(CHS, CHS)], sem1)
        pltpu.make_async_copy(
            ep_hbm.at[pl.ds(ci * CHS, CHS)],
            idxbuf.at[pl.ds(0, CHS)], sem0).wait()
        _process(0)

        @pl.when(ci + 2 < ncH)
        def _prefetch():
            pltpu.async_copy(
                ep_hbm.at[pl.ds((ci + 2) * CHS, CHS)],
                idxbuf.at[pl.ds(0, CHS)], sem0)

        pltpu.make_async_copy(
            ep_hbm.at[pl.ds((ci + 1) * CHS, CHS)],
            idxbuf.at[pl.ds(CHS, CHS)], sem1).wait()
        _process(CHS)

    pltpu.sync_copy(aggcols.at[pl.ds(0, pp * NPAD)],
                    agg_hbm.at[pl.ds(base * NPAD, pp * NPAD)])
    pltpu.sync_copy(aggcols.at[pl.ds(pp * NPAD, pp * NPAD)],
                    agg_hbm.at[pl.ds((width // 2 + base) * NPAD, pp * NPAD)])


def _segment_sum(epacked, xt_packed, width):
    pp = (width // 2) // (NUM_SC * NUM_TILES)
    kern = pl.kernel(
        functools.partial(_seg_body, pp, width),
        out_type=jax.ShapeDtypeStruct((width * NPAD,), jnp.float32),
        mesh=_mesh(),
        compiler_params=pltpu.CompilerParams(needs_layout_passes=False, use_tc_tiling_on_sc=False),
        scratch_types=[
            pltpu.VMEM((pp * NPAD,), jnp.int32),
            pltpu.VMEM((2 * pp * NPAD,), jnp.float32),
            pltpu.VMEM((2 * CHS,), jnp.int32),
            pltpu.SemaphoreType.DMA,
            pltpu.SemaphoreType.DMA,
        ],
    )
    return kern(epacked, xt_packed.reshape(-1)).reshape(width, NPAD)


_TB = 256


def _pack_rows(z):
    half = z.shape[0] // 2
    a = lax.bitcast_convert_type(z[:half].astype(jnp.bfloat16), jnp.uint16)
    b = lax.bitcast_convert_type(z[half:].astype(jnp.bfloat16), jnp.uint16)
    return (a.astype(jnp.int32)
            | lax.shift_left(b.astype(jnp.int32), 16))


def _prep_body(x_ref, deg_ref, ht_ref, s_ref):
    s = lax.rsqrt(jnp.maximum(deg_ref[...], 1.0))
    s_ref[...] = s
    r = lax.broadcasted_iota(jnp.int32, (_TB, _TB), 0)
    c = lax.broadcasted_iota(jnp.int32, (_TB, _TB), 1)
    eye = jnp.where(r == c, 1.0, 0.0).astype(jnp.float32)
    xt = lax.dot_general(x_ref[...], eye, (((0,), (0,)), ((), ())),
                         preferred_element_type=jnp.float32)
    ht_ref[...] = _pack_rows(xt * s[0:1, :])


def _prepare(features_pad, deg):
    grid = NPAD // _TB
    return pl.pallas_call(
        _prep_body,
        grid=(grid,),
        in_specs=[
            pl.BlockSpec((_TB, F_IN), lambda j: (j, 0)),
            pl.BlockSpec((2, _TB), lambda j: (0, j)),
        ],
        out_specs=[
            pl.BlockSpec((F_IN // 2, _TB), lambda j: (0, j)),
            pl.BlockSpec((2, _TB), lambda j: (0, j)),
        ],
        out_shape=[
            jax.ShapeDtypeStruct((F_IN // 2, NPAD), jnp.int32),
            jax.ShapeDtypeStruct((2, NPAD), jnp.float32),
        ],
    )(features_pad, deg)


_MB = 512


def _mm_body(a_ref, s_ref, w1_ref, b1_ref, w2_ref, z_ref):
    s_in = s_ref[1:2, :]
    s_out = s_ref[0:1, :]
    a = a_ref[...] * s_in
    x1 = lax.dot_general(w1_ref[...], a, (((0,), (0,)), ((), ())),
                         preferred_element_type=jnp.float32)
    x1 = jnp.maximum(x1 + b1_ref[...], 0.0) * s_out
    z = lax.dot_general(w2_ref[...], x1, (((0,), (0,)), ((), ())),
                        preferred_element_type=jnp.float32)
    z_ref[...] = _pack_rows(z)


def _matmuls(agg1t, s, W1, b1, W2):
    grid = NPAD // _MB
    return pl.pallas_call(
        _mm_body,
        grid=(grid,),
        in_specs=[
            pl.BlockSpec((F_IN, _MB), lambda j: (0, j)),
            pl.BlockSpec((2, _MB), lambda j: (0, j)),
            pl.BlockSpec((F_IN, HID), lambda j: (0, 0)),
            pl.BlockSpec((HID, 1), lambda j: (0, 0)),
            pl.BlockSpec((HID, NR), lambda j: (0, 0)),
        ],
        out_specs=pl.BlockSpec((NR // 2, _MB), lambda j: (0, j)),
        out_shape=jax.ShapeDtypeStruct((NR // 2, NPAD), jnp.int32),
    )(agg1t, s, W1, b1.reshape(HID, 1), W2)


_EB = 128


def _epi_body(a_ref, s_ref, b2_ref, out_ref):
    a = a_ref[...] * s_ref[1:2, :]
    r = lax.broadcasted_iota(jnp.int32, (NR, NR), 0)
    c = lax.broadcasted_iota(jnp.int32, (NR, NR), 1)
    eye = jnp.where(r == c, 1.0, 0.0).astype(jnp.float32)
    out_ref[...] = lax.dot_general(a, eye, (((0,), (0,)), ((), ())),
                                   preferred_element_type=jnp.float32) + b2_ref[...]


def _epilogue(agg2t, s, b2):
    grid = (N + _EB - 1) // _EB
    return pl.pallas_call(
        _epi_body,
        grid=(grid,),
        in_specs=[
            pl.BlockSpec((NR, _EB), lambda j: (0, j)),
            pl.BlockSpec((2, _EB), lambda j: (0, j)),
            pl.BlockSpec((1, NR), lambda j: (0, 0)),
        ],
        out_specs=pl.BlockSpec((_EB, NR), lambda j: (j, 0)),
        out_shape=jax.ShapeDtypeStruct((N, NR), jnp.float32),
    )(agg2t, s, b2.reshape(1, NR))


def kernel(features, edge_index, W1, b1, W2, b2):
    deg, epacked = _degrees(edge_index.astype(jnp.int32))
    deg = deg.reshape(2, NPAD)
    ht, s = _prepare(features, deg)
    agg1t = _segment_sum(epacked, ht, F_IN)
    zt = _matmuls(agg1t, s, W1, b1, W2)
    agg2t = _segment_sum(epacked, zt, NR)
    out = _epilogue(agg2t, s, b2)
    return out.reshape(N, 16, 16)

# --- scband reference (transcript-rebuilt; emitter-appended) ---
"""Pipeline reference for scband-criteria-relation-network-41867341201760 (READ-ONLY COPY).

The authoritative reference and input builder live on the scoring server;
editing this copy changes nothing except your own understanding.
"""

import jax, jax.numpy as jnp
import numpy as np

N = 10000
E = 320000
F_IN = 128
HID = 384  # num_features * 3
NR = 256   # num_relations = num_criteria**2
NC = 16    # num_criteria


def setup_inputs(seed: int = 0) -> dict:
    key = jax.random.key(seed)
    k1, k2, k3, k4, k5, k6 = jax.random.split(key, 6)
    features = jax.random.normal(k1, (N, F_IN), dtype=jnp.float32)
    edge_index = jax.random.randint(k2, (2, E), 0, N, dtype=jnp.int32)
    W1 = jax.random.normal(k3, (F_IN, HID), dtype=jnp.float32) / np.sqrt(F_IN)
    b1 = jnp.zeros((HID,), dtype=jnp.float32)
    W2 = jax.random.normal(k4, (HID, NR), dtype=jnp.float32) / np.sqrt(HID)
    b2 = jnp.zeros((NR,), dtype=jnp.float32)
    return {"features": features, "edge_index": edge_index, "W1": W1, "b1": b1, "W2": W2, "b2": b2}


def _graph_conv(x, src, dst, W, b, n_nodes):
    # DGL GraphConv with norm='both': h' = D_out^{-1/2} A D_in^{-1/2} x W + b
    deg_out = jnp.clip(jnp.bincount(src, length=n_nodes), 1).astype(x.dtype)
    deg_in = jnp.clip(jnp.bincount(dst, length=n_nodes), 1).astype(x.dtype)
    h = x * (deg_out ** -0.5)[:, None]
    msgs = h[src]  # gather
    agg = jnp.zeros((n_nodes, h.shape[1]), dtype=x.dtype).at[dst].add(msgs)  # scatter-add
    agg = agg * (deg_in ** -0.5)[:, None]
    return agg @ W + b


def reference(features, edge_index, W1, b1, W2, b2):
    src = edge_index[0]
    dst = edge_index[1]
    x = jax.nn.relu(_graph_conv(features, src, dst, W1, b1, N))
    x = _graph_conv(x, src, dst, W2, b2, N)
    return x.reshape(-1, NC, NC)

if __name__ == "__main__":
    import jax
    _d = setup_inputs()
    print(jax.jit(kernel)(*tuple(_d.values())))

</pallas_src>

<mosaic_0001>
#map = affine_map<(d0, d1) -> (0)>
module attributes {stable_mosaic.version = 14 : i64} {
  func.func @_seg_body(%arg0: i32, %arg1: i32, %arg2: memref<320000xi32, #tpu.memory_space<hbm>>, %arg3: memref<1310720xi32, #tpu.memory_space<hbm>>, %arg4: memref<2621440xf32, #tpu.memory_space<hbm>>, %arg5: memref<40960xi32, #tpu.memory_space<vmem>>, %arg6: memref<81920xf32, #tpu.memory_space<vmem>>, %arg7: memref<4000xi32, #tpu.memory_space<vmem>>, %arg8: memref<!tpu.dma_semaphore, #tpu.memory_space<semaphore_mem>>, %arg9: memref<!tpu.dma_semaphore, #tpu.memory_space<semaphore_mem>>) attributes {dimension_semantics = [#tpu.dimension_semantics<core_parallel>, #tpu.dimension_semantics<subcore_parallel>], iteration_bounds = array<i64: 2, 16>, scalar_prefetch = 0 : i64, scratch_operands = 5 : i64, tpu.core_type = #tpu.core_type<sc_vector_subcore>, window_params = [{transform_indices = #map}, {transform_indices = #map}, {transform_indices = #map}]} {
    %mul3A = arith.constant 2 : i32
    %mul3A_0 = arith.muli %arg1, %mul3A : i32
    %add3A = arith.addi %mul3A_0, %arg0 : i32
    %mul3A_1 = arith.constant 4 : i32
    %mul3A_2 = arith.muli %add3A, %mul3A_1 : i32
    %mul3A_3 = arith.constant 10240 : i32
    %mul3A_4 = arith.muli %mul3A_2, %mul3A_3 : i32
    "tpu.region"() ({
      %run_scoped3A = tpu.sem_alloc : memref<!tpu.dma_semaphore, #tpu.memory_space<semaphore_mem>>
      %dma_start3A_24 = tpu.memref_slice %arg3[%mul3A_4] : memref<1310720xi32, #tpu.memory_space<hbm>> -> memref<40960xi32, #tpu.memory_space<hbm>>
      %dma_start3A_25 = tpu.memref_slice %arg3[%mul3A_4] : memref<1310720xi32, #tpu.memory_space<hbm>> -> memref<40960xi32, #tpu.memory_space<hbm>>
      tpu.enqueue_dma source(%dma_start3A_25 : memref<40960xi32, #tpu.memory_space<hbm>>) target(%arg5 : memref<40960xi32, #tpu.memory_space<vmem>>) target_semaphore(%run_scoped3A : memref<!tpu.dma_semaphore, #tpu.memory_space<semaphore_mem>>)
      %dma_wait3A = tpu.memref_slice %arg3[%mul3A_4] : memref<1310720xi32, #tpu.memory_space<hbm>> -> memref<40960xi32, #tpu.memory_space<hbm>>
      %dma_wait3A_26 = tpu.memref_slice %arg3[%mul3A_4] : memref<1310720xi32, #tpu.memory_space<hbm>> -> memref<40960xi32, #tpu.memory_space<hbm>>
      tpu.wait_dma2 semaphore(%run_scoped3A : memref<!tpu.dma_semaphore, #tpu.memory_space<semaphore_mem>>) src(%dma_wait3A_26 : memref<40960xi32, #tpu.memory_space<hbm>>) dst(%arg5 : memref<40960xi32, #tpu.memory_space<vmem>>)
      tpu.yield
    }) : () -> ()
    %parallel_loop3A = arith.constant 0 : i32
    %parallel_loop3A_5 = arith.constant 5120 : i32
    %parallel_loop3A_6 = arith.constant 1 : i32
    scf.for %parallel_loop3A_24 = %parallel_loop3A to %parallel_loop3A_5 step %parallel_loop3A_6  : i32 {
      %parallel_loop3A_25 = arith.constant 0.000000e+00 : f32
      %parallel_loop3A_26 = vector.broadcast %parallel_loop3A_25 : f32 to vector<16xf32>
      %parallel_loop3A_27 = arith.constant 16 : i32
      %parallel_loop3A_28 = arith.muli %parallel_loop3A_24, %parallel_loop3A_27 : i32
      %parallel_loop3A_29 = arith.index_cast %parallel_loop3A_28 : i32 to index
      %parallel_loop3A_30 = tpu.vector_load %arg6[%parallel_loop3A_29] {strides = array<i32>} : memref<81920xf32, #tpu.memory_space<vmem>>, vector<16xf32>,
      tpu.vector_store %arg6[%parallel_loop3A_29], %parallel_loop3A_26 {strides = array<i32>} : memref<81920xf32, #tpu.memory_space<vmem>>, vector<16xf32>,
    } {sc.loop_unroll_factor = 8 : i64, sc.parallel_access}
    %dma_start3A = arith.constant 0 : i32
    %dma_start3A_7 = tpu.memref_slice %arg7[%dma_start3A] : memref<4000xi32, #tpu.memory_space<vmem>> -> memref<2000xi32, #tpu.memory_space<vmem>>
    %dma_start3A_8 = arith.constant 0 : i32
    %dma_start3A_9 = tpu.memref_slice %arg2[%dma_start3A_8] : memref<320000xi32, #tpu.memory_space<hbm>> -> memref<2000xi32, #tpu.memory_space<hbm>>
    %dma_start3A_10 = arith.constant 0 : i32
    %dma_start3A_11 = tpu.memref_slice %arg7[%dma_start3A_10] : memref<4000xi32, #tpu.memory_space<vmem>> -> memref<2000xi32, #tpu.memory_space<vmem>>
    %dma_start3A_12 = arith.constant 0 : i32
    %dma_start3A_13 = tpu.memref_slice %arg2[%dma_start3A_12] : memref<320000xi32, #tpu.memory_space<hbm>> -> memref<2000xi32, #tpu.memory_space<hbm>>
    tpu.enqueue_dma source(%dma_start3A_13 : memref<2000xi32, #tpu.memory_space<hbm>>) target(%dma_start3A_11 : memref<2000xi32, #tpu.memory_space<vmem>>) target_semaphore(%arg8 : memref<!tpu.dma_semaphore, #tpu.memory_space<semaphore_mem>>)
    %scan3A = arith.constant 0 : i32
    %scan3A_14 = arith.constant 80 : i32
    %scan3A_15 = arith.addi %scan3A, %scan3A_14 : i32
    %scan3A_16 = arith.constant 1 : i32
    scf.for %scan3A_24 = %scan3A to %scan3A_15 step %scan3A_16  : i32 {
      %mul3A_25 = arith.constant 2 : i32
      %mul3A_26 = arith.muli %scan3A_24, %mul3A_25 : i32
      %add3A_27 = arith.constant 0 : i32
      %add3A_28 = arith.addi %add3A_27, %mul3A_26 : i32
      %add3A_29 = arith.constant 1 : i32
      %add3A_30 = arith.addi %add3A_28, %add3A_29 : i32
      %mul3A_31 = arith.constant 2000 : i32
      %mul3A_32 = arith.muli %add3A_30, %mul3A_31 : i32
      %dma_start3A_33 = arith.constant 2000 : i32
      %dma_start3A_34 = tpu.memref_slice %arg7[%dma_start3A_33] : memref<4000xi32, #tpu.memory_space<vmem>> -> memref<2000xi32, #tpu.memory_space<vmem>>
      %dma_start3A_35 = tpu.memref_slice %arg2[%mul3A_32] : memref<320000xi32, #tpu.memory_space<hbm>> -> memref<2000xi32, #tpu.memory_space<hbm>>
      %dma_start3A_36 = arith.constant 2000 : i32
      %dma_start3A_37 = tpu.memref_slice %arg7[%dma_start3A_36] : memref<4000xi32, #tpu.memory_space<vmem>> -> memref<2000xi32, #tpu.memory_space<vmem>>
      %dma_start3A_38 = tpu.memref_slice %arg2[%mul3A_32] : memref<320000xi32, #tpu.memory_space<hbm>> -> memref<2000xi32, #tpu.memory_space<hbm>>
      tpu.enqueue_dma source(%dma_start3A_38 : memref<2000xi32, #tpu.memory_space<hbm>>) target(%dma_start3A_37 : memref<2000xi32, #tpu.memory_space<vmem>>) target_semaphore(%arg9 : memref<!tpu.dma_semaphore, #tpu.memory_space<semaphore_mem>>)
      %mul3A_39 = arith.constant 2000 : i32
      %mul3A_40 = arith.muli %add3A_28, %mul3A_39 : i32
      %dma_wait3A = arith.constant 0 : i32
      %dma_wait3A_41 = tpu.memref_slice %arg7[%dma_wait3A] : memref<4000xi32, #tpu.memory_space<vmem>> -> memref<2000xi32, #tpu.memory_space<vmem>>
      %dma_wait3A_42 = tpu.memref_slice %arg2[%mul3A_40] : memref<320000xi32, #tpu.memory_space<hbm>> -> memref<2000xi32, #tpu.memory_space<hbm>>
      %dma_wait3A_43 = arith.constant 0 : i32
      %dma_wait3A_44 = tpu.memref_slice %arg7[%dma_wait3A_43] : memref<4000xi32, #tpu.memory_space<vmem>> -> memref<2000xi32, #tpu.memory_space<vmem>>
      %dma_wait3A_45 = tpu.memref_slice %arg2[%mul3A_40] : memref<320000xi32, #tpu.memory_space<hbm>> -> memref<2000xi32, #tpu.memory_space<hbm>>
      tpu.wait_dma2 semaphore(%arg8 : memref<!tpu.dma_semaphore, #tpu.memory_space<semaphore_mem>>) src(%dma_wait3A_45 : memref<2000xi32, #tpu.memory_space<hbm>>) dst(%dma_wait3A_44 : memref<2000xi32, #tpu.memory_space<vmem>>)
      %parallel_loop3A_46 = arith.constant 0 : i32
      %parallel_loop3A_47 = arith.constant 125 : i32
      %parallel_loop3A_48 = arith.constant 1 : i32
      scf.for %parallel_loop3A_66 = %parallel_loop3A_46 to %parallel_loop3A_47 step %parallel_loop3A_48  : i32 {
        %parallel_loop3A_67 = arith.constant 16 : i32
        %parallel_loop3A_68 = arith.muli %parallel_loop3A_66, %parallel_loop3A_67 : i32
        %parallel_loop3A_69 = arith.constant 0 : i32
        %parallel_loop3A_70 = arith.addi %parallel_loop3A_69, %parallel_loop3A_68 : i32
        %parallel_loop3A_71 = arith.index_cast %parallel_loop3A_70 : i32 to index
        %parallel_loop3A_72 = tpu.vector_load %arg7[%parallel_loop3A_71] {strides = array<i32>} : memref<4000xi32, #tpu.memory_space<vmem>>, vector<16xi32>,
        %parallel_loop3A_73 = arith.constant 65535 : i32
        %parallel_loop3A_74 = vector.broadcast %parallel_loop3A_73 : i32 to vector<16xi32>
        %parallel_loop3A_75 = arith.andi %parallel_loop3A_72, %parallel_loop3A_74 : vector<16xi32>
        %parallel_loop3A_76 = arith.constant 16 : i32
        %parallel_loop3A_77 = vector.broadcast %parallel_loop3A_76 : i32 to vector<16xi32>
        %parallel_loop3A_78 = arith.shrui %parallel_loop3A_72, %parallel_loop3A_77 : vector<16xi32>
        %parallel_loop3A_79 = arith.constant 0 : i32
        %parallel_loop3A_80 = vector.broadcast %parallel_loop3A_79 : i32 to vector<16xi32>
        %parallel_loop3A_81 = arith.addi %parallel_loop3A_75, %parallel_loop3A_80 : vector<16xi32>
        %parallel_loop3A_82 = tpu.vector_load_idx %arg5[%parallel_loop3A_81] : memref<40960xi32, #tpu.memory_space<vmem>>[vector<16xi32>], vector<16xi32>,
        %parallel_loop3A_83 = vector.bitcast %parallel_loop3A_82 : vector<16xi32> to vector<32xbf16>
        %parallel_loop3A_84 = tpu.unpack_subelements %parallel_loop3A_83, 0 {pack_format = #tpu.pack_format<interleaved>} : vector<32xbf16> -> vector<16xf32>
        %parallel_loop3A_85 = tpu.unpack_subelements %parallel_loop3A_83, 1 {pack_format = #tpu.pack_format<interleaved>} : vector<32xbf16> -> vector<16xf32>
        %parallel_loop3A_86 = arith.constant 0 : i32
        %parallel_loop3A_87 = vector.broadcast %parallel_loop3A_86 : i32 to vector<16xi32>
        %parallel_loop3A_88 = arith.addi %parallel_loop3A_78, %parallel_loop3A_87 : vector<16xi32>
        tpu.vector_store_idx %arg6[%parallel_loop3A_88], %parallel_loop3A_84 {add = true} : memref<81920xf32, #tpu.memory_space<vmem>>[vector<16xi32>], vector<16xf32>,
        %parallel_loop3A_89 = arith.constant 40960 : i32
        %parallel_loop3A_90 = vector.broadcast %parallel_loop3A_89 : i32 to vector<16xi32>
        %parallel_loop3A_91 = arith.addi %parallel_loop3A_78, %parallel_loop3A_90 : vector<16xi32>
        tpu.vector_store_idx %arg6[%parallel_loop3A_91], %parallel_loop3A_85 {add = true} : memref<81920xf32, #tpu.memory_space<vmem>>[vector<16xi32>], vector<16xf32>,
        %parallel_loop3A_92 = arith.constant 10240 : i32
        %parallel_loop3A_93 = vector.broadcast %parallel_loop3A_92 : i32 to vector<16xi32>
        %parallel_loop3A_94 = arith.addi %parallel_loop3A_75, %parallel_loop3A_93 : vector<16xi32>
        %parallel_loop3A_95 = tpu.vector_load_idx %arg5[%parallel_loop3A_94] : memref<40960xi32, #tpu.memory_space<vmem>>[vector<16xi32>], vector<16xi32>,
        %parallel_loop3A_96 = vector.bitcast %parallel_loop3A_95 : vector<16xi32> to vector<32xbf16>
        %parallel_loop3A_97 = tpu.unpack_subelements %parallel_loop3A_96, 0 {pack_format = #tpu.pack_format<interleaved>} : vector<32xbf16> -> vector<16xf32>
        %parallel_loop3A_98 = tpu.unpack_subelements %parallel_loop3A_96, 1 {pack_format = #tpu.pack_format<interleaved>} : vector<32xbf16> -> vector<16xf32>
        %parallel_loop3A_99 = arith.constant 10240 : i32
        %parallel_loop3A_100 = vector.broadcast %parallel_loop3A_99 : i32 to vector<16xi32>
        %parallel_loop3A_101 = arith.addi %parallel_loop3A_78, %parallel_loop3A_100 : vector<16xi32>
        tpu.vector_store_idx %arg6[%parallel_loop3A_101], %parallel_loop3A_97 {add = true} : memref<81920xf32, #tpu.memory_space<vmem>>[vector<16xi32>], vector<16xf32>,
        %parallel_loop3A_102 = arith.constant 51200 : i32
        %parallel_loop3A_103 = vector.broadcast %parallel_loop3A_102 : i32 to vector<16xi32>
        %parallel_loop3A_104 = arith.addi %parallel_loop3A_78, %parallel_loop3A_103 : vector<16xi32>
        tpu.vector_store_idx %arg6[%parallel_loop3A_104], %parallel_loop3A_98 {add = true} : memref<81920xf32, #tpu.memory_space<vmem>>[vector<16xi32>], vector<16xf32>,
        %parallel_loop3A_105 = arith.constant 20480 : i32
        %parallel_loop3A_106 = vector.broadcast %parallel_loop3A_105 : i32 to vector<16xi32>
        %parallel_loop3A_107 = arith.addi %parallel_loop3A_75, %parallel_loop3A_106 : vector<16xi32>
        %parallel_loop3A_108 = tpu.vector_load_idx %arg5[%parallel_loop3A_107] : memref<40960xi32, #tpu.memory_space<vmem>>[vector<16xi32>], vector<16xi32>,
        %parallel_loop3A_109 = vector.bitcast %parallel_loop3A_108 : vector<16xi32> to vector<32xbf16>
        %parallel_loop3A_110 = tpu.unpack_subelements %parallel_loop3A_109, 0 {pack_format = #tpu.pack_format<interleaved>} : vector<32xbf16> -> vector<16xf32>
        %parallel_loop3A_111 = tpu.unpack_subelements %parallel_loop3A_109, 1 {pack_format = #tpu.pack_format<interleaved>} : vector<32xbf16> -> vector<16xf32>
        %parallel_loop3A_112 = arith.constant 20480 : i32
        %parallel_loop3A_113 = vector.broadcast %parallel_loop3A_112 : i32 to vector<16xi32>
        %parallel_loop3A_114 = arith.addi %parallel_loop3A_78, %parallel_loop3A_113 : vector<16xi32>
        tpu.vector_store_idx %arg6[%parallel_loop3A_114], %parallel_loop3A_110 {add = true} : memref<81920xf32, #tpu.memory_space<vmem>>[vector<16xi32>], vector<16xf32>,
        %parallel_loop3A_115 = arith.constant 61440 : i32
        %parallel_loop3A_116 = vector.broadcast %parallel_loop3A_115 : i32 to vector<16xi32>
        %parallel_loop3A_117 = arith.addi %parallel_loop3A_78, %parallel_loop3A_116 : vector<16xi32>
        tpu.vector_store_idx %arg6[%parallel_loop3A_117], %parallel_loop3A_111 {add = true} : memref<81920xf32, #tpu.memory_space<vmem>>[vector<16xi32>], vector<16xf32>,
        %parallel_loop3A_118 = arith.constant 30720 : i32
        %parallel_loop3A_119 = vector.broadcast %parallel_loop3A_118 : i32 to vector<16xi32>
        %parallel_loop3A_120 = arith.addi %parallel_loop3A_75, %parallel_loop3A_119 : vector<16xi32>
        %parallel_loop3A_121 = tpu.vector_load_idx %arg5[%parallel_loop3A_120] : memref<40960xi32, #tpu.memory_space<vmem>>[vector<16xi32>], vector<16xi32>,
        %parallel_loop3A_122 = vector.bitcast %parallel_loop3A_121 : vector<16xi32> to vector<32xbf16>
        %parallel_loop3A_123 = tpu.unpack_subelements %parallel_loop3A_122, 0 {pack_format = #tpu.pack_format<interleaved>} : vector<32xbf16> -> vector<16xf32>
        %parallel_loop3A_124 = tpu.unpack_subelements %parallel_loop3A_122, 1 {pack_format = #tpu.pack_format<interleaved>} : vector<32xbf16> -> vector<16xf32>
        %parallel_loop3A_125 = arith.constant 30720 : i32
        %parallel_loop3A_126 = vector.broadcast %parallel_loop3A_125 : i32 to vector<16xi32>
        %parallel_loop3A_127 = arith.addi %parallel_loop3A_78, %parallel_loop3A_126 : vector<16xi32>
        tpu.vector_store_idx %arg6[%parallel_loop3A_127], %parallel_loop3A_123 {add = true} : memref<81920xf32, #tpu.memory_space<vmem>>[vector<16xi32>], vector<16xf32>,
        %parallel_loop3A_128 = arith.constant 71680 : i32
        %parallel_loop3A_129 = vector.broadcast %parallel_loop3A_128 : i32 to vector<16xi32>
        %parallel_loop3A_130 = arith.addi %parallel_loop3A_78, %parallel_loop3A_129 : vector<16xi32>
        tpu.vector_store_idx %arg6[%parallel_loop3A_130], %parallel_loop3A_124 {add = true} : memref<81920xf32, #tpu.memory_space<vmem>>[vector<16xi32>], vector<16xf32>,
      } {sc.loop_unroll_factor = 4 : i64, sc.parallel_access}
      %add3A_49 = arith.constant 2 : i32
      %add3A_50 = arith.addi %add3A_28, %add3A_49 : i32
      %lt3A = arith.constant 160 : i32
      %lt3A_51 = arith.cmpi slt, %add3A_50, %lt3A : i32
      %convert_element_type3A = arith.extui %lt3A_51 : i1 to i32
      %cond3A = arith.constant 0 : i32
      %cond3A_52 = arith.cmpi ne, %convert_element_type3A, %cond3A : i32
      scf.if %cond3A_52 {
        %add3A_66 = arith.constant 2 : i32
        %add3A_67 = arith.addi %add3A_28, %add3A_66 : i32
        %mul3A_68 = arith.constant 2000 : i32
        %mul3A_69 = arith.muli %add3A_67, %mul3A_68 : i32
        %dma_start3A_70 = arith.constant 0 : i32
        %dma_start3A_71 = tpu.memref_slice %arg7[%dma_start3A_70] : memref<4000xi32, #tpu.memory_space<vmem>> -> memref<2000xi32, #tpu.memory_space<vmem>>
        %dma_start3A_72 = tpu.memref_slice %arg2[%mul3A_69] : memref<320000xi32, #tpu.memory_space<hbm>> -> memref<2000xi32, #tpu.memory_space<hbm>>
        %dma_start3A_73 = arith.constant 0 : i32
        %dma_start3A_74 = tpu.memref_slice %arg7[%dma_start3A_73] : memref<4000xi32, #tpu.memory_space<vmem>> -> memref<2000xi32, #tpu.memory_space<vmem>>
        %dma_start3A_75 = tpu.memref_slice %arg2[%mul3A_69] : memref<320000xi32, #tpu.memory_space<hbm>> -> memref<2000xi32, #tpu.memory_space<hbm>>
        tpu.enqueue_dma source(%dma_start3A_75 : memref<2000xi32, #tpu.memory_space<hbm>>) target(%dma_start3A_74 : memref<2000xi32, #tpu.memory_space<vmem>>) target_semaphore(%arg8 : memref<!tpu.dma_semaphore, #tpu.memory_space<semaphore_mem>>)
      } else {
      }
      %add3A_53 = arith.constant 1 : i32
      %add3A_54 = arith.addi %add3A_28, %add3A_53 : i32
      %mul3A_55 = arith.constant 2000 : i32
      %mul3A_56 = arith.muli %add3A_54, %mul3A_55 : i32
      %dma_wait3A_57 = arith.constant 2000 : i32
      %dma_wait3A_58 = tpu.memref_slice %arg7[%dma_wait3A_57] : memref<4000xi32, #tpu.memory_space<vmem>> -> memref<2000xi32, #tpu.memory_space<vmem>>
      %dma_wait3A_59 = tpu.memref_slice %arg2[%mul3A_56] : memref<320000xi32, #tpu.memory_space<hbm>> -> memref<2000xi32, #tpu.memory_space<hbm>>
      %dma_wait3A_60 = arith.constant 2000 : i32
      %dma_wait3A_61 = tpu.memref_slice %arg7[%dma_wait3A_60] : memref<4000xi32, #tpu.memory_space<vmem>> -> memref<2000xi32, #tpu.memory_space<vmem>>
      %dma_wait3A_62 = tpu.memref_slice %arg2[%mul3A_56] : memref<320000xi32, #tpu.memory_space<hbm>> -> memref<2000xi32, #tpu.memory_space<hbm>>
      tpu.wait_dma2 semaphore(%arg9 : memref<!tpu.dma_semaphore, #tpu.memory_space<semaphore_mem>>) src(%dma_wait3A_62 : memref<2000xi32, #tpu.memory_space<hbm>>) dst(%dma_wait3A_61 : memref<2000xi32, #tpu.memory_space<vmem>>)
      %parallel_loop3A_63 = arith.constant 0 : i32
      %parallel_loop3A_64 = arith.constant 125 : i32
      %parallel_loop3A_65 = arith.constant 1 : i32
      scf.for %parallel_loop3A_66 = %parallel_loop3A_63 to %parallel_loop3A_64 step %parallel_loop3A_65  : i32 {
        %parallel_loop3A_67 = arith.constant 16 : i32
        %parallel_loop3A_68 = arith.muli %parallel_loop3A_66, %parallel_loop3A_67 : i32
        %parallel_loop3A_69 = arith.constant 2000 : i32
        %parallel_loop3A_70 = arith.addi %parallel_loop3A_69, %parallel_loop3A_68 : i32
        %parallel_loop3A_71 = arith.index_cast %parallel_loop3A_70 : i32 to index
        %parallel_loop3A_72 = tpu.vector_load %arg7[%parallel_loop3A_71] {strides = array<i32>} : memref<4000xi32, #tpu.memory_space<vmem>>, vector<16xi32>,
        %parallel_loop3A_73 = arith.constant 65535 : i32
        %parallel_loop3A_74 = vector.broadcast %parallel_loop3A_73 : i32 to vector<16xi32>
        %parallel_loop3A_75 = arith.andi %parallel_loop3A_72, %parallel_loop3A_74 : vector<16xi32>
        %parallel_loop3A_76 = arith.constant 16 : i32
        %parallel_loop3A_77 = vector.broadcast %parallel_loop3A_76 : i32 to vector<16xi32>
        %parallel_loop3A_78 = arith.shrui %parallel_loop3A_72, %parallel_loop3A_77 : vector<16xi32>
        %parallel_loop3A_79 = arith.constant 0 : i32
        %parallel_loop3A_80 = vector.broadcast %parallel_loop3A_79 : i32 to vector<16xi32>
        %parallel_loop3A_81 = arith.addi %parallel_loop3A_75, %parallel_loop3A_80 : vector<16xi32>
        %parallel_loop3A_82 = tpu.vector_load_idx %arg5[%parallel_loop3A_81] : memref<40960xi32, #tpu.memory_space<vmem>>[vector<16xi32>], vector<16xi32>,
        %parallel_loop3A_83 = vector.bitcast %parallel_loop3A_82 : vector<16xi32> to vector<32xbf16>
        %parallel_loop3A_84 = tpu.unpack_subelements %parallel_loop3A_83, 0 {pack_format = #tpu.pack_format<interleaved>} : vector<32xbf16> -> vector<16xf32>
        %parallel_loop3A_85 = tpu.unpack_subelements %parallel_loop3A_83, 1 {pack_format = #tpu.pack_format<interleaved>} : vector<32xbf16> -> vector<16xf32>
        %parallel_loop3A_86 = arith.constant 0 : i32
        %parallel_loop3A_87 = vector.broadcast %parallel_loop3A_86 : i32 to vector<16xi32>
        %parallel_loop3A_88 = arith.addi %parallel_loop3A_78, %parallel_loop3A_87 : vector<16xi32>
        tpu.vector_store_idx %arg6[%parallel_loop3A_88], %parallel_loop3A_84 {add = true} : memref<81920xf32, #tpu.memory_space<vmem>>[vector<16xi32>], vector<16xf32>,
        %parallel_loop3A_89 = arith.constant 40960 : i32
        %parallel_loop3A_90 = vector.broadcast %parallel_loop3A_89 : i32 to vector<16xi32>
        %parallel_loop3A_91 = arith.addi %parallel_loop3A_78, %parallel_loop3A_90 : vector<16xi32>
        tpu.vector_store_idx %arg6[%parallel_loop3A_91], %parallel_loop3A_85 {add = true} : memref<81920xf32, #tpu.memory_space<vmem>>[vector<16xi32>], vector<16xf32>,
        %parallel_loop3A_92 = arith.constant 10240 : i32
        %parallel_loop3A_93 = vector.broadcast %parallel_loop3A_92 : i32 to vector<16xi32>
        %parallel_loop3A_94 = arith.addi %parallel_loop3A_75, %parallel_loop3A_93 : vector<16xi32>
        %parallel_loop3A_95 = tpu.vector_load_idx %arg5[%parallel_loop3A_94] : memref<40960xi32, #tpu.memory_space<vmem>>[vector<16xi32>], vector<16xi32>,
        %parallel_loop3A_96 = vector.bitcast %parallel_loop3A_95 : vector<16xi32> to vector<32xbf16>
        %parallel_loop3A_97 = tpu.unpack_subelements %parallel_loop3A_96, 0 {pack_format = #tpu.pack_format<interleaved>} : vector<32xbf16> -> vector<16xf32>
        %parallel_loop3A_98 = tpu.unpack_subelements %parallel_loop3A_96, 1 {pack_format = #tpu.pack_format<interleaved>} : vector<32xbf16> -> vector<16xf32>
        %parallel_loop3A_99 = arith.constant 10240 : i32
        %parallel_loop3A_100 = vector.broadcast %parallel_loop3A_99 : i32 to vector<16xi32>
        %parallel_loop3A_101 = arith.addi %parallel_loop3A_78, %parallel_loop3A_100 : vector<16xi32>
        tpu.vector_store_idx %arg6[%parallel_loop3A_101], %parallel_loop3A_97 {add = true} : memref<81920xf32, #tpu.memory_space<vmem>>[vector<16xi32>], vector<16xf32>,
        %parallel_loop3A_102 = arith.constant 51200 : i32
        %parallel_loop3A_103 = vector.broadcast %parallel_loop3A_102 : i32 to vector<16xi32>
        %parallel_loop3A_104 = arith.addi %parallel_loop3A_78, %parallel_loop3A_103 : vector<16xi32>
        tpu.vector_store_idx %arg6[%parallel_loop3A_104], %parallel_loop3A_98 {add = true} : memref<81920xf32, #tpu.memory_space<vmem>>[vector<16xi32>], vector<16xf32>,
        %parallel_loop3A_105 = arith.constant 20480 : i32
        %parallel_loop3A_106 = vector.broadcast %parallel_loop3A_105 : i32 to vector<16xi32>
        %parallel_loop3A_107 = arith.addi %parallel_loop3A_75, %parallel_loop3A_106 : vector<16xi32>
        %parallel_loop3A_108 = tpu.vector_load_idx %arg5[%parallel_loop3A_107] : memref<40960xi32, #tpu.memory_space<vmem>>[vector<16xi32>], vector<16xi32>,
        %parallel_loop3A_109 = vector.bitcast %parallel_loop3A_108 : vector<16xi32> to vector<32xbf16>
        %parallel_loop3A_110 = tpu.unpack_subelements %parallel_loop3A_109, 0 {pack_format = #tpu.pack_format<interleaved>} : vector<32xbf16> -> vector<16xf32>
        %parallel_loop3A_111 = tpu.unpack_subelements %parallel_loop3A_109, 1 {pack_format = #tpu.pack_format<interleaved>} : vector<32xbf16> -> vector<16xf32>
        %parallel_loop3A_112 = arith.constant 20480 : i32
        %parallel_loop3A_113 = vector.broadcast %parallel_loop3A_112 : i32 to vector<16xi32>
        %parallel_loop3A_114 = arith.addi %parallel_loop3A_78, %parallel_loop3A_113 : vector<16xi32>
        tpu.vector_store_idx %arg6[%parallel_loop3A_114], %parallel_loop3A_110 {add = true} : memref<81920xf32, #tpu.memory_space<vmem>>[vector<16xi32>], vector<16xf32>,
        %parallel_loop3A_115 = arith.constant 61440 : i32
        %parallel_loop3A_116 = vector.broadcast %parallel_loop3A_115 : i32 to vector<16xi32>
        %parallel_loop3A_117 = arith.addi %parallel_loop3A_78, %parallel_loop3A_116 : vector<16xi32>
        tpu.vector_store_idx %arg6[%parallel_loop3A_117], %parallel_loop3A_111 {add = true} : memref<81920xf32, #tpu.memory_space<vmem>>[vector<16xi32>], vector<16xf32>,
        %parallel_loop3A_118 = arith.constant 30720 : i32
        %parallel_loop3A_119 = vector.broadcast %parallel_loop3A_118 : i32 to vector<16xi32>
        %parallel_loop3A_120 = arith.addi %parallel_loop3A_75, %parallel_loop3A_119 : vector<16xi32>
        %parallel_loop3A_121 = tpu.vector_load_idx %arg5[%parallel_loop3A_120] : memref<40960xi32, #tpu.memory_space<vmem>>[vector<16xi32>], vector<16xi32>,
        %parallel_loop3A_122 = vector.bitcast %parallel_loop3A_121 : vector<16xi32> to vector<32xbf16>
        %parallel_loop3A_123 = tpu.unpack_subelements %parallel_loop3A_122, 0 {pack_format = #tpu.pack_format<interleaved>} : vector<32xbf16> -> vector<16xf32>
        %parallel_loop3A_124 = tpu.unpack_subelements %parallel_loop3A_122, 1 {pack_format = #tpu.pack_format<interleaved>} : vector<32xbf16> -> vector<16xf32>
        %parallel_loop3A_125 = arith.constant 30720 : i32
        %parallel_loop3A_126 = vector.broadcast %parallel_loop3A_125 : i32 to vector<16xi32>
        %parallel_loop3A_127 = arith.addi %parallel_loop3A_78, %parallel_loop3A_126 : vector<16xi32>
        tpu.vector_store_idx %arg6[%parallel_loop3A_127], %parallel_loop3A_123 {add = true} : memref<81920xf32, #tpu.memory_space<vmem>>[vector<16xi32>], vector<16xf32>,
        %parallel_loop3A_128 = arith.constant 71680 : i32
        %parallel_loop3A_129 = vector.broadcast %parallel_loop3A_128 : i32 to vector<16xi32>
        %parallel_loop3A_130 = arith.addi %parallel_loop3A_78, %parallel_loop3A_129 : vector<16xi32>
        tpu.vector_store_idx %arg6[%parallel_loop3A_130], %parallel_loop3A_124 {add = true} : memref<81920xf32, #tpu.memory_space<vmem>>[vector<16xi32>], vector<16xf32>,
      } {sc.loop_unroll_factor = 4 : i64, sc.parallel_access}
    }
    %scan3A_17 = arith.constant 80 : i32
    %mul3A_18 = arith.constant 10240 : i32
    %mul3A_19 = arith.muli %mul3A_2, %mul3A_18 : i32
    "tpu.region"() ({
      %run_scoped3A = tpu.sem_alloc : memref<!tpu.dma_semaphore, #tpu.memory_space<semaphore_mem>>
      %dma_start3A_24 = arith.constant 0 : i32
      %dma_start3A_25 = tpu.memref_slice %arg6[%dma_start3A_24] : memref<81920xf32, #tpu.memory_space<vmem>> -> memref<40960xf32, #tpu.memory_space<vmem>>
      %dma_start3A_26 = tpu.memref_slice %arg4[%mul3A_19] : memref<2621440xf32, #tpu.memory_space<hbm>> -> memref<40960xf32, #tpu.memory_space<hbm>>
      %dma_start3A_27 = tpu.memref_slice %arg4[%mul3A_19] : memref<2621440xf32, #tpu.memory_space<hbm>> -> memref<40960xf32, #tpu.memory_space<hbm>>
      %dma_start3A_28 = arith.constant 0 : i32
      %dma_start3A_29 = tpu.memref_slice %arg6[%dma_start3A_28] : memref<81920xf32, #tpu.memory_space<vmem>> -> memref<40960xf32, #tpu.memory_space<vmem>>
      tpu.enqueue_dma source(%dma_start3A_29 : memref<40960xf32, #tpu.memory_space<vmem>>) target(%dma_start3A_27 : memref<40960xf32, #tpu.memory_space<hbm>>) target_semaphore(%run_scoped3A : memref<!tpu.dma_semaphore, #tpu.memory_space<semaphore_mem>>)
      %dma_wait3A = arith.constant 0 : i32
      %dma_wait3A_30 = tpu.memref_slice %arg6[%dma_wait3A] : memref<81920xf32, #tpu.memory_space<vmem>> -> memref<40960xf32, #tpu.memory_space<vmem>>
      %dma_wait3A_31 = tpu.memref_slice %arg4[%mul3A_19] : memref<2621440xf32, #tpu.memory_space<hbm>> -> memref<40960xf32, #tpu.memory_space<hbm>>
      %dma_wait3A_32 = tpu.memref_slice %arg4[%mul3A_19] : memref<2621440xf32, #tpu.memory_space<hbm>> -> memref<40960xf32, #tpu.memory_space<hbm>>
      %dma_wait3A_33 = arith.constant 0 : i32
      %dma_wait3A_34 = tpu.memref_slice %arg6[%dma_wait3A_33] : memref<81920xf32, #tpu.memory_space<vmem>> -> memref<40960xf32, #tpu.memory_space<vmem>>
      tpu.wait_dma2 semaphore(%run_scoped3A : memref<!tpu.dma_semaphore, #tpu.memory_space<semaphore_mem>>) src(%dma_wait3A_34 : memref<40960xf32, #tpu.memory_space<vmem>>) dst(%dma_wait3A_32 : memref<40960xf32, #tpu.memory_space<hbm>>)
      tpu.yield
    }) : () -> ()
    %add3A_20 = arith.constant 128 : i32
    %add3A_21 = arith.addi %add3A_20, %mul3A_2 : i32
    %mul3A_22 = arith.constant 10240 : i32
    %mul3A_23 = arith.muli %add3A_21, %mul3A_22 : i32
    "tpu.region"() ({
      %run_scoped3A = tpu.sem_alloc : memref<!tpu.dma_semaphore, #tpu.memory_space<semaphore_mem>>
      %dma_start3A_24 = arith.constant 40960 : i32
      %dma_start3A_25 = tpu.memref_slice %arg6[%dma_start3A_24] : memref<81920xf32, #tpu.memory_space<vmem>> -> memref<40960xf32, #tpu.memory_space<vmem>>
      %dma_start3A_26 = tpu.memref_slice %arg4[%mul3A_23] : memref<2621440xf32, #tpu.memory_space<hbm>> -> memref<40960xf32, #tpu.memory_space<hbm>>
      %dma_start3A_27 = tpu.memref_slice %arg4[%mul3A_23] : memref<2621440xf32, #tpu.memory_space<hbm>> -> memref<40960xf32, #tpu.memory_space<hbm>>
      %dma_start3A_28 = arith.constant 40960 : i32
      %dma_start3A_29 = tpu.memref_slice %arg6[%dma_start3A_28] : memref<81920xf32, #tpu.memory_space<vmem>> -> memref<40960xf32, #tpu.memory_space<vmem>>
      tpu.enqueue_dma source(%dma_start3A_29 : memref<40960xf32, #tpu.memory_space<vmem>>) target(%dma_start3A_27 : memref<40960xf32, #tpu.memory_space<hbm>>) target_semaphore(%run_scoped3A : memref<!tpu.dma_semaphore, #tpu.memory_space<semaphore_mem>>)
      %dma_wait3A = arith.constant 40960 : i32
      %dma_wait3A_30 = tpu.memref_slice %arg6[%dma_wait3A] : memref<81920xf32, #tpu.memory_space<vmem>> -> memref<40960xf32, #tpu.memory_space<vmem>>
      %dma_wait3A_31 = tpu.memref_slice %arg4[%mul3A_23] : memref<2621440xf32, #tpu.memory_space<hbm>> -> memref<40960xf32, #tpu.memory_space<hbm>>
      %dma_wait3A_32 = tpu.memref_slice %arg4[%mul3A_23] : memref<2621440xf32, #tpu.memory_space<hbm>> -> memref<40960xf32, #tpu.memory_space<hbm>>
      %dma_wait3A_33 = arith.constant 40960 : i32
      %dma_wait3A_34 = tpu.memref_slice %arg6[%dma_wait3A_33] : memref<81920xf32, #tpu.memory_space<vmem>> -> memref<40960xf32, #tpu.memory_space<vmem>>
      tpu.wait_dma2 semaphore(%run_scoped3A : memref<!tpu.dma_semaphore, #tpu.memory_space<semaphore_mem>>) src(%dma_wait3A_34 : memref<40960xf32, #tpu.memory_space<vmem>>) dst(%dma_wait3A_32 : memref<40960xf32, #tpu.memory_space<hbm>>)
      tpu.yield
    }) : () -> ()
    return
  }
}

#map = affine_map<(d0, d1) -> (0)>
module attributes {stable_mosaic.version = 14 : i64} {
  func.func @_seg_body(%arg0: i32, %arg1: i32, %arg2: memref<320000xi32, #tpu.memory_space<hbm>>, %arg3: memref<655360xi32, #tpu.memory_space<hbm>>, %arg4: memref<1310720xf32, #tpu.memory_space<hbm>>, %arg5: memref<20480xi32, #tpu.memory_space<vmem>>, %arg6: memref<40960xf32, #tpu.memory_space<vmem>>, %arg7: memref<4000xi32, #tpu.memory_space<vmem>>, %arg8: memref<!tpu.dma_semaphore, #tpu.memory_space<semaphore_mem>>, %arg9: memref<!tpu.dma_semaphore, #tpu.memory_space<semaphore_mem>>) attributes {dimension_semantics = [#tpu.dimension_semantics<core_parallel>, #tpu.dimension_semantics<subcore_parallel>], iteration_bounds = array<i64: 2, 16>, scalar_prefetch = 0 : i64, scratch_operands = 5 : i64, tpu.core_type = #tpu.core_type<sc_vector_subcore>, window_params = [{transform_indices = #map}, {transform_indices = #map}, {transform_indices = #map}]} {
    %mul3A = arith.constant 2 : i32
    %mul3A_0 = arith.muli %arg1, %mul3A : i32
    %add3A = arith.addi %mul3A_0, %arg0 : i32
    %mul3A_1 = arith.constant 2 : i32
    %mul3A_2 = arith.muli %add3A, %mul3A_1 : i32
    %mul3A_3 = arith.constant 10240 : i32
    %mul3A_4 = arith.muli %mul3A_2, %mul3A_3 : i32
    "tpu.region"() ({
      %run_scoped3A = tpu.sem_alloc : memref<!tpu.dma_semaphore, #tpu.memory_space<semaphore_mem>>
      %dma_start3A_24 = tpu.memref_slice %arg3[%mul3A_4] : memref<655360xi32, #tpu.memory_space<hbm>> -> memref<20480xi32, #tpu.memory_space<hbm>>
      %dma_start3A_25 = tpu.memref_slice %arg3[%mul3A_4] : memref<655360xi32, #tpu.memory_space<hbm>> -> memref<20480xi32, #tpu.memory_space<hbm>>
      tpu.enqueue_dma source(%dma_start3A_25 : memref<20480xi32, #tpu.memory_space<hbm>>) target(%arg5 : memref<20480xi32, #tpu.memory_space<vmem>>) target_semaphore(%run_scoped3A : memref<!tpu.dma_semaphore, #tpu.memory_space<semaphore_mem>>)
      %dma_wait3A = tpu.memref_slice %arg3[%mul3A_4] : memref<655360xi32, #tpu.memory_space<hbm>> -> memref<20480xi32, #tpu.memory_space<hbm>>
      %dma_wait3A_26 = tpu.memref_slice %arg3[%mul3A_4] : memref<655360xi32, #tpu.memory_space<hbm>> -> memref<20480xi32, #tpu.memory_space<hbm>>
      tpu.wait_dma2 semaphore(%run_scoped3A : memref<!tpu.dma_semaphore, #tpu.memory_space<semaphore_mem>>) src(%dma_wait3A_26 : memref<20480xi32, #tpu.memory_space<hbm>>) dst(%arg5 : memref<20480xi32, #tpu.memory_space<vmem>>)
      tpu.yield
    }) : () -> ()
    %parallel_loop3A = arith.constant 0 : i32
    %parallel_loop3A_5 = arith.constant 2560 : i32
    %parallel_loop3A_6 = arith.constant 1 : i32
    scf.for %parallel_loop3A_24 = %parallel_loop3A to %parallel_loop3A_5 step %parallel_loop3A_6  : i32 {
      %parallel_loop3A_25 = arith.constant 0.000000e+00 : f32
      %parallel_loop3A_26 = vector.broadcast %parallel_loop3A_25 : f32 to vector<16xf32>
      %parallel_loop3A_27 = arith.constant 16 : i32
      %parallel_loop3A_28 = arith.muli %parallel_loop3A_24, %parallel_loop3A_27 : i32
      %parallel_loop3A_29 = arith.index_cast %parallel_loop3A_28 : i32 to index
      %parallel_loop3A_30 = tpu.vector_load %arg6[%parallel_loop3A_29] {strides = array<i32>} : memref<40960xf32, #tpu.memory_space<vmem>>, vector<16xf32>,
      tpu.vector_store %arg6[%parallel_loop3A_29], %parallel_loop3A_26 {strides = array<i32>} : memref<40960xf32, #tpu.memory_space<vmem>>, vector<16xf32>,
    } {sc.loop_unroll_factor = 8 : i64, sc.parallel_access}
    %dma_start3A = arith.constant 0 : i32
    %dma_start3A_7 = tpu.memref_slice %arg7[%dma_start3A] : memref<4000xi32, #tpu.memory_space<vmem>> -> memref<2000xi32, #tpu.memory_space<vmem>>
    %dma_start3A_8 = arith.constant 0 : i32
    %dma_start3A_9 = tpu.memref_slice %arg2[%dma_start3A_8] : memref<320000xi32, #tpu.memory_space<hbm>> -> memref<2000xi32, #tpu.memory_space<hbm>>
    %dma_start3A_10 = arith.constant 0 : i32
    %dma_start3A_11 = tpu.memref_slice %arg7[%dma_start3A_10] : memref<4000xi32, #tpu.memory_space<vmem>> -> memref<2000xi32, #tpu.memory_space<vmem>>
    %dma_start3A_12 = arith.constant 0 : i32
    %dma_start3A_13 = tpu.memref_slice %arg2[%dma_start3A_12] : memref<320000xi32, #tpu.memory_space<hbm>> -> memref<2000xi32, #tpu.memory_space<hbm>>
    tpu.enqueue_dma source(%dma_start3A_13 : memref<2000xi32, #tpu.memory_space<hbm>>) target(%dma_start3A_11 : memref<2000xi32, #tpu.memory_space<vmem>>) target_semaphore(%arg8 : memref<!tpu.dma_semaphore, #tpu.memory_space<semaphore_mem>>)
    %scan3A = arith.constant 0 : i32
    %scan3A_14 = arith.constant 80 : i32
    %scan3A_15 = arith.addi %scan3A, %scan3A_14 : i32
    %scan3A_16 = arith.constant 1 : i32
    scf.for %scan3A_24 = %scan3A to %scan3A_15 step %scan3A_16  : i32 {
      %mul3A_25 = arith.constant 2 : i32
      %mul3A_26 = arith.muli %scan3A_24, %mul3A_25 : i32
      %add3A_27 = arith.constant 0 : i32
      %add3A_28 = arith.addi %add3A_27, %mul3A_26 : i32
      %add3A_29 = arith.constant 1 : i32
      %add3A_30 = arith.addi %add3A_28, %add3A_29 : i32
      %mul3A_31 = arith.constant 2000 : i32
      %mul3A_32 = arith.muli %add3A_30, %mul3A_31 : i32
      %dma_start3A_33 = arith.constant 2000 : i32
      %dma_start3A_34 = tpu.memref_slice %arg7[%dma_start3A_33] : memref<4000xi32, #tpu.memory_space<vmem>> -> memref<2000xi32, #tpu.memory_space<vmem>>
      %dma_start3A_35 = tpu.memref_slice %arg2[%mul3A_32] : memref<320000xi32, #tpu.memory_space<hbm>> -> memref<2000xi32, #tpu.memory_space<hbm>>
      %dma_start3A_36 = arith.constant 2000 : i32
      %dma_start3A_37 = tpu.memref_slice %arg7[%dma_start3A_36] : memref<4000xi32, #tpu.memory_space<vmem>> -> memref<2000xi32, #tpu.memory_space<vmem>>
      %dma_start3A_38 = tpu.memref_slice %arg2[%mul3A_32] : memref<320000xi32, #tpu.memory_space<hbm>> -> memref<2000xi32, #tpu.memory_space<hbm>>
      tpu.enqueue_dma source(%dma_start3A_38 : memref<2000xi32, #tpu.memory_space<hbm>>) target(%dma_start3A_37 : memref<2000xi32, #tpu.memory_space<vmem>>) target_semaphore(%arg9 : memref<!tpu.dma_semaphore, #tpu.memory_space<semaphore_mem>>)
      %mul3A_39 = arith.constant 2000 : i32
      %mul3A_40 = arith.muli %add3A_28, %mul3A_39 : i32
      %dma_wait3A = arith.constant 0 : i32
      %dma_wait3A_41 = tpu.memref_slice %arg7[%dma_wait3A] : memref<4000xi32, #tpu.memory_space<vmem>> -> memref<2000xi32, #tpu.memory_space<vmem>>
      %dma_wait3A_42 = tpu.memref_slice %arg2[%mul3A_40] : memref<320000xi32, #tpu.memory_space<hbm>> -> memref<2000xi32, #tpu.memory_space<hbm>>
      %dma_wait3A_43 = arith.constant 0 : i32
      %dma_wait3A_44 = tpu.memref_slice %arg7[%dma_wait3A_43] : memref<4000xi32, #tpu.memory_space<vmem>> -> memref<2000xi32, #tpu.memory_space<vmem>>
      %dma_wait3A_45 = tpu.memref_slice %arg2[%mul3A_40] : memref<320000xi32, #tpu.memory_space<hbm>> -> memref<2000xi32, #tpu.memory_space<hbm>>
      tpu.wait_dma2 semaphore(%arg8 : memref<!tpu.dma_semaphore, #tpu.memory_space<semaphore_mem>>) src(%dma_wait3A_45 : memref<2000xi32, #tpu.memory_space<hbm>>) dst(%dma_wait3A_44 : memref<2000xi32, #tpu.memory_space<vmem>>)
      %parallel_loop3A_46 = arith.constant 0 : i32
      %parallel_loop3A_47 = arith.constant 125 : i32
      %parallel_loop3A_48 = arith.constant 1 : i32
      scf.for %parallel_loop3A_66 = %parallel_loop3A_46 to %parallel_loop3A_47 step %parallel_loop3A_48  : i32 {
        %parallel_loop3A_67 = arith.constant 16 : i32
        %parallel_loop3A_68 = arith.muli %parallel_loop3A_66, %parallel_loop3A_67 : i32
        %parallel_loop3A_69 = arith.constant 0 : i32
        %parallel_loop3A_70 = arith.addi %parallel_loop3A_69, %parallel_loop3A_68 : i32
        %parallel_loop3A_71 = arith.index_cast %parallel_loop3A_70 : i32 to index
        %parallel_loop3A_72 = tpu.vector_load %arg7[%parallel_loop3A_71] {strides = array<i32>} : memref<4000xi32, #tpu.memory_space<vmem>>, vector<16xi32>,
        %parallel_loop3A_73 = arith.constant 65535 : i32
        %parallel_loop3A_74 = vector.broadcast %parallel_loop3A_73 : i32 to vector<16xi32>
        %parallel_loop3A_75 = arith.andi %parallel_loop3A_72, %parallel_loop3A_74 : vector<16xi32>
        %parallel_loop3A_76 = arith.constant 16 : i32
        %parallel_loop3A_77 = vector.broadcast %parallel_loop3A_76 : i32 to vector<16xi32>
        %parallel_loop3A_78 = arith.shrui %parallel_loop3A_72, %parallel_loop3A_77 : vector<16xi32>
        %parallel_loop3A_79 = arith.constant 0 : i32
        %parallel_loop3A_80 = vector.broadcast %parallel_loop3A_79 : i32 to vector<16xi32>
        %parallel_loop3A_81 = arith.addi %parallel_loop3A_75, %parallel_loop3A_80 : vector<16xi32>
        %parallel_loop3A_82 = tpu.vector_load_idx %arg5[%parallel_loop3A_81] : memref<20480xi32, #tpu.memory_space<vmem>>[vector<16xi32>], vector<16xi32>,
        %parallel_loop3A_83 = vector.bitcast %parallel_loop3A_82 : vector<16xi32> to vector<32xbf16>
        %parallel_loop3A_84 = tpu.unpack_subelements %parallel_loop3A_83, 0 {pack_format = #tpu.pack_format<interleaved>} : vector<32xbf16> -> vector<16xf32>
        %parallel_loop3A_85 = tpu.unpack_subelements %parallel_loop3A_83, 1 {pack_format = #tpu.pack_format<interleaved>} : vector<32xbf16> -> vector<16xf32>
        %parallel_loop3A_86 = arith.constant 0 : i32
        %parallel_loop3A_87 = vector.broadcast %parallel_loop3A_86 : i32 to vector<16xi32>
        %parallel_loop3A_88 = arith.addi %parallel_loop3A_78, %parallel_loop3A_87 : vector<16xi32>
        tpu.vector_store_idx %arg6[%parallel_loop3A_88], %parallel_loop3A_84 {add = true} : memref<40960xf32, #tpu.memory_space<vmem>>[vector<16xi32>], vector<16xf32>,
        %parallel_loop3A_89 = arith.constant 20480 : i32
        %parallel_loop3A_90 = vector.broadcast %parallel_loop3A_89 : i32 to vector<16xi32>
        %parallel_loop3A_91 = arith.addi %parallel_loop3A_78, %parallel_loop3A_90 : vector<16xi32>
        tpu.vector_store_idx %arg6[%parallel_loop3A_91], %parallel_loop3A_85 {add = true} : memref<40960xf32, #tpu.memory_space<vmem>>[vector<16xi32>], vector<16xf32>,
        %parallel_loop3A_92 = arith.constant 10240 : i32
        %parallel_loop3A_93 = vector.broadcast %parallel_loop3A_92 : i32 to vector<16xi32>
        %parallel_loop3A_94 = arith.addi %parallel_loop3A_75, %parallel_loop3A_93 : vector<16xi32>
        %parallel_loop3A_95 = tpu.vector_load_idx %arg5[%parallel_loop3A_94] : memref<20480xi32, #tpu.memory_space<vmem>>[vector<16xi32>], vector<16xi32>,
        %parallel_loop3A_96 = vector.bitcast %parallel_loop3A_95 : vector<16xi32> to vector<32xbf16>
        %parallel_loop3A_97 = tpu.unpack_subelements %parallel_loop3A_96, 0 {pack_format = #tpu.pack_format<interleaved>} : vector<32xbf16> -> vector<16xf32>
        %parallel_loop3A_98 = tpu.unpack_subelements %parallel_loop3A_96, 1 {pack_format = #tpu.pack_format<interleaved>} : vector<32xbf16> -> vector<16xf32>
        %parallel_loop3A_99 = arith.constant 10240 : i32
        %parallel_loop3A_100 = vector.broadcast %parallel_loop3A_99 : i32 to vector<16xi32>
        %parallel_loop3A_101 = arith.addi %parallel_loop3A_78, %parallel_loop3A_100 : vector<16xi32>
        tpu.vector_store_idx %arg6[%parallel_loop3A_101], %parallel_loop3A_97 {add = true} : memref<40960xf32, #tpu.memory_space<vmem>>[vector<16xi32>], vector<16xf32>,
        %parallel_loop3A_102 = arith.constant 30720 : i32
        %parallel_loop3A_103 = vector.broadcast %parallel_loop3A_102 : i32 to vector<16xi32>
        %parallel_loop3A_104 = arith.addi %parallel_loop3A_78, %parallel_loop3A_103 : vector<16xi32>
        tpu.vector_store_idx %arg6[%parallel_loop3A_104], %parallel_loop3A_98 {add = true} : memref<40960xf32, #tpu.memory_space<vmem>>[vector<16xi32>], vector<16xf32>,
      } {sc.loop_unroll_factor = 4 : i64, sc.parallel_access}
      %add3A_49 = arith.constant 2 : i32
      %add3A_50 = arith.addi %add3A_28, %add3A_49 : i32
      %lt3A = arith.constant 160 : i32
      %lt3A_51 = arith.cmpi slt, %add3A_50, %lt3A : i32
      %convert_element_type3A = arith.extui %lt3A_51 : i1 to i32
      %cond3A = arith.constant 0 : i32
      %cond3A_52 = arith.cmpi ne, %convert_element_type3A, %cond3A : i32
      scf.if %cond3A_52 {
        %add3A_66 = arith.constant 2 : i32
        %add3A_67 = arith.addi %add3A_28, %add3A_66 : i32
        %mul3A_68 = arith.constant 2000 : i32
        %mul3A_69 = arith.muli %add3A_67, %mul3A_68 : i32
        %dma_start3A_70 = arith.constant 0 : i32
        %dma_start3A_71 = tpu.memref_slice %arg7[%dma_start3A_70] : memref<4000xi32, #tpu.memory_space<vmem>> -> memref<2000xi32, #tpu.memory_space<vmem>>
        %dma_start3A_72 = tpu.memref_slice %arg2[%mul3A_69] : memref<320000xi32, #tpu.memory_space<hbm>> -> memref<2000xi32, #tpu.memory_space<hbm>>
        %dma_start3A_73 = arith.constant 0 : i32
        %dma_start3A_74 = tpu.memref_slice %arg7[%dma_start3A_73] : memref<4000xi32, #tpu.memory_space<vmem>> -> memref<2000xi32, #tpu.memory_space<vmem>>
        %dma_start3A_75 = tpu.memref_slice %arg2[%mul3A_69] : memref<320000xi32, #tpu.memory_space<hbm>> -> memref<2000xi32, #tpu.memory_space<hbm>>
        tpu.enqueue_dma source(%dma_start3A_75 : memref<2000xi32, #tpu.memory_space<hbm>>) target(%dma_start3A_74 : memref<2000xi32, #tpu.memory_space<vmem>>) target_semaphore(%arg8 : memref<!tpu.dma_semaphore, #tpu.memory_space<semaphore_mem>>)
      } else {
      }
      %add3A_53 = arith.constant 1 : i32
      %add3A_54 = arith.addi %add3A_28, %add3A_53 : i32
      %mul3A_55 = arith.constant 2000 : i32
      %mul3A_56 = arith.muli %add3A_54, %mul3A_55 : i32
      %dma_wait3A_57 = arith.constant 2000 : i32
      %dma_wait3A_58 = tpu.memref_slice %arg7[%dma_wait3A_57] : memref<4000xi32, #tpu.memory_space<vmem>> -> memref<2000xi32, #tpu.memory_space<vmem>>
      %dma_wait3A_59 = tpu.memref_slice %arg2[%mul3A_56] : memref<320000xi32, #tpu.memory_space<hbm>> -> memref<2000xi32, #tpu.memory_space<hbm>>
      %dma_wait3A_60 = arith.constant 2000 : i32
      %dma_wait3A_61 = tpu.memref_slice %arg7[%dma_wait3A_60] : memref<4000xi32, #tpu.memory_space<vmem>> -> memref<2000xi32, #tpu.memory_space<vmem>>
      %dma_wait3A_62 = tpu.memref_slice %arg2[%mul3A_56] : memref<320000xi32, #tpu.memory_space<hbm>> -> memref<2000xi32, #tpu.memory_space<hbm>>
      tpu.wait_dma2 semaphore(%arg9 : memref<!tpu.dma_semaphore, #tpu.memory_space<semaphore_mem>>) src(%dma_wait3A_62 : memref<2000xi32, #tpu.memory_space<hbm>>) dst(%dma_wait3A_61 : memref<2000xi32, #tpu.memory_space<vmem>>)
      %parallel_loop3A_63 = arith.constant 0 : i32
      %parallel_loop3A_64 = arith.constant 125 : i32
      %parallel_loop3A_65 = arith.constant 1 : i32
      scf.for %parallel_loop3A_66 = %parallel_loop3A_63 to %parallel_loop3A_64 step %parallel_loop3A_65  : i32 {
        %parallel_loop3A_67 = arith.constant 16 : i32
        %parallel_loop3A_68 = arith.muli %parallel_loop3A_66, %parallel_loop3A_67 : i32
        %parallel_loop3A_69 = arith.constant 2000 : i32
        %parallel_loop3A_70 = arith.addi %parallel_loop3A_69, %parallel_loop3A_68 : i32
        %parallel_loop3A_71 = arith.index_cast %parallel_loop3A_70 : i32 to index
        %parallel_loop3A_72 = tpu.vector_load %arg7[%parallel_loop3A_71] {strides = array<i32>} : memref<4000xi32, #tpu.memory_space<vmem>>, vector<16xi32>,
        %parallel_loop3A_73 = arith.constant 65535 : i32
        %parallel_loop3A_74 = vector.broadcast %parallel_loop3A_73 : i32 to vector<16xi32>
        %parallel_loop3A_75 = arith.andi %parallel_loop3A_72, %parallel_loop3A_74 : vector<16xi32>
        %parallel_loop3A_76 = arith.constant 16 : i32
        %parallel_loop3A_77 = vector.broadcast %parallel_loop3A_76 : i32 to vector<16xi32>
        %parallel_loop3A_78 = arith.shrui %parallel_loop3A_72, %parallel_loop3A_77 : vector<16xi32>
        %parallel_loop3A_79 = arith.constant 0 : i32
        %parallel_loop3A_80 = vector.broadcast %parallel_loop3A_79 : i32 to vector<16xi32>
        %parallel_loop3A_81 = arith.addi %parallel_loop3A_75, %parallel_loop3A_80 : vector<16xi32>
        %parallel_loop3A_82 = tpu.vector_load_idx %arg5[%parallel_loop3A_81] : memref<20480xi32, #tpu.memory_space<vmem>>[vector<16xi32>], vector<16xi32>,
        %parallel_loop3A_83 = vector.bitcast %parallel_loop3A_82 : vector<16xi32> to vector<32xbf16>
        %parallel_loop3A_84 = tpu.unpack_subelements %parallel_loop3A_83, 0 {pack_format = #tpu.pack_format<interleaved>} : vector<32xbf16> -> vector<16xf32>
        %parallel_loop3A_85 = tpu.unpack_subelements %parallel_loop3A_83, 1 {pack_format = #tpu.pack_format<interleaved>} : vector<32xbf16> -> vector<16xf32>
        %parallel_loop3A_86 = arith.constant 0 : i32
        %parallel_loop3A_87 = vector.broadcast %parallel_loop3A_86 : i32 to vector<16xi32>
        %parallel_loop3A_88 = arith.addi %parallel_loop3A_78, %parallel_loop3A_87 : vector<16xi32>
        tpu.vector_store_idx %arg6[%parallel_loop3A_88], %parallel_loop3A_84 {add = true} : memref<40960xf32, #tpu.memory_space<vmem>>[vector<16xi32>], vector<16xf32>,
        %parallel_loop3A_89 = arith.constant 20480 : i32
        %parallel_loop3A_90 = vector.broadcast %parallel_loop3A_89 : i32 to vector<16xi32>
        %parallel_loop3A_91 = arith.addi %parallel_loop3A_78, %parallel_loop3A_90 : vector<16xi32>
        tpu.vector_store_idx %arg6[%parallel_loop3A_91], %parallel_loop3A_85 {add = true} : memref<40960xf32, #tpu.memory_space<vmem>>[vector<16xi32>], vector<16xf32>,
        %parallel_loop3A_92 = arith.constant 10240 : i32
        %parallel_loop3A_93 = vector.broadcast %parallel_loop3A_92 : i32 to vector<16xi32>
        %parallel_loop3A_94 = arith.addi %parallel_loop3A_75, %parallel_loop3A_93 : vector<16xi32>
        %parallel_loop3A_95 = tpu.vector_load_idx %arg5[%parallel_loop3A_94] : memref<20480xi32, #tpu.memory_space<vmem>>[vector<16xi32>], vector<16xi32>,
        %parallel_loop3A_96 = vector.bitcast %parallel_loop3A_95 : vector<16xi32> to vector<32xbf16>
        %parallel_loop3A_97 = tpu.unpack_subelements %parallel_loop3A_96, 0 {pack_format = #tpu.pack_format<interleaved>} : vector<32xbf16> -> vector<16xf32>
        %parallel_loop3A_98 = tpu.unpack_subelements %parallel_loop3A_96, 1 {pack_format = #tpu.pack_format<interleaved>} : vector<32xbf16> -> vector<16xf32>
        %parallel_loop3A_99 = arith.constant 10240 : i32
        %parallel_loop3A_100 = vector.broadcast %parallel_loop3A_99 : i32 to vector<16xi32>
        %parallel_loop3A_101 = arith.addi %parallel_loop3A_78, %parallel_loop3A_100 : vector<16xi32>
        tpu.vector_store_idx %arg6[%parallel_loop3A_101], %parallel_loop3A_97 {add = true} : memref<40960xf32, #tpu.memory_space<vmem>>[vector<16xi32>], vector<16xf32>,
        %parallel_loop3A_102 = arith.constant 30720 : i32
        %parallel_loop3A_103 = vector.broadcast %parallel_loop3A_102 : i32 to vector<16xi32>
        %parallel_loop3A_104 = arith.addi %parallel_loop3A_78, %parallel_loop3A_103 : vector<16xi32>
        tpu.vector_store_idx %arg6[%parallel_loop3A_104], %parallel_loop3A_98 {add = true} : memref<40960xf32, #tpu.memory_space<vmem>>[vector<16xi32>], vector<16xf32>,
      } {sc.loop_unroll_factor = 4 : i64, sc.parallel_access}
    }
    %scan3A_17 = arith.constant 80 : i32
    %mul3A_18 = arith.constant 10240 : i32
    %mul3A_19 = arith.muli %mul3A_2, %mul3A_18 : i32
    "tpu.region"() ({
      %run_scoped3A = tpu.sem_alloc : memref<!tpu.dma_semaphore, #tpu.memory_space<semaphore_mem>>
      %dma_start3A_24 = arith.constant 0 : i32
      %dma_start3A_25 = tpu.memref_slice %arg6[%dma_start3A_24] : memref<40960xf32, #tpu.memory_space<vmem>> -> memref<20480xf32, #tpu.memory_space<vmem>>
      %dma_start3A_26 = tpu.memref_slice %arg4[%mul3A_19] : memref<1310720xf32, #tpu.memory_space<hbm>> -> memref<20480xf32, #tpu.memory_space<hbm>>
      %dma_start3A_27 = tpu.memref_slice %arg4[%mul3A_19] : memref<1310720xf32, #tpu.memory_space<hbm>> -> memref<20480xf32, #tpu.memory_space<hbm>>
      %dma_start3A_28 = arith.constant 0 : i32
      %dma_start3A_29 = tpu.memref_slice %arg6[%dma_start3A_28] : memref<40960xf32, #tpu.memory_space<vmem>> -> memref<20480xf32, #tpu.memory_space<vmem>>
      tpu.enqueue_dma source(%dma_start3A_29 : memref<20480xf32, #tpu.memory_space<vmem>>) target(%dma_start3A_27 : memref<20480xf32, #tpu.memory_space<hbm>>) target_semaphore(%run_scoped3A : memref<!tpu.dma_semaphore, #tpu.memory_space<semaphore_mem>>)
      %dma_wait3A = arith.constant 0 : i32
      %dma_wait3A_30 = tpu.memref_slice %arg6[%dma_wait3A] : memref<40960xf32, #tpu.memory_space<vmem>> -> memref<20480xf32, #tpu.memory_space<vmem>>
      %dma_wait3A_31 = tpu.memref_slice %arg4[%mul3A_19] : memref<1310720xf32, #tpu.memory_space<hbm>> -> memref<20480xf32, #tpu.memory_space<hbm>>
      %dma_wait3A_32 = tpu.memref_slice %arg4[%mul3A_19] : memref<1310720xf32, #tpu.memory_space<hbm>> -> memref<20480xf32, #tpu.memory_space<hbm>>
      %dma_wait3A_33 = arith.constant 0 : i32
      %dma_wait3A_34 = tpu.memref_slice %arg6[%dma_wait3A_33] : memref<40960xf32, #tpu.memory_space<vmem>> -> memref<20480xf32, #tpu.memory_space<vmem>>
      tpu.wait_dma2 semaphore(%run_scoped3A : memref<!tpu.dma_semaphore, #tpu.memory_space<semaphore_mem>>) src(%dma_wait3A_34 : memref<20480xf32, #tpu.memory_space<vmem>>) dst(%dma_wait3A_32 : memref<20480xf32, #tpu.memory_space<hbm>>)
      tpu.yield
    }) : () -> ()
    %add3A_20 = arith.constant 64 : i32
    %add3A_21 = arith.addi %add3A_20, %mul3A_2 : i32
    %mul3A_22 = arith.constant 10240 : i32
    %mul3A_23 = arith.muli %add3A_21, %mul3A_22 : i32
    "tpu.region"() ({
      %run_scoped3A = tpu.sem_alloc : memref<!tpu.dma_semaphore, #tpu.memory_space<semaphore_mem>>
      %dma_start3A_24 = arith.constant 20480 : i32
      %dma_start3A_25 = tpu.memref_slice %arg6[%dma_start3A_24] : memref<40960xf32, #tpu.memory_space<vmem>> -> memref<20480xf32, #tpu.memory_space<vmem>>
      %dma_start3A_26 = tpu.memref_slice %arg4[%mul3A_23] : memref<1310720xf32, #tpu.memory_space<hbm>> -> memref<20480xf32, #tpu.memory_space<hbm>>
      %dma_start3A_27 = tpu.memref_slice %arg4[%mul3A_23] : memref<1310720xf32, #tpu.memory_space<hbm>> -> memref<20480xf32, #tpu.memory_space<hbm>>
      %dma_start3A_28 = arith.constant 20480 : i32
      %dma_start3A_29 = tpu.memref_slice %arg6[%dma_start3A_28] : memref<40960xf32, #tpu.memory_space<vmem>> -> memref<20480xf32, #tpu.memory_space<vmem>>
      tpu.enqueue_dma source(%dma_start3A_29 : memref<20480xf32, #tpu.memory_space<vmem>>) target(%dma_start3A_27 : memref<20480xf32, #tpu.memory_space<hbm>>) target_semaphore(%run_scoped3A : memref<!tpu.dma_semaphore, #tpu.memory_space<semaphore_mem>>)
      %dma_wait3A = arith.constant 20480 : i32
      %dma_wait3A_30 = tpu.memref_slice %arg6[%dma_wait3A] : memref<40960xf32, #tpu.memory_space<vmem>> -> memref<20480xf32, #tpu.memory_space<vmem>>
      %dma_wait3A_31 = tpu.memref_slice %arg4[%mul3A_23] : memref<1310720xf32, #tpu.memory_space<hbm>> -> memref<20480xf32, #tpu.memory_space<hbm>>
      %dma_wait3A_32 = tpu.memref_slice %arg4[%mul3A_23] : memref<1310720xf32, #tpu.memory_space<hbm>> -> memref<20480xf32, #tpu.memory_space<hbm>>
      %dma_wait3A_33 = arith.constant 20480 : i32
      %dma_wait3A_34 = tpu.memref_slice %arg6[%dma_wait3A_33] : memref<40960xf32, #tpu.memory_space<vmem>> -> memref<20480xf32, #tpu.memory_space<vmem>>
      tpu.wait_dma2 semaphore(%run_scoped3A : memref<!tpu.dma_semaphore, #tpu.memory_space<semaphore_mem>>) src(%dma_wait3A_34 : memref<20480xf32, #tpu.memory_space<vmem>>) dst(%dma_wait3A_32 : memref<20480xf32, #tpu.memory_space<hbm>>)
      tpu.yield
    }) : () -> ()
    return
  }
}

#map = affine_map<(d0, d1) -> (0)>
module attributes {stable_mosaic.version = 14 : i64} {
  func.func @_deg_body(%arg0: i32, %arg1: i32, %arg2: memref<640000xi32, #tpu.memory_space<hbm>>, %arg3: memref<20480xf32, #tpu.memory_space<hbm>>, %arg4: memref<320000xi32, #tpu.memory_space<hbm>>, %arg5: memref<10240xf32, #tpu.memory_space<vmem>>, %arg6: memref<4000xi32, #tpu.memory_space<vmem>>, %arg7: memref<4000xi32, #tpu.memory_space<vmem>>, %arg8: memref<4000xi32, #tpu.memory_space<vmem>>, %arg9: memref<640xf32, #tpu.memory_space<vmem>>, %arg10: memref<640xf32, #tpu.memory_space<vmem>>, %arg11: memref<16x10240xf32, #tpu.memory_space<vmem_shared>>) attributes {dimension_semantics = [#tpu.dimension_semantics<core_parallel>, #tpu.dimension_semantics<subcore_parallel>], iteration_bounds = array<i64: 2, 16>, scalar_prefetch = 0 : i64, scratch_operands = 7 : i64, tpu.core_type = #tpu.core_type<sc_vector_subcore>, window_params = [{transform_indices = #map}, {transform_indices = #map}, {transform_indices = #map}]} {
    %scan3A = arith.constant 0 : i32
    %scan3A_0 = arith.constant 640 : i32
    %scan3A_1 = arith.addi %scan3A, %scan3A_0 : i32
    %scan3A_2 = arith.constant 1 : i32
    scf.for %scan3A_113 = %scan3A to %scan3A_1 step %scan3A_2  : i32 {
      %mul3A_114 = arith.constant 1 : i32
      %mul3A_115 = arith.muli %scan3A_113, %mul3A_114 : i32
      %add3A_116 = arith.constant 0 : i32
      %add3A_117 = arith.addi %add3A_116, %mul3A_115 : i32
      %broadcast_in_dim3A_118 = arith.constant 0.000000e+00 : f32
      %broadcast_in_dim3A_119 = vector.broadcast %broadcast_in_dim3A_118 : f32 to vector<16xf32>
      %mul3A_120 = arith.constant 16 : i32
      %mul3A_121 = arith.muli %add3A_117, %mul3A_120 : i32
      %swap3A = arith.index_cast %mul3A_121 : i32 to index
      %swap3A_122 = tpu.vector_load %arg5[%swap3A] {strides = array<i32>} : memref<10240xf32, #tpu.memory_space<vmem>>, vector<16xf32>,
      tpu.vector_store %arg5[%swap3A], %broadcast_in_dim3A_119 {strides = array<i32>} : memref<10240xf32, #tpu.memory_space<vmem>>, vector<16xf32>,
    }
    %scan3A_3 = arith.constant 640 : i32
    %broadcast_in_dim3A = arith.constant 1.000000e+00 : f32
    %broadcast_in_dim3A_4 = vector.broadcast %broadcast_in_dim3A : f32 to vector<16xf32>
    %scan3A_5 = arith.constant 0 : i32
    %scan3A_6 = arith.constant 5 : i32
    %scan3A_7 = arith.addi %scan3A_5, %scan3A_6 : i32
    %scan3A_8 = arith.constant 1 : i32
    scf.for %scan3A_113 = %scan3A_5 to %scan3A_7 step %scan3A_8  : i32 {
      %mul3A_114 = arith.constant 1 : i32
      %mul3A_115 = arith.muli %scan3A_113, %mul3A_114 : i32
      %add3A_116 = arith.constant 0 : i32
      %add3A_117 = arith.addi %add3A_116, %mul3A_115 : i32
      %mul3A_118 = arith.constant 20000 : i32
      %mul3A_119 = arith.muli %arg1, %mul3A_118 : i32
      %mul3A_120 = arith.constant 4000 : i32
      %mul3A_121 = arith.muli %add3A_117, %mul3A_120 : i32
      %add3A_122 = arith.addi %mul3A_119, %mul3A_121 : i32
      "tpu.region"() ({
        %run_scoped3A_129 = tpu.sem_alloc : memref<!tpu.dma_semaphore, #tpu.memory_space<semaphore_mem>>
        %dma_start3A = tpu.memref_slice %arg2[%add3A_122] : memref<640000xi32, #tpu.memory_space<hbm>> -> memref<4000xi32, #tpu.memory_space<hbm>>
        %dma_start3A_130 = tpu.memref_slice %arg2[%add3A_122] : memref<640000xi32, #tpu.memory_space<hbm>> -> memref<4000xi32, #tpu.memory_space<hbm>>
        tpu.enqueue_dma source(%dma_start3A_130 : memref<4000xi32, #tpu.memory_space<hbm>>) target(%arg6 : memref<4000xi32, #tpu.memory_space<vmem>>) target_semaphore(%run_scoped3A_129 : memref<!tpu.dma_semaphore, #tpu.memory_space<semaphore_mem>>)
        %dma_wait3A = tpu.memref_slice %arg2[%add3A_122] : memref<640000xi32, #tpu.memory_space<hbm>> -> memref<4000xi32, #tpu.memory_space<hbm>>
        %dma_wait3A_131 = tpu.memref_slice %arg2[%add3A_122] : memref<640000xi32, #tpu.memory_space<hbm>> -> memref<4000xi32, #tpu.memory_space<hbm>>
        tpu.wait_dma2 semaphore(%run_scoped3A_129 : memref<!tpu.dma_semaphore, #tpu.memory_space<semaphore_mem>>) src(%dma_wait3A_131 : memref<4000xi32, #tpu.memory_space<hbm>>) dst(%arg6 : memref<4000xi32, #tpu.memory_space<vmem>>)
        tpu.yield
      }) : () -> ()
      %add3A_123 = arith.constant 320000 : i32
      %add3A_124 = arith.addi %add3A_123, %add3A_122 : i32
      "tpu.region"() ({
        %run_scoped3A_129 = tpu.sem_alloc : memref<!tpu.dma_semaphore, #tpu.memory_space<semaphore_mem>>
        %dma_start3A = tpu.memref_slice %arg2[%add3A_124] : memref<640000xi32, #tpu.memory_space<hbm>> -> memref<4000xi32, #tpu.memory_space<hbm>>
        %dma_start3A_130 = tpu.memref_slice %arg2[%add3A_124] : memref<640000xi32, #tpu.memory_space<hbm>> -> memref<4000xi32, #tpu.memory_space<hbm>>
        tpu.enqueue_dma source(%dma_start3A_130 : memref<4000xi32, #tpu.memory_space<hbm>>) target(%arg7 : memref<4000xi32, #tpu.memory_space<vmem>>) target_semaphore(%run_scoped3A_129 : memref<!tpu.dma_semaphore, #tpu.memory_space<semaphore_mem>>)
        %dma_wait3A = tpu.memref_slice %arg2[%add3A_124] : memref<640000xi32, #tpu.memory_space<hbm>> -> memref<4000xi32, #tpu.memory_space<hbm>>
        %dma_wait3A_131 = tpu.memref_slice %arg2[%add3A_124] : memref<640000xi32, #tpu.memory_space<hbm>> -> memref<4000xi32, #tpu.memory_space<hbm>>
        tpu.wait_dma2 semaphore(%run_scoped3A_129 : memref<!tpu.dma_semaphore, #tpu.memory_space<semaphore_mem>>) src(%dma_wait3A_131 : memref<4000xi32, #tpu.memory_space<hbm>>) dst(%arg7 : memref<4000xi32, #tpu.memory_space<vmem>>)
        tpu.yield
      }) : () -> ()
      %parallel_loop3A = arith.constant 0 : i32
      %parallel_loop3A_125 = arith.constant 250 : i32
      %parallel_loop3A_126 = arith.constant 1 : i32
      scf.for %parallel_loop3A_129 = %parallel_loop3A to %parallel_loop3A_125 step %parallel_loop3A_126  : i32 {
        %parallel_loop3A_130 = arith.constant 16 : i32
        %parallel_loop3A_131 = arith.muli %parallel_loop3A_129, %parallel_loop3A_130 : i32
        %parallel_loop3A_132 = arith.index_cast %parallel_loop3A_131 : i32 to index
        %parallel_loop3A_133 = tpu.vector_load %arg6[%parallel_loop3A_132] {strides = array<i32>} : memref<4000xi32, #tpu.memory_space<vmem>>, vector<16xi32>,
        %parallel_loop3A_134 = arith.index_cast %parallel_loop3A_131 : i32 to index
        %parallel_loop3A_135 = tpu.vector_load %arg7[%parallel_loop3A_134] {strides = array<i32>} : memref<4000xi32, #tpu.memory_space<vmem>>, vector<16xi32>,
        %parallel_loop3A_136 = arith.constant 0 : i32
        %parallel_loop3A_137 = arith.cmpi eq, %arg0, %parallel_loop3A_136 : i32
        %parallel_loop3A_138 = arith.select %parallel_loop3A_137, %parallel_loop3A_133, %parallel_loop3A_135 : vector<16xi32>
        tpu.vector_store_idx %arg5[%parallel_loop3A_138], %broadcast_in_dim3A_4 {add = true} : memref<10240xf32, #tpu.memory_space<vmem>>[vector<16xi32>], vector<16xf32>,
        %parallel_loop3A_139 = arith.constant 16 : i32
        %parallel_loop3A_140 = vector.broadcast %parallel_loop3A_139 : i32 to vector<16xi32>
        %parallel_loop3A_141 = arith.shli %parallel_loop3A_135, %parallel_loop3A_140 : vector<16xi32>
        %parallel_loop3A_142 = arith.ori %parallel_loop3A_133, %parallel_loop3A_141 : vector<16xi32>
        %parallel_loop3A_143 = arith.index_cast %parallel_loop3A_131 : i32 to index
        %parallel_loop3A_144 = tpu.vector_load %arg8[%parallel_loop3A_143] {strides = array<i32>} : memref<4000xi32, #tpu.memory_space<vmem>>, vector<16xi32>,
        tpu.vector_store %arg8[%parallel_loop3A_143], %parallel_loop3A_142 {strides = array<i32>} : memref<4000xi32, #tpu.memory_space<vmem>>, vector<16xi32>,
      } {sc.loop_unroll_factor = 4 : i64, sc.parallel_access}
      %eq3A = arith.constant 0 : i32
      %eq3A_127 = arith.cmpi eq, %arg0, %eq3A : i32
      %convert_element_type3A = arith.extui %eq3A_127 : i1 to i32
      %cond3A = arith.constant 0 : i32
      %cond3A_128 = arith.cmpi ne, %convert_element_type3A, %cond3A : i32
      scf.if %cond3A_128 {
        "tpu.region"() ({
          %run_scoped3A_129 = tpu.sem_alloc : memref<!tpu.dma_semaphore, #tpu.memory_space<semaphore_mem>>
          %dma_start3A = tpu.memref_slice %arg4[%add3A_122] : memref<320000xi32, #tpu.memory_space<hbm>> -> memref<4000xi32, #tpu.memory_space<hbm>>
          %dma_start3A_130 = tpu.memref_slice %arg4[%add3A_122] : memref<320000xi32, #tpu.memory_space<hbm>> -> memref<4000xi32, #tpu.memory_space<hbm>>
          tpu.enqueue_dma source(%arg8 : memref<4000xi32, #tpu.memory_space<vmem>>) target(%dma_start3A_130 : memref<4000xi32, #tpu.memory_space<hbm>>) target_semaphore(%run_scoped3A_129 : memref<!tpu.dma_semaphore, #tpu.memory_space<semaphore_mem>>)
          %dma_wait3A = tpu.memref_slice %arg4[%add3A_122] : memref<320000xi32, #tpu.memory_space<hbm>> -> memref<4000xi32, #tpu.memory_space<hbm>>
          %dma_wait3A_131 = tpu.memref_slice %arg4[%add3A_122] : memref<320000xi32, #tpu.memory_space<hbm>> -> memref<4000xi32, #tpu.memory_space<hbm>>
          tpu.wait_dma2 semaphore(%run_scoped3A_129 : memref<!tpu.dma_semaphore, #tpu.memory_space<semaphore_mem>>) src(%arg8 : memref<4000xi32, #tpu.memory_space<vmem>>) dst(%dma_wait3A_131 : memref<4000xi32, #tpu.memory_space<hbm>>)
          tpu.yield
        }) : () -> ()
      } else {
      }
    }
    %scan3A_9 = arith.constant 5 : i32
    "tpu.region"() ({
      %run_scoped3A_113 = tpu.sem_alloc : memref<!tpu.dma_semaphore, #tpu.memory_space<semaphore_mem>>
      %dma_start3A = arith.constant 0 : i32
      %dma_start3A_114 = tpu.memref_slice %arg11[%arg1, %dma_start3A] : memref<16x10240xf32, #tpu.memory_space<vmem_shared>> -> memref<1x10240xf32, #tpu.memory_space<vmem_shared>>
      %dma_start3A_115 = tpu.memref_squeeze %dma_start3A_114 : memref<1x10240xf32, #tpu.memory_space<vmem_shared>> -> memref<10240xf32, #tpu.memory_space<vmem_shared>>
      %dma_start3A_116 = arith.constant 0 : i32
      %dma_start3A_117 = tpu.memref_slice %arg11[%arg1, %dma_start3A_116] : memref<16x10240xf32, #tpu.memory_space<vmem_shared>> -> memref<1x10240xf32, #tpu.memory_space<vmem_shared>>
      %dma_start3A_118 = tpu.memref_squeeze %dma_start3A_117 : memref<1x10240xf32, #tpu.memory_space<vmem_shared>> -> memref<10240xf32, #tpu.memory_space<vmem_shared>>
      tpu.enqueue_dma source(%arg5 : memref<10240xf32, #tpu.memory_space<vmem>>) target(%dma_start3A_118 : memref<10240xf32, #tpu.memory_space<vmem_shared>>) target_semaphore(%run_scoped3A_113 : memref<!tpu.dma_semaphore, #tpu.memory_space<semaphore_mem>>)
      %dma_wait3A = arith.constant 0 : i32
      %dma_wait3A_119 = tpu.memref_slice %arg11[%arg1, %dma_wait3A] : memref<16x10240xf32, #tpu.memory_space<vmem_shared>> -> memref<1x10240xf32, #tpu.memory_space<vmem_shared>>
      %dma_wait3A_120 = tpu.memref_squeeze %dma_wait3A_119 : memref<1x10240xf32, #tpu.memory_space<vmem_shared>> -> memref<10240xf32, #tpu.memory_space<vmem_shared>>
      %dma_wait3A_121 = arith.constant 0 : i32
      %dma_wait3A_122 = tpu.memref_slice %arg11[%arg1, %dma_wait3A_121] : memref<16x10240xf32, #tpu.memory_space<vmem_shared>> -> memref<1x10240xf32, #tpu.memory_space<vmem_shared>>
      %dma_wait3A_123 = tpu.memref_squeeze %dma_wait3A_122 : memref<1x10240xf32, #tpu.memory_space<vmem_shared>> -> memref<10240xf32, #tpu.memory_space<vmem_shared>>
      tpu.wait_dma2 semaphore(%run_scoped3A_113 : memref<!tpu.dma_semaphore, #tpu.memory_space<semaphore_mem>>) src(%arg5 : memref<10240xf32, #tpu.memory_space<vmem>>) dst(%dma_wait3A_123 : memref<10240xf32, #tpu.memory_space<vmem_shared>>)
      tpu.yield
    }) : () -> ()
    %barrier3A = arith.constant 0 : index
    tpu.barrier barrier_id(%barrier3A)
    %mul3A = arith.constant 640 : i32
    %mul3A_10 = arith.muli %arg1, %mul3A : i32
    %scan3A_11 = arith.constant 0 : i32
    %scan3A_12 = arith.constant 40 : i32
    %scan3A_13 = arith.addi %scan3A_11, %scan3A_12 : i32
    %scan3A_14 = arith.constant 1 : i32
    scf.for %scan3A_113 = %scan3A_11 to %scan3A_13 step %scan3A_14  : i32 {
      %mul3A_114 = arith.constant 1 : i32
      %mul3A_115 = arith.muli %scan3A_113, %mul3A_114 : i32
      %add3A_116 = arith.constant 0 : i32
      %add3A_117 = arith.addi %add3A_116, %mul3A_115 : i32
      %broadcast_in_dim3A_118 = arith.constant 0.000000e+00 : f32
      %broadcast_in_dim3A_119 = vector.broadcast %broadcast_in_dim3A_118 : f32 to vector<16xf32>
      %mul3A_120 = arith.constant 16 : i32
      %mul3A_121 = arith.muli %add3A_117, %mul3A_120 : i32
      %swap3A = arith.index_cast %mul3A_121 : i32 to index
      %swap3A_122 = tpu.vector_load %arg9[%swap3A] {strides = array<i32>} : memref<640xf32, #tpu.memory_space<vmem>>, vector<16xf32>,
      tpu.vector_store %arg9[%swap3A], %broadcast_in_dim3A_119 {strides = array<i32>} : memref<640xf32, #tpu.memory_space<vmem>>, vector<16xf32>,
    }
    %scan3A_15 = arith.constant 40 : i32
    %run_scoped3A = arith.constant 0 : i32
    "tpu.region"() ({
      %run_scoped3A_113 = tpu.sem_alloc : memref<!tpu.dma_semaphore, #tpu.memory_space<semaphore_mem>>
      %dma_start3A = tpu.memref_slice %arg11[%run_scoped3A, %mul3A_10] : memref<16x10240xf32, #tpu.memory_space<vmem_shared>> -> memref<1x640xf32, #tpu.memory_space<vmem_shared>>
      %dma_start3A_114 = tpu.memref_squeeze %dma_start3A : memref<1x640xf32, #tpu.memory_space<vmem_shared>> -> memref<640xf32, #tpu.memory_space<vmem_shared>>
      %dma_start3A_115 = tpu.memref_slice %arg11[%run_scoped3A, %mul3A_10] : memref<16x10240xf32, #tpu.memory_space<vmem_shared>> -> memref<1x640xf32, #tpu.memory_space<vmem_shared>>
      %dma_start3A_116 = tpu.memref_squeeze %dma_start3A_115 : memref<1x640xf32, #tpu.memory_space<vmem_shared>> -> memref<640xf32, #tpu.memory_space<vmem_shared>>
      tpu.enqueue_dma source(%dma_start3A_116 : memref<640xf32, #tpu.memory_space<vmem_shared>>) target(%arg10 : memref<640xf32, #tpu.memory_space<vmem>>) target_semaphore(%run_scoped3A_113 : memref<!tpu.dma_semaphore, #tpu.memory_space<semaphore_mem>>)
      %dma_wait3A = tpu.memref_slice %arg11[%run_scoped3A, %mul3A_10] : memref<16x10240xf32, #tpu.memory_space<vmem_shared>> -> memref<1x640xf32, #tpu.memory_space<vmem_shared>>
      %dma_wait3A_117 = tpu.memref_squeeze %dma_wait3A : memref<1x640xf32, #tpu.memory_space<vmem_shared>> -> memref<640xf32, #tpu.memory_space<vmem_shared>>
      %dma_wait3A_118 = tpu.memref_slice %arg11[%run_scoped3A, %mul3A_10] : memref<16x10240xf32, #tpu.memory_space<vmem_shared>> -> memref<1x640xf32, #tpu.memory_space<vmem_shared>>
      %dma_wait3A_119 = tpu.memref_squeeze %dma_wait3A_118 : memref<1x640xf32, #tpu.memory_space<vmem_shared>> -> memref<640xf32, #tpu.memory_space<vmem_shared>>
      tpu.wait_dma2 semaphore(%run_scoped3A_113 : memref<!tpu.dma_semaphore, #tpu.memory_space<semaphore_mem>>) src(%dma_wait3A_119 : memref<640xf32, #tpu.memory_space<vmem_shared>>) dst(%arg10 : memref<640xf32, #tpu.memory_space<vmem>>)
      tpu.yield
    }) : () -> ()
    %scan3A_16 = arith.constant 0 : i32
    %scan3A_17 = arith.constant 40 : i32
    %scan3A_18 = arith.addi %scan3A_16, %scan3A_17 : i32
    %scan3A_19 = arith.constant 1 : i32
    scf.for %scan3A_113 = %scan3A_16 to %scan3A_18 step %scan3A_19  : i32 {
      %mul3A_114 = arith.constant 1 : i32
      %mul3A_115 = arith.muli %scan3A_113, %mul3A_114 : i32
      %add3A_116 = arith.constant 0 : i32
      %add3A_117 = arith.addi %add3A_116, %mul3A_115 : i32
      %mul3A_118 = arith.constant 16 : i32
      %mul3A_119 = arith.muli %add3A_117, %mul3A_118 : i32
      %get3A = arith.index_cast %mul3A_119 : i32 to index
      %get3A_120 = tpu.vector_load %arg9[%get3A] {strides = array<i32>} : memref<640xf32, #tpu.memory_space<vmem>>, vector<16xf32>,
      %get3A_121 = arith.index_cast %mul3A_119 : i32 to index
      %get3A_122 = tpu.vector_load %arg10[%get3A_121] {strides = array<i32>} : memref<640xf32, #tpu.memory_space<vmem>>, vector<16xf32>,
      %add3A_123 = arith.addf %get3A_120, %get3A_122 : vector<16xf32>
      %swap3A = arith.index_cast %mul3A_119 : i32 to index
      %swap3A_124 = tpu.vector_load %arg9[%swap3A] {strides = array<i32>} : memref<640xf32, #tpu.memory_space<vmem>>, vector<16xf32>,
      tpu.vector_store %arg9[%swap3A], %add3A_123 {strides = array<i32>} : memref<640xf32, #tpu.memory_space<vmem>>, vector<16xf32>,
    }
    %scan3A_20 = arith.constant 40 : i32
    %run_scoped3A_21 = arith.constant 1 : i32
    "tpu.region"() ({
      %run_scoped3A_113 = tpu.sem_alloc : memref<!tpu.dma_semaphore, #tpu.memory_space<semaphore_mem>>
      %dma_start3A = tpu.memref_slice %arg11[%run_scoped3A_21, %mul3A_10] : memref<16x10240xf32, #tpu.memory_space<vmem_shared>> -> memref<1x640xf32, #tpu.memory_space<vmem_shared>>
      %dma_start3A_114 = tpu.memref_squeeze %dma_start3A : memref<1x640xf32, #tpu.memory_space<vmem_shared>> -> memref<640xf32, #tpu.memory_space<vmem_shared>>
      %dma_start3A_115 = tpu.memref_slice %arg11[%run_scoped3A_21, %mul3A_10] : memref<16x10240xf32, #tpu.memory_space<vmem_shared>> -> memref<1x640xf32, #tpu.memory_space<vmem_shared>>
      %dma_start3A_116 = tpu.memref_squeeze %dma_start3A_115 : memref<1x640xf32, #tpu.memory_space<vmem_shared>> -> memref<640xf32, #tpu.memory_space<vmem_shared>>
      tpu.enqueue_dma source(%dma_start3A_116 : memref<640xf32, #tpu.memory_space<vmem_shared>>) target(%arg10 : memref<640xf32, #tpu.memory_space<vmem>>) target_semaphore(%run_scoped3A_113 : memref<!tpu.dma_semaphore, #tpu.memory_space<semaphore_mem>>)
      %dma_wait3A = tpu.memref_slice %arg11[%run_scoped3A_21, %mul3A_10] : memref<16x10240xf32, #tpu.memory_space<vmem_shared>> -> memref<1x640xf32, #tpu.memory_space<vmem_shared>>
      %dma_wait3A_117 = tpu.memref_squeeze %dma_wait3A : memref<1x640xf32, #tpu.memory_space<vmem_shared>> -> memref<640xf32, #tpu.memory_space<vmem_shared>>
      %dma_wait3A_118 = tpu.memref_slice %arg11[%run_scoped3A_21, %mul3A_10] : memref<16x10240xf32, #tpu.memory_space<vmem_shared>> -> memref<1x640xf32, #tpu.memory_space<vmem_shared>>
      %dma_wait3A_119 = tpu.memref_squeeze %dma_wait3A_118 : memref<1x640xf32, #tpu.memory_space<vmem_shared>> -> memref<640xf32, #tpu.memory_space<vmem_shared>>
      tpu.wait_dma2 semaphore(%run_scoped3A_113 : memref<!tpu.dma_semaphore, #tpu.memory_space<semaphore_mem>>) src(%dma_wait3A_119 : memref<640xf32, #tpu.memory_space<vmem_shared>>) dst(%arg10 : memref<640xf32, #tpu.memory_space<vmem>>)
      tpu.yield
    }) : () -> ()
    %scan3A_22 = arith.constant 0 : i32
    %scan3A_23 = arith.constant 40 : i32
    %scan3A_24 = arith.addi %scan3A_22, %scan3A_23 : i32
    %scan3A_25 = arith.constant 1 : i32
    scf.for %scan3A_113 = %scan3A_22 to %scan3A_24 step %scan3A_25  : i32 {
      %mul3A_114 = arith.constant 1 : i32
      %mul3A_115 = arith.muli %scan3A_113, %mul3A_114 : i32
      %add3A_116 = arith.constant 0 : i32
      %add3A_117 = arith.addi %add3A_116, %mul3A_115 : i32
      %mul3A_118 = arith.constant 16 : i32
      %mul3A_119 = arith.muli %add3A_117, %mul3A_118 : i32
      %get3A = arith.index_cast %mul3A_119 : i32 to index
      %get3A_120 = tpu.vector_load %arg9[%get3A] {strides = array<i32>} : memref<640xf32, #tpu.memory_space<vmem>>, vector<16xf32>,
      %get3A_121 = arith.index_cast %mul3A_119 : i32 to index
      %get3A_122 = tpu.vector_load %arg10[%get3A_121] {strides = array<i32>} : memref<640xf32, #tpu.memory_space<vmem>>, vector<16xf32>,
      %add3A_123 = arith.addf %get3A_120, %get3A_122 : vector<16xf32>
      %swap3A = arith.index_cast %mul3A_119 : i32 to index
      %swap3A_124 = tpu.vector_load %arg9[%swap3A] {strides = array<i32>} : memref<640xf32, #tpu.memory_space<vmem>>, vector<16xf32>,
      tpu.vector_store %arg9[%swap3A], %add3A_123 {strides = array<i32>} : memref<640xf32, #tpu.memory_space<vmem>>, vector<16xf32>,
    }
    %scan3A_26 = arith.constant 40 : i32
    %run_scoped3A_27 = arith.constant 2 : i32
    "tpu.region"() ({
      %run_scoped3A_113 = tpu.sem_alloc : memref<!tpu.dma_semaphore, #tpu.memory_space<semaphore_mem>>
      %dma_start3A = tpu.memref_slice %arg11[%run_scoped3A_27, %mul3A_10] : memref<16x10240xf32, #tpu.memory_space<vmem_shared>> -> memref<1x640xf32, #tpu.memory_space<vmem_shared>>
      %dma_start3A_114 = tpu.memref_squeeze %dma_start3A : memref<1x640xf32, #tpu.memory_space<vmem_shared>> -> memref<640xf32, #tpu.memory_space<vmem_shared>>
      %dma_start3A_115 = tpu.memref_slice %arg11[%run_scoped3A_27, %mul3A_10] : memref<16x10240xf32, #tpu.memory_space<vmem_shared>> -> memref<1x640xf32, #tpu.memory_space<vmem_shared>>
      %dma_start3A_116 = tpu.memref_squeeze %dma_start3A_115 : memref<1x640xf32, #tpu.memory_space<vmem_shared>> -> memref<640xf32, #tpu.memory_space<vmem_shared>>
      tpu.enqueue_dma source(%dma_start3A_116 : memref<640xf32, #tpu.memory_space<vmem_shared>>) target(%arg10 : memref<640xf32, #tpu.memory_space<vmem>>) target_semaphore(%run_scoped3A_113 : memref<!tpu.dma_semaphore, #tpu.memory_space<semaphore_mem>>)
      %dma_wait3A = tpu.memref_slice %arg11[%run_scoped3A_27, %mul3A_10] : memref<16x10240xf32, #tpu.memory_space<vmem_shared>> -> memref<1x640xf32, #tpu.memory_space<vmem_shared>>
      %dma_wait3A_117 = tpu.memref_squeeze %dma_wait3A : memref<1x640xf32, #tpu.memory_space<vmem_shared>> -> memref<640xf32, #tpu.memory_space<vmem_shared>>
      %dma_wait3A_118 = tpu.memref_slice %arg11[%run_scoped3A_27, %mul3A_10] : memref<16x10240xf32, #tpu.memory_space<vmem_shared>> -> memref<1x640xf32, #tpu.memory_space<vmem_shared>>
      %dma_wait3A_119 = tpu.memref_squeeze %dma_wait3A_118 : memref<1x640xf32, #tpu.memory_space<vmem_shared>> -> memref<640xf32, #tpu.memory_space<vmem_shared>>
      tpu.wait_dma2 semaphore(%run_scoped3A_113 : memref<!tpu.dma_semaphore, #tpu.memory_space<semaphore_mem>>) src(%dma_wait3A_119 : memref<640xf32, #tpu.memory_space<vmem_shared>>) dst(%arg10 : memref<640xf32, #tpu.memory_space<vmem>>)
      tpu.yield
    }) : () -> ()
    %scan3A_28 = arith.constant 0 : i32
    %scan3A_29 = arith.constant 40 : i32
    %scan3A_30 = arith.addi %scan3A_28, %scan3A_29 : i32
    %scan3A_31 = arith.constant 1 : i32
    scf.for %scan3A_113 = %scan3A_28 to %scan3A_30 step %scan3A_31  : i32 {
      %mul3A_114 = arith.constant 1 : i32
      %mul3A_115 = arith.muli %scan3A_113, %mul3A_114 : i32
      %add3A_116 = arith.constant 0 : i32
      %add3A_117 = arith.addi %add3A_116, %mul3A_115 : i32
      %mul3A_118 = arith.constant 16 : i32
      %mul3A_119 = arith.muli %add3A_117, %mul3A_118 : i32
      %get3A = arith.index_cast %mul3A_119 : i32 to index
      %get3A_120 = tpu.vector_load %arg9[%get3A] {strides = array<i32>} : memref<640xf32, #tpu.memory_space<vmem>>, vector<16xf32>,
      %get3A_121 = arith.index_cast %mul3A_119 : i32 to index
      %get3A_122 = tpu.vector_load %arg10[%get3A_121] {strides = array<i32>} : memref<640xf32, #tpu.memory_space<vmem>>, vector<16xf32>,
      %add3A_123 = arith.addf %get3A_120, %get3A_122 : vector<16xf32>
      %swap3A = arith.index_cast %mul3A_119 : i32 to index
      %swap3A_124 = tpu.vector_load %arg9[%swap3A] {strides = array<i32>} : memref<640xf32, #tpu.memory_space<vmem>>, vector<16xf32>,
      tpu.vector_store %arg9[%swap3A], %add3A_123 {strides = array<i32>} : memref<640xf32, #tpu.memory_space<vmem>>, vector<16xf32>,
    }
    %scan3A_32 = arith.constant 40 : i32
    %run_scoped3A_33 = arith.constant 3 : i32
    "tpu.region"() ({
      %run_scoped3A_113 = tpu.sem_alloc : memref<!tpu.dma_semaphore, #tpu.memory_space<semaphore_mem>>
      %dma_start3A = tpu.memref_slice %arg11[%run_scoped3A_33, %mul3A_10] : memref<16x10240xf32, #tpu.memory_space<vmem_shared>> -> memref<1x640xf32, #tpu.memory_space<vmem_shared>>
      %dma_start3A_114 = tpu.memref_squeeze %dma_start3A : memref<1x640xf32, #tpu.memory_space<vmem_shared>> -> memref<640xf32, #tpu.memory_space<vmem_shared>>
      %dma_start3A_115 = tpu.memref_slice %arg11[%run_scoped3A_33, %mul3A_10] : memref<16x10240xf32, #tpu.memory_space<vmem_shared>> -> memref<1x640xf32, #tpu.memory_space<vmem_shared>>
      %dma_start3A_116 = tpu.memref_squeeze %dma_start3A_115 : memref<1x640xf32, #tpu.memory_space<vmem_shared>> -> memref<640xf32, #tpu.memory_space<vmem_shared>>
      tpu.enqueue_dma source(%dma_start3A_116 : memref<640xf32, #tpu.memory_space<vmem_shared>>) target(%arg10 : memref<640xf32, #tpu.memory_space<vmem>>) target_semaphore(%run_scoped3A_113 : memref<!tpu.dma_semaphore, #tpu.memory_space<semaphore_mem>>)
      %dma_wait3A = tpu.memref_slice %arg11[%run_scoped3A_33, %mul3A_10] : memref<16x10240xf32, #tpu.memory_space<vmem_shared>> -> memref<1x640xf32, #tpu.memory_space<vmem_shared>>
      %dma_wait3A_117 = tpu.memref_squeeze %dma_wait3A : memref<1x640xf32, #tpu.memory_space<vmem_shared>> -> memref<640xf32, #tpu.memory_space<vmem_shared>>
      %dma_wait3A_118 = tpu.memref_slice %arg11[%run_scoped3A_33, %mul3A_10] : memref<16x10240xf32, #tpu.memory_space<vmem_shared>> -> memref<1x640xf32, #tpu.memory_space<vmem_shared>>
      %dma_wait3A_119 = tpu.memref_squeeze %dma_wait3A_118 : memref<1x640xf32, #tpu.memory_space<vmem_shared>> -> memref<640xf32, #tpu.memory_space<vmem_shared>>
      tpu.wait_dma2 semaphore(%run_scoped3A_113 : memref<!tpu.dma_semaphore, #tpu.memory_space<semaphore_mem>>) src(%dma_wait3A_119 : memref<640xf32, #tpu.memory_space<vmem_shared>>) dst(%arg10 : memref<640xf32, #tpu.memory_space<vmem>>)
      tpu.yield
    }) : () -> ()
    %scan3A_34 = arith.constant 0 : i32
    %scan3A_35 = arith.constant 40 : i32
    %scan3A_36 = arith.addi %scan3A_34, %scan3A_35 : i32
    %scan3A_37 = arith.constant 1 : i32
    scf.for %scan3A_113 = %scan3A_34 to %scan3A_36 step %scan3A_37  : i32 {
      %mul3A_114 = arith.constant 1 : i32
      %mul3A_115 = arith.muli %scan3A_113, %mul3A_114 : i32
      %add3A_116 = arith.constant 0 : i32
      %add3A_117 = arith.addi %add3A_116, %mul3A_115 : i32
      %mul3A_118 = arith.constant 16 : i32
      %mul3A_119 = arith.muli %add3A_117, %mul3A_118 : i32
      %get3A = arith.index_cast %mul3A_119 : i32 to index
      %get3A_120 = tpu.vector_load %arg9[%get3A] {strides = array<i32>} : memref<640xf32, #tpu.memory_space<vmem>>, vector<16xf32>,
      %get3A_121 = arith.index_cast %mul3A_119 : i32 to index
      %get3A_122 = tpu.vector_load %arg10[%get3A_121] {strides = array<i32>} : memref<640xf32, #tpu.memory_space<vmem>>, vector<16xf32>,
      %add3A_123 = arith.addf %get3A_120, %get3A_122 : vector<16xf32>
      %swap3A = arith.index_cast %mul3A_119 : i32 to index
      %swap3A_124 = tpu.vector_load %arg9[%swap3A] {strides = array<i32>} : memref<640xf32, #tpu.memory_space<vmem>>, vector<16xf32>,
      tpu.vector_store %arg9[%swap3A], %add3A_123 {strides = array<i32>} : memref<640xf32, #tpu.memory_space<vmem>>, vector<16xf32>,
    }
    %scan3A_38 = arith.constant 40 : i32
    %run_scoped3A_39 = arith.constant 4 : i32
    "tpu.region"() ({
      %run_scoped3A_113 = tpu.sem_alloc : memref<!tpu.dma_semaphore, #tpu.memory_space<semaphore_mem>>
      %dma_start3A = tpu.memref_slice %arg11[%run_scoped3A_39, %mul3A_10] : memref<16x10240xf32, #tpu.memory_space<vmem_shared>> -> memref<1x640xf32, #tpu.memory_space<vmem_shared>>
      %dma_start3A_114 = tpu.memref_squeeze %dma_start3A : memref<1x640xf32, #tpu.memory_space<vmem_shared>> -> memref<640xf32, #tpu.memory_space<vmem_shared>>
      %dma_start3A_115 = tpu.memref_slice %arg11[%run_scoped3A_39, %mul3A_10] : memref<16x10240xf32, #tpu.memory_space<vmem_shared>> -> memref<1x640xf32, #tpu.memory_space<vmem_shared>>
      %dma_start3A_116 = tpu.memref_squeeze %dma_start3A_115 : memref<1x640xf32, #tpu.memory_space<vmem_shared>> -> memref<640xf32, #tpu.memory_space<vmem_shared>>
      tpu.enqueue_dma source(%dma_start3A_116 : memref<640xf32, #tpu.memory_space<vmem_shared>>) target(%arg10 : memref<640xf32, #tpu.memory_space<vmem>>) target_semaphore(%run_scoped3A_113 : memref<!tpu.dma_semaphore, #tpu.memory_space<semaphore_mem>>)
      %dma_wait3A = tpu.memref_slice %arg11[%run_scoped3A_39, %mul3A_10] : memref<16x10240xf32, #tpu.memory_space<vmem_shared>> -> memref<1x640xf32, #tpu.memory_space<vmem_shared>>
      %dma_wait3A_117 = tpu.memref_squeeze %dma_wait3A : memref<1x640xf32, #tpu.memory_space<vmem_shared>> -> memref<640xf32, #tpu.memory_space<vmem_shared>>
      %dma_wait3A_118 = tpu.memref_slice %arg11[%run_scoped3A_39, %mul3A_10] : memref<16x10240xf32, #tpu.memory_space<vmem_shared>> -> memref<1x640xf32, #tpu.memory_space<vmem_shared>>
      %dma_wait3A_119 = tpu.memref_squeeze %dma_wait3A_118 : memref<1x640xf32, #tpu.memory_space<vmem_shared>> -> memref<640xf32, #tpu.memory_space<vmem_shared>>
      tpu.wait_dma2 semaphore(%run_scoped3A_113 : memref<!tpu.dma_semaphore, #tpu.memory_space<semaphore_mem>>) src(%dma_wait3A_119 : memref<640xf32, #tpu.memory_space<vmem_shared>>) dst(%arg10 : memref<640xf32, #tpu.memory_space<vmem>>)
      tpu.yield
    }) : () -> ()
    %scan3A_40 = arith.constant 0 : i32
    %scan3A_41 = arith.constant 40 : i32
    %scan3A_42 = arith.addi %scan3A_40, %scan3A_41 : i32
    %scan3A_43 = arith.constant 1 : i32
    scf.for %scan3A_113 = %scan3A_40 to %scan3A_42 step %scan3A_43  : i32 {
      %mul3A_114 = arith.constant 1 : i32
      %mul3A_115 = arith.muli %scan3A_113, %mul3A_114 : i32
      %add3A_116 = arith.constant 0 : i32
      %add3A_117 = arith.addi %add3A_116, %mul3A_115 : i32
      %mul3A_118 = arith.constant 16 : i32
      %mul3A_119 = arith.muli %add3A_117, %mul3A_118 : i32
      %get3A = arith.index_cast %mul3A_119 : i32 to index
      %get3A_120 = tpu.vector_load %arg9[%get3A] {strides = array<i32>} : memref<640xf32, #tpu.memory_space<vmem>>, vector<16xf32>,
      %get3A_121 = arith.index_cast %mul3A_119 : i32 to index
      %get3A_122 = tpu.vector_load %arg10[%get3A_121] {strides = array<i32>} : memref<640xf32, #tpu.memory_space<vmem>>, vector<16xf32>,
      %add3A_123 = arith.addf %get3A_120, %get3A_122 : vector<16xf32>
      %swap3A = arith.index_cast %mul3A_119 : i32 to index
      %swap3A_124 = tpu.vector_load %arg9[%swap3A] {strides = array<i32>} : memref<640xf32, #tpu.memory_space<vmem>>, vector<16xf32>,
      tpu.vector_store %arg9[%swap3A], %add3A_123 {strides = array<i32>} : memref<640xf32, #tpu.memory_space<vmem>>, vector<16xf32>,
    }
    %scan3A_44 = arith.constant 40 : i32
    %run_scoped3A_45 = arith.constant 5 : i32
    "tpu.region"() ({
      %run_scoped3A_113 = tpu.sem_alloc : memref<!tpu.dma_semaphore, #tpu.memory_space<semaphore_mem>>
      %dma_start3A = tpu.memref_slice %arg11[%run_scoped3A_45, %mul3A_10] : memref<16x10240xf32, #tpu.memory_space<vmem_shared>> -> memref<1x640xf32, #tpu.memory_space<vmem_shared>>
      %dma_start3A_114 = tpu.memref_squeeze %dma_start3A : memref<1x640xf32, #tpu.memory_space<vmem_shared>> -> memref<640xf32, #tpu.memory_space<vmem_shared>>
      %dma_start3A_115 = tpu.memref_slice %arg11[%run_scoped3A_45, %mul3A_10] : memref<16x10240xf32, #tpu.memory_space<vmem_shared>> -> memref<1x640xf32, #tpu.memory_space<vmem_shared>>
      %dma_start3A_116 = tpu.memref_squeeze %dma_start3A_115 : memref<1x640xf32, #tpu.memory_space<vmem_shared>> -> memref<640xf32, #tpu.memory_space<vmem_shared>>
      tpu.enqueue_dma source(%dma_start3A_116 : memref<640xf32, #tpu.memory_space<vmem_shared>>) target(%arg10 : memref<640xf32, #tpu.memory_space<vmem>>) target_semaphore(%run_scoped3A_113 : memref<!tpu.dma_semaphore, #tpu.memory_space<semaphore_mem>>)
      %dma_wait3A = tpu.memref_slice %arg11[%run_scoped3A_45, %mul3A_10] : memref<16x10240xf32, #tpu.memory_space<vmem_shared>> -> memref<1x640xf32, #tpu.memory_space<vmem_shared>>
      %dma_wait3A_117 = tpu.memref_squeeze %dma_wait3A : memref<1x640xf32, #tpu.memory_space<vmem_shared>> -> memref<640xf32, #tpu.memory_space<vmem_shared>>
      %dma_wait3A_118 = tpu.memref_slice %arg11[%run_scoped3A_45, %mul3A_10] : memref<16x10240xf32, #tpu.memory_space<vmem_shared>> -> memref<1x640xf32, #tpu.memory_space<vmem_shared>>
      %dma_wait3A_119 = tpu.memref_squeeze %dma_wait3A_118 : memref<1x640xf32, #tpu.memory_space<vmem_shared>> -> memref<640xf32, #tpu.memory_space<vmem_shared>>
      tpu.wait_dma2 semaphore(%run_scoped3A_113 : memref<!tpu.dma_semaphore, #tpu.memory_space<semaphore_mem>>) src(%dma_wait3A_119 : memref<640xf32, #tpu.memory_space<vmem_shared>>) dst(%arg10 : memref<640xf32, #tpu.memory_space<vmem>>)
      tpu.yield
    }) : () -> ()
    %scan3A_46 = arith.constant 0 : i32
    %scan3A_47 = arith.constant 40 : i32
    %scan3A_48 = arith.addi %scan3A_46, %scan3A_47 : i32
    %scan3A_49 = arith.constant 1 : i32
    scf.for %scan3A_113 = %scan3A_46 to %scan3A_48 step %scan3A_49  : i32 {
      %mul3A_114 = arith.constant 1 : i32
      %mul3A_115 = arith.muli %scan3A_113, %mul3A_114 : i32
      %add3A_116 = arith.constant 0 : i32
      %add3A_117 = arith.addi %add3A_116, %mul3A_115 : i32
      %mul3A_118 = arith.constant 16 : i32
      %mul3A_119 = arith.muli %add3A_117, %mul3A_118 : i32
      %get3A = arith.index_cast %mul3A_119 : i32 to index
      %get3A_120 = tpu.vector_load %arg9[%get3A] {strides = array<i32>} : memref<640xf32, #tpu.memory_space<vmem>>, vector<16xf32>,
      %get3A_121 = arith.index_cast %mul3A_119 : i32 to index
      %get3A_122 = tpu.vector_load %arg10[%get3A_121] {strides = array<i32>} : memref<640xf32, #tpu.memory_space<vmem>>, vector<16xf32>,
      %add3A_123 = arith.addf %get3A_120, %get3A_122 : vector<16xf32>
      %swap3A = arith.index_cast %mul3A_119 : i32 to index
      %swap3A_124 = tpu.vector_load %arg9[%swap3A] {strides = array<i32>} : memref<640xf32, #tpu.memory_space<vmem>>, vector<16xf32>,
      tpu.vector_store %arg9[%swap3A], %add3A_123 {strides = array<i32>} : memref<640xf32, #tpu.memory_space<vmem>>, vector<16xf32>,
    }
    %scan3A_50 = arith.constant 40 : i32
    %run_scoped3A_51 = arith.constant 6 : i32
    "tpu.region"() ({
      %run_scoped3A_113 = tpu.sem_alloc : memref<!tpu.dma_semaphore, #tpu.memory_space<semaphore_mem>>
      %dma_start3A = tpu.memref_slice %arg11[%run_scoped3A_51, %mul3A_10] : memref<16x10240xf32, #tpu.memory_space<vmem_shared>> -> memref<1x640xf32, #tpu.memory_space<vmem_shared>>
      %dma_start3A_114 = tpu.memref_squeeze %dma_start3A : memref<1x640xf32, #tpu.memory_space<vmem_shared>> -> memref<640xf32, #tpu.memory_space<vmem_shared>>
      %dma_start3A_115 = tpu.memref_slice %arg11[%run_scoped3A_51, %mul3A_10] : memref<16x10240xf32, #tpu.memory_space<vmem_shared>> -> memref<1x640xf32, #tpu.memory_space<vmem_shared>>
      %dma_start3A_116 = tpu.memref_squeeze %dma_start3A_115 : memref<1x640xf32, #tpu.memory_space<vmem_shared>> -> memref<640xf32, #tpu.memory_space<vmem_shared>>
      tpu.enqueue_dma source(%dma_start3A_116 : memref<640xf32, #tpu.memory_space<vmem_shared>>) target(%arg10 : memref<640xf32, #tpu.memory_space<vmem>>) target_semaphore(%run_scoped3A_113 : memref<!tpu.dma_semaphore, #tpu.memory_space<semaphore_mem>>)
      %dma_wait3A = tpu.memref_slice %arg11[%run_scoped3A_51, %mul3A_10] : memref<16x10240xf32, #tpu.memory_space<vmem_shared>> -> memref<1x640xf32, #tpu.memory_space<vmem_shared>>
      %dma_wait3A_117 = tpu.memref_squeeze %dma_wait3A : memref<1x640xf32, #tpu.memory_space<vmem_shared>> -> memref<640xf32, #tpu.memory_space<vmem_shared>>
      %dma_wait3A_118 = tpu.memref_slice %arg11[%run_scoped3A_51, %mul3A_10] : memref<16x10240xf32, #tpu.memory_space<vmem_shared>> -> memref<1x640xf32, #tpu.memory_space<vmem_shared>>
      %dma_wait3A_119 = tpu.memref_squeeze %dma_wait3A_118 : memref<1x640xf32, #tpu.memory_space<vmem_shared>> -> memref<640xf32, #tpu.memory_space<vmem_shared>>
      tpu.wait_dma2 semaphore(%run_scoped3A_113 : memref<!tpu.dma_semaphore, #tpu.memory_space<semaphore_mem>>) src(%dma_wait3A_119 : memref<640xf32, #tpu.memory_space<vmem_shared>>) dst(%arg10 : memref<640xf32, #tpu.memory_space<vmem>>)
      tpu.yield
    }) : () -> ()
    %scan3A_52 = arith.constant 0 : i32
    %scan3A_53 = arith.constant 40 : i32
    %scan3A_54 = arith.addi %scan3A_52, %scan3A_53 : i32
    %scan3A_55 = arith.constant 1 : i32
    scf.for %scan3A_113 = %scan3A_52 to %scan3A_54 step %scan3A_55  : i32 {
      %mul3A_114 = arith.constant 1 : i32
      %mul3A_115 = arith.muli %scan3A_113, %mul3A_114 : i32
      %add3A_116 = arith.constant 0 : i32
      %add3A_117 = arith.addi %add3A_116, %mul3A_115 : i32
      %mul3A_118 = arith.constant 16 : i32
      %mul3A_119 = arith.muli %add3A_117, %mul3A_118 : i32
      %get3A = arith.index_cast %mul3A_119 : i32 to index
      %get3A_120 = tpu.vector_load %arg9[%get3A] {strides = array<i32>} : memref<640xf32, #tpu.memory_space<vmem>>, vector<16xf32>,
      %get3A_121 = arith.index_cast %mul3A_119 : i32 to index
      %get3A_122 = tpu.vector_load %arg10[%get3A_121] {strides = array<i32>} : memref<640xf32, #tpu.memory_space<vmem>>, vector<16xf32>,
      %add3A_123 = arith.addf %get3A_120, %get3A_122 : vector<16xf32>
      %swap3A = arith.index_cast %mul3A_119 : i32 to index
      %swap3A_124 = tpu.vector_load %arg9[%swap3A] {strides = array<i32>} : memref<640xf32, #tpu.memory_space<vmem>>, vector<16xf32>,
      tpu.vector_store %arg9[%swap3A], %add3A_123 {strides = array<i32>} : memref<640xf32, #tpu.memory_space<vmem>>, vector<16xf32>,
    }
    %scan3A_56 = arith.constant 40 : i32
    %run_scoped3A_57 = arith.constant 7 : i32
    "tpu.region"() ({
      %run_scoped3A_113 = tpu.sem_alloc : memref<!tpu.dma_semaphore, #tpu.memory_space<semaphore_mem>>
      %dma_start3A = tpu.memref_slice %arg11[%run_scoped3A_57, %mul3A_10] : memref<16x10240xf32, #tpu.memory_space<vmem_shared>> -> memref<1x640xf32, #tpu.memory_space<vmem_shared>>
      %dma_start3A_114 = tpu.memref_squeeze %dma_start3A : memref<1x640xf32, #tpu.memory_space<vmem_shared>> -> memref<640xf32, #tpu.memory_space<vmem_shared>>
      %dma_start3A_115 = tpu.memref_slice %arg11[%run_scoped3A_57, %mul3A_10] : memref<16x10240xf32, #tpu.memory_space<vmem_shared>> -> memref<1x640xf32, #tpu.memory_space<vmem_shared>>
      %dma_start3A_116 = tpu.memref_squeeze %dma_start3A_115 : memref<1x640xf32, #tpu.memory_space<vmem_shared>> -> memref<640xf32, #tpu.memory_space<vmem_shared>>
      tpu.enqueue_dma source(%dma_start3A_116 : memref<640xf32, #tpu.memory_space<vmem_shared>>) target(%arg10 : memref<640xf32, #tpu.memory_space<vmem>>) target_semaphore(%run_scoped3A_113 : memref<!tpu.dma_semaphore, #tpu.memory_space<semaphore_mem>>)
      %dma_wait3A = tpu.memref_slice %arg11[%run_scoped3A_57, %mul3A_10] : memref<16x10240xf32, #tpu.memory_space<vmem_shared>> -> memref<1x640xf32, #tpu.memory_space<vmem_shared>>
      %dma_wait3A_117 = tpu.memref_squeeze %dma_wait3A : memref<1x640xf32, #tpu.memory_space<vmem_shared>> -> memref<640xf32, #tpu.memory_space<vmem_shared>>
      %dma_wait3A_118 = tpu.memref_slice %arg11[%run_scoped3A_57, %mul3A_10] : memref<16x10240xf32, #tpu.memory_space<vmem_shared>> -> memref<1x640xf32, #tpu.memory_space<vmem_shared>>
      %dma_wait3A_119 = tpu.memref_squeeze %dma_wait3A_118 : memref<1x640xf32, #tpu.memory_space<vmem_shared>> -> memref<640xf32, #tpu.memory_space<vmem_shared>>
      tpu.wait_dma2 semaphore(%run_scoped3A_113 : memref<!tpu.dma_semaphore, #tpu.memory_space<semaphore_mem>>) src(%dma_wait3A_119 : memref<640xf32, #tpu.memory_space<vmem_shared>>) dst(%arg10 : memref<640xf32, #tpu.memory_space<vmem>>)
      tpu.yield
    }) : () -> ()
    %scan3A_58 = arith.constant 0 : i32
    %scan3A_59 = arith.constant 40 : i32
    %scan3A_60 = arith.addi %scan3A_58, %scan3A_59 : i32
    %scan3A_61 = arith.constant 1 : i32
    scf.for %scan3A_113 = %scan3A_58 to %scan3A_60 step %scan3A_61  : i32 {
      %mul3A_114 = arith.constant 1 : i32
      %mul3A_115 = arith.muli %scan3A_113, %mul3A_114 : i32
      %add3A_116 = arith.constant 0 : i32
      %add3A_117 = arith.addi %add3A_116, %mul3A_115 : i32
      %mul3A_118 = arith.constant 16 : i32
      %mul3A_119 = arith.muli %add3A_117, %mul3A_118 : i32
      %get3A = arith.index_cast %mul3A_119 : i32 to index
      %get3A_120 = tpu.vector_load %arg9[%get3A] {strides = array<i32>} : memref<640xf32, #tpu.memory_space<vmem>>, vector<16xf32>,
      %get3A_121 = arith.index_cast %mul3A_119 : i32 to index
      %get3A_122 = tpu.vector_load %arg10[%get3A_121] {strides = array<i32>} : memref<640xf32, #tpu.memory_space<vmem>>, vector<16xf32>,
      %add3A_123 = arith.addf %get3A_120, %get3A_122 : vector<16xf32>
      %swap3A = arith.index_cast %mul3A_119 : i32 to index
      %swap3A_124 = tpu.vector_load %arg9[%swap3A] {strides = array<i32>} : memref<640xf32, #tpu.memory_space<vmem>>, vector<16xf32>,
      tpu.vector_store %arg9[%swap3A], %add3A_123 {strides = array<i32>} : memref<640xf32, #tpu.memory_space<vmem>>, vector<16xf32>,
    }
    %scan3A_62 = arith.constant 40 : i32
    %run_scoped3A_63 = arith.constant 8 : i32
    "tpu.region"() ({
      %run_scoped3A_113 = tpu.sem_alloc : memref<!tpu.dma_semaphore, #tpu.memory_space<semaphore_mem>>
      %dma_start3A = tpu.memref_slice %arg11[%run_scoped3A_63, %mul3A_10] : memref<16x10240xf32, #tpu.memory_space<vmem_shared>> -> memref<1x640xf32, #tpu.memory_space<vmem_shared>>
      %dma_start3A_114 = tpu.memref_squeeze %dma_start3A : memref<1x640xf32, #tpu.memory_space<vmem_shared>> -> memref<640xf32, #tpu.memory_space<vmem_shared>>
      %dma_start3A_115 = tpu.memref_slice %arg11[%run_scoped3A_63, %mul3A_10] : memref<16x10240xf32, #tpu.memory_space<vmem_shared>> -> memref<1x640xf32, #tpu.memory_space<vmem_shared>>
      %dma_start3A_116 = tpu.memref_squeeze %dma_start3A_115 : memref<1x640xf32, #tpu.memory_space<vmem_shared>> -> memref<640xf32, #tpu.memory_space<vmem_shared>>
      tpu.enqueue_dma source(%dma_start3A_116 : memref<640xf32, #tpu.memory_space<vmem_shared>>) target(%arg10 : memref<640xf32, #tpu.memory_space<vmem>>) target_semaphore(%run_scoped3A_113 : memref<!tpu.dma_semaphore, #tpu.memory_space<semaphore_mem>>)
      %dma_wait3A = tpu.memref_slice %arg11[%run_scoped3A_63, %mul3A_10] : memref<16x10240xf32, #tpu.memory_space<vmem_shared>> -> memref<1x640xf32, #tpu.memory_space<vmem_shared>>
      %dma_wait3A_117 = tpu.memref_squeeze %dma_wait3A : memref<1x640xf32, #tpu.memory_space<vmem_shared>> -> memref<640xf32, #tpu.memory_space<vmem_shared>>
      %dma_wait3A_118 = tpu.memref_slice %arg11[%run_scoped3A_63, %mul3A_10] : memref<16x10240xf32, #tpu.memory_space<vmem_shared>> -> memref<1x640xf32, #tpu.memory_space<vmem_shared>>
      %dma_wait3A_119 = tpu.memref_squeeze %dma_wait3A_118 : memref<1x640xf32, #tpu.memory_space<vmem_shared>> -> memref<640xf32, #tpu.memory_space<vmem_shared>>
      tpu.wait_dma2 semaphore(%run_scoped3A_113 : memref<!tpu.dma_semaphore, #tpu.memory_space<semaphore_mem>>) src(%dma_wait3A_119 : memref<640xf32, #tpu.memory_space<vmem_shared>>) dst(%arg10 : memref<640xf32, #tpu.memory_space<vmem>>)
      tpu.yield
    }) : () -> ()
    %scan3A_64 = arith.constant 0 : i32
    %scan3A_65 = arith.constant 40 : i32
    %scan3A_66 = arith.addi %scan3A_64, %scan3A_65 : i32
    %scan3A_67 = arith.constant 1 : i32
    scf.for %scan3A_113 = %scan3A_64 to %scan3A_66 step %scan3A_67  : i32 {
      %mul3A_114 = arith.constant 1 : i32
      %mul3A_115 = arith.muli %scan3A_113, %mul3A_114 : i32
      %add3A_116 = arith.constant 0 : i32
      %add3A_117 = arith.addi %add3A_116, %mul3A_115 : i32
      %mul3A_118 = arith.constant 16 : i32
      %mul3A_119 = arith.muli %add3A_117, %mul3A_118 : i32
      %get3A = arith.index_cast %mul3A_119 : i32 to index
      %get3A_120 = tpu.vector_load %arg9[%get3A] {strides = array<i32>} : memref<640xf32, #tpu.memory_space<vmem>>, vector<16xf32>,
      %get3A_121 = arith.index_cast %mul3A_119 : i32 to index
      %get3A_122 = tpu.vector_load %arg10[%get3A_121] {strides = array<i32>} : memref<640xf32, #tpu.memory_space<vmem>>, vector<16xf32>,
      %add3A_123 = arith.addf %get3A_120, %get3A_122 : vector<16xf32>
      %swap3A = arith.index_cast %mul3A_119 : i32 to index
      %swap3A_124 = tpu.vector_load %arg9[%swap3A] {strides = array<i32>} : memref<640xf32, #tpu.memory_space<vmem>>, vector<16xf32>,
      tpu.vector_store %arg9[%swap3A], %add3A_123 {strides = array<i32>} : memref<640xf32, #tpu.memory_space<vmem>>, vector<16xf32>,
    }
    %scan3A_68 = arith.constant 40 : i32
    %run_scoped3A_69 = arith.constant 9 : i32
    "tpu.region"() ({
      %run_scoped3A_113 = tpu.sem_alloc : memref<!tpu.dma_semaphore, #tpu.memory_space<semaphore_mem>>
      %dma_start3A = tpu.memref_slice %arg11[%run_scoped3A_69, %mul3A_10] : memref<16x10240xf32, #tpu.memory_space<vmem_shared>> -> memref<1x640xf32, #tpu.memory_space<vmem_shared>>
      %dma_start3A_114 = tpu.memref_squeeze %dma_start3A : memref<1x640xf32, #tpu.memory_space<vmem_shared>> -> memref<640xf32, #tpu.memory_space<vmem_shared>>
      %dma_start3A_115 = tpu.memref_slice %arg11[%run_scoped3A_69, %mul3A_10] : memref<16x10240xf32, #tpu.memory_space<vmem_shared>> -> memref<1x640xf32, #tpu.memory_space<vmem_shared>>
      %dma_start3A_116 = tpu.memref_squeeze %dma_start3A_115 : memref<1x640xf32, #tpu.memory_space<vmem_shared>> -> memref<640xf32, #tpu.memory_space<vmem_shared>>
      tpu.enqueue_dma source(%dma_start3A_116 : memref<640xf32, #tpu.memory_space<vmem_shared>>) target(%arg10 : memref<640xf32, #tpu.memory_space<vmem>>) target_semaphore(%run_scoped3A_113 : memref<!tpu.dma_semaphore, #tpu.memory_space<semaphore_mem>>)
      %dma_wait3A = tpu.memref_slice %arg11[%run_scoped3A_69, %mul3A_10] : memref<16x10240xf32, #tpu.memory_space<vmem_shared>> -> memref<1x640xf32, #tpu.memory_space<vmem_shared>>
      %dma_wait3A_117 = tpu.memref_squeeze %dma_wait3A : memref<1x640xf32, #tpu.memory_space<vmem_shared>> -> memref<640xf32, #tpu.memory_space<vmem_shared>>
      %dma_wait3A_118 = tpu.memref_slice %arg11[%run_scoped3A_69, %mul3A_10] : memref<16x10240xf32, #tpu.memory_space<vmem_shared>> -> memref<1x640xf32, #tpu.memory_space<vmem_shared>>
      %dma_wait3A_119 = tpu.memref_squeeze %dma_wait3A_118 : memref<1x640xf32, #tpu.memory_space<vmem_shared>> -> memref<640xf32, #tpu.memory_space<vmem_shared>>
      tpu.wait_dma2 semaphore(%run_scoped3A_113 : memref<!tpu.dma_semaphore, #tpu.memory_space<semaphore_mem>>) src(%dma_wait3A_119 : memref<640xf32, #tpu.memory_space<vmem_shared>>) dst(%arg10 : memref<640xf32, #tpu.memory_space<vmem>>)
      tpu.yield
    }) : () -> ()
    %scan3A_70 = arith.constant 0 : i32
    %scan3A_71 = arith.constant 40 : i32
    %scan3A_72 = arith.addi %scan3A_70, %scan3A_71 : i32
    %scan3A_73 = arith.constant 1 : i32
    scf.for %scan3A_113 = %scan3A_70 to %scan3A_72 step %scan3A_73  : i32 {
      %mul3A_114 = arith.constant 1 : i32
      %mul3A_115 = arith.muli %scan3A_113, %mul3A_114 : i32
      %add3A_116 = arith.constant 0 : i32
      %add3A_117 = arith.addi %add3A_116, %mul3A_115 : i32
      %mul3A_118 = arith.constant 16 : i32
      %mul3A_119 = arith.muli %add3A_117, %mul3A_118 : i32
      %get3A = arith.index_cast %mul3A_119 : i32 to index
      %get3A_120 = tpu.vector_load %arg9[%get3A] {strides = array<i32>} : memref<640xf32, #tpu.memory_space<vmem>>, vector<16xf32>,
      %get3A_121 = arith.index_cast %mul3A_119 : i32 to index
      %get3A_122 = tpu.vector_load %arg10[%get3A_121] {strides = array<i32>} : memref<640xf32, #tpu.memory_space<vmem>>, vector<16xf32>,
      %add3A_123 = arith.addf %get3A_120, %get3A_122 : vector<16xf32>
      %swap3A = arith.index_cast %mul3A_119 : i32 to index
      %swap3A_124 = tpu.vector_load %arg9[%swap3A] {strides = array<i32>} : memref<640xf32, #tpu.memory_space<vmem>>, vector<16xf32>,
      tpu.vector_store %arg9[%swap3A], %add3A_123 {strides = array<i32>} : memref<640xf32, #tpu.memory_space<vmem>>, vector<16xf32>,
    }
    %scan3A_74 = arith.constant 40 : i32
    %run_scoped3A_75 = arith.constant 10 : i32
    "tpu.region"() ({
      %run_scoped3A_113 = tpu.sem_alloc : memref<!tpu.dma_semaphore, #tpu.memory_space<semaphore_mem>>
      %dma_start3A = tpu.memref_slice %arg11[%run_scoped3A_75, %mul3A_10] : memref<16x10240xf32, #tpu.memory_space<vmem_shared>> -> memref<1x640xf32, #tpu.memory_space<vmem_shared>>
      %dma_start3A_114 = tpu.memref_squeeze %dma_start3A : memref<1x640xf32, #tpu.memory_space<vmem_shared>> -> memref<640xf32, #tpu.memory_space<vmem_shared>>
      %dma_start3A_115 = tpu.memref_slice %arg11[%run_scoped3A_75, %mul3A_10] : memref<16x10240xf32, #tpu.memory_space<vmem_shared>> -> memref<1x640xf32, #tpu.memory_space<vmem_shared>>
      %dma_start3A_116 = tpu.memref_squeeze %dma_start3A_115 : memref<1x640xf32, #tpu.memory_space<vmem_shared>> -> memref<640xf32, #tpu.memory_space<vmem_shared>>
      tpu.enqueue_dma source(%dma_start3A_116 : memref<640xf32, #tpu.memory_space<vmem_shared>>) target(%arg10 : memref<640xf32, #tpu.memory_space<vmem>>) target_semaphore(%run_scoped3A_113 : memref<!tpu.dma_semaphore, #tpu.memory_space<semaphore_mem>>)
      %dma_wait3A = tpu.memref_slice %arg11[%run_scoped3A_75, %mul3A_10] : memref<16x10240xf32, #tpu.memory_space<vmem_shared>> -> memref<1x640xf32, #tpu.memory_space<vmem_shared>>
      %dma_wait3A_117 = tpu.memref_squeeze %dma_wait3A : memref<1x640xf32, #tpu.memory_space<vmem_shared>> -> memref<640xf32, #tpu.memory_space<vmem_shared>>
      %dma_wait3A_118 = tpu.memref_slice %arg11[%run_scoped3A_75, %mul3A_10] : memref<16x10240xf32, #tpu.memory_space<vmem_shared>> -> memref<1x640xf32, #tpu.memory_space<vmem_shared>>
      %dma_wait3A_119 = tpu.memref_squeeze %dma_wait3A_118 : memref<1x640xf32, #tpu.memory_space<vmem_shared>> -> memref<640xf32, #tpu.memory_space<vmem_shared>>
      tpu.wait_dma2 semaphore(%run_scoped3A_113 : memref<!tpu.dma_semaphore, #tpu.memory_space<semaphore_mem>>) src(%dma_wait3A_119 : memref<640xf32, #tpu.memory_space<vmem_shared>>) dst(%arg10 : memref<640xf32, #tpu.memory_space<vmem>>)
      tpu.yield
    }) : () -> ()
    %scan3A_76 = arith.constant 0 : i32
    %scan3A_77 = arith.constant 40 : i32
    %scan3A_78 = arith.addi %scan3A_76, %scan3A_77 : i32
    %scan3A_79 = arith.constant 1 : i32
    scf.for %scan3A_113 = %scan3A_76 to %scan3A_78 step %scan3A_79  : i32 {
      %mul3A_114 = arith.constant 1 : i32
      %mul3A_115 = arith.muli %scan3A_113, %mul3A_114 : i32
      %add3A_116 = arith.constant 0 : i32
      %add3A_117 = arith.addi %add3A_116, %mul3A_115 : i32
      %mul3A_118 = arith.constant 16 : i32
      %mul3A_119 = arith.muli %add3A_117, %mul3A_118 : i32
      %get3A = arith.index_cast %mul3A_119 : i32 to index
      %get3A_120 = tpu.vector_load %arg9[%get3A] {strides = array<i32>} : memref<640xf32, #tpu.memory_space<vmem>>, vector<16xf32>,
      %get3A_121 = arith.index_cast %mul3A_119 : i32 to index
      %get3A_122 = tpu.vector_load %arg10[%get3A_121] {strides = array<i32>} : memref<640xf32, #tpu.memory_space<vmem>>, vector<16xf32>,
      %add3A_123 = arith.addf %get3A_120, %get3A_122 : vector<16xf32>
      %swap3A = arith.index_cast %mul3A_119 : i32 to index
      %swap3A_124 = tpu.vector_load %arg9[%swap3A] {strides = array<i32>} : memref<640xf32, #tpu.memory_space<vmem>>, vector<16xf32>,
      tpu.vector_store %arg9[%swap3A], %add3A_123 {strides = array<i32>} : memref<640xf32, #tpu.memory_space<vmem>>, vector<16xf32>,
    }
    %scan3A_80 = arith.constant 40 : i32
    %run_scoped3A_81 = arith.constant 11 : i32
    "tpu.region"() ({
      %run_scoped3A_113 = tpu.sem_alloc : memref<!tpu.dma_semaphore, #tpu.memory_space<semaphore_mem>>
      %dma_start3A = tpu.memref_slice %arg11[%run_scoped3A_81, %mul3A_10] : memref<16x10240xf32, #tpu.memory_space<vmem_shared>> -> memref<1x640xf32, #tpu.memory_space<vmem_shared>>
      %dma_start3A_114 = tpu.memref_squeeze %dma_start3A : memref<1x640xf32, #tpu.memory_space<vmem_shared>> -> memref<640xf32, #tpu.memory_space<vmem_shared>>
      %dma_start3A_115 = tpu.memref_slice %arg11[%run_scoped3A_81, %mul3A_10] : memref<16x10240xf32, #tpu.memory_space<vmem_shared>> -> memref<1x640xf32, #tpu.memory_space<vmem_shared>>
      %dma_start3A_116 = tpu.memref_squeeze %dma_start3A_115 : memref<1x640xf32, #tpu.memory_space<vmem_shared>> -> memref<640xf32, #tpu.memory_space<vmem_shared>>
      tpu.enqueue_dma source(%dma_start3A_116 : memref<640xf32, #tpu.memory_space<vmem_shared>>) target(%arg10 : memref<640xf32, #tpu.memory_space<vmem>>) target_semaphore(%run_scoped3A_113 : memref<!tpu.dma_semaphore, #tpu.memory_space<semaphore_mem>>)
      %dma_wait3A = tpu.memref_slice %arg11[%run_scoped3A_81, %mul3A_10] : memref<16x10240xf32, #tpu.memory_space<vmem_shared>> -> memref<1x640xf32, #tpu.memory_space<vmem_shared>>
      %dma_wait3A_117 = tpu.memref_squeeze %dma_wait3A : memref<1x640xf32, #tpu.memory_space<vmem_shared>> -> memref<640xf32, #tpu.memory_space<vmem_shared>>
      %dma_wait3A_118 = tpu.memref_slice %arg11[%run_scoped3A_81, %mul3A_10] : memref<16x10240xf32, #tpu.memory_space<vmem_shared>> -> memref<1x640xf32, #tpu.memory_space<vmem_shared>>
      %dma_wait3A_119 = tpu.memref_squeeze %dma_wait3A_118 : memref<1x640xf32, #tpu.memory_space<vmem_shared>> -> memref<640xf32, #tpu.memory_space<vmem_shared>>
      tpu.wait_dma2 semaphore(%run_scoped3A_113 : memref<!tpu.dma_semaphore, #tpu.memory_space<semaphore_mem>>) src(%dma_wait3A_119 : memref<640xf32, #tpu.memory_space<vmem_shared>>) dst(%arg10 : memref<640xf32, #tpu.memory_space<vmem>>)
      tpu.yield
    }) : () -> ()
    %scan3A_82 = arith.constant 0 : i32
    %scan3A_83 = arith.constant 40 : i32
    %scan3A_84 = arith.addi %scan3A_82, %scan3A_83 : i32
    %scan3A_85 = arith.constant 1 : i32
    scf.for %scan3A_113 = %scan3A_82 to %scan3A_84 step %scan3A_85  : i32 {
      %mul3A_114 = arith.constant 1 : i32
      %mul3A_115 = arith.muli %scan3A_113, %mul3A_114 : i32
      %add3A_116 = arith.constant 0 : i32
      %add3A_117 = arith.addi %add3A_116, %mul3A_115 : i32
      %mul3A_118 = arith.constant 16 : i32
      %mul3A_119 = arith.muli %add3A_117, %mul3A_118 : i32
      %get3A = arith.index_cast %mul3A_119 : i32 to index
      %get3A_120 = tpu.vector_load %arg9[%get3A] {strides = array<i32>} : memref<640xf32, #tpu.memory_space<vmem>>, vector<16xf32>,
      %get3A_121 = arith.index_cast %mul3A_119 : i32 to index
      %get3A_122 = tpu.vector_load %arg10[%get3A_121] {strides = array<i32>} : memref<640xf32, #tpu.memory_space<vmem>>, vector<16xf32>,
      %add3A_123 = arith.addf %get3A_120, %get3A_122 : vector<16xf32>
      %swap3A = arith.index_cast %mul3A_119 : i32 to index
      %swap3A_124 = tpu.vector_load %arg9[%swap3A] {strides = array<i32>} : memref<640xf32, #tpu.memory_space<vmem>>, vector<16xf32>,
      tpu.vector_store %arg9[%swap3A], %add3A_123 {strides = array<i32>} : memref<640xf32, #tpu.memory_space<vmem>>, vector<16xf32>,
    }
    %scan3A_86 = arith.constant 40 : i32
    %run_scoped3A_87 = arith.constant 12 : i32
    "tpu.region"() ({
      %run_scoped3A_113 = tpu.sem_alloc : memref<!tpu.dma_semaphore, #tpu.memory_space<semaphore_mem>>
      %dma_start3A = tpu.memref_slice %arg11[%run_scoped3A_87, %mul3A_10] : memref<16x10240xf32, #tpu.memory_space<vmem_shared>> -> memref<1x640xf32, #tpu.memory_space<vmem_shared>>
      %dma_start3A_114 = tpu.memref_squeeze %dma_start3A : memref<1x640xf32, #tpu.memory_space<vmem_shared>> -> memref<640xf32, #tpu.memory_space<vmem_shared>>
      %dma_start3A_115 = tpu.memref_slice %arg11[%run_scoped3A_87, %mul3A_10] : memref<16x10240xf32, #tpu.memory_space<vmem_shared>> -> memref<1x640xf32, #tpu.memory_space<vmem_shared>>
      %dma_start3A_116 = tpu.memref_squeeze %dma_start3A_115 : memref<1x640xf32, #tpu.memory_space<vmem_shared>> -> memref<640xf32, #tpu.memory_space<vmem_shared>>
      tpu.enqueue_dma source(%dma_start3A_116 : memref<640xf32, #tpu.memory_space<vmem_shared>>) target(%arg10 : memref<640xf32, #tpu.memory_space<vmem>>) target_semaphore(%run_scoped3A_113 : memref<!tpu.dma_semaphore, #tpu.memory_space<semaphore_mem>>)
      %dma_wait3A = tpu.memref_slice %arg11[%run_scoped3A_87, %mul3A_10] : memref<16x10240xf32, #tpu.memory_space<vmem_shared>> -> memref<1x640xf32, #tpu.memory_space<vmem_shared>>
      %dma_wait3A_117 = tpu.memref_squeeze %dma_wait3A : memref<1x640xf32, #tpu.memory_space<vmem_shared>> -> memref<640xf32, #tpu.memory_space<vmem_shared>>
      %dma_wait3A_118 = tpu.memref_slice %arg11[%run_scoped3A_87, %mul3A_10] : memref<16x10240xf32, #tpu.memory_space<vmem_shared>> -> memref<1x640xf32, #tpu.memory_space<vmem_shared>>
      %dma_wait3A_119 = tpu.memref_squeeze %dma_wait3A_118 : memref<1x640xf32, #tpu.memory_space<vmem_shared>> -> memref<640xf32, #tpu.memory_space<vmem_shared>>
      tpu.wait_dma2 semaphore(%run_scoped3A_113 : memref<!tpu.dma_semaphore, #tpu.memory_space<semaphore_mem>>) src(%dma_wait3A_119 : memref<640xf32, #tpu.memory_space<vmem_shared>>) dst(%arg10 : memref<640xf32, #tpu.memory_space<vmem>>)
      tpu.yield
    }) : () -> ()
    %scan3A_88 = arith.constant 0 : i32
    %scan3A_89 = arith.constant 40 : i32
    %scan3A_90 = arith.addi %scan3A_88, %scan3A_89 : i32
    %scan3A_91 = arith.constant 1 : i32
    scf.for %scan3A_113 = %scan3A_88 to %scan3A_90 step %scan3A_91  : i32 {
      %mul3A_114 = arith.constant 1 : i32
      %mul3A_115 = arith.muli %scan3A_113, %mul3A_114 : i32
      %add3A_116 = arith.constant 0 : i32
      %add3A_117 = arith.addi %add3A_116, %mul3A_115 : i32
      %mul3A_118 = arith.constant 16 : i32
      %mul3A_119 = arith.muli %add3A_117, %mul3A_118 : i32
      %get3A = arith.index_cast %mul3A_119 : i32 to index
      %get3A_120 = tpu.vector_load %arg9[%get3A] {strides = array<i32>} : memref<640xf32, #tpu.memory_space<vmem>>, vector<16xf32>,
      %get3A_121 = arith.index_cast %mul3A_119 : i32 to index
      %get3A_122 = tpu.vector_load %arg10[%get3A_121] {strides = array<i32>} : memref<640xf32, #tpu.memory_space<vmem>>, vector<16xf32>,
      %add3A_123 = arith.addf %get3A_120, %get3A_122 : vector<16xf32>
      %swap3A = arith.index_cast %mul3A_119 : i32 to index
      %swap3A_124 = tpu.vector_load %arg9[%swap3A] {strides = array<i32>} : memref<640xf32, #tpu.memory_space<vmem>>, vector<16xf32>,
      tpu.vector_store %arg9[%swap3A], %add3A_123 {strides = array<i32>} : memref<640xf32, #tpu.memory_space<vmem>>, vector<16xf32>,
    }
    %scan3A_92 = arith.constant 40 : i32
    %run_scoped3A_93 = arith.constant 13 : i32
    "tpu.region"() ({
      %run_scoped3A_113 = tpu.sem_alloc : memref<!tpu.dma_semaphore, #tpu.memory_space<semaphore_mem>>
      %dma_start3A = tpu.memref_slice %arg11[%run_scoped3A_93, %mul3A_10] : memref<16x10240xf32, #tpu.memory_space<vmem_shared>> -> memref<1x640xf32, #tpu.memory_space<vmem_shared>>
      %dma_start3A_114 = tpu.memref_squeeze %dma_start3A : memref<1x640xf32, #tpu.memory_space<vmem_shared>> -> memref<640xf32, #tpu.memory_space<vmem_shared>>
      %dma_start3A_115 = tpu.memref_slice %arg11[%run_scoped3A_93, %mul3A_10] : memref<16x10240xf32, #tpu.memory_space<vmem_shared>> -> memref<1x640xf32, #tpu.memory_space<vmem_shared>>
      %dma_start3A_116 = tpu.memref_squeeze %dma_start3A_115 : memref<1x640xf32, #tpu.memory_space<vmem_shared>> -> memref<640xf32, #tpu.memory_space<vmem_shared>>
      tpu.enqueue_dma source(%dma_start3A_116 : memref<640xf32, #tpu.memory_space<vmem_shared>>) target(%arg10 : memref<640xf32, #tpu.memory_space<vmem>>) target_semaphore(%run_scoped3A_113 : memref<!tpu.dma_semaphore, #tpu.memory_space<semaphore_mem>>)
      %dma_wait3A = tpu.memref_slice %arg11[%run_scoped3A_93, %mul3A_10] : memref<16x10240xf32, #tpu.memory_space<vmem_shared>> -> memref<1x640xf32, #tpu.memory_space<vmem_shared>>
      %dma_wait3A_117 = tpu.memref_squeeze %dma_wait3A : memref<1x640xf32, #tpu.memory_space<vmem_shared>> -> memref<640xf32, #tpu.memory_space<vmem_shared>>
      %dma_wait3A_118 = tpu.memref_slice %arg11[%run_scoped3A_93, %mul3A_10] : memref<16x10240xf32, #tpu.memory_space<vmem_shared>> -> memref<1x640xf32, #tpu.memory_space<vmem_shared>>
      %dma_wait3A_119 = tpu.memref_squeeze %dma_wait3A_118 : memref<1x640xf32, #tpu.memory_space<vmem_shared>> -> memref<640xf32, #tpu.memory_space<vmem_shared>>
      tpu.wait_dma2 semaphore(%run_scoped3A_113 : memref<!tpu.dma_semaphore, #tpu.memory_space<semaphore_mem>>) src(%dma_wait3A_119 : memref<640xf32, #tpu.memory_space<vmem_shared>>) dst(%arg10 : memref<640xf32, #tpu.memory_space<vmem>>)
      tpu.yield
    }) : () -> ()
    %scan3A_94 = arith.constant 0 : i32
    %scan3A_95 = arith.constant 40 : i32
    %scan3A_96 = arith.addi %scan3A_94, %scan3A_95 : i32
    %scan3A_97 = arith.constant 1 : i32
    scf.for %scan3A_113 = %scan3A_94 to %scan3A_96 step %scan3A_97  : i32 {
      %mul3A_114 = arith.constant 1 : i32
      %mul3A_115 = arith.muli %scan3A_113, %mul3A_114 : i32
      %add3A_116 = arith.constant 0 : i32
      %add3A_117 = arith.addi %add3A_116, %mul3A_115 : i32
      %mul3A_118 = arith.constant 16 : i32
      %mul3A_119 = arith.muli %add3A_117, %mul3A_118 : i32
      %get3A = arith.index_cast %mul3A_119 : i32 to index
      %get3A_120 = tpu.vector_load %arg9[%get3A] {strides = array<i32>} : memref<640xf32, #tpu.memory_space<vmem>>, vector<16xf32>,
      %get3A_121 = arith.index_cast %mul3A_119 : i32 to index
      %get3A_122 = tpu.vector_load %arg10[%get3A_121] {strides = array<i32>} : memref<640xf32, #tpu.memory_space<vmem>>, vector<16xf32>,
      %add3A_123 = arith.addf %get3A_120, %get3A_122 : vector<16xf32>
      %swap3A = arith.index_cast %mul3A_119 : i32 to index
      %swap3A_124 = tpu.vector_load %arg9[%swap3A] {strides = array<i32>} : memref<640xf32, #tpu.memory_space<vmem>>, vector<16xf32>,
      tpu.vector_store %arg9[%swap3A], %add3A_123 {strides = array<i32>} : memref<640xf32, #tpu.memory_space<vmem>>, vector<16xf32>,
    }
    %scan3A_98 = arith.constant 40 : i32
    %run_scoped3A_99 = arith.constant 14 : i32
    "tpu.region"() ({
      %run_scoped3A_113 = tpu.sem_alloc : memref<!tpu.dma_semaphore, #tpu.memory_space<semaphore_mem>>
      %dma_start3A = tpu.memref_slice %arg11[%run_scoped3A_99, %mul3A_10] : memref<16x10240xf32, #tpu.memory_space<vmem_shared>> -> memref<1x640xf32, #tpu.memory_space<vmem_shared>>
      %dma_start3A_114 = tpu.memref_squeeze %dma_start3A : memref<1x640xf32, #tpu.memory_space<vmem_shared>> -> memref<640xf32, #tpu.memory_space<vmem_shared>>
      %dma_start3A_115 = tpu.memref_slice %arg11[%run_scoped3A_99, %mul3A_10] : memref<16x10240xf32, #tpu.memory_space<vmem_shared>> -> memref<1x640xf32, #tpu.memory_space<vmem_shared>>
      %dma_start3A_116 = tpu.memref_squeeze %dma_start3A_115 : memref<1x640xf32, #tpu.memory_space<vmem_shared>> -> memref<640xf32, #tpu.memory_space<vmem_shared>>
      tpu.enqueue_dma source(%dma_start3A_116 : memref<640xf32, #tpu.memory_space<vmem_shared>>) target(%arg10 : memref<640xf32, #tpu.memory_space<vmem>>) target_semaphore(%run_scoped3A_113 : memref<!tpu.dma_semaphore, #tpu.memory_space<semaphore_mem>>)
      %dma_wait3A = tpu.memref_slice %arg11[%run_scoped3A_99, %mul3A_10] : memref<16x10240xf32, #tpu.memory_space<vmem_shared>> -> memref<1x640xf32, #tpu.memory_space<vmem_shared>>
      %dma_wait3A_117 = tpu.memref_squeeze %dma_wait3A : memref<1x640xf32, #tpu.memory_space<vmem_shared>> -> memref<640xf32, #tpu.memory_space<vmem_shared>>
      %dma_wait3A_118 = tpu.memref_slice %arg11[%run_scoped3A_99, %mul3A_10] : memref<16x10240xf32, #tpu.memory_space<vmem_shared>> -> memref<1x640xf32, #tpu.memory_space<vmem_shared>>
      %dma_wait3A_119 = tpu.memref_squeeze %dma_wait3A_118 : memref<1x640xf32, #tpu.memory_space<vmem_shared>> -> memref<640xf32, #tpu.memory_space<vmem_shared>>
      tpu.wait_dma2 semaphore(%run_scoped3A_113 : memref<!tpu.dma_semaphore, #tpu.memory_space<semaphore_mem>>) src(%dma_wait3A_119 : memref<640xf32, #tpu.memory_space<vmem_shared>>) dst(%arg10 : memref<640xf32, #tpu.memory_space<vmem>>)
      tpu.yield
    }) : () -> ()
    %scan3A_100 = arith.constant 0 : i32
    %scan3A_101 = arith.constant 40 : i32
    %scan3A_102 = arith.addi %scan3A_100, %scan3A_101 : i32
    %scan3A_103 = arith.constant 1 : i32
    scf.for %scan3A_113 = %scan3A_100 to %scan3A_102 step %scan3A_103  : i32 {
      %mul3A_114 = arith.constant 1 : i32
      %mul3A_115 = arith.muli %scan3A_113, %mul3A_114 : i32
      %add3A_116 = arith.constant 0 : i32
      %add3A_117 = arith.addi %add3A_116, %mul3A_115 : i32
      %mul3A_118 = arith.constant 16 : i32
      %mul3A_119 = arith.muli %add3A_117, %mul3A_118 : i32
      %get3A = arith.index_cast %mul3A_119 : i32 to index
      %get3A_120 = tpu.vector_load %arg9[%get3A] {strides = array<i32>} : memref<640xf32, #tpu.memory_space<vmem>>, vector<16xf32>,
      %get3A_121 = arith.index_cast %mul3A_119 : i32 to index
      %get3A_122 = tpu.vector_load %arg10[%get3A_121] {strides = array<i32>} : memref<640xf32, #tpu.memory_space<vmem>>, vector<16xf32>,
      %add3A_123 = arith.addf %get3A_120, %get3A_122 : vector<16xf32>
      %swap3A = arith.index_cast %mul3A_119 : i32 to index
      %swap3A_124 = tpu.vector_load %arg9[%swap3A] {strides = array<i32>} : memref<640xf32, #tpu.memory_space<vmem>>, vector<16xf32>,
      tpu.vector_store %arg9[%swap3A], %add3A_123 {strides = array<i32>} : memref<640xf32, #tpu.memory_space<vmem>>, vector<16xf32>,
    }
    %scan3A_104 = arith.constant 40 : i32
    %run_scoped3A_105 = arith.constant 15 : i32
    "tpu.region"() ({
      %run_scoped3A_113 = tpu.sem_alloc : memref<!tpu.dma_semaphore, #tpu.memory_space<semaphore_mem>>
      %dma_start3A = tpu.memref_slice %arg11[%run_scoped3A_105, %mul3A_10] : memref<16x10240xf32, #tpu.memory_space<vmem_shared>> -> memref<1x640xf32, #tpu.memory_space<vmem_shared>>
      %dma_start3A_114 = tpu.memref_squeeze %dma_start3A : memref<1x640xf32, #tpu.memory_space<vmem_shared>> -> memref<640xf32, #tpu.memory_space<vmem_shared>>
      %dma_start3A_115 = tpu.memref_slice %arg11[%run_scoped3A_105, %mul3A_10] : memref<16x10240xf32, #tpu.memory_space<vmem_shared>> -> memref<1x640xf32, #tpu.memory_space<vmem_shared>>
      %dma_start3A_116 = tpu.memref_squeeze %dma_start3A_115 : memref<1x640xf32, #tpu.memory_space<vmem_shared>> -> memref<640xf32, #tpu.memory_space<vmem_shared>>
      tpu.enqueue_dma source(%dma_start3A_116 : memref<640xf32, #tpu.memory_space<vmem_shared>>) target(%arg10 : memref<640xf32, #tpu.memory_space<vmem>>) target_semaphore(%run_scoped3A_113 : memref<!tpu.dma_semaphore, #tpu.memory_space<semaphore_mem>>)
      %dma_wait3A = tpu.memref_slice %arg11[%run_scoped3A_105, %mul3A_10] : memref<16x10240xf32, #tpu.memory_space<vmem_shared>> -> memref<1x640xf32, #tpu.memory_space<vmem_shared>>
      %dma_wait3A_117 = tpu.memref_squeeze %dma_wait3A : memref<1x640xf32, #tpu.memory_space<vmem_shared>> -> memref<640xf32, #tpu.memory_space<vmem_shared>>
      %dma_wait3A_118 = tpu.memref_slice %arg11[%run_scoped3A_105, %mul3A_10] : memref<16x10240xf32, #tpu.memory_space<vmem_shared>> -> memref<1x640xf32, #tpu.memory_space<vmem_shared>>
      %dma_wait3A_119 = tpu.memref_squeeze %dma_wait3A_118 : memref<1x640xf32, #tpu.memory_space<vmem_shared>> -> memref<640xf32, #tpu.memory_space<vmem_shared>>
      tpu.wait_dma2 semaphore(%run_scoped3A_113 : memref<!tpu.dma_semaphore, #tpu.memory_space<semaphore_mem>>) src(%dma_wait3A_119 : memref<640xf32, #tpu.memory_space<vmem_shared>>) dst(%arg10 : memref<640xf32, #tpu.memory_space<vmem>>)
      tpu.yield
    }) : () -> ()
    %scan3A_106 = arith.constant 0 : i32
    %scan3A_107 = arith.constant 40 : i32
    %scan3A_108 = arith.addi %scan3A_106, %scan3A_107 : i32
    %scan3A_109 = arith.constant 1 : i32
    scf.for %scan3A_113 = %scan3A_106 to %scan3A_108 step %scan3A_109  : i32 {
      %mul3A_114 = arith.constant 1 : i32
      %mul3A_115 = arith.muli %scan3A_113, %mul3A_114 : i32
      %add3A_116 = arith.constant 0 : i32
      %add3A_117 = arith.addi %add3A_116, %mul3A_115 : i32
      %mul3A_118 = arith.constant 16 : i32
      %mul3A_119 = arith.muli %add3A_117, %mul3A_118 : i32
      %get3A = arith.index_cast %mul3A_119 : i32 to index
      %get3A_120 = tpu.vector_load %arg9[%get3A] {strides = array<i32>} : memref<640xf32, #tpu.memory_space<vmem>>, vector<16xf32>,
      %get3A_121 = arith.index_cast %mul3A_119 : i32 to index
      %get3A_122 = tpu.vector_load %arg10[%get3A_121] {strides = array<i32>} : memref<640xf32, #tpu.memory_space<vmem>>, vector<16xf32>,
      %add3A_123 = arith.addf %get3A_120, %get3A_122 : vector<16xf32>
      %swap3A = arith.index_cast %mul3A_119 : i32 to index
      %swap3A_124 = tpu.vector_load %arg9[%swap3A] {strides = array<i32>} : memref<640xf32, #tpu.memory_space<vmem>>, vector<16xf32>,
      tpu.vector_store %arg9[%swap3A], %add3A_123 {strides = array<i32>} : memref<640xf32, #tpu.memory_space<vmem>>, vector<16xf32>,
    }
    %scan3A_110 = arith.constant 40 : i32
    %mul3A_111 = arith.constant 10240 : i32
    %mul3A_112 = arith.muli %arg0, %mul3A_111 : i32
    %add3A = arith.addi %mul3A_112, %mul3A_10 : i32
    "tpu.region"() ({
      %run_scoped3A_113 = tpu.sem_alloc : memref<!tpu.dma_semaphore, #tpu.memory_space<semaphore_mem>>
      %dma_start3A = tpu.memref_slice %arg3[%add3A] : memref<20480xf32, #tpu.memory_space<hbm>> -> memref<640xf32, #tpu.memory_space<hbm>>
      %dma_start3A_114 = tpu.memref_slice %arg3[%add3A] : memref<20480xf32, #tpu.memory_space<hbm>> -> memref<640xf32, #tpu.memory_space<hbm>>
      tpu.enqueue_dma source(%arg9 : memref<640xf32, #tpu.memory_space<vmem>>) target(%dma_start3A_114 : memref<640xf32, #tpu.memory_space<hbm>>) target_semaphore(%run_scoped3A_113 : memref<!tpu.dma_semaphore, #tpu.memory_space<semaphore_mem>>)
      %dma_wait3A = tpu.memref_slice %arg3[%add3A] : memref<20480xf32, #tpu.memory_space<hbm>> -> memref<640xf32, #tpu.memory_space<hbm>>
      %dma_wait3A_115 = tpu.memref_slice %arg3[%add3A] : memref<20480xf32, #tpu.memory_space<hbm>> -> memref<640xf32, #tpu.memory_space<hbm>>
      tpu.wait_dma2 semaphore(%run_scoped3A_113 : memref<!tpu.dma_semaphore, #tpu.memory_space<semaphore_mem>>) src(%arg9 : memref<640xf32, #tpu.memory_space<vmem>>) dst(%dma_wait3A_115 : memref<640xf32, #tpu.memory_space<hbm>>)
      tpu.yield
    }) : () -> ()
    return
  }
}

module attributes {stable_mosaic.version = 14 : i64} {
  func.func @_prep_body(%arg0: i32, %arg1: memref<256x128xf32, #tpu.memory_space<vmem>>, %arg2: memref<2x256xf32, #tpu.memory_space<vmem>>, %arg3: memref<64x256xi32, #tpu.memory_space<vmem>>, %arg4: memref<2x256xf32, #tpu.memory_space<vmem>>) attributes {dimension_semantics = [#tpu.dimension_semantics<arbitrary>], iteration_bounds = array<i64: 40>, scalar_prefetch = 0 : i64, scratch_operands = 0 : i64, tpu.core_type = #tpu.core_type<tc>, window_params = [{transform_indices = @transform_0, window_bounds = array<i64: 256, 128>}, {transform_indices = @transform_1, window_bounds = array<i64: 2, 256>}, {transform_indices = @transform_2, window_bounds = array<i64: 64, 256>}, {transform_indices = @transform_3, window_bounds = array<i64: 2, 256>}]} {
    %get3A = arith.constant 0 : index
    %get3A_0 = arith.constant 0 : index
    %get3A_1 = vector.load %arg2[%get3A, %get3A_0] : memref<2x256xf32, #tpu.memory_space<vmem>>, vector<2x256xf32>
    %max3A = arith.constant 1.000000e+00 : f32
    %max3A_2 = vector.broadcast %max3A : f32 to vector<2x256xf32>
    %max3A_3 = arith.maximumf %get3A_1, %max3A_2 : vector<2x256xf32>
    %rsqrt3A = math.rsqrt %max3A_3 : vector<2x256xf32>
    %swap3A = arith.constant 0 : index
    %swap3A_4 = arith.constant 0 : index
    %swap3A_5 = vector.load %arg4[%swap3A, %swap3A_4] : memref<2x256xf32, #tpu.memory_space<vmem>>, vector<2x256xf32>
    tpu.vector_store %arg4[%swap3A, %swap3A_4], %rsqrt3A {strides = array<i32>} : memref<2x256xf32, #tpu.memory_space<vmem>>, vector<2x256xf32>,
    %iota3A = tpu.iota {dimensions = array<i32: 0>} : vector<256x256xi32>
    %iota3A_6 = tpu.iota {dimensions = array<i32: 1>} : vector<256x256xi32>
    %eq3A = arith.cmpi eq, %iota3A, %iota3A_6 : vector<256x256xi32>
    %jit3A = arith.constant 1.000000e+00 : f32
    %jit3A_7 = arith.constant 0.000000e+00 : f32
    %broadcast_in_dim3A = vector.broadcast %jit3A : f32 to vector<256x256xf32>
    %broadcast_in_dim3A_8 = vector.broadcast %jit3A_7 : f32 to vector<256x256xf32>
    %select_n3A = arith.select %eq3A, %broadcast_in_dim3A, %broadcast_in_dim3A_8 : vector<256x256xi1>, vector<256x256xf32>
    %get3A_9 = arith.constant 0 : index
    %get3A_10 = arith.constant 0 : index
    %get3A_11 = vector.load %arg1[%get3A_9, %get3A_10] : memref<256x128xf32, #tpu.memory_space<vmem>>, vector<256x128xf32>
    %dot_general3A = arith.constant dense<0.000000e+00> : vector<128x256xf32>
    %dot_general3A_12 = tpu.matmul %get3A_11, %select_n3A, %dot_general3A {dimension_numbers = #tpu.dot_dimension_numbers<[0], [0], [1], [1], [0, 1, 1, 1], [], []>, transpose_lhs_hint = false} : vector<256x128xf32>, vector<256x256xf32>, vector<128x256xf32> -> vector<128x256xf32>
    %slice3A = vector.extract_strided_slice %rsqrt3A {offsets = [0, 0], sizes = [1, 256], strides = [1, 1]} : vector<2x256xf32> to vector<1x256xf32>
    %mul3A = vector.broadcast %slice3A : vector<1x256xf32> to vector<128x256xf32>
    %mul3A_13 = arith.mulf %dot_general3A_12, %mul3A : vector<128x256xf32>
    %slice3A_14 = vector.extract_strided_slice %mul3A_13 {offsets = [0, 0], sizes = [64, 256], strides = [1, 1]} : vector<128x256xf32> to vector<64x256xf32>
    %convert_element_type3A = arith.truncf %slice3A_14 : vector<64x256xf32> to vector<64x256xbf16>
    %bitcast_convert_type3A = tpu.bitcast %convert_element_type3A : vector<64x256xbf16> -> vector<64x256xi16>
    %slice3A_15 = vector.extract_strided_slice %mul3A_13 {offsets = [64, 0], sizes = [64, 256], strides = [1, 1]} : vector<128x256xf32> to vector<64x256xf32>
    %convert_element_type3A_16 = arith.truncf %slice3A_15 : vector<64x256xf32> to vector<64x256xbf16>
    %bitcast_convert_type3A_17 = tpu.bitcast %convert_element_type3A_16 : vector<64x256xbf16> -> vector<64x256xi16>
    %convert_element_type3A_18 = arith.extui %bitcast_convert_type3A : vector<64x256xi16> to vector<64x256xi32>
    %convert_element_type3A_19 = arith.extui %bitcast_convert_type3A_17 : vector<64x256xi16> to vector<64x256xi32>
    %shift_left3A = arith.constant 16 : i32
    %shift_left3A_20 = vector.broadcast %shift_left3A : i32 to vector<64x256xi32>
    %shift_left3A_21 = arith.shli %convert_element_type3A_19, %shift_left3A_20 : vector<64x256xi32>
    %or3A = arith.ori %convert_element_type3A_18, %shift_left3A_21 : vector<64x256xi32>
    %swap3A_22 = arith.constant 0 : index
    %swap3A_23 = arith.constant 0 : index
    %swap3A_24 = vector.load %arg3[%swap3A_22, %swap3A_23] : memref<64x256xi32, #tpu.memory_space<vmem>>, vector<64x256xi32>
    tpu.vector_store %arg3[%swap3A_22, %swap3A_23], %or3A {strides = array<i32>} : memref<64x256xi32, #tpu.memory_space<vmem>>, vector<64x256xi32>,
    return
  }
  func.func @transform_0(%arg0: i32) -> (i32, i32) {
    %c0_i32 = arith.constant 0 : i32
    %c0_i32_0 = arith.constant 0 : i32
    return %arg0, %c0_i32 : i32, i32
  }
  func.func @transform_1(%arg0: i32) -> (i32, i32) {
    %c0_i32 = arith.constant 0 : i32
    %c0_i32_0 = arith.constant 0 : i32
    return %c0_i32, %arg0 : i32, i32
  }
  func.func @transform_2(%arg0: i32) -> (i32, i32) {
    %c0_i32 = arith.constant 0 : i32
    %c0_i32_0 = arith.constant 0 : i32
    return %c0_i32, %arg0 : i32, i32
  }
  func.func @transform_3(%arg0: i32) -> (i32, i32) {
    %c0_i32 = arith.constant 0 : i32
    %c0_i32_0 = arith.constant 0 : i32
    return %c0_i32, %arg0 : i32, i32
  }
}

module attributes {stable_mosaic.version = 14 : i64} {
  func.func @_mm_body(%arg0: i32, %arg1: memref<128x512xf32, #tpu.memory_space<vmem>>, %arg2: memref<2x512xf32, #tpu.memory_space<vmem>>, %arg3: memref<128x384xf32, #tpu.memory_space<vmem>>, %arg4: memref<384x1xf32, #tpu.memory_space<vmem>>, %arg5: memref<384x256xf32, #tpu.memory_space<vmem>>, %arg6: memref<128x512xi32, #tpu.memory_space<vmem>>) attributes {dimension_semantics = [#tpu.dimension_semantics<arbitrary>], iteration_bounds = array<i64: 20>, scalar_prefetch = 0 : i64, scratch_operands = 0 : i64, tpu.core_type = #tpu.core_type<tc>, window_params = [{transform_indices = @transform_0, window_bounds = array<i64: 128, 512>}, {transform_indices = @transform_1, window_bounds = array<i64: 2, 512>}, {pipeline_mode = #tpu.pipeline_mode<synchronous>, transform_indices = @transform_2, window_bounds = array<i64: 128, 384>}, {pipeline_mode = #tpu.pipeline_mode<synchronous>, transform_indices = @transform_3, window_bounds = array<i64: 384, 1>}, {pipeline_mode = #tpu.pipeline_mode<synchronous>, transform_indices = @transform_4, window_bounds = array<i64: 384, 256>}, {transform_indices = @transform_5, window_bounds = array<i64: 128, 512>}]} {
    %get3A = arith.constant 1 : index
    %get3A_0 = arith.constant 0 : index
    %get3A_1 = vector.load %arg2[%get3A, %get3A_0] : memref<2x512xf32, #tpu.memory_space<vmem>>, vector<1x512xf32>
    %get3A_2 = arith.constant 0 : index
    %get3A_3 = arith.constant 0 : index
    %get3A_4 = vector.load %arg2[%get3A_2, %get3A_3] : memref<2x512xf32, #tpu.memory_space<vmem>>, vector<1x512xf32>
    %get3A_5 = arith.constant 0 : index
    %get3A_6 = arith.constant 0 : index
    %get3A_7 = vector.load %arg1[%get3A_5, %get3A_6] : memref<128x512xf32, #tpu.memory_space<vmem>>, vector<128x512xf32>
    %mul3A = vector.broadcast %get3A_1 : vector<1x512xf32> to vector<128x512xf32>
    %mul3A_8 = arith.mulf %get3A_7, %mul3A : vector<128x512xf32>
    %get3A_9 = arith.constant 0 : index
    %get3A_10 = arith.constant 0 : index
    %get3A_11 = vector.load %arg3[%get3A_9, %get3A_10] : memref<128x384xf32, #tpu.memory_space<vmem>>, vector<128x384xf32>
    %dot_general3A = arith.constant dense<0.000000e+00> : vector<384x512xf32>
    %dot_general3A_12 = tpu.matmul %get3A_11, %mul3A_8, %dot_general3A {dimension_numbers = #tpu.dot_dimension_numbers<[0], [0], [1], [1], [0, 1, 1, 1], [], []>, transpose_lhs_hint = false} : vector<128x384xf32>, vector<128x512xf32>, vector<384x512xf32> -> vector<384x512xf32>
    %get3A_13 = arith.constant 0 : index
    %get3A_14 = arith.constant 0 : index
    %get3A_15 = vector.load %arg4[%get3A_13, %get3A_14] : memref<384x1xf32, #tpu.memory_space<vmem>>, vector<384x1xf32>
    %add3A = vector.broadcast %get3A_15 : vector<384x1xf32> to vector<384x512xf32>
    %add3A_16 = arith.addf %dot_general3A_12, %add3A : vector<384x512xf32>
    %max3A = arith.constant 0.000000e+00 : f32
    %max3A_17 = vector.broadcast %max3A : f32 to vector<384x512xf32>
    %max3A_18 = arith.maximumf %add3A_16, %max3A_17 : vector<384x512xf32>
    %mul3A_19 = vector.broadcast %get3A_4 : vector<1x512xf32> to vector<384x512xf32>
    %mul3A_20 = arith.mulf %max3A_18, %mul3A_19 : vector<384x512xf32>
    %get3A_21 = arith.constant 0 : index
    %get3A_22 = arith.constant 0 : index
    %get3A_23 = vector.load %arg5[%get3A_21, %get3A_22] : memref<384x256xf32, #tpu.memory_space<vmem>>, vector<384x256xf32>
    %dot_general3A_24 = arith.constant dense<0.000000e+00> : vector<256x512xf32>
    %dot_general3A_25 = tpu.matmul %get3A_23, %mul3A_20, %dot_general3A_24 {dimension_numbers = #tpu.dot_dimension_numbers<[0], [0], [1], [1], [0, 1, 1, 1], [], []>, transpose_lhs_hint = false} : vector<384x256xf32>, vector<384x512xf32>, vector<256x512xf32> -> vector<256x512xf32>
    %slice3A = vector.extract_strided_slice %dot_general3A_25 {offsets = [0, 0], sizes = [128, 512], strides = [1, 1]} : vector<256x512xf32> to vector<128x512xf32>
    %convert_element_type3A = arith.truncf %slice3A : vector<128x512xf32> to vector<128x512xbf16>
    %bitcast_convert_type3A = tpu.bitcast %convert_element_type3A : vector<128x512xbf16> -> vector<128x512xi16>
    %slice3A_26 = vector.extract_strided_slice %dot_general3A_25 {offsets = [128, 0], sizes = [128, 512], strides = [1, 1]} : vector<256x512xf32> to vector<128x512xf32>
    %convert_element_type3A_27 = arith.truncf %slice3A_26 : vector<128x512xf32> to vector<128x512xbf16>
    %bitcast_convert_type3A_28 = tpu.bitcast %convert_element_type3A_27 : vector<128x512xbf16> -> vector<128x512xi16>
    %convert_element_type3A_29 = arith.extui %bitcast_convert_type3A : vector<128x512xi16> to vector<128x512xi32>
    %convert_element_type3A_30 = arith.extui %bitcast_convert_type3A_28 : vector<128x512xi16> to vector<128x512xi32>
    %shift_left3A = arith.constant 16 : i32
    %shift_left3A_31 = vector.broadcast %shift_left3A : i32 to vector<128x512xi32>
    %shift_left3A_32 = arith.shli %convert_element_type3A_30, %shift_left3A_31 : vector<128x512xi32>
    %or3A = arith.ori %convert_element_type3A_29, %shift_left3A_32 : vector<128x512xi32>
    %swap3A = arith.constant 0 : index
    %swap3A_33 = arith.constant 0 : index
    %swap3A_34 = vector.load %arg6[%swap3A, %swap3A_33] : memref<128x512xi32, #tpu.memory_space<vmem>>, vector<128x512xi32>
    tpu.vector_store %arg6[%swap3A, %swap3A_33], %or3A {strides = array<i32>} : memref<128x512xi32, #tpu.memory_space<vmem>>, vector<128x512xi32>,
    return
  }
  func.func @transform_0(%arg0: i32) -> (i32, i32) {
    %c0_i32 = arith.constant 0 : i32
    %c0_i32_0 = arith.constant 0 : i32
    return %c0_i32, %arg0 : i32, i32
  }
  func.func @transform_1(%arg0: i32) -> (i32, i32) {
    %c0_i32 = arith.constant 0 : i32
    %c0_i32_0 = arith.constant 0 : i32
    return %c0_i32, %arg0 : i32, i32
  }
  func.func @transform_2(%arg0: i32) -> (i32, i32) {
    %c0_i32 = arith.constant 0 : i32
    %c0_i32_0 = arith.constant 0 : i32
    %c0_i32_1 = arith.constant 0 : i32
    return %c0_i32, %c0_i32_0 : i32, i32
  }
  func.func @transform_3(%arg0: i32) -> (i32, i32) {
    %c0_i32 = arith.constant 0 : i32
    %c0_i32_0 = arith.constant 0 : i32
    %c0_i32_1 = arith.constant 0 : i32
    return %c0_i32, %c0_i32_0 : i32, i32
  }
  func.func @transform_4(%arg0: i32) -> (i32, i32) {
    %c0_i32 = arith.constant 0 : i32
    %c0_i32_0 = arith.constant 0 : i32
    %c0_i32_1 = arith.constant 0 : i32
    return %c0_i32, %c0_i32_0 : i32, i32
  }
  func.func @transform_5(%arg0: i32) -> (i32, i32) {
    %c0_i32 = arith.constant 0 : i32
    %c0_i32_0 = arith.constant 0 : i32
    return %c0_i32, %arg0 : i32, i32
  }
}

module attributes {stable_mosaic.version = 14 : i64} {
  func.func @_epi_body(%arg0: i32, %arg1: memref<256x128xf32, #tpu.memory_space<vmem>>, %arg2: memref<2x128xf32, #tpu.memory_space<vmem>>, %arg3: memref<1x256xf32, #tpu.memory_space<vmem>>, %arg4: memref<128x256xf32, #tpu.memory_space<vmem>>) attributes {dimension_semantics = [#tpu.dimension_semantics<arbitrary>], iteration_bounds = array<i64: 79>, scalar_prefetch = 0 : i64, scratch_operands = 0 : i64, tpu.core_type = #tpu.core_type<tc>, window_params = [{transform_indices = @transform_0, window_bounds = array<i64: 256, 128>}, {transform_indices = @transform_1, window_bounds = array<i64: 2, 128>}, {pipeline_mode = #tpu.pipeline_mode<synchronous>, transform_indices = @transform_2, window_bounds = array<i64: 1, 256>}, {transform_indices = @transform_3, window_bounds = array<i64: 128, 256>}]} {
    %get3A = arith.constant 0 : index
    %get3A_0 = arith.constant 0 : index
    %get3A_1 = vector.load %arg1[%get3A, %get3A_0] : memref<256x128xf32, #tpu.memory_space<vmem>>, vector<256x128xf32>
    %get3A_2 = arith.constant 1 : index
    %get3A_3 = arith.constant 0 : index
    %get3A_4 = vector.load %arg2[%get3A_2, %get3A_3] : memref<2x128xf32, #tpu.memory_space<vmem>>, vector<1x128xf32>
    %mul3A = vector.broadcast %get3A_4 : vector<1x128xf32> to vector<256x128xf32>
    %mul3A_5 = arith.mulf %get3A_1, %mul3A : vector<256x128xf32>
    %iota3A = tpu.iota {dimensions = array<i32: 0>} : vector<256x256xi32>
    %iota3A_6 = tpu.iota {dimensions = array<i32: 1>} : vector<256x256xi32>
    %eq3A = arith.cmpi eq, %iota3A, %iota3A_6 : vector<256x256xi32>
    %jit3A = arith.constant 1.000000e+00 : f32
    %jit3A_7 = arith.constant 0.000000e+00 : f32
    %broadcast_in_dim3A = vector.broadcast %jit3A : f32 to vector<256x256xf32>
    %broadcast_in_dim3A_8 = vector.broadcast %jit3A_7 : f32 to vector<256x256xf32>
    %select_n3A = arith.select %eq3A, %broadcast_in_dim3A, %broadcast_in_dim3A_8 : vector<256x256xi1>, vector<256x256xf32>
    %dot_general3A = arith.constant dense<0.000000e+00> : vector<128x256xf32>
    %dot_general3A_9 = tpu.matmul %mul3A_5, %select_n3A, %dot_general3A {dimension_numbers = #tpu.dot_dimension_numbers<[0], [0], [1], [1], [0, 1, 1, 1], [], []>, transpose_lhs_hint = false} : vector<256x128xf32>, vector<256x256xf32>, vector<128x256xf32> -> vector<128x256xf32>
    %get3A_10 = arith.constant 0 : index
    %get3A_11 = arith.constant 0 : index
    %get3A_12 = vector.load %arg3[%get3A_10, %get3A_11] : memref<1x256xf32, #tpu.memory_space<vmem>>, vector<1x256xf32>
    %add3A = vector.broadcast %get3A_12 : vector<1x256xf32> to vector<128x256xf32>
    %add3A_13 = arith.addf %dot_general3A_9, %add3A : vector<128x256xf32>
    %swap3A = arith.constant 0 : index
    %swap3A_14 = arith.constant 0 : index
    %swap3A_15 = vector.load %arg4[%swap3A, %swap3A_14] : memref<128x256xf32, #tpu.memory_space<vmem>>, vector<128x256xf32>
    tpu.vector_store %arg4[%swap3A, %swap3A_14], %add3A_13 {strides = array<i32>} : memref<128x256xf32, #tpu.memory_space<vmem>>, vector<128x256xf32>,
    return
  }
  func.func @transform_0(%arg0: i32) -> (i32, i32) {
    %c0_i32 = arith.constant 0 : i32
    %c0_i32_0 = arith.constant 0 : i32
    return %c0_i32, %arg0 : i32, i32
  }
  func.func @transform_1(%arg0: i32) -> (i32, i32) {
    %c0_i32 = arith.constant 0 : i32
    %c0_i32_0 = arith.constant 0 : i32
    return %c0_i32, %arg0 : i32, i32
  }
  func.func @transform_2(%arg0: i32) -> (i32, i32) {
    %c0_i32 = arith.constant 0 : i32
    %c0_i32_0 = arith.constant 0 : i32
    %c0_i32_1 = arith.constant 0 : i32
    return %c0_i32, %c0_i32_0 : i32, i32
  }
  func.func @transform_3(%arg0: i32) -> (i32, i32) {
    %c0_i32 = arith.constant 0 : i32
    %c0_i32_0 = arith.constant 0 : i32
    return %arg0, %c0_i32 : i32, i32
  }
}

</mosaic_0001>

<sc_bundles>
// kernel: kernel.11.cloned.1.call-start
scs
__scs_entry_jumppad:
0x0: {  	(pc) =	sbr.rel $0x88, $3  }
0x1: {  	(tag) =	ssettag $0x0;
	lr =	simm.s32 $0x1  }
0x2: {  	[smem:$0x3F9B] =	sst lr;
	_ =	strace $0xD0000000  }
0x3: {  	_ = 	snop  }
0x4: {  	_ = 	snop  }
0x5: {  	_ = 	snop  }
0x6: {  	_ = 	snop  }
0x7: {  	_ = 	snop  }
__scs_overlays_trampoline_lowered:
0x8: {  	[smem:$0x3FAA] =	sst s0  }
0x9: {  	[smem:$0x3FAB] =	sst s1  }
0xa: {  	[smem:$0x3FAC] =	sst s2  }
0xb: {  	[smem:$0x3FAD] =	sst s3  }
0xc: {  	[smem:$0x3FAE] =	sst s4  }
0xd: {  	[smem:$0x3FAF] =	sst s5  }
0xe: {  	[smem:$0x3FB0] =	sst s6  }
0xf: {  	[smem:$0x3FB1] =	sst s7  }
0x10: {  	[smem:$0x3FB2] =	sst s8  }
0x11: {  	[smem:$0x3FB3] =	sst s9;
	s0 =	simm.s32 @!p0 $0x0  }
0x12: {  	s1 =	sld [smem:$0x3F99];
	s0 =	simm.s32 @p0 $0x1  }
0x13: {  	[smem:$0x3FB4] =	sst s0;
	s0 =	simm.s32 @!p1 $0x0  }
0x14: {  	s2 =	sld [smem:$0x3F98];
	s0 =	simm.s32 @p1 $0x1  }
0x15: {  	[smem:$0x3FB5] =	sst s0;
	s0 =	simm.s32 @!p2 $0x0  }
0x16: {  	s3 =	sld [smem:$0x3FDB];
	s0 =	simm.s32 @p2 $0x1  }
0x17: {  	s4 =	simm.s32 $0x1BF5;
	[smem:$0x3FB7] =	sst s0  }
0x18: {  	s0 =	sld [smem:$0x3F9A];
	_ =	swait.ge [sflag:s4], $0x0  }
0x19: {  	s7 =	sld [smem:$0x3F9B]  }
0x1a: {  	s8 =	sadd.s32 $0xFFFFE003, lr  }
0x1b: {  	s9 =	sadd.s32 $0xFFFFFEF7, lr;
	s5 =	simm.s32 $0xFFFFFFFF;
	p2 =	slt.u32 s8, $0xFFFFF086  }
0x1c: {  	p1 =	slt.u32 s9, $0xF7A;
	s5 =	simm.s32 @!p2 $0x0  }
0x1d: {  	s5 =	simm.s32 @p1 $0x1;
	p0 =	seq.s32 s7, s2  }
0x1e: {  	s7 =	smul.u32 @!p0 $0xF7A, s2;
	p2 =	seq.s32 @!p0 s5, $0x0  }
0x1f: {  	s9 =	smul.u32 $0xF7A, s1;
	s8 =	simm.s32 @!p0 $0x1BF5;
	p2 =	por !p2, p0  }
0x20: {  	[sflag:s8] =	ssyncset.s32 @!p0 $0xFFFFF086;
	s6 =	sadd.s32 @!p0 s3, s7;
	s7 =	simm.s32 @!p0 $0x108  }
0x21: {  	s3 =	sadd.s32 s3, s9;
	s6 =	sadd.s32 @!p0 $0x88, s6;
	s7 =	simm.s32 @p2 $0x1082  }
0x22: {  	[simem:s7], [sflag:s8] =	dma.local @!p0 [hbm:s6], $0xF7A  }
0x23: {  	s9 =	sor.u32 $0xD0000000, s2;
	s6 =	simm.s32 $0x108;
	_ =	swait.ge @!p0 [sflag:s8], $0x0  }
0x24: {  	s3 =	sadd.s32 $0x88, s3;
	s6 =	simm.s32 @!p1 $0x1082;
	[sflag:s4] =	ssyncset.s32 $0xFFFFF086  }
0x25: {  	[simem:s6], [sflag:s4] =	dma.local [hbm:s3], $0xF7A  }
0x26: {  	[smem:$0x3F9B] =	sst s1;
	(tag) =	ssettag s2;
	_ =	strace s9  }
0x27: {  	s1 =	sld [smem:$0x3FAB]  }
0x28: {  	s2 =	sld [smem:$0x3FAC]  }
0x29: {  	s4 =	sld [smem:$0x3FAE]  }
0x2a: {  	p0 =	seq.s32 s5, $0x0;
	s5 =	sld [smem:$0x3FAF]  }
0x2b: {  	s6 =	sld [smem:$0x3FB0]  }
0x2c: {  	s7 =	sld [smem:$0x3FB1]  }
0x2d: {  	s3 =	simm.s32 $0x108;
	s8 =	sld [smem:$0x3FB2]  }
0x2e: {  	s3 =	simm.s32 @!p0 $0x1082;
	s9 =	sld [smem:$0x3FB3]  }
0x2f: {  	lr =	sadd.s32 s0, s3;
	s0 =	sld [smem:$0x3FAA]  }
0x30: {  	s3 =	sld [smem:$0x3FAD]  }
0x31: {  	[smem:$0x3FB6] =	sst s10  }
0x32: {  	s10 =	sld [smem:$0x3FB4];
	_ =	sdelay $0x3  }
0x33: {  	p0 =	seq.s32 s10, $0x1;
	s10 =	sld [smem:$0x3FB6];
	_ =	sdelay $0x3  }
0x34: {  	[smem:$0x3FB6] =	sst s10  }
0x35: {  	s10 =	sld [smem:$0x3FB5];
	_ =	sdelay $0x3  }
0x36: {  	p1 =	seq.s32 s10, $0x1;
	s10 =	sld [smem:$0x3FB6];
	_ =	sdelay $0x3  }
0x37: {  	[smem:$0x3FB6] =	sst s10  }
0x38: {  	s10 =	sld [smem:$0x3FB7]  }
0x39: {  	_ = 	snop;
	(pc) =	sbr.ind lr, $3  }
0x3a: {  	_ = 	snop  }
0x3b: {  	_ = 	snop  }
0x3c: {  	p2 =	seq.s32 s10, $0x1;
	s10 =	sld [smem:$0x3FB6]  }
0x3d: {  	_ =	shalt  }
0x3e: {  	_ =	shalt  }
0x3f: {  	_ =	shalt  }
0x40: {  	_ =	shalt  }
0x41: {  	_ =	shalt  }
0x42: {  	_ =	shalt  }
0x43: {  	_ =	shalt  }
0x44: {  	_ =	shalt  }
0x45: {  	_ =	shalt  }
0x46: {  	_ =	shalt  }
0x47: {  	_ =	shalt  }
0x48: {  	_ =	shalt  }
0x49: {  	_ =	shalt  }
0x4a: {  	_ =	shalt  }
0x4b: {  	_ =	shalt  }
0x4c: {  	_ =	shalt  }
0x4d: {  	_ =	shalt  }
0x4e: {  	_ =	shalt  }
0x4f: {  	_ =	shalt  }
0x50: {  	_ =	shalt  }
0x51: {  	_ =	shalt  }
0x52: {  	_ =	shalt  }
0x53: {  	_ =	shalt  }
0x54: {  	_ =	shalt  }
0x55: {  	_ =	shalt  }
0x56: {  	_ =	shalt  }
0x57: {  	_ =	shalt  }
0x58: {  	_ =	shalt  }
0x59: {  	_ =	shalt  }
0x5a: {  	_ =	shalt  }
0x5b: {  	_ =	shalt  }
0x5c: {  	_ =	shalt  }
0x5d: {  	_ =	shalt  }
0x5e: {  	_ =	shalt  }
0x5f: {  	_ =	shalt  }
0x60: {  	_ =	shalt  }
0x61: {  	_ =	shalt  }
0x62: {  	_ =	shalt  }
0x63: {  	_ =	shalt  }
0x64: {  	_ =	shalt  }
0x65: {  	_ =	shalt  }
0x66: {  	_ =	shalt  }
0x67: {  	_ =	shalt  }
0x68: {  	_ =	shalt  }
0x69: {  	_ =	shalt  }
0x6a: {  	_ =	shalt  }
0x6b: {  	_ =	shalt  }
0x6c: {  	_ =	shalt  }
0x6d: {  	_ =	shalt  }
0x6e: {  	_ =	shalt  }
0x6f: {  	_ =	shalt  }
0x70: {  	_ =	shalt  }
0x71: {  	_ =	shalt  }
0x72: {  	_ =	shalt  }
0x73: {  	_ =	shalt  }
0x74: {  	_ =	shalt  }
0x75: {  	_ =	shalt  }
0x76: {  	_ =	shalt  }
0x77: {  	_ =	shalt  }
0x78: {  	_ =	shalt  }
0x79: {  	_ =	shalt  }
0x7a: {  	_ =	shalt  }
0x7b: {  	_ =	shalt  }
0x7c: {  	_ =	shalt  }
0x7d: {  	_ =	shalt  }
0x7e: {  	_ =	shalt  }
0x7f: {  	_ =	shalt  }
0x80: {  	_ =	shalt  }
0x81: {  	_ =	shalt  }
0x82: {  	_ =	shalt  }
0x83: {  	_ =	shalt  }
0x84: {  	_ =	shalt  }
0x85: {  	_ =	shalt  }
0x86: {  	_ =	shalt  }
0x87: {  	_ =	shalt  }
.Lfunc_end0:
.L_simem_size_0:
called_computation.1_lowered:
.L_overlay_start_0:
0x88: {  	s2 =	sld [smem:$0x3FD9]  }
0x89: {  	s3 =	sld [smem:$0x3FFE];
	_ =	sdelay $0x1  }
0x8a: {  	s1 =	srdreg.scid  }
0x8b: {  	s0 =	sand.u32 $0x1, s1  }
0x8c: {  	s17 =	sshll.u32 s0, $0xA;
	s2 =	sadd.s32 s3, s2  }
0x8d: {  	s2 =	sadd.s32 s2, s17  }
0x8e: {  	[smem:$0x3FC2] =	sst s2  }
0x8f: {  	_ = 	snop  }
0x90: {  	s2 =	sld [smem:$0x3FD0];
	(tm) =	ssettm $0x1  }
0x91: {  	s18 =	sld [smem:$0x3FFB];
	_ =	sdelay $0x3  }
0x92: {  	_ =	strace s18  }
0x93: {  	s3 =	sld [smem:$0x3FFC];
	_ =	sdelay $0x3  }
0x94: {  	_ =	strace s3  }
0x95: {  	s3 =	sld [smem:$0x3FFD];
	_ =	sdelay $0x3  }
0x96: {  	_ =	strace s3  }
0x97: {  	_ =	strace $0x8FFFFFFF  }
0x98: {  	s19 =	sld [smem:$0x3FDB];
	_ =	sdelay $0x1  }
0x99: {  	s4 =	simm.s32 $_scs_section_size  }
0x9a: {  	s5 =	simm.s32 $_size__tile_overlayer_lowered;
	s6 =	simm.s32 $_tile_overlayer_lowered  }
0x9b: {  	s22 =	simm.s32 $0x1BFF;
	s21 =	sshll.u32 s6, $0x1;
	s3 =	sadd.s32 s4, s19  }
0x9c: {  	s7 =	simm.s32 $0x0;
	s20 =	sshll.u32 s5, $0x1;
	s5 =	sadd.s32 s21, s3  }
0x9d: {  	[timem:s7], [sflag:s22] =	dma.local [hbm:s5], s20  }
0x9e: {  	_ =	swait.ge [sflag:s22], s20  }
0x9f: {  	s4 =	ssub.s32 $0x0, s20;
	[sflag:s22] =	ssyncset.done $0x0  }
0xa0: {  	[sflag:s22] =	ssyncadd.s32 s4;
	_ =	sdelay $0x1  }
0xa1: {  	s23 =	simm.s32 $0x1B8B  }
0xa2: {  	_ =	swait.ge [sflag:s23], $0x1  }
0xa3: {  	[sflag:s23] =	ssyncset.done $0x0  }
0xa4: {  	s25 =	simm.s32 $0x1B8E;
	s24 =	sld [smem:$0x3FFE];
	[sflag:s23] =	ssyncadd.s32 $0xFFFFFFFF  }
0xa5: {  	s26 =	simm.s32 $execute0_lowered;
	[smem:$0x3FD2] =	sst s25  }
0xa6: {  	s5 =	sshll.u32 s26, $0x1;
	_ =	strace $0x80000049;
	[dreg:$0x1] =	wrdreg $0xFFFFFFFF  }
0xa7: {  	s28 =	simm.s32 $_size_execute0_lowered;
	s3 =	sadd.s32 s3, s5;
	[dreg:$0x0] =	wrdreg $0x0  }
0xa8: {  	s5 =	sshll.u32 s28, $0x1;
	[dreg:$0x2] =	wrdreg s3  }
0xa9: {  	[dreg:$0x3] =	wrdreg s5  }
0xaa: {  	[dreg:$0x4] =	wrdreg $0xC0  }
0xab: {  	_ =	task [dreg:s7], $0x5FFFF  }
0xac: {  	[dreg:$0x1] =	wrdreg $0xFFFFFFFF  }
0xad: {  	[dreg:$0x0] =	wrdreg $0x60  }
0xae: {  	[dreg:$0x2] =	wrdreg s24  }
0xaf: {  	[dreg:$0x3] =	wrdreg s2  }
0xb0: {  	[dreg:$0x4] =	wrdreg $0x9  }
0xb1: {  	_ =	task.clear_ibuf [dreg:s7], $0x5FFFF;
	_ =	strace $0x90000049  }
0xb2: {  	s29 =	simm.s32 $0x9;
	_ =	strace $0x8000004B  }
0xb3: {  	_ =	swait.ge [sflag:s29], $0x1  }
0xb4: {  	[sflag:s29] =	ssyncadd.s32 $0xFFFFFFFF  }
0xb5: {  	_ =	strace $0x9000004B  }
0xb6: {  	_ =	sfence  }
0xb7: {  	s30 =	sld [smem:$0x0];
	_ =	sdelay $0x2  }
0xb8: {  	s31 =	sshll.u32 s1, $0xD;
	s1 =	sshrl.u32 s1, $0x2  }
0xb9: {  	s3 =	sand.u32 $0x4000, s31;
	s1 =	sadd.s32 s1, s30  }
0xba: {  	s0 =	sor.u32 s3, s0;
	s1 =	sshll.u32 s1, $0x11  }
0xbb: {  	s0 =	sor.u32 s1, s0  }
0xbc: {  	s0 =	sadd.s32 $0x8F2B, s0  }
0xbd: {  	[sflag:s0] =	ssyncadd.remote.s32 $0x1  }
0xbe: {  	_ =	sfence.sel $0xFFFF  }
0xbf: {  	[dreg:$0x0] =	wrdreg $0xFFFFFFFF;
	(pc) =	sbr.abs _section_cstart, $3  }
0xc0: {  	[dreg:$0x1] =	wrdreg $0xFFFFFFFF  }
0xc1: {  	_ =	task.clear_ibuf [dreg:s7], $0x2FFFF;
	_ =	strace $0x9FFFFFFF  }
0xc2: {  	(tm) =	ssettm $0x7FFFFFFF  }
0xc3: {  	_ =	shalt  }
tec
execute0_lowered:
.L_overlay_start_1:
0x0: {  	(tag) =	ssettag $0x1  }
0x1: {  	s4 =	rddreg [dreg:$0x0];
	s1 =	srdreg.scid  }
0x2: {  	s0 =	stileid.u32;
	s5 =	rddreg [dreg:$0x1];
	s2 =	simm.s32 $0x0  }
0x3: {  	s10 =	simm.s32 $0xF7D0;
	s11 =	simm.s32 $0x1;
	s12 =	simm.s32 $0x5000  }
0x4: {  	s13 =	simm.s32 $0x2;
	s3 =	sand.u32 $0x1, s1;
	s6 =	sshll.u32 s0, $0x1  }
0x5: {  	s14 =	simm.s32 $0xA000;
	s15 =	simm.s32 $0x0;
	s6 =	sor.u32 s3, s6  }
0x6: {  	s1 =	rddreg [dreg:$0x2];
	s8 =	ssub.s32 $0x2, s3;
	s7 =	smul.u32 $0x5000, s6  }
0x7: {  	[smem:$0x7FF] =	sst s2;
	s6 =	smul.u32 $0xA00, s6;
	s9 =	sshrl.u32 s8, $0x1  }
0x8: {  	_ =	strace $0x8000004A;
	s3 =	sadd.s32 $0x2C00, s4;
	s8 =	ssub.s32 s8, s9  }
0x9: {  	s9 =	simm.s32 $0xF000;
	s7 =	sshrl.u32 s7, $0x3;
	s4 =	sadd.s32 s6, s4  }
0xa: {  	s7 =	sadd.s32 s5, s7;
	s4 =	sadd.s32 $0xCA00, s4;
	s5 =	sadd.s32 s5, s6  }
0xb: {  	v0 =	vimm.f32 $0.0e+00;
	s6 =	sadd.s32 $0x14000, s7;
	s7 =	smax.u32 s8, $0x1;
	s8 =	simm.s32 $0x3  }
.LBB2_1:
0xc: {  	[tilespmem:s2], [sflag:$0x3] =	stream.linear.gather [hbm4b:s4+s2], $0x5000, $0x38;
	[tilespmem:$0xFFA0] =	vst v63  }
0xd: {  	_ =	swait.ge [sflag:s8], $0x5000  }
0xe: {  	[sflag:s8] =	ssyncset.done $0x0  }
0xf: {  	s16 =	simm.s32 $0x5040;
	[sflag:s8] =	ssyncadd.s32 $0xFFFFB000  }
0x10: {  	[tilespmem:s16+$0xFFFFFFC0] =	vst v0  }
0x11: {  	[tilespmem:s16+$0x30] =	vst v0  }
0x12: {  	[tilespmem:s16+$0x20] =	vst v0  }
0x13: {  	[tilespmem:s16+$0x10] =	vst v0  }
0x14: {  	[tilespmem:s16+$0x0] =	vst v0  }
0x15: {  	[tilespmem:s16+$0xFFFFFFF0] =	vst v0  }
0x16: {  	s17 =	simm.s32 $0x0;
	[tilespmem:s16+$0xFFFFFFE0] =	vst v0  }
.LBB2_2:
0x17: {  	s17 =	sadd.s32 $0x8, s17;
	[tilespmem:s16+$0xFFFFFFD0] =	vst v0;
	s16 =	sadd.s32 $0x80, s16  }
0x18: {  	[tilespmem:s16+$0xFFFFFFC0] =	vst v0;
	p0 =	slt.u32 s17, $0x9F8  }
0x19: {  	[tilespmem:s16+$0x30] =	vst v0  }
.Ltmp0:
0x1a: {  	[tilespmem:s16+$0x20] =	vst v0;
	(pc) =	sbr.rel @p0 .LBB2_2-.Ltmp0, $4  }
0x1b: {  	[tilespmem:s16+$0x10] =	vst v0  }
0x1c: {  	[tilespmem:s16+$0x0] =	vst v0  }
0x1d: {  	[tilespmem:s16+$0xFFFFFFF0] =	vst v0  }
0x1e: {  	[tilespmem:s16+$0xFFFFFFE0] =	vst v0  }
0x1f: {  	[tilespmem:s16+$0xFFFFFFD0] =	vst v0;
	s16 =	simm.s32 $0x0  }
0x20: {  	[tilespmem:s9], [sflag:$0x1] =	stream.linear.gather [hbm4b:s3+s16], $0x7D0, $0x38;
	[tilespmem:$0xFFA0] =	vst v63  }
.LBB2_4:
0x21: {  	s17 =	smul.u32 $0xFA0, s16;
	_ =	sdelay $0x1  }
0x22: {  	s18 =	sshrl.u32 s17, $0x3  }
0x23: {  	s18 =	sadd.s32 s3, s18  }
0x24: {  	s18 =	sadd.s32 $0xFA, s18  }
0x25: {  	[tilespmem:s10], [sflag:$0x2] =	stream.linear.gather [hbm4b:s18+s2], $0x7D0, $0x38;
	[tilespmem:$0xFFA0] =	vst v63  }
0x26: {  	_ =	swait.ge [sflag:s11], $0x7D0  }
0x27: {  	[sflag:s11] =	ssyncset.done $0x0  }
0x28: {  	s30 =	simm.s32 $0xF020;
	[sflag:s11] =	ssyncadd.s32 $0xFFFFF830  }
0x29: {  	v1 =	vld [tilespmem:s30+$0x10]  }
0x2a: {  	v2 =	vld [tilespmem:s30+$0xFFFFFFF0]  }
0x2b: {  	v3 =	vld [tilespmem:s30+$0xFFFFFFE0]  }
0x2c: {  	v4 =	vld [tilespmem:s30+$0x0];
	_ =	sdelay $0x1  }
0x2d: {  	v5 =	vand.u32 $0xFFFF, v1;
	_ =	sdelay $0x1  }
0x2e: {  	v6 =	vshrl.u32 v2, $0x10;
	v2 =	vand.u32 $0xFFFF, v2;
	v7 =	vand.u32 $0xFFFF, v3  }
0x2f: {  	v9 =	vshrl.u32 v4, $0x10;
	v1 =	vshrl.u32 v1, $0x10;
	v4 =	vand.u32 $0xFFFF, v4  }
0x30: {  	v3 =	vshrl.u32 v3, $0x10;
	v8 =	vadd.s32 $0x5000, v6;
	v11 =	vadd.s32 $0x5000, v1  }
0x31: {  	s31 =	simm.s32 $0xF060;
	v12 =	vadd.s32 $0x5000, v9;
	v13 =	vand.u32 $0x7, v1;
	v14 =	vadd.s32 $0x5000, v3;
	v10 =	vld.idx.msk [tilespmem:v5+s2+$0x0], $0xffff  }
0x32: {  	v26 =	vld [tilespmem:s31+$0x0];
	v15 =	vand.u32 $0x7, v3;
	v18 =	vand.u32 $0x7, v6;
	v11 =	vand.u32 $0x1FFF8, v11  }
0x33: {  	v19 =	vand.u32 $0x7, v9;
	v22 =	vadd.s32 $0x7800, v3;
	v11 =	vor.u32 v13, v11;
	v17 =	vld.idx.msk [tilespmem:v2+s2+$0x0], $0xffff  }
0x34: {  	v23 =	vadd.s32 $0x7800, v6;
	v8 =	vand.u32 $0x1FFF8, v8;
	v16 =	vld.idx.msk [tilespmem:v7+s2+$0x0], $0xffff;
	v5 =	vadd.s32 $0x2800, v5  }
0x35: {  	v28 =	vld [tilespmem:s31+$0xFFFFFFE0];
	v12 =	vand.u32 $0x1FFF8, v12;
	v14 =	vand.u32 $0x1FFF8, v14;
	v23 =	vand.u32 $0x1FFF8, v23  }
0x36: {  	v14 =	vor.u32 v15, v14;
	v8 =	vor.u32 v18, v8;
	v20 =	vld.idx.msk [tilespmem:v4+s2+$0x0], $0xffff;
	v21 =	vunpack.i.l.bf16.f32 v10  }
0x37: {  	v12 =	vor.u32 v19, v12;
	v7 =	vadd.s32 $0x2800, v7;
	v10 =	vunpack.i.u.bf16.f32 v10;
	[tilespmem:v1+s12+$0x0] =	vst.idx.add.f32.msk $0xffff, v21  }
0x38: {  	v24 =	vunpack.i.u.bf16.f32 v17;
	v21 =	vadd.s32 $0x2800, v2;
	v2 =	vadd.s32 $0x2800, v3;
	[tilespmem:v11+s12+$0x0] =	vst.idx.add.f32.msk $0xffff, v10  }
0x39: {  	v11 =	vadd.s32 $0x2800, v4;
	v4 =	vadd.s32 $0x2800, v6;
	v10 =	vunpack.i.l.bf16.f32 v16;
	v5 =	vld.idx.msk [tilespmem:v5+s2+$0x0], $0xffff  }
0x3a: {  	v16 =	vunpack.i.u.bf16.f32 v16;
	v2 =	vand.u32 $0x1FFF8, v2;
	[tilespmem:v3+s12+$0x0] =	vst.idx.add.f32.msk $0xffff, v10;
	v3 =	vunpack.i.l.bf16.f32 v17  }
0x3b: {  	v10 =	vunpack.i.u.bf16.f32 v20;
	v17 =	vunpack.i.l.bf16.f32 v20;
	v20 =	vadd.s32 $0x7800, v9;
	[tilespmem:v14+s12+$0x0] =	vst.idx.add.f32.msk $0xffff, v16  }
0x3c: {  	v14 =	vadd.s32 $0x2800, v9;
	v16 =	vadd.s32 $0x2800, v1;
	[tilespmem:v6+s12+$0x0] =	vst.idx.add.f32.msk $0xffff, v3;
	v1 =	vadd.s32 $0x7800, v1  }
0x3d: {  	v6 =	vand.u32 $0x1FFF8, v4;
	v20 =	vand.u32 $0x1FFF8, v20;
	v3 =	vand.u32 $0x1FFF8, v16;
	v16 =	vld [tilespmem:s31+$0x10]  }
0x3e: {  	[tilespmem:v9+s12+$0x0] =	vst.idx.add.f32.msk $0xffff, v17;
	v17 =	vand.u32 $0xFFFF, v26;
	v1 =	vand.u32 $0x1FFF8, v1;
	v14 =	vand.u32 $0x1FFF8, v14  }
0x3f: {  	[tilespmem:v12+s12+$0x0] =	vst.idx.add.f32.msk $0xffff, v10;
	v12 =	vshrl.u32 v26, $0x10;
	v25 =	vor.u32 v13, v3;
	v3 =	vand.u32 $0x1FFF8, v22  }
0x40: {  	v13 =	vor.u32 v13, v1;
	v1 =	vor.u32 v15, v2;
	v2 =	vor.u32 v19, v14  }
0x41: {  	v22 =	vld [tilespmem:s31+$0xFFFFFFF0];
	v59 =	vadd.s32 $0x2800, v12;
	v60 =	vadd.s32 $0x7800, v12;
	v4 =	vor.u32 v15, v3  }
0x42: {  	[tilespmem:v8+s12+$0x0] =	vst.idx.add.f32.msk $0xffff, v24;
	v3 =	vor.u32 v19, v20;
	v19 =	vand.u32 $0xFFFF, v28;
	v14 =	vand.u32 $0xFFFF, v16  }
0x43: {  	v20 =	vld.idx.msk [tilespmem:v7+s2+$0x0], $0xffff;
	v7 =	vand.u32 $0x7, v12;
	v27 =	vunpack.i.l.bf16.f32 v5;
	v8 =	vunpack.i.u.bf16.f32 v5  }
0x44: {  	v5 =	vor.u32 v18, v6;
	v6 =	vor.u32 v18, v23;
	v18 =	vshrl.u32 v28, $0x10  }
0x45: {  	v32 =	vld.idx.msk [tilespmem:v11+s2+$0x0], $0xffff;
	v11 =	vadd.s32 $0x2800, v17;
	v53 =	vand.u32 $0x7, v18;
	v16 =	vshrl.u32 v16, $0x10  }
0x46: {  	v15 =	vshrl.u32 v22, $0x10;
	v10 =	vand.u32 $0xFFFF, v22;
	[tilespmem:v25+s12+$0x0] =	vst.idx.add.f32.msk $0xffff, v27;
	v54 =	vadd.s32 $0x5000, v16  }
0x47: {  	v56 =	vand.u32 $0x7, v16;
	v36 =	vadd.s32 $0x2800, v16;
	v9 =	vadd.s32 $0x5000, v15;
	v23 =	vld.idx.msk [tilespmem:v14+s2+$0x0], $0xffff  }
0x48: {  	[tilespmem:v13+s12+$0x0] =	vst.idx.add.f32.msk $0xffff, v8;
	v8 =	vadd.s32 $0x5000, v12;
	v13 =	vadd.s32 $0x5000, v18;
	v25 =	vand.u32 $0x1FFF8, v54  }
0x49: {  	v57 =	vld.idx.msk [tilespmem:v17+s2+$0x0], $0xffff;
	v17 =	vadd.s32 $0x2800, v15;
	v9 =	vand.u32 $0x1FFF8, v9;
	v25 =	vor.u32 v56, v25  }
0x4a: {  	v30 =	vld.idx.msk [tilespmem:v19+s2+$0x0], $0xffff;
	v22 =	vand.u32 $0x1FFF8, v8;
	v8 =	vand.u32 $0x7, v15;
	v14 =	vadd.s32 $0x2800, v14  }
0x4b: {  	v13 =	vand.u32 $0x1FFF8, v13;
	v29 =	vor.u32 v8, v9;
	v9 =	vadd.s32 $0x2800, v19;
	v19 =	vld.idx.msk [tilespmem:v21+s2+$0x0], $0xffff  }
0x4c: {  	v34 =	vadd.s32 $0x7800, v15;
	v13 =	vor.u32 v53, v13;
	v55 =	vld.idx.msk [tilespmem:v10+s2+$0x0], $0xffff;
	v33 =	vunpack.i.l.bf16.f32 v23  }
0x4d: {  	v17 =	vand.u32 $0x1FFF8, v17;
	v31 =	vor.u32 v7, v22;
	v23 =	vunpack.i.u.bf16.f32 v23;
	[tilespmem:v16+s12+$0x0] =	vst.idx.add.f32.msk $0xffff, v33  }
0x4e: {  	v21 =	vadd.s32 $0x2800, v18;
	v22 =	vadd.s32 $0x7800, v18;
	v58 =	vunpack.i.u.bf16.f32 v57;
	[tilespmem:v25+s12+$0x0] =	vst.idx.add.f32.msk $0xffff, v23  }
0x4f: {  	v28 =	vunpack.i.l.bf16.f32 v57;
	v17 =	vor.u32 v8, v17;
	v23 =	vunpack.i.l.bf16.f32 v30;
	v14 =	vld.idx.msk [tilespmem:v14+s2+$0x0], $0xffff  }
0x50: {  	v16 =	vadd.s32 $0x7800, v16;
	v30 =	vunpack.i.u.bf16.f32 v30;
	[tilespmem:v18+s12+$0x0] =	vst.idx.add.f32.msk $0xffff, v23;
	v18 =	vand.u32 $0x1FFF8, v36  }
0x51: {  	v37 =	vand.u32 $0x1FFF8, v21;
	[tilespmem:v13+s12+$0x0] =	vst.idx.add.f32.msk $0xffff, v30;
	v61 =	vor.u32 v56, v18;
	v13 =	vand.u32 $0x1FFF8, v16  }
0x52: {  	v38 =	vand.u32 $0x1FFF8, v22;
	v22 =	vand.u32 $0x1FFF8, v59;
	[tilespmem:v12+s12+$0x0] =	vst.idx.add.f32.msk $0xffff, v28;
	v62 =	vor.u32 v56, v13  }
0x53: {  	v21 =	vand.u32 $0x1FFF8, v60;
	v12 =	vunpack.i.u.bf16.f32 v32;
	[tilespmem:v31+s12+$0x0] =	vst.idx.add.f32.msk $0xffff, v58;
	v26 =	vunpack.i.l.bf16.f32 v55  }
0x54: {  	v10 =	vadd.s32 $0x2800, v10;
	v35 =	vunpack.i.u.bf16.f32 v55;
	[tilespmem:v15+s12+$0x0] =	vst.idx.add.f32.msk $0xffff, v26;
	v15 =	vunpack.i.u.bf16.f32 v20  }
0x55: {  	[tilespmem:v29+s12+$0x0] =	vst.idx.add.f32.msk $0xffff, v35;
	v23 =	vand.u32 $0x1FFF8, v34;
	v18 =	vunpack.i.l.bf16.f32 v20;
	v20 =	vunpack.i.l.bf16.f32 v14  }
0x56: {  	v16 =	vunpack.i.l.bf16.f32 v19;
	v13 =	vunpack.i.u.bf16.f32 v19;
	v63 =	vunpack.i.u.bf16.f32 v14;
	[tilespmem:v61+s12+$0x0] =	vst.idx.add.f32.msk $0xffff, v20  }
0x57: {  	s19 =	simm.s32 $0xF0A0;
	s18 =	simm.s32 $0x4;
	v19 =	vor.u32 v53, v37;
	v14 =	vunpack.i.l.bf16.f32 v32;
	v20 =	vor.u32 v53, v38;
	[tilespmem:v62+s12+$0x0] =	vst.idx.add.f32.msk $0xffff, v63  }
.LBB2_5:
0x58: {  	v24 =	vld [tilespmem:s19+$0x10];
	v23 =	vor.u32 v8, v23;
	v22 =	vor.u32 v7, v22;
	v21 =	vor.u32 v7, v21  }
0x59: {  	v7 =	vld [tilespmem:s19+$0xFFFFFFF0]  }
0x5a: {  	s18 =	sadd.s32 $0x4, s18;
	v8 =	vld [tilespmem:s19+$0x0]  }
0x5b: {  	p0 =	slt.u32 s18, $0x78;
	v25 =	vld [tilespmem:s19+$0xFFFFFFE0]  }
0x5c: {  	v26 =	vld.idx.msk [tilespmem:v9+s2+$0x0], $0xffff  }
0x5d: {  	v27 =	vand.u32 $0xFFFF, v24;
	v28 =	vld.idx.msk [tilespmem:v10+s2+$0x0], $0xffff  }
0x5e: {  	v29 =	vshrl.u32 v7, $0x10;
	v10 =	vand.u32 $0xFFFF, v7;
	v30 =	vld.idx.msk [tilespmem:v11+s2+$0x0], $0xffff  }
0x5f: {  	v7 =	vadd.s32 $0x5000, v29;
	v31 =	vshrl.u32 v8, $0x10;
	v11 =	vand.u32 $0xFFFF, v8;
	[tilespmem:v1+s12+$0x0] =	vst.idx.add.f32.msk $0xffff, v18;
	v1 =	vmovc v19  }
0x60: {  	v18 =	vshrl.u32 v25, $0x10;
	v9 =	vand.u32 $0xFFFF, v25;
	v8 =	vadd.s32 $0x5000, v31;
	[tilespmem:v4+s12+$0x0] =	vst.idx.add.f32.msk $0xffff, v15;
	v4 =	vmovc v20  }
0x61: {  	v19 =	vand.u32 $0x1FFF8, v7;
	v15 =	vadd.s32 $0x5000, v18;
	v20 =	vand.u32 $0x1FFF8, v8;
	[tilespmem:v5+s12+$0x0] =	vst.idx.add.f32.msk $0xffff, v16;
	v5 =	vmovc v17  }
0x62: {  	v17 =	vand.u32 $0x7, v18;
	v16 =	vshrl.u32 v24, $0x10;
	v15 =	vand.u32 $0x1FFF8, v15;
	v24 =	vld.idx.msk [tilespmem:v27+s2+$0x0], $0xffff  }
0x63: {  	v7 =	vand.u32 $0x7, v31;
	v8 =	vand.u32 $0x7, v29;
	v32 =	vadd.s32 $0x5000, v16;
	v25 =	vld.idx.msk [tilespmem:v10+s2+$0x0], $0xffff  }
0x64: {  	v34 =	vand.u32 $0x7, v16;
	v15 =	vor.u32 v17, v15;
	v32 =	vand.u32 $0x1FFF8, v32;
	v33 =	vld.idx.msk [tilespmem:v11+s2+$0x0], $0xffff  }
0x65: {  	v19 =	vor.u32 v8, v19;
	v20 =	vor.u32 v7, v20;
	v32 =	vor.u32 v34, v32;
	v35 =	vld.idx.msk [tilespmem:v9+s2+$0x0], $0xffff  }
0x66: {  	v27 =	vadd.s32 $0x2800, v27;
	v10 =	vadd.s32 $0x2800, v10;
	v9 =	vadd.s32 $0x2800, v9;
	[tilespmem:v6+s12+$0x0] =	vst.idx.add.f32.msk $0xffff, v13;
	v6 =	vmovc v23  }
0x67: {  	v11 =	vadd.s32 $0x2800, v11;
	v13 =	vadd.s32 $0x2800, v18;
	v23 =	vadd.s32 $0x7800, v18;
	[tilespmem:v2+s12+$0x0] =	vst.idx.add.f32.msk $0xffff, v14;
	v2 =	vmovc v22  }
0x68: {  	v14 =	vadd.s32 $0x2800, v29;
	v22 =	vadd.s32 $0x7800, v29;
	v36 =	vunpack.i.l.bf16.f32 v24;
	[tilespmem:v3+s12+$0x0] =	vst.idx.add.f32.msk $0xffff, v12;
	v3 =	vmovc v21  }
0x69: {  	v24 =	vunpack.i.u.bf16.f32 v24;
	v12 =	vunpack.i.u.bf16.f32 v25;
	v21 =	vunpack.i.l.bf16.f32 v25;
	[tilespmem:v16+s12+$0x0] =	vst.idx.add.f32.msk $0xffff, v36  }
0x6a: {  	v25 =	vunpack.i.u.bf16.f32 v33;
	v33 =	vunpack.i.l.bf16.f32 v33;
	v36 =	vadd.s32 $0x2800, v31;
	[tilespmem:v32+s12+$0x0] =	vst.idx.add.f32.msk $0xffff, v24  }
0x6b: {  	v24 =	vunpack.i.u.bf16.f32 v35;
	v32 =	vunpack.i.l.bf16.f32 v35;
	v35 =	vadd.s32 $0x2800, v16;
	v27 =	vld.idx.msk [tilespmem:v27+s2+$0x0], $0xffff  }
0x6c: {  	v16 =	vadd.s32 $0x7800, v16;
	[tilespmem:v18+s12+$0x0] =	vst.idx.add.f32.msk $0xffff, v32;
	v18 =	vadd.s32 $0x7800, v31;
	v32 =	vand.u32 $0x1FFF8, v35  }
0x6d: {  	[tilespmem:v15+s12+$0x0] =	vst.idx.add.f32.msk $0xffff, v24;
	v24 =	vand.u32 $0x1FFF8, v13;
	v32 =	vor.u32 v34, v32;
	v13 =	vand.u32 $0x1FFF8, v16  }
0x6e: {  	v35 =	vand.u32 $0x1FFF8, v23;
	[tilespmem:v29+s12+$0x0] =	vst.idx.add.f32.msk $0xffff, v21;
	v29 =	vand.u32 $0x1FFF8, v14;
	v34 =	vor.u32 v34, v13  }
.Ltmp1:
0x6f: {  	v23 =	vand.u32 $0x1FFF8, v22;
	v22 =	vand.u32 $0x1FFF8, v36;
	v21 =	vand.u32 $0x1FFF8, v18;
	[tilespmem:v19+s12+$0x0] =	vst.idx.add.f32.msk $0xffff, v12;
	(pc) =	sbr.rel @p0 .LBB2_5-.Ltmp1, $4  }
0x70: {  	v15 =	vunpack.i.u.bf16.f32 v26;
	v18 =	vunpack.i.l.bf16.f32 v26;
	v13 =	vunpack.i.u.bf16.f32 v28;
	[tilespmem:v31+s12+$0x0] =	vst.idx.add.f32.msk $0xffff, v33  }
0x71: {  	v16 =	vunpack.i.l.bf16.f32 v28;
	v12 =	vunpack.i.u.bf16.f32 v30;
	v14 =	vunpack.i.l.bf16.f32 v27;
	[tilespmem:v20+s12+$0x0] =	vst.idx.add.f32.msk $0xffff, v25  }
0x72: {  	v19 =	vor.u32 v17, v24;
	v24 =	vunpack.i.u.bf16.f32 v27;
	[tilespmem:v32+s12+$0x0] =	vst.idx.add.f32.msk $0xffff, v14;
	v14 =	vunpack.i.l.bf16.f32 v30  }
0x73: {  	s19 =	sadd.s32 $0x40, s19;
	v20 =	vor.u32 v17, v35;
	v17 =	vor.u32 v8, v29;
	[tilespmem:v34+s12+$0x0] =	vst.idx.add.f32.msk $0xffff, v24  }
0x74: {  	_ =	sdelay $0x3  }
0x75: {  	v9 =	vld.idx.msk [tilespmem:v9+s2+$0x0], $0xffff  }
0x76: {  	v10 =	vld.idx.msk [tilespmem:v10+s2+$0x0], $0xffff  }
0x77: {  	v11 =	vld.idx.msk [tilespmem:v11+s2+$0x0], $0xffff  }
0x78: {  	[tilespmem:v1+s12+$0x0] =	vst.idx.add.f32.msk $0xffff, v18  }
0x79: {  	[tilespmem:v5+s12+$0x0] =	vst.idx.add.f32.msk $0xffff, v16  }
0x7a: {  	[tilespmem:v2+s12+$0x0] =	vst.idx.add.f32.msk $0xffff, v14  }
0x7b: {  	[tilespmem:v4+s12+$0x0] =	vst.idx.add.f32.msk $0xffff, v15  }
0x7c: {  	v1 =	vor.u32 v8, v23;
	[tilespmem:v6+s12+$0x0] =	vst.idx.add.f32.msk $0xffff, v13  }
0x7d: {  	v2 =	vor.u32 v7, v22;
	[tilespmem:v3+s12+$0x0] =	vst.idx.add.f32.msk $0xffff, v12;
	v3 =	vunpack.i.l.bf16.f32 v9  }
0x7e: {  	v4 =	vor.u32 v7, v21;
	v5 =	vunpack.i.u.bf16.f32 v9;
	[tilespmem:v19+s12+$0x0] =	vst.idx.add.f32.msk $0xffff, v3  }
0x7f: {  	v3 =	vunpack.i.l.bf16.f32 v10;
	[tilespmem:v20+s12+$0x0] =	vst.idx.add.f32.msk $0xffff, v5  }
0x80: {  	v5 =	vunpack.i.u.bf16.f32 v10;
	[tilespmem:v17+s12+$0x0] =	vst.idx.add.f32.msk $0xffff, v3  }
0x81: {  	v3 =	vunpack.i.l.bf16.f32 v11;
	[tilespmem:v1+s12+$0x0] =	vst.idx.add.f32.msk $0xffff, v5  }
0x82: {  	v1 =	vunpack.i.u.bf16.f32 v11;
	[tilespmem:v2+s12+$0x0] =	vst.idx.add.f32.msk $0xffff, v3  }
0x83: {  	[tilespmem:v4+s12+$0x0] =	vst.idx.add.f32.msk $0xffff, v1  }
0x84: {  	v1 =	vld [tilespmem:$0xF7C0];
	_ =	sdelay $0x4  }
0x85: {  	v2 =	vand.u32 $0xFFFF, v1;
	_ =	sdelay $0x3  }
0x86: {  	v1 =	vshrl.u32 v1, $0x10  }
0x87: {  	v4 =	vadd.s32 $0x5000, v1;
	v3 =	vld.idx.msk [tilespmem:v2+s2+$0x0], $0xffff  }
0x88: {  	v5 =	vand.u32 $0x7, v1;
	v4 =	vand.u32 $0x1FFF8, v4  }
0x89: {  	v4 =	vor.u32 v5, v4  }
0x8a: {  	v2 =	vadd.s32 $0x2800, v2;
	_ =	sdelay $0x1  }
0x8b: {  	v6 =	vunpack.i.l.bf16.f32 v3  }
0x8c: {  	v3 =	vunpack.i.u.bf16.f32 v3;
	[tilespmem:v1+s12+$0x0] =	vst.idx.add.f32.msk $0xffff, v6  }
0x8d: {  	[tilespmem:v4+s12+$0x0] =	vst.idx.add.f32.msk $0xffff, v3;
	v3 =	vadd.s32 $0x2800, v1  }
0x8e: {  	v1 =	vadd.s32 $0x7800, v1;
	v2 =	vld.idx.msk [tilespmem:v2+s2+$0x0], $0xffff;
	v3 =	vand.u32 $0x1FFF8, v3  }
0x8f: {  	v1 =	vand.u32 $0x1FFF8, v1;
	v3 =	vor.u32 v5, v3  }
0x90: {  	v1 =	vor.u32 v5, v1;
	_ =	sdelay $0x1  }
0x91: {  	p0 =	seq.s32 s16, $0x4F  }
0x92: {  	s17 =	sshrl.u32 @!p0 s17, $0x3;
	v4 =	vunpack.i.l.bf16.f32 v2  }
0x93: {  	s17 =	sadd.s32 @!p0 s3, s17;
	v2 =	vunpack.i.u.bf16.f32 v2;
	[tilespmem:v3+s12+$0x0] =	vst.idx.add.f32.msk $0xffff, v4  }
0x94: {  	s18 =	simm.s32 @!p0 $0x0;
	s19 =	simm.s32 @!p0 $0xF000;
	s17 =	sadd.s32 @!p0 $0x1F4, s17;
	[tilespmem:v1+s12+$0x0] =	vst.idx.add.f32.msk $0xffff, v2  }
0x95: {  	[tilespmem:s19], [sflag:$0x1] =	stream.linear.gather @!p0 [hbm4b:s17+s18], $0x7D0, $0x38;
	[tilespmem:$0xFFA0] =	vst v63  }
0x96: {  	_ =	swait.ge [sflag:s13], $0x7D0  }
0x97: {  	[sflag:s13] =	ssyncset.done $0x0  }
0x98: {  	s30 =	simm.s32 $0xF800;
	[sflag:s13] =	ssyncadd.s32 $0xFFFFF830  }
0x99: {  	v1 =	vld [tilespmem:s30+$0x0]  }
0x9a: {  	v2 =	vld [tilespmem:s30+$0xFFFFFFE0]  }
0x9b: {  	v3 =	vld [tilespmem:s30+$0xFFFFFFD0]  }
0x9c: {  	v4 =	vld [tilespmem:s30+$0xFFFFFFF0];
	_ =	sdelay $0x1  }
0x9d: {  	v5 =	vand.u32 $0xFFFF, v1;
	_ =	sdelay $0x1  }
0x9e: {  	v6 =	vshrl.u32 v2, $0x10;
	v2 =	vand.u32 $0xFFFF, v2;
	v7 =	vand.u32 $0xFFFF, v3  }
0x9f: {  	v9 =	vshrl.u32 v4, $0x10;
	v1 =	vshrl.u32 v1, $0x10;
	v4 =	vand.u32 $0xFFFF, v4  }
0xa0: {  	v3 =	vshrl.u32 v3, $0x10;
	v8 =	vadd.s32 $0x5000, v6;
	v11 =	vadd.s32 $0x5000, v1  }
0xa1: {  	s31 =	simm.s32 $0xF840;
	v12 =	vadd.s32 $0x5000, v9;
	v13 =	vand.u32 $0x7, v1;
	v14 =	vadd.s32 $0x5000, v3;
	v10 =	vld.idx.msk [tilespmem:v5+s2+$0x0], $0xffff  }
0xa2: {  	v26 =	vld [tilespmem:s31+$0xFFFFFFF0];
	v15 =	vand.u32 $0x7, v3;
	v18 =	vand.u32 $0x7, v6;
	v11 =	vand.u32 $0x1FFF8, v11  }
0xa3: {  	v19 =	vand.u32 $0x7, v9;
	v22 =	vadd.s32 $0x7800, v3;
	v11 =	vor.u32 v13, v11;
	v17 =	vld.idx.msk [tilespmem:v2+s2+$0x0], $0xffff  }
0xa4: {  	v23 =	vadd.s32 $0x7800, v6;
	v8 =	vand.u32 $0x1FFF8, v8;
	v16 =	vld.idx.msk [tilespmem:v7+s2+$0x0], $0xffff;
	v5 =	vadd.s32 $0x2800, v5  }
0xa5: {  	v28 =	vld [tilespmem:s31+$0xFFFFFFD0];
	v12 =	vand.u32 $0x1FFF8, v12;
	v14 =	vand.u32 $0x1FFF8, v14;
	v23 =	vand.u32 $0x1FFF8, v23  }
0xa6: {  	v14 =	vor.u32 v15, v14;
	v8 =	vor.u32 v18, v8;
	v20 =	vld.idx.msk [tilespmem:v4+s2+$0x0], $0xffff;
	v21 =	vunpack.i.l.bf16.f32 v10  }
0xa7: {  	v12 =	vor.u32 v19, v12;
	v7 =	vadd.s32 $0x2800, v7;
	v10 =	vunpack.i.u.bf16.f32 v10;
	[tilespmem:v1+s12+$0x0] =	vst.idx.add.f32.msk $0xffff, v21  }
0xa8: {  	v24 =	vunpack.i.u.bf16.f32 v17;
	v21 =	vadd.s32 $0x2800, v2;
	v2 =	vadd.s32 $0x2800, v3;
	[tilespmem:v11+s12+$0x0] =	vst.idx.add.f32.msk $0xffff, v10  }
0xa9: {  	v11 =	vadd.s32 $0x2800, v4;
	v4 =	vadd.s32 $0x2800, v6;
	v10 =	vunpack.i.l.bf16.f32 v16;
	v5 =	vld.idx.msk [tilespmem:v5+s2+$0x0], $0xffff  }
0xaa: {  	v16 =	vunpack.i.u.bf16.f32 v16;
	v2 =	vand.u32 $0x1FFF8, v2;
	[tilespmem:v3+s12+$0x0] =	vst.idx.add.f32.msk $0xffff, v10;
	v3 =	vunpack.i.l.bf16.f32 v17  }
0xab: {  	v10 =	vunpack.i.u.bf16.f32 v20;
	v17 =	vunpack.i.l.bf16.f32 v20;
	v20 =	vadd.s32 $0x7800, v9;
	[tilespmem:v14+s12+$0x0] =	vst.idx.add.f32.msk $0xffff, v16  }
0xac: {  	v14 =	vadd.s32 $0x2800, v9;
	v16 =	vadd.s32 $0x2800, v1;
	[tilespmem:v6+s12+$0x0] =	vst.idx.add.f32.msk $0xffff, v3;
	v1 =	vadd.s32 $0x7800, v1  }
0xad: {  	v6 =	vand.u32 $0x1FFF8, v4;
	v20 =	vand.u32 $0x1FFF8, v20;
	v3 =	vand.u32 $0x1FFF8, v16;
	v16 =	vld [tilespmem:s31+$0x0]  }
0xae: {  	[tilespmem:v9+s12+$0x0] =	vst.idx.add.f32.msk $0xffff, v17;
	v17 =	vand.u32 $0xFFFF, v26;
	v1 =	vand.u32 $0x1FFF8, v1;
	v14 =	vand.u32 $0x1FFF8, v14  }
0xaf: {  	[tilespmem:v12+s12+$0x0] =	vst.idx.add.f32.msk $0xffff, v10;
	v12 =	vshrl.u32 v26, $0x10;
	v25 =	vor.u32 v13, v3;
	v3 =	vand.u32 $0x1FFF8, v22  }
0xb0: {  	v13 =	vor.u32 v13, v1;
	v1 =	vor.u32 v15, v2;
	v2 =	vor.u32 v19, v14  }
0xb1: {  	v22 =	vld [tilespmem:s31+$0xFFFFFFE0];
	v59 =	vadd.s32 $0x2800, v12;
	v60 =	vadd.s32 $0x7800, v12;
	v4 =	vor.u32 v15, v3  }
0xb2: {  	[tilespmem:v8+s12+$0x0] =	vst.idx.add.f32.msk $0xffff, v24;
	v3 =	vor.u32 v19, v20;
	v19 =	vand.u32 $0xFFFF, v28;
	v14 =	vand.u32 $0xFFFF, v16  }
0xb3: {  	v20 =	vld.idx.msk [tilespmem:v7+s2+$0x0], $0xffff;
	v7 =	vand.u32 $0x7, v12;
	v27 =	vunpack.i.l.bf16.f32 v5;
	v8 =	vunpack.i.u.bf16.f32 v5  }
0xb4: {  	v5 =	vor.u32 v18, v6;
	v6 =	vor.u32 v18, v23;
	v18 =	vshrl.u32 v28, $0x10  }
0xb5: {  	v32 =	vld.idx.msk [tilespmem:v11+s2+$0x0], $0xffff;
	v11 =	vadd.s32 $0x2800, v17;
	v53 =	vand.u32 $0x7, v18;
	v16 =	vshrl.u32 v16, $0x10  }
0xb6: {  	v15 =	vshrl.u32 v22, $0x10;
	v10 =	vand.u32 $0xFFFF, v22;
	[tilespmem:v25+s12+$0x0] =	vst.idx.add.f32.msk $0xffff, v27;
	v54 =	vadd.s32 $0x5000, v16  }
0xb7: {  	v56 =	vand.u32 $0x7, v16;
	v36 =	vadd.s32 $0x2800, v16;
	v9 =	vadd.s32 $0x5000, v15;
	v23 =	vld.idx.msk [tilespmem:v14+s2+$0x0], $0xffff  }
0xb8: {  	[tilespmem:v13+s12+$0x0] =	vst.idx.add.f32.msk $0xffff, v8;
	v8 =	vadd.s32 $0x5000, v12;
	v13 =	vadd.s32 $0x5000, v18;
	v25 =	vand.u32 $0x1FFF8, v54  }
0xb9: {  	v57 =	vld.idx.msk [tilespmem:v17+s2+$0x0], $0xffff;
	v17 =	vadd.s32 $0x2800, v15;
	v9 =	vand.u32 $0x1FFF8, v9;
	v25 =	vor.u32 v56, v25  }
0xba: {  	v30 =	vld.idx.msk [tilespmem:v19+s2+$0x0], $0xffff;
	v22 =	vand.u32 $0x1FFF8, v8;
	v8 =	vand.u32 $0x7, v15;
	v14 =	vadd.s32 $0x2800, v14  }
0xbb: {  	v13 =	vand.u32 $0x1FFF8, v13;
	v29 =	vor.u32 v8, v9;
	v9 =	vadd.s32 $0x2800, v19;
	v19 =	vld.idx.msk [tilespmem:v21+s2+$0x0], $0xffff  }
0xbc: {  	v34 =	vadd.s32 $0x7800, v15;
	v13 =	vor.u32 v53, v13;
	v55 =	vld.idx.msk [tilespmem:v10+s2+$0x0], $0xffff;
	v33 =	vunpack.i.l.bf16.f32 v23  }
0xbd: {  	v17 =	vand.u32 $0x1FFF8, v17;
	v31 =	vor.u32 v7, v22;
	v23 =	vunpack.i.u.bf16.f32 v23;
	[tilespmem:v16+s12+$0x0] =	vst.idx.add.f32.msk $0xffff, v33  }
0xbe: {  	v21 =	vadd.s32 $0x2800, v18;
	v22 =	vadd.s32 $0x7800, v18;
	v58 =	vunpack.i.u.bf16.f32 v57;
	[tilespmem:v25+s12+$0x0] =	vst.idx.add.f32.msk $0xffff, v23  }
0xbf: {  	v28 =	vunpack.i.l.bf16.f32 v57;
	v17 =	vor.u32 v8, v17;
	v23 =	vunpack.i.l.bf16.f32 v30;
	v14 =	vld.idx.msk [tilespmem:v14+s2+$0x0], $0xffff  }
0xc0: {  	v16 =	vadd.s32 $0x7800, v16;
	v30 =	vunpack.i.u.bf16.f32 v30;
	[tilespmem:v18+s12+$0x0] =	vst.idx.add.f32.msk $0xffff, v23;
	v18 =	vand.u32 $0x1FFF8, v36  }
0xc1: {  	v37 =	vand.u32 $0x1FFF8, v21;
	[tilespmem:v13+s12+$0x0] =	vst.idx.add.f32.msk $0xffff, v30;
	v61 =	vor.u32 v56, v18;
	v13 =	vand.u32 $0x1FFF8, v16  }
0xc2: {  	v38 =	vand.u32 $0x1FFF8, v22;
	v22 =	vand.u32 $0x1FFF8, v59;
	[tilespmem:v12+s12+$0x0] =	vst.idx.add.f32.msk $0xffff, v28;
	v62 =	vor.u32 v56, v13  }
0xc3: {  	v21 =	vand.u32 $0x1FFF8, v60;
	v12 =	vunpack.i.u.bf16.f32 v32;
	[tilespmem:v31+s12+$0x0] =	vst.idx.add.f32.msk $0xffff, v58;
	v26 =	vunpack.i.l.bf16.f32 v55  }
0xc4: {  	v10 =	vadd.s32 $0x2800, v10;
	v35 =	vunpack.i.u.bf16.f32 v55;
	[tilespmem:v15+s12+$0x0] =	vst.idx.add.f32.msk $0xffff, v26;
	v15 =	vunpack.i.u.bf16.f32 v20  }
0xc5: {  	[tilespmem:v29+s12+$0x0] =	vst.idx.add.f32.msk $0xffff, v35;
	v23 =	vand.u32 $0x1FFF8, v34;
	v18 =	vunpack.i.l.bf16.f32 v20;
	v20 =	vunpack.i.l.bf16.f32 v14  }
0xc6: {  	v16 =	vunpack.i.l.bf16.f32 v19;
	v13 =	vunpack.i.u.bf16.f32 v19;
	v63 =	vunpack.i.u.bf16.f32 v14;
	[tilespmem:v61+s12+$0x0] =	vst.idx.add.f32.msk $0xffff, v20  }
0xc7: {  	s17 =	simm.s32 $0x4;
	s18 =	simm.s32 $0xF880;
	v19 =	vor.u32 v53, v37;
	v14 =	vunpack.i.l.bf16.f32 v32;
	v20 =	vor.u32 v53, v38;
	[tilespmem:v62+s12+$0x0] =	vst.idx.add.f32.msk $0xffff, v63  }
.LBB2_7:
0xc8: {  	v24 =	vld [tilespmem:s18+$0x0];
	v23 =	vor.u32 v8, v23;
	v22 =	vor.u32 v7, v22;
	v21 =	vor.u32 v7, v21  }
0xc9: {  	v7 =	vld [tilespmem:s18+$0xFFFFFFE0]  }
0xca: {  	s17 =	sadd.s32 $0x4, s17;
	v8 =	vld [tilespmem:s18+$0xFFFFFFF0]  }
0xcb: {  	p0 =	slt.u32 s17, $0x78;
	v25 =	vld [tilespmem:s18+$0xFFFFFFD0]  }
0xcc: {  	v26 =	vld.idx.msk [tilespmem:v9+s2+$0x0], $0xffff  }
0xcd: {  	v27 =	vand.u32 $0xFFFF, v24;
	v28 =	vld.idx.msk [tilespmem:v10+s2+$0x0], $0xffff  }
0xce: {  	v29 =	vshrl.u32 v7, $0x10;
	v10 =	vand.u32 $0xFFFF, v7;
	v30 =	vld.idx.msk [tilespmem:v11+s2+$0x0], $0xffff  }
0xcf: {  	v7 =	vadd.s32 $0x5000, v29;
	v31 =	vshrl.u32 v8, $0x10;
	v11 =	vand.u32 $0xFFFF, v8;
	[tilespmem:v1+s12+$0x0] =	vst.idx.add.f32.msk $0xffff, v18;
	v1 =	vmovc v19  }
0xd0: {  	v18 =	vshrl.u32 v25, $0x10;
	v9 =	vand.u32 $0xFFFF, v25;
	v8 =	vadd.s32 $0x5000, v31;
	[tilespmem:v4+s12+$0x0] =	vst.idx.add.f32.msk $0xffff, v15;
	v4 =	vmovc v20  }
0xd1: {  	v19 =	vand.u32 $0x1FFF8, v7;
	v15 =	vadd.s32 $0x5000, v18;
	v20 =	vand.u32 $0x1FFF8, v8;
	[tilespmem:v5+s12+$0x0] =	vst.idx.add.f32.msk $0xffff, v16;
	v5 =	vmovc v17  }
0xd2: {  	v17 =	vand.u32 $0x7, v18;
	v16 =	vshrl.u32 v24, $0x10;
	v15 =	vand.u32 $0x1FFF8, v15;
	v24 =	vld.idx.msk [tilespmem:v27+s2+$0x0], $0xffff  }
0xd3: {  	v7 =	vand.u32 $0x7, v31;
	v8 =	vand.u32 $0x7, v29;
	v32 =	vadd.s32 $0x5000, v16;
	v25 =	vld.idx.msk [tilespmem:v10+s2+$0x0], $0xffff  }
0xd4: {  	v34 =	vand.u32 $0x7, v16;
	v15 =	vor.u32 v17, v15;
	v32 =	vand.u32 $0x1FFF8, v32;
	v33 =	vld.idx.msk [tilespmem:v11+s2+$0x0], $0xffff  }
0xd5: {  	v19 =	vor.u32 v8, v19;
	v20 =	vor.u32 v7, v20;
	v32 =	vor.u32 v34, v32;
	v35 =	vld.idx.msk [tilespmem:v9+s2+$0x0], $0xffff  }
0xd6: {  	v27 =	vadd.s32 $0x2800, v27;
	v10 =	vadd.s32 $0x2800, v10;
	v9 =	vadd.s32 $0x2800, v9;
	[tilespmem:v6+s12+$0x0] =	vst.idx.add.f32.msk $0xffff, v13;
	v6 =	vmovc v23  }
0xd7: {  	v11 =	vadd.s32 $0x2800, v11;
	v13 =	vadd.s32 $0x2800, v18;
	v23 =	vadd.s32 $0x7800, v18;
	[tilespmem:v2+s12+$0x0] =	vst.idx.add.f32.msk $0xffff, v14;
	v2 =	vmovc v22  }
0xd8: {  	v14 =	vadd.s32 $0x2800, v29;
	v22 =	vadd.s32 $0x7800, v29;
	v36 =	vunpack.i.l.bf16.f32 v24;
	[tilespmem:v3+s12+$0x0] =	vst.idx.add.f32.msk $0xffff, v12;
	v3 =	vmovc v21  }
0xd9: {  	v24 =	vunpack.i.u.bf16.f32 v24;
	v12 =	vunpack.i.u.bf16.f32 v25;
	v21 =	vunpack.i.l.bf16.f32 v25;
	[tilespmem:v16+s12+$0x0] =	vst.idx.add.f32.msk $0xffff, v36  }
0xda: {  	v25 =	vunpack.i.u.bf16.f32 v33;
	v33 =	vunpack.i.l.bf16.f32 v33;
	v36 =	vadd.s32 $0x2800, v31;
	[tilespmem:v32+s12+$0x0] =	vst.idx.add.f32.msk $0xffff, v24  }
0xdb: {  	v24 =	vunpack.i.u.bf16.f32 v35;
	v32 =	vunpack.i.l.bf16.f32 v35;
	v35 =	vadd.s32 $0x2800, v16;
	v27 =	vld.idx.msk [tilespmem:v27+s2+$0x0], $0xffff  }
0xdc: {  	v16 =	vadd.s32 $0x7800, v16;
	[tilespmem:v18+s12+$0x0] =	vst.idx.add.f32.msk $0xffff, v32;
	v18 =	vadd.s32 $0x7800, v31;
	v32 =	vand.u32 $0x1FFF8, v35  }
0xdd: {  	[tilespmem:v15+s12+$0x0] =	vst.idx.add.f32.msk $0xffff, v24;
	v24 =	vand.u32 $0x1FFF8, v13;
	v32 =	vor.u32 v34, v32;
	v13 =	vand.u32 $0x1FFF8, v16  }
0xde: {  	v35 =	vand.u32 $0x1FFF8, v23;
	[tilespmem:v29+s12+$0x0] =	vst.idx.add.f32.msk $0xffff, v21;
	v29 =	vand.u32 $0x1FFF8, v14;
	v34 =	vor.u32 v34, v13  }
.Ltmp2:
0xdf: {  	v23 =	vand.u32 $0x1FFF8, v22;
	v22 =	vand.u32 $0x1FFF8, v36;
	v21 =	vand.u32 $0x1FFF8, v18;
	[tilespmem:v19+s12+$0x0] =	vst.idx.add.f32.msk $0xffff, v12;
	(pc) =	sbr.rel @p0 .LBB2_7-.Ltmp2, $4  }
0xe0: {  	v15 =	vunpack.i.u.bf16.f32 v26;
	v18 =	vunpack.i.l.bf16.f32 v26;
	v13 =	vunpack.i.u.bf16.f32 v28;
	[tilespmem:v31+s12+$0x0] =	vst.idx.add.f32.msk $0xffff, v33  }
0xe1: {  	v16 =	vunpack.i.l.bf16.f32 v28;
	v12 =	vunpack.i.u.bf16.f32 v30;
	v14 =	vunpack.i.l.bf16.f32 v27;
	[tilespmem:v20+s12+$0x0] =	vst.idx.add.f32.msk $0xffff, v25  }
0xe2: {  	v19 =	vor.u32 v17, v24;
	v24 =	vunpack.i.u.bf16.f32 v27;
	[tilespmem:v32+s12+$0x0] =	vst.idx.add.f32.msk $0xffff, v14;
	v14 =	vunpack.i.l.bf16.f32 v30  }
0xe3: {  	s18 =	sadd.s32 $0x40, s18;
	v20 =	vor.u32 v17, v35;
	v17 =	vor.u32 v8, v29;
	[tilespmem:v34+s12+$0x0] =	vst.idx.add.f32.msk $0xffff, v24  }
0xe4: {  	_ =	sdelay $0x3  }
0xe5: {  	v9 =	vld.idx.msk [tilespmem:v9+s2+$0x0], $0xffff  }
0xe6: {  	v10 =	vld.idx.msk [tilespmem:v10+s2+$0x0], $0xffff  }
0xe7: {  	v11 =	vld.idx.msk [tilespmem:v11+s2+$0x0], $0xffff  }
0xe8: {  	[tilespmem:v1+s12+$0x0] =	vst.idx.add.f32.msk $0xffff, v18  }
0xe9: {  	[tilespmem:v5+s12+$0x0] =	vst.idx.add.f32.msk $0xffff, v16  }
0xea: {  	[tilespmem:v2+s12+$0x0] =	vst.idx.add.f32.msk $0xffff, v14  }
0xeb: {  	[tilespmem:v4+s12+$0x0] =	vst.idx.add.f32.msk $0xffff, v15  }
0xec: {  	v1 =	vor.u32 v8, v23;
	[tilespmem:v6+s12+$0x0] =	vst.idx.add.f32.msk $0xffff, v13  }
0xed: {  	v2 =	vor.u32 v7, v22;
	[tilespmem:v3+s12+$0x0] =	vst.idx.add.f32.msk $0xffff, v12;
	v3 =	vunpack.i.l.bf16.f32 v9  }
0xee: {  	v57 =	vor.u32 v7, v21;
	v58 =	vunpack.i.u.bf16.f32 v9;
	[tilespmem:v19+s12+$0x0] =	vst.idx.add.f32.msk $0xffff, v3  }
0xef: {  	v3 =	vunpack.i.l.bf16.f32 v10;
	[tilespmem:v20+s12+$0x0] =	vst.idx.add.f32.msk $0xffff, v58  }
0xf0: {  	v59 =	vunpack.i.u.bf16.f32 v10;
	[tilespmem:v17+s12+$0x0] =	vst.idx.add.f32.msk $0xffff, v3  }
0xf1: {  	v3 =	vunpack.i.l.bf16.f32 v11;
	[tilespmem:v1+s12+$0x0] =	vst.idx.add.f32.msk $0xffff, v59  }
0xf2: {  	v1 =	vunpack.i.u.bf16.f32 v11;
	[tilespmem:v2+s12+$0x0] =	vst.idx.add.f32.msk $0xffff, v3  }
0xf3: {  	[tilespmem:v57+s12+$0x0] =	vst.idx.add.f32.msk $0xffff, v1  }
0xf4: {  	v1 =	vld [tilespmem:$0xFF90];
	_ =	sdelay $0x4  }
0xf5: {  	v2 =	vand.u32 $0xFFFF, v1;
	_ =	sdelay $0x3  }
0xf6: {  	v1 =	vshrl.u32 v1, $0x10  }
0xf7: {  	v60 =	vadd.s32 $0x5000, v1;
	v3 =	vld.idx.msk [tilespmem:v2+s2+$0x0], $0xffff  }
0xf8: {  	v61 =	vand.u32 $0x7, v1;
	v4 =	vand.u32 $0x1FFF8, v60  }
0xf9: {  	v4 =	vor.u32 v61, v4  }
0xfa: {  	v2 =	vadd.s32 $0x2800, v2;
	_ =	sdelay $0x1  }
0xfb: {  	v62 =	vunpack.i.l.bf16.f32 v3  }
0xfc: {  	v3 =	vunpack.i.u.bf16.f32 v3;
	[tilespmem:v1+s12+$0x0] =	vst.idx.add.f32.msk $0xffff, v62  }
0xfd: {  	[tilespmem:v4+s12+$0x0] =	vst.idx.add.f32.msk $0xffff, v3;
	v3 =	vadd.s32 $0x2800, v1  }
0xfe: {  	v1 =	vadd.s32 $0x7800, v1;
	v2 =	vld.idx.msk [tilespmem:v2+s2+$0x0], $0xffff;
	v3 =	vand.u32 $0x1FFF8, v3  }
0xff: {  	s16 =	sadd.s32 $0x1, s16;
	v1 =	vand.u32 $0x1FFF8, v1;
	v3 =	vor.u32 v61, v3  }
0x100: {  	p0 =	sne.s32 s16, $0x50;
	v1 =	vor.u32 v61, v1  }
.Ltmp3:
0x101: {  	_ = 	snop;
	(pc) =	sbr.rel @p0 .LBB2_4-.Ltmp3, $4  }
0x102: {  	_ = 	snop  }
0x103: {  	v63 =	vunpack.i.l.bf16.f32 v2  }
0x104: {  	v2 =	vunpack.i.u.bf16.f32 v2;
	[tilespmem:v3+s12+$0x0] =	vst.idx.add.f32.msk $0xffff, v63  }
0x105: {  	[tilespmem:v1+s12+$0x0] =	vst.idx.add.f32.msk $0xffff, v2  }
0x106: {  	[hbm4b:s5+s2] =	stream.linear.scatter [tilespmem:s12], [sflag:$0x3], $0x5000, $0x38;
	[tilespmem:$0xFFA0] =	vst v63  }
0x107: {  	s15 =	sadd.s32 $0x1, s15;
	_ =	swait.ge [sflag:s8], $0x5000  }
0x108: {  	p0 =	sne.s32 s15, s7;
	[sflag:s8] =	ssyncset.done $0x0  }
.Ltmp4:
0x109: {  	[sflag:s8] =	ssyncadd.s32 $0xFFFFB000;
	(pc) =	sbr.rel @p0 .LBB2_1-.Ltmp4, $4  }
0x10a: {  	[hbm4b:s6+s2] =	stream.linear.scatter [tilespmem:s14], [sflag:$0x3], $0x5000, $0x38;
	[tilespmem:$0xFFA0] =	vst v63  }
0x10b: {  	_ =	swait.ge [sflag:s8], $0x5000  }
0x10c: {  	[sflag:s8] =	ssyncset.done $0x0  }
0x10d: {  	[sflag:s8] =	ssyncadd.s32 $0xFFFFB000  }
0x10e: {  	_ =	sfence.sel $0x180000  }
0x10f: {  	[bflag:$0x0] =	sbarrier.arrive $0xFFFF  }
0x110: {  	p0 =	sne.s32 s0, $0x0;
	_ =	strace $0x9000004A  }
0x111: {  	s0 =	sadd.s32 @!p0 $0x100000, s1;
	[bflag:$0x2] =	sbarrier.arrive $0xFFFF  }
0x112: {  	[sflag:s0] =	ssyncadd.tile.s32 @!p0 $0x1;
	_ =	shalt  }
.Lfunc_end2:
_tile_overlayer_lowered:
.L_overlay_start_2:
0x113: {  	(tag) =	ssettag $0x2  }
0x114: {  	s0 =	rddreg [dreg:$0x0];
	s2 =	stileid.u32  }
0x115: {  	s1 =	rddreg [dreg:$0x1];
	p0 =	sne.s32 s2, $0x0  }
0x116: {  	s3 =	rddreg [dreg:$0x2];
	[bflag:$0x3] =	sbarrier.arrive $0xFFFF;
	s2 =	simm.s32 @!p0 $0x1C03  }
0x117: {  	[timem:s3], [sflag:s2] =	dma.local @!p0 [hbm:s0], s1  }
0x118: {  	s0 =	simm.s32 @!p0 $0x3  }
0x119: {  	_ =	swait.ge @!p0 [sflag:s0], s1  }
0x11a: {  	s1 =	ssub.s32 @!p0 $0x0, s1;
	[sflag:s0] =	ssyncset.done @!p0 $0x0  }
0x11b: {  	[sflag:s0] =	ssyncadd.s32 @!p0 s1  }
0x11c: {  	[bflag:$0x3] =	sbarrier.arrive $0xFFFF  }
0x11d: {  	_ =	shalt  }

// kernel: kernel.14.cloned.1.call-start
scs
__scs_entry_jumppad:
0x0: {  	(pc) =	sbr.rel $0x88, $3  }
0x1: {  	(tag) =	ssettag $0x0;
	lr =	simm.s32 $0x1  }
0x2: {  	[smem:$0x3F9B] =	sst lr;
	_ =	strace $0xD0000000  }
0x3: {  	_ = 	snop  }
0x4: {  	_ = 	snop  }
0x5: {  	_ = 	snop  }
0x6: {  	_ = 	snop  }
0x7: {  	_ = 	snop  }
__scs_overlays_trampoline_lowered:
0x8: {  	[smem:$0x3FAA] =	sst s0  }
0x9: {  	[smem:$0x3FAB] =	sst s1  }
0xa: {  	[smem:$0x3FAC] =	sst s2  }
0xb: {  	[smem:$0x3FAD] =	sst s3  }
0xc: {  	[smem:$0x3FAE] =	sst s4  }
0xd: {  	[smem:$0x3FAF] =	sst s5  }
0xe: {  	[smem:$0x3FB0] =	sst s6  }
0xf: {  	[smem:$0x3FB1] =	sst s7  }
0x10: {  	[smem:$0x3FB2] =	sst s8  }
0x11: {  	[smem:$0x3FB3] =	sst s9;
	s0 =	simm.s32 @!p0 $0x0  }
0x12: {  	s1 =	sld [smem:$0x3F99];
	s0 =	simm.s32 @p0 $0x1  }
0x13: {  	[smem:$0x3FB4] =	sst s0;
	s0 =	simm.s32 @!p1 $0x0  }
0x14: {  	s2 =	sld [smem:$0x3F98];
	s0 =	simm.s32 @p1 $0x1  }
0x15: {  	[smem:$0x3FB5] =	sst s0;
	s0 =	simm.s32 @!p2 $0x0  }
0x16: {  	s3 =	sld [smem:$0x3FDB];
	s0 =	simm.s32 @p2 $0x1  }
0x17: {  	s4 =	simm.s32 $0x1BF5;
	[smem:$0x3FB7] =	sst s0  }
0x18: {  	s0 =	sld [smem:$0x3F9A];
	_ =	swait.ge [sflag:s4], $0x0  }
0x19: {  	s7 =	sld [smem:$0x3F9B]  }
0x1a: {  	s8 =	sadd.s32 $0xFFFFE003, lr  }
0x1b: {  	s9 =	sadd.s32 $0xFFFFFEF7, lr;
	s5 =	simm.s32 $0xFFFFFFFF;
	p2 =	slt.u32 s8, $0xFFFFF086  }
0x1c: {  	p1 =	slt.u32 s9, $0xF7A;
	s5 =	simm.s32 @!p2 $0x0  }
0x1d: {  	s5 =	simm.s32 @p1 $0x1;
	p0 =	seq.s32 s7, s2  }
0x1e: {  	s7 =	smul.u32 @!p0 $0xF7A, s2;
	p2 =	seq.s32 @!p0 s5, $0x0  }
0x1f: {  	s9 =	smul.u32 $0xF7A, s1;
	s8 =	simm.s32 @!p0 $0x1BF5;
	p2 =	por !p2, p0  }
0x20: {  	[sflag:s8] =	ssyncset.s32 @!p0 $0xFFFFF086;
	s6 =	sadd.s32 @!p0 s3, s7;
	s7 =	simm.s32 @!p0 $0x108  }
0x21: {  	s3 =	sadd.s32 s3, s9;
	s6 =	sadd.s32 @!p0 $0x88, s6;
	s7 =	simm.s32 @p2 $0x1082  }
0x22: {  	[simem:s7], [sflag:s8] =	dma.local @!p0 [hbm:s6], $0xF7A  }
0x23: {  	s9 =	sor.u32 $0xD0000000, s2;
	s6 =	simm.s32 $0x108;
	_ =	swait.ge @!p0 [sflag:s8], $0x0  }
0x24: {  	s3 =	sadd.s32 $0x88, s3;
	s6 =	simm.s32 @!p1 $0x1082;
	[sflag:s4] =	ssyncset.s32 $0xFFFFF086  }
0x25: {  	[simem:s6], [sflag:s4] =	dma.local [hbm:s3], $0xF7A  }
0x26: {  	[smem:$0x3F9B] =	sst s1;
	(tag) =	ssettag s2;
	_ =	strace s9  }
0x27: {  	s1 =	sld [smem:$0x3FAB]  }
0x28: {  	s2 =	sld [smem:$0x3FAC]  }
0x29: {  	s4 =	sld [smem:$0x3FAE]  }
0x2a: {  	p0 =	seq.s32 s5, $0x0;
	s5 =	sld [smem:$0x3FAF]  }
0x2b: {  	s6 =	sld [smem:$0x3FB0]  }
0x2c: {  	s7 =	sld [smem:$0x3FB1]  }
0x2d: {  	s3 =	simm.s32 $0x108;
	s8 =	sld [smem:$0x3FB2]  }
0x2e: {  	s3 =	simm.s32 @!p0 $0x1082;
	s9 =	sld [smem:$0x3FB3]  }
0x2f: {  	lr =	sadd.s32 s0, s3;
	s0 =	sld [smem:$0x3FAA]  }
0x30: {  	s3 =	sld [smem:$0x3FAD]  }
0x31: {  	[smem:$0x3FB6] =	sst s10  }
0x32: {  	s10 =	sld [smem:$0x3FB4];
	_ =	sdelay $0x3  }
0x33: {  	p0 =	seq.s32 s10, $0x1;
	s10 =	sld [smem:$0x3FB6];
	_ =	sdelay $0x3  }
0x34: {  	[smem:$0x3FB6] =	sst s10  }
0x35: {  	s10 =	sld [smem:$0x3FB5];
	_ =	sdelay $0x3  }
0x36: {  	p1 =	seq.s32 s10, $0x1;
	s10 =	sld [smem:$0x3FB6];
	_ =	sdelay $0x3  }
0x37: {  	[smem:$0x3FB6] =	sst s10  }
0x38: {  	s10 =	sld [smem:$0x3FB7]  }
0x39: {  	_ = 	snop;
	(pc) =	sbr.ind lr, $3  }
0x3a: {  	_ = 	snop  }
0x3b: {  	_ = 	snop  }
0x3c: {  	p2 =	seq.s32 s10, $0x1;
	s10 =	sld [smem:$0x3FB6]  }
0x3d: {  	_ =	shalt  }
0x3e: {  	_ =	shalt  }
0x3f: {  	_ =	shalt  }
0x40: {  	_ =	shalt  }
0x41: {  	_ =	shalt  }
0x42: {  	_ =	shalt  }
0x43: {  	_ =	shalt  }
0x44: {  	_ =	shalt  }
0x45: {  	_ =	shalt  }
0x46: {  	_ =	shalt  }
0x47: {  	_ =	shalt  }
0x48: {  	_ =	shalt  }
0x49: {  	_ =	shalt  }
0x4a: {  	_ =	shalt  }
0x4b: {  	_ =	shalt  }
0x4c: {  	_ =	shalt  }
0x4d: {  	_ =	shalt  }
0x4e: {  	_ =	shalt  }
0x4f: {  	_ =	shalt  }
0x50: {  	_ =	shalt  }
0x51: {  	_ =	shalt  }
0x52: {  	_ =	shalt  }
0x53: {  	_ =	shalt  }
0x54: {  	_ =	shalt  }
0x55: {  	_ =	shalt  }
0x56: {  	_ =	shalt  }
0x57: {  	_ =	shalt  }
0x58: {  	_ =	shalt  }
0x59: {  	_ =	shalt  }
0x5a: {  	_ =	shalt  }
0x5b: {  	_ =	shalt  }
0x5c: {  	_ =	shalt  }
0x5d: {  	_ =	shalt  }
0x5e: {  	_ =	shalt  }
0x5f: {  	_ =	shalt  }
0x60: {  	_ =	shalt  }
0x61: {  	_ =	shalt  }
0x62: {  	_ =	shalt  }
0x63: {  	_ =	shalt  }
0x64: {  	_ =	shalt  }
0x65: {  	_ =	shalt  }
0x66: {  	_ =	shalt  }
0x67: {  	_ =	shalt  }
0x68: {  	_ =	shalt  }
0x69: {  	_ =	shalt  }
0x6a: {  	_ =	shalt  }
0x6b: {  	_ =	shalt  }
0x6c: {  	_ =	shalt  }
0x6d: {  	_ =	shalt  }
0x6e: {  	_ =	shalt  }
0x6f: {  	_ =	shalt  }
0x70: {  	_ =	shalt  }
0x71: {  	_ =	shalt  }
0x72: {  	_ =	shalt  }
0x73: {  	_ =	shalt  }
0x74: {  	_ =	shalt  }
0x75: {  	_ =	shalt  }
0x76: {  	_ =	shalt  }
0x77: {  	_ =	shalt  }
0x78: {  	_ =	shalt  }
0x79: {  	_ =	shalt  }
0x7a: {  	_ =	shalt  }
0x7b: {  	_ =	shalt  }
0x7c: {  	_ =	shalt  }
0x7d: {  	_ =	shalt  }
0x7e: {  	_ =	shalt  }
0x7f: {  	_ =	shalt  }
0x80: {  	_ =	shalt  }
0x81: {  	_ =	shalt  }
0x82: {  	_ =	shalt  }
0x83: {  	_ =	shalt  }
0x84: {  	_ =	shalt  }
0x85: {  	_ =	shalt  }
0x86: {  	_ =	shalt  }
0x87: {  	_ =	shalt  }
.Lfunc_end0:
.L_simem_size_0:
called_computation.2_lowered:
.L_overlay_start_0:
0x88: {  	s2 =	sld [smem:$0x3FD9]  }
0x89: {  	s3 =	sld [smem:$0x3FFE];
	_ =	sdelay $0x1  }
0x8a: {  	s1 =	srdreg.scid  }
0x8b: {  	s0 =	sand.u32 $0x1, s1  }
0x8c: {  	s17 =	sshll.u32 s0, $0xA;
	s2 =	sadd.s32 s3, s2  }
0x8d: {  	s2 =	sadd.s32 s2, s17  }
0x8e: {  	[smem:$0x3FC2] =	sst s2  }
0x8f: {  	_ = 	snop  }
0x90: {  	s2 =	sld [smem:$0x3FD0];
	(tm) =	ssettm $0x1  }
0x91: {  	s18 =	sld [smem:$0x3FFB];
	_ =	sdelay $0x3  }
0x92: {  	_ =	strace s18  }
0x93: {  	s3 =	sld [smem:$0x3FFC];
	_ =	sdelay $0x3  }
0x94: {  	_ =	strace s3  }
0x95: {  	s3 =	sld [smem:$0x3FFD];
	_ =	sdelay $0x3  }
0x96: {  	_ =	strace s3  }
0x97: {  	_ =	strace $0x8FFFFFFF  }
0x98: {  	s19 =	sld [smem:$0x3FDB];
	_ =	sdelay $0x1  }
0x99: {  	s4 =	simm.s32 $_scs_section_size  }
0x9a: {  	s5 =	simm.s32 $_size__tile_overlayer_lowered;
	s6 =	simm.s32 $_tile_overlayer_lowered  }
0x9b: {  	s22 =	simm.s32 $0x1BFF;
	s21 =	sshll.u32 s6, $0x1;
	s3 =	sadd.s32 s4, s19  }
0x9c: {  	s7 =	simm.s32 $0x0;
	s20 =	sshll.u32 s5, $0x1;
	s5 =	sadd.s32 s21, s3  }
0x9d: {  	[timem:s7], [sflag:s22] =	dma.local [hbm:s5], s20  }
0x9e: {  	_ =	swait.ge [sflag:s22], s20  }
0x9f: {  	s4 =	ssub.s32 $0x0, s20;
	[sflag:s22] =	ssyncset.done $0x0  }
0xa0: {  	[sflag:s22] =	ssyncadd.s32 s4;
	_ =	sdelay $0x1  }
0xa1: {  	s23 =	simm.s32 $0x1B8B  }
0xa2: {  	_ =	swait.ge [sflag:s23], $0x1  }
0xa3: {  	[sflag:s23] =	ssyncset.done $0x0  }
0xa4: {  	s25 =	simm.s32 $0x1B8E;
	s24 =	sld [smem:$0x3FFE];
	[sflag:s23] =	ssyncadd.s32 $0xFFFFFFFF  }
0xa5: {  	s26 =	simm.s32 $execute0_lowered;
	[smem:$0x3FD2] =	sst s25  }
0xa6: {  	s5 =	sshll.u32 s26, $0x1;
	_ =	strace $0x8000004C;
	[dreg:$0x1] =	wrdreg $0xFFFFFFFF  }
0xa7: {  	s28 =	simm.s32 $_size_execute0_lowered;
	s3 =	sadd.s32 s3, s5;
	[dreg:$0x0] =	wrdreg $0x0  }
0xa8: {  	s5 =	sshll.u32 s28, $0x1;
	[dreg:$0x2] =	wrdreg s3  }
0xa9: {  	[dreg:$0x3] =	wrdreg s5  }
0xaa: {  	[dreg:$0x4] =	wrdreg $0xC0  }
0xab: {  	_ =	task [dreg:s7], $0x5FFFF  }
0xac: {  	[dreg:$0x1] =	wrdreg $0xFFFFFFFF  }
0xad: {  	[dreg:$0x0] =	wrdreg $0x60  }
0xae: {  	[dreg:$0x2] =	wrdreg s24  }
0xaf: {  	[dreg:$0x3] =	wrdreg s2  }
0xb0: {  	[dreg:$0x4] =	wrdreg $0x9  }
0xb1: {  	_ =	task.clear_ibuf [dreg:s7], $0x5FFFF;
	_ =	strace $0x9000004C  }
0xb2: {  	s29 =	simm.s32 $0x9;
	_ =	strace $0x8000004E  }
0xb3: {  	_ =	swait.ge [sflag:s29], $0x1  }
0xb4: {  	[sflag:s29] =	ssyncadd.s32 $0xFFFFFFFF  }
0xb5: {  	_ =	strace $0x9000004E  }
0xb6: {  	_ =	sfence  }
0xb7: {  	s30 =	sld [smem:$0x0];
	_ =	sdelay $0x2  }
0xb8: {  	s31 =	sshll.u32 s1, $0xD;
	s1 =	sshrl.u32 s1, $0x2  }
0xb9: {  	s3 =	sand.u32 $0x4000, s31;
	s1 =	sadd.s32 s1, s30  }
0xba: {  	s0 =	sor.u32 s3, s0;
	s1 =	sshll.u32 s1, $0x11  }
0xbb: {  	s0 =	sor.u32 s1, s0  }
0xbc: {  	s0 =	sadd.s32 $0x8F2B, s0  }
0xbd: {  	[sflag:s0] =	ssyncadd.remote.s32 $0x1  }
0xbe: {  	_ =	sfence.sel $0xFFFF  }
0xbf: {  	[dreg:$0x0] =	wrdreg $0xFFFFFFFF;
	(pc) =	sbr.abs _section_cstart, $3  }
0xc0: {  	[dreg:$0x1] =	wrdreg $0xFFFFFFFF  }
0xc1: {  	_ =	task.clear_ibuf [dreg:s7], $0x2FFFF;
	_ =	strace $0x9FFFFFFF  }
0xc2: {  	(tm) =	ssettm $0x7FFFFFFF  }
0xc3: {  	_ =	shalt  }
tec
execute0_lowered:
.L_overlay_start_1:
0x0: {  	(tag) =	ssettag $0x1  }
0x1: {  	s3 =	rddreg [dreg:$0x0];
	s1 =	srdreg.scid  }
0x2: {  	s0 =	stileid.u32;
	s4 =	rddreg [dreg:$0x1];
	s2 =	simm.s32 $0x0  }
0x3: {  	s10 =	simm.s32 $0x1E7D0;
	s11 =	simm.s32 $0x1;
	s12 =	simm.s32 $0xA000  }
0x4: {  	s13 =	simm.s32 $0x2;
	s5 =	sand.u32 $0x1, s1;
	s6 =	sshll.u32 s0, $0x1  }
0x5: {  	s14 =	simm.s32 $0x14000;
	s1 =	rddreg [dreg:$0x2];
	s6 =	sor.u32 s5, s6  }
0x6: {  	s15 =	simm.s32 $0x0;
	[smem:$0x7FF] =	sst s2;
	s7 =	smul.u32 $0xA000, s6  }
0x7: {  	s8 =	sadd.s32 $0xCA00, s3;
	s5 =	ssub.s32 $0x2, s5;
	s6 =	smul.u32 $0x1400, s6  }
0x8: {  	s3 =	sadd.s32 $0x2C00, s3;
	_ =	strace $0x8000004D;
	s9 =	sshrl.u32 s5, $0x1  }
0x9: {  	s9 =	ssub.s32 s5, s9;
	s7 =	sshrl.u32 s7, $0x3;
	s4 =	sadd.s32 s4, s6  }
0xa: {  	s5 =	sadd.s32 s8, s6;
	s7 =	sadd.s32 s8, s7;
	s8 =	simm.s32 $0x3  }
0xb: {  	v0 =	vimm.f32 $0.0e+00;
	s6 =	sadd.s32 $0x28000, s7;
	s7 =	smax.u32 s9, $0x1;
	s9 =	simm.s32 $0x1E000  }
.LBB2_1:
0xc: {  	[tilespmem:s2], [sflag:$0x3] =	stream.linear.gather [hbm4b:s4+s2], $0xA000, $0x38;
	[tilespmem:$0x1EFA0] =	vst v63  }
0xd: {  	_ =	swait.ge [sflag:s8], $0xA000  }
0xe: {  	[sflag:s8] =	ssyncset.done $0x0  }
0xf: {  	s16 =	simm.s32 $0xA040;
	[sflag:s8] =	ssyncadd.s32 $0xFFFF6000  }
0x10: {  	[tilespmem:s16+$0xFFFFFFC0] =	vst v0  }
0x11: {  	[tilespmem:s16+$0x30] =	vst v0  }
0x12: {  	[tilespmem:s16+$0x20] =	vst v0  }
0x13: {  	[tilespmem:s16+$0x10] =	vst v0  }
0x14: {  	[tilespmem:s16+$0x0] =	vst v0  }
0x15: {  	[tilespmem:s16+$0xFFFFFFF0] =	vst v0  }
0x16: {  	s17 =	simm.s32 $0x0;
	[tilespmem:s16+$0xFFFFFFE0] =	vst v0  }
.LBB2_2:
0x17: {  	s17 =	sadd.s32 $0x8, s17;
	[tilespmem:s16+$0xFFFFFFD0] =	vst v0;
	s16 =	sadd.s32 $0x80, s16  }
0x18: {  	[tilespmem:s16+$0xFFFFFFC0] =	vst v0;
	p0 =	slt.u32 s17, $0x13F8  }
0x19: {  	[tilespmem:s16+$0x30] =	vst v0  }
.Ltmp0:
0x1a: {  	[tilespmem:s16+$0x20] =	vst v0;
	(pc) =	sbr.rel @p0 .LBB2_2-.Ltmp0, $4  }
0x1b: {  	[tilespmem:s16+$0x10] =	vst v0  }
0x1c: {  	[tilespmem:s16+$0x0] =	vst v0  }
0x1d: {  	[tilespmem:s16+$0xFFFFFFF0] =	vst v0  }
0x1e: {  	[tilespmem:s16+$0xFFFFFFE0] =	vst v0  }
0x1f: {  	[tilespmem:s16+$0xFFFFFFD0] =	vst v0;
	s16 =	simm.s32 $0x0  }
0x20: {  	[tilespmem:s9], [sflag:$0x1] =	stream.linear.gather [hbm4b:s3+s16], $0x7D0, $0x38;
	[tilespmem:$0x1EFA0] =	vst v63  }
.LBB2_4:
0x21: {  	s17 =	smul.u32 $0xFA0, s16;
	_ =	sdelay $0x1  }
0x22: {  	s18 =	sshrl.u32 s17, $0x3  }
0x23: {  	s18 =	sadd.s32 s3, s18  }
0x24: {  	s18 =	sadd.s32 $0xFA, s18  }
0x25: {  	[tilespmem:s10], [sflag:$0x2] =	stream.linear.gather [hbm4b:s18+s2], $0x7D0, $0x38;
	[tilespmem:$0x1EFA0] =	vst v63  }
0x26: {  	_ =	swait.ge [sflag:s11], $0x7D0  }
0x27: {  	[sflag:s11] =	ssyncset.done $0x0  }
0x28: {  	s30 =	simm.s32 $0x1E020;
	[sflag:s11] =	ssyncadd.s32 $0xFFFFF830  }
0x29: {  	v2 =	vld [tilespmem:s30+$0xFFFFFFE0]  }
0x2a: {  	v3 =	vld [tilespmem:s30+$0xFFFFFFF0]  }
0x2b: {  	v6 =	vld [tilespmem:s30+$0x10]  }
0x2c: {  	v7 =	vld [tilespmem:s30+$0x0];
	_ =	sdelay $0x2  }
0x2d: {  	v8 =	vand.u32 $0x7, v3;
	v4 =	vshrl.u32 v3, $0x10;
	v9 =	vand.u32 $0xFFFF, v2  }
0x2e: {  	v1 =	vand.u32 $0x7, v6;
	v10 =	vand.u32 $0x7, v2;
	v5 =	vand.u32 $0xFFFF, v6  }
0x2f: {  	v12 =	vand.u32 $0xFFFF, v7;
	v19 =	vshrl.u32 v7, $0x10;
	v15 =	vand.u32 $0xFFFF, v3  }
0x30: {  	v2 =	vshrl.u32 v2, $0x10;
	v6 =	vshrl.u32 v6, $0x10;
	v34 =	vand.u32 $0x7, v7  }
0x31: {  	v11 =	vadd.s32 $0x2800, v9;
	v13 =	vadd.s32 $0x2800, v12;
	v14 =	vadd.s32 $0x2800, v19  }
0x32: {  	v3 =	vand.u32 $0x7, v4;
	v16 =	vadd.s32 $0x5000, v15;
	v17 =	vadd.s32 $0xA000, v19  }
0x33: {  	v18 =	vadd.s32 $0xA000, v4;
	v20 =	vadd.s32 $0xC800, v19;
	v21 =	vadd.s32 $0x2800, v5  }
0x34: {  	v22 =	vadd.s32 $0xA000, v2;
	v51 =	vand.u32 $0x7, v2;
	v25 =	vadd.s32 $0x11800, v4  }
0x35: {  	v26 =	vadd.s32 $0xF000, v2;
	v28 =	vand.u32 $0x7, v6;
	v27 =	vadd.s32 $0x2800, v15  }
0x36: {  	v39 =	vand.u32 $0x7, v19;
	v30 =	vadd.s32 $0x5000, v9;
	v32 =	vadd.s32 $0x2800, v6  }
0x37: {  	v37 =	vadd.s32 $0xC800, v6;
	v60 =	vadd.s32 $0x5000, v12;
	v46 =	vadd.s32 $0x2800, v4  }
0x38: {  	v63 =	vadd.s32 $0xF000, v4;
	v18 =	vand.u32 $0x1FFF8, v18;
	v22 =	vand.u32 $0x1FFF8, v22  }
0x39: {  	v23 =	vand.u32 $0x1FFF8, v13;
	v7 =	vand.u32 $0x1FFF8, v21;
	v21 =	vadd.s32 $0x2800, v2  }
0x3a: {  	v20 =	vand.u32 $0x1FFF8, v20;
	v36 =	vand.u32 $0x1FFF8, v27;
	v17 =	vand.u32 $0x1FFF8, v17  }
0x3b: {  	v14 =	vand.u32 $0x1FFF8, v14;
	v11 =	vand.u32 $0x1FFF8, v11;
	v26 =	vand.u32 $0x1FFF8, v26  }
0x3c: {  	v62 =	vand.u32 $0x1FFF8, v46;
	v16 =	vand.u32 $0x1FFF8, v16;
	v25 =	vand.u32 $0x3FFF8, v25  }
0x3d: {  	v29 =	vor.u32 v51, v22;
	v22 =	vadd.s32 $0xA000, v6;
	v33 =	vor.u32 v34, v23  }
0x3e: {  	v0 =	vor.u32 v39, v20;
	v40 =	vand.u32 $0x1FFF8, v21;
	v21 =	vand.u32 $0x1FFF8, v30  }
0x3f: {  	v30 =	vand.u32 $0x1FFF8, v37;
	v18 =	vor.u32 v3, v18;
	v37 =	vor.u32 v39, v14  }
0x40: {  	v14 =	vor.u32 v10, v11;
	v11 =	vadd.s32 $0xC800, v4;
	v16 =	vor.u32 v8, v16;
	v23 =	vld.idx.msk [tilespmem:v5+s2+$0x0], $0xffff  }
0x41: {  	v24 =	vand.u32 $0x1FFF8, v22;
	v11 =	vand.u32 $0x1FFF8, v11;
	v50 =	vor.u32 v28, v30;
	v31 =	vld.idx.msk [tilespmem:v15+s2+$0x0], $0xffff  }
0x42: {  	v35 =	vor.u32 v28, v24;
	v24 =	vadd.s32 $0xC800, v2;
	v27 =	vld.idx.msk [tilespmem:v12+s2+$0x0], $0xffff;
	[tilespmem:$0x1FF90] =	vst v0;
	v0 =	vor.u32 v10, v21  }
0x43: {  	v30 =	vor.u32 v39, v17;
	v20 =	vand.u32 $0x1FFF8, v24;
	v38 =	vld.idx.msk [tilespmem:v9+s2+$0x0], $0xffff;
	[tilespmem:$0x1FF80] =	vst v0;
	v0 =	vadd.s32 $0x7800, v19  }
0x44: {  	v42 =	vor.u32 v51, v20;
	v20 =	vand.u32 $0x1FFF8, v32;
	v32 =	vand.u32 $0x1FFF8, v60  }
0x45: {  	v49 =	vor.u32 v3, v11;
	v11 =	vor.u32 v1, v7;
	[tilespmem:$0x1FFB0] =	vst v0;
	v0 =	vor.u32 v34, v32  }
0x46: {  	v7 =	vadd.s32 $0x5000, v2;
	[tilespmem:$0x1FFA0] =	vst v0;
	v0 =	vor.u32 v51, v26;
	v26 =	vor.u32 v8, v36  }
0x47: {  	v9 =	vadd.s32 $0x7800, v9;
	v7 =	vand.u32 $0x1FFF8, v7;
	v44 =	vunpack.i.l.bf16.f32 v31;
	[tilespmem:$0x1FFC0] =	vst v0  }
0x48: {  	v9 =	vand.u32 $0x1FFF8, v9;
	v46 =	vor.u32 v51, v7;
	v61 =	vunpack.i.u.bf16.f32 v31;
	[tilespmem:v4+s12+$0x0] =	vst.idx.add.f32.msk $0xffff, v44  }
0x49: {  	v0 =	vor.u32 v10, v9;
	v9 =	vadd.s32 $0x7800, v15;
	v15 =	vadd.s32 $0x5000, v5;
	[tilespmem:v18+s12+$0x0] =	vst.idx.add.f32.msk $0xffff, v61  }
0x4a: {  	v9 =	vand.u32 $0x1FFF8, v9;
	v7 =	vand.u32 $0x1FFF8, v15;
	v15 =	vadd.s32 $0xF000, v6;
	[tilespmem:$0x1FFF0] =	vst v0  }
0x4b: {  	v0 =	vor.u32 v8, v9;
	v8 =	vadd.s32 $0x5000, v6;
	v10 =	vld.idx.msk [tilespmem:v26+s2+$0x0], $0xffff;
	v26 =	vor.u32 v1, v7  }
0x4c: {  	v7 =	vand.u32 $0x1FFF8, v8;
	v8 =	vand.u32 $0x1FFF8, v15;
	v15 =	vadd.s32 $0x7800, v2  }
0x4d: {  	v17 =	vadd.s32 $0xF000, v19;
	v12 =	vadd.s32 $0x7800, v12;
	[tilespmem:$0x1FFD0] =	vst v0;
	v0 =	vand.u32 $0x1FFF8, v15  }
0x4e: {  	v45 =	vunpack.i.l.bf16.f32 v23;
	v55 =	vor.u32 v28, v8;
	v8 =	vadd.s32 $0x11800, v6;
	[tilespmem:$0x1FFE0] =	vst v0  }
0x4f: {  	v17 =	vand.u32 $0x1FFF8, v17;
	v41 =	vunpack.i.u.bf16.f32 v23;
	v8 =	vand.u32 $0x3FFF8, v8;
	[tilespmem:v6+s12+$0x0] =	vst.idx.add.f32.msk $0xffff, v45  }
0x50: {  	v53 =	vor.u32 v28, v7;
	v7 =	vadd.s32 $0x7800, v6;
	v0 =	vor.u32 v28, v8;
	[tilespmem:v35+s12+$0x0] =	vst.idx.add.f32.msk $0xffff, v41  }
0x51: {  	v43 =	vor.u32 v28, v20;
	v7 =	vand.u32 $0x1FFF8, v7;
	[tilespmem:$0x1FF20] =	vst v0;
	v0 =	vor.u32 v3, v25  }
0x52: {  	s31 =	simm.s32 $0x1E060;
	v36 =	vor.u32 v3, v62;
	v18 =	vadd.s32 $0x5000, v19;
	v48 =	vor.u32 v28, v7;
	[tilespmem:$0x1FF30] =	vst v0  }
0x53: {  	v57 =	vunpack.i.l.bf16.f32 v10;
	v28 =	vunpack.i.u.bf16.f32 v10;
	v10 =	vand.u32 $0x1FFF8, v18;
	v25 =	vld [tilespmem:s31+$0xFFFFFFF0]  }
0x54: {  	v24 =	vunpack.i.u.bf16.f32 v27;
	v54 =	vor.u32 v39, v10;
	v10 =	vand.u32 $0x1FFF8, v12;
	v35 =	vld [tilespmem:s31+$0xFFFFFFE0]  }
0x55: {  	v5 =	vadd.s32 $0x7800, v5;
	v6 =	vadd.s32 $0x7800, v4;
	v8 =	vor.u32 v34, v10;
	v34 =	vld.idx.msk [tilespmem:v11+s2+$0x0], $0xffff  }
0x56: {  	v5 =	vand.u32 $0x1FFF8, v5;
	v7 =	vand.u32 $0x1FFF8, v6;
	v6 =	vor.u32 v39, v17;
	v17 =	vld [tilespmem:s31+$0x10]  }
0x57: {  	v47 =	vunpack.i.l.bf16.f32 v38;
	v38 =	vunpack.i.u.bf16.f32 v38;
	v58 =	vor.u32 v1, v5;
	v45 =	vld [tilespmem:s31+$0x0]  }
0x58: {  	v1 =	vand.u32 $0x1FFF8, v63;
	v15 =	vadd.s32 $0x11800, v2;
	v4 =	vadd.s32 $0x5000, v4;
	[tilespmem:v36+s12+$0x0] =	vst.idx.add.f32.msk $0xffff, v57  }
0x59: {  	v4 =	vand.u32 $0x1FFF8, v4;
	v41 =	vor.u32 v3, v1;
	v7 =	vor.u32 v3, v7;
	[tilespmem:v49+s12+$0x0] =	vst.idx.add.f32.msk $0xffff, v28  }
0x5a: {  	v59 =	vor.u32 v3, v4;
	v10 =	vand.u32 $0x3FFF8, v15;
	v22 =	vld.idx.msk [tilespmem:v16+s2+$0x0], $0xffff;
	v16 =	vunpack.i.l.bf16.f32 v34  }
0x5b: {  	v11 =	vor.u32 v51, v10;
	v52 =	vand.u32 $0x7, v25;
	v44 =	vunpack.i.u.bf16.f32 v34;
	[tilespmem:v43+s12+$0x0] =	vst.idx.add.f32.msk $0xffff, v16  }
0x5c: {  	v3 =	vshrl.u32 v25, $0x10;
	v10 =	vand.u32 $0x7, v17;
	v62 =	vand.u32 $0xFFFF, v45;
	[tilespmem:v50+s12+$0x0] =	vst.idx.add.f32.msk $0xffff, v44  }
0x5d: {  	v63 =	vand.u32 $0xFFFF, v25;
	v28 =	vshrl.u32 v17, $0x10;
	v25 =	vadd.s32 $0x2800, v62;
	v36 =	vld.idx.msk [tilespmem:v26+s2+$0x0], $0xffff  }
0x5e: {  	v15 =	vand.u32 $0xFFFF, v17;
	v17 =	vand.u32 $0x1FFF8, v25;
	v25 =	vadd.s32 $0xA000, v28  }
0x5f: {  	[tilespmem:v2+s12+$0x0] =	vst.idx.add.f32.msk $0xffff, v47;
	v57 =	vshrl.u32 v35, $0x10;
	v50 =	vand.u32 $0x1FFF8, v25;
	v25 =	vand.u32 $0x7, v45  }
0x60: {  	v23 =	vor.u32 v51, v40;
	[tilespmem:v29+s12+$0x0] =	vst.idx.add.f32.msk $0xffff, v38;
	v20 =	vand.u32 $0x7, v57;
	v0 =	vor.u32 v25, v17  }
0x61: {  	v38 =	vld.idx.msk [tilespmem:v14+s2+$0x0], $0xffff;
	v32 =	vunpack.i.l.bf16.f32 v22;
	v26 =	vand.u32 $0x7, v28;
	v17 =	vadd.s32 $0xC800, v57;
	[tilespmem:$0x1FF40] =	vst v0  }
0x62: {  	v43 =	vor.u32 v26, v50;
	v17 =	vand.u32 $0x1FFF8, v17;
	[tilespmem:v59+s12+$0x0] =	vst.idx.add.f32.msk $0xffff, v32;
	v50 =	vunpack.i.l.bf16.f32 v36  }
0x63: {  	v27 =	vunpack.i.l.bf16.f32 v27;
	v9 =	vadd.s32 $0x11800, v19;
	v0 =	vor.u32 v20, v17;
	[tilespmem:v53+s12+$0x0] =	vst.idx.add.f32.msk $0xffff, v50  }
0x64: {  	v60 =	vand.u32 $0xFFFF, v35;
	v4 =	vshrl.u32 v45, $0x10;
	v45 =	vld.idx.msk [tilespmem:v15+s2+$0x0], $0xffff;
	v59 =	vadd.s32 $0x2800, v28;
	[tilespmem:$0x1FF50] =	vst v0  }
0x65: {  	v56 =	vand.u32 $0x7, v35;
	v0 =	vand.u32 $0x1FFF8, v59;
	v59 =	vadd.s32 $0x5000, v60;
	v50 =	vld.idx.msk [tilespmem:v62+s2+$0x0], $0xffff  }
0x66: {  	v34 =	vadd.s32 $0x2800, v15;
	v32 =	vunpack.i.l.bf16.f32 v38;
	[tilespmem:v19+s12+$0x0] =	vst.idx.add.f32.msk $0xffff, v27;
	v19 =	vand.u32 $0x1FFF8, v59  }
0x67: {  	v44 =	vand.u32 $0x1FFF8, v34;
	[tilespmem:v23+s12+$0x0] =	vst.idx.add.f32.msk $0xffff, v32;
	v34 =	vor.u32 v26, v0;
	v0 =	vor.u32 v56, v19  }
0x68: {  	[tilespmem:$0x1FF60] =	vst v0;
	v0 =	vunpack.i.u.bf16.f32 v36  }
0x69: {  	[tilespmem:v55+s12+$0x0] =	vst.idx.add.f32.msk $0xffff, v0  }
0x6a: {  	[tilespmem:v30+s12+$0x0] =	vst.idx.add.f32.msk $0xffff, v24;
	v0 =	vunpack.i.u.bf16.f32 v50  }
0x6b: {  	v21 =	vld.idx.msk [tilespmem:v63+s2+$0x0], $0xffff;
	[tilespmem:$0x1FF70] =	vst v0  }
0x6c: {  	v61 =	vadd.s32 $0x2800, v60;
	v30 =	vunpack.i.l.bf16.f32 v50;
	v50 =	vld.idx.msk [tilespmem:v33+s2+$0x0], $0xffff  }
0x6d: {  	v24 =	vand.u32 $0x1FFF8, v61;
	v61 =	vunpack.i.u.bf16.f32 v38  }
0x6e: {  	v29 =	vadd.s32 $0x2800, v63;
	v22 =	vunpack.i.u.bf16.f32 v22;
	[tilespmem:v42+s12+$0x0] =	vst.idx.add.f32.msk $0xffff, v61  }
0x6f: {  	v31 =	vand.u32 $0x1FFF8, v29;
	v29 =	vunpack.i.u.bf16.f32 v45;
	v45 =	vunpack.i.l.bf16.f32 v45;
	[tilespmem:v41+s12+$0x0] =	vst.idx.add.f32.msk $0xffff, v22  }
0x70: {  	[tilespmem:v28+s12+$0x0] =	vst.idx.add.f32.msk $0xffff, v45  }
0x71: {  	[tilespmem:v43+s12+$0x0] =	vst.idx.add.f32.msk $0xffff, v29;
	v45 =	vunpack.i.l.bf16.f32 v50  }
0x72: {  	[tilespmem:v37+s12+$0x0] =	vst.idx.add.f32.msk $0xffff, v45  }
0x73: {  	v0 =	vld [tilespmem:$0x1FF80]  }
0x74: {  	v1 =	vand.u32 $0x3FFF8, v9  }
0x75: {  	v12 =	vor.u32 v39, v1;
	v49 =	vadd.s32 $0x2800, v4;
	v1 =	vadd.s32 $0xA000, v3  }
0x76: {  	v35 =	vand.u32 $0x1FFF8, v1;
	v1 =	vand.u32 $0x1FFF8, v49;
	v49 =	vld.idx.msk [tilespmem:v60+s2+$0x0], $0xffff  }
0x77: {  	v40 =	vadd.s32 $0x2800, v57  }
0x78: {  	v40 =	vand.u32 $0x1FFF8, v40;
	v27 =	vadd.s32 $0xC800, v28  }
0x79: {  	v59 =	vand.u32 $0x1FFF8, v27;
	v27 =	vor.u32 v20, v40;
	v40 =	vadd.s32 $0x5000, v62  }
0x7a: {  	v42 =	vunpack.i.l.bf16.f32 v21;
	v61 =	vunpack.i.u.bf16.f32 v21;
	v21 =	vand.u32 $0x1FFF8, v40  }
0x7b: {  	v40 =	vunpack.i.l.bf16.f32 v49;
	v38 =	vunpack.i.u.bf16.f32 v49;
	v49 =	vadd.s32 $0x7800, v60;
	v60 =	vld.idx.msk [tilespmem:v0+s2+$0x0], $0xffff  }
0x7c: {  	v0 =	vld [tilespmem:$0x1FF90];
	_ =	sdelay $0x6  }
0x7d: {  	v50 =	vunpack.i.u.bf16.f32 v50;
	[tilespmem:v3+s12+$0x0] =	vst.idx.add.f32.msk $0xffff, v42  }
0x7e: {  	[tilespmem:v0+s12+$0x0] =	vst.idx.add.f32.msk $0xffff, v50  }
0x7f: {  	v5 =	vand.u32 $0x7, v3;
	v0 =	vld [tilespmem:$0x1FFA0]  }
0x80: {  	v32 =	vor.u32 v5, v35;
	_ =	sdelay $0x2  }
0x81: {  	v9 =	vadd.s32 $0xA000, v4;
	v29 =	vadd.s32 $0xC800, v3  }
0x82: {  	v33 =	vor.u32 v52, v31;
	v29 =	vand.u32 $0x1FFF8, v29;
	v31 =	vand.u32 $0x1FFF8, v49  }
0x83: {  	v50 =	vor.u32 v5, v29;
	v29 =	vor.u32 v56, v31;
	v31 =	vunpack.i.l.bf16.f32 v60;
	[tilespmem:v32+s12+$0x0] =	vst.idx.add.f32.msk $0xffff, v61  }
0x84: {  	v2 =	vand.u32 $0x7, v4;
	v47 =	vand.u32 $0x1FFF8, v9;
	[tilespmem:v46+s12+$0x0] =	vst.idx.add.f32.msk $0xffff, v31  }
0x85: {  	v37 =	vor.u32 v2, v47;
	v47 =	vadd.s32 $0x7800, v62;
	v62 =	vld.idx.msk [tilespmem:v0+s2+$0x0], $0xffff  }
0x86: {  	v0 =	vld [tilespmem:$0x1FFB0];
	_ =	sdelay $0x3  }
0x87: {  	v58 =	vld.idx.msk [tilespmem:v58+s2+$0x0], $0xffff  }
0x88: {  	v46 =	vand.u32 $0x1FFF8, v0;
	v0 =	vld [tilespmem:$0x1FFC0];
	_ =	sdelay $0x2  }
0x89: {  	v41 =	vor.u32 v26, v59  }
0x8a: {  	v59 =	vadd.s32 $0x7800, v63;
	v45 =	vunpack.i.u.bf16.f32 v58;
	v42 =	vunpack.i.l.bf16.f32 v58  }
0x8b: {  	v58 =	vand.u32 $0x1FFF8, v59;
	v59 =	vunpack.i.u.bf16.f32 v60;
	v60 =	vadd.s32 $0x5000, v15;
	[tilespmem:v48+s12+$0x0] =	vst.idx.add.f32.msk $0xffff, v42  }
0x8c: {  	v61 =	vand.u32 $0x1FFF8, v60;
	v60 =	vunpack.i.l.bf16.f32 v62;
	[tilespmem:v57+s12+$0x0] =	vst.idx.add.f32.msk $0xffff, v40  }
0x8d: {  	[tilespmem:v54+s12+$0x0] =	vst.idx.add.f32.msk $0xffff, v60  }
0x8e: {  	[tilespmem:v0+s12+$0x0] =	vst.idx.add.f32.msk $0xffff, v59  }
0x8f: {  	v0 =	vld [tilespmem:$0x1FFD0];
	_ =	sdelay $0x7  }
0x90: {  	v16 =	vadd.s32 $0xA000, v57;
	v60 =	vld.idx.msk [tilespmem:v0+s2+$0x0], $0xffff  }
0x91: {  	v13 =	vadd.s32 $0xC800, v4;
	v16 =	vand.u32 $0x1FFF8, v16;
	v0 =	vld [tilespmem:$0x1FFE0]  }
0x92: {  	v13 =	vand.u32 $0x1FFF8, v13;
	v16 =	vor.u32 v20, v16  }
0x93: {  	v18 =	vor.u32 v2, v13;
	v35 =	vadd.s32 $0x11800, v3;
	v19 =	vor.u32 v2, v1  }
0x94: {  	v55 =	vadd.s32 $0x5000, v63;
	v36 =	vor.u32 v56, v24;
	v24 =	vadd.s32 $0xF000, v57  }
0x95: {  	v55 =	vand.u32 $0x1FFF8, v55;
	v22 =	vand.u32 $0x1FFF8, v24;
	v63 =	vadd.s32 $0x5000, v28  }
0x96: {  	v24 =	vor.u32 v20, v22;
	v32 =	vor.u32 v52, v58;
	v58 =	vor.u32 v51, v0;
	v0 =	vld [tilespmem:$0x1FFF0]  }
0x97: {  	v22 =	vadd.s32 $0x7800, v4;
	v23 =	vor.u32 v25, v21;
	v21 =	vadd.s32 $0x2800, v3  }
0x98: {  	v43 =	vor.u32 v52, v55;
	v55 =	vor.u32 v10, v44;
	v21 =	vand.u32 $0x1FFF8, v21  }
0x99: {  	v53 =	vor.u32 v5, v21;
	v49 =	vadd.s32 $0xF000, v4;
	v31 =	vadd.s32 $0x5000, v57;
	v59 =	vld.idx.msk [tilespmem:v33+s2+$0x0], $0xffff  }
0x9a: {  	v31 =	vand.u32 $0x1FFF8, v31;
	v52 =	vor.u32 v10, v61;
	v61 =	vand.u32 $0x1FFF8, v63  }
0x9b: {  	v63 =	vadd.s32 $0xF000, v28;
	v31 =	vor.u32 v20, v31;
	v44 =	vor.u32 v26, v61  }
0x9c: {  	v48 =	vadd.s32 $0x11800, v4;
	v40 =	vadd.s32 $0x7800, v57;
	v54 =	vand.u32 $0x1FFF8, v63  }
0x9d: {  	v56 =	vor.u32 v39, v46;
	v46 =	vadd.s32 $0x11800, v57;
	v42 =	vor.u32 v26, v54  }
0x9e: {  	s19 =	simm.s32 $0x1E0A0;
	s18 =	simm.s32 $0x4;
	v54 =	vunpack.i.u.bf16.f32 v62;
	v33 =	vand.u32 $0x1FFF8, v40;
	v51 =	vunpack.i.l.bf16.f32 v59;
	v61 =	vld.idx.msk [tilespmem:v0+s2+$0x0], $0xffff  }
.LBB2_5:
0x9f: {  	_ =	sdelay $0x2  }
0xa0: {  	[tilespmem:$0x1FEC0] =	vst v18;
	v39 =	vadd.s32 $0x7800, v28;
	v28 =	vadd.s32 $0x11800, v28;
	v63 =	vld [tilespmem:s19+$0x10]  }
0xa1: {  	v18 =	vadd.s32 $0x7800, v3;
	v39 =	vand.u32 $0x1FFF8, v39;
	v28 =	vand.u32 $0x3FFF8, v28;
	[tilespmem:v6+s12+$0x0] =	vst.idx.add.f32.msk $0xffff, v54  }
0xa2: {  	v18 =	vand.u32 $0x1FFF8, v18;
	v0 =	vor.u32 v26, v39;
	v26 =	vor.u32 v26, v28;
	v54 =	vld [tilespmem:s19+$0xFFFFFFE0]  }
0xa3: {  	v18 =	vor.u32 v5, v18;
	v28 =	vunpack.i.l.bf16.f32 v60;
	v57 =	vunpack.i.u.bf16.f32 v60;
	v60 =	vld [tilespmem:s19+$0xFFFFFFF0]  }
0xa4: {  	v40 =	vadd.s32 $0x5000, v4;
	[tilespmem:$0x1FED0] =	vst v0;
	v1 =	vmov v18;
	v6 =	vld [tilespmem:$0x1FF20]  }
0xa5: {  	v47 =	vand.u32 $0x1FFF8, v47;
	v40 =	vand.u32 $0x1FFF8, v40;
	v18 =	vand.u32 $0x1FFF8, v49;
	[tilespmem:$0x1FF10] =	vst v1;
	v62 =	vld [tilespmem:s19+$0x0]  }
0xa6: {  	v39 =	vunpack.i.l.bf16.f32 v61;
	[tilespmem:v7+s12+$0x0] =	vst.idx.add.f32.msk $0xffff, v28;
	v28 =	vadd.s32 $0xF000, v3;
	v3 =	vadd.s32 $0x5000, v3  }
0xa7: {  	v0 =	vunpack.i.u.bf16.f32 v61;
	v1 =	vor.u32 v2, v40;
	[tilespmem:v58+s12+$0x0] =	vst.idx.add.f32.msk $0xffff, v39;
	v3 =	vand.u32 $0x1FFF8, v3  }
0xa8: {  	[tilespmem:$0x1FEF0] =	vst v1;
	v1 =	vor.u32 v2, v18;
	v58 =	vld.idx.msk [tilespmem:v8+s2+$0x0], $0xffff;
	v61 =	vor.u32 v5, v3;
	v3 =	vand.u32 $0x1FFF8, v28  }
0xa9: {  	[tilespmem:$0x1FEE0] =	vst v1;
	v1 =	vor.u32 v25, v47;
	v47 =	vor.u32 v5, v3;
	v3 =	vld [tilespmem:$0x1FF30]  }
0xaa: {  	[tilespmem:v53+s12+$0x0] =	vst.idx.add.f32.msk $0xffff, v51  }
0xab: {  	v53 =	vld.idx.msk [tilespmem:v55+s2+$0x0], $0xffff  }
0xac: {  	v15 =	vadd.s32 $0x7800, v15;
	v25 =	vand.u32 $0x3FFF8, v46;
	[tilespmem:v11+s12+$0x0] =	vst.idx.add.f32.msk $0xffff, v0  }
0xad: {  	v15 =	vand.u32 $0x1FFF8, v15;
	v40 =	vor.u32 v20, v25;
	[tilespmem:v16+s12+$0x0] =	vst.idx.add.f32.msk $0xffff, v38;
	v25 =	vunpack.i.l.bf16.f32 v58  }
0xae: {  	v35 =	vand.u32 $0x3FFF8, v35;
	v55 =	vor.u32 v10, v15;
	v15 =	vand.u32 $0xFFFF, v63;
	[tilespmem:v56+s12+$0x0] =	vst.idx.add.f32.msk $0xffff, v25  }
0xaf: {  	v35 =	vor.u32 v5, v35;
	v49 =	vand.u32 $0xFFFF, v54;
	v5 =	vunpack.i.u.bf16.f32 v58;
	[tilespmem:v6+s12+$0x0] =	vst.idx.add.f32.msk $0xffff, v45  }
0xb0: {  	[tilespmem:v12+s12+$0x0] =	vst.idx.add.f32.msk $0xffff, v5  }
0xb1: {  	[tilespmem:v3+s12+$0x0] =	vst.idx.add.f32.msk $0xffff, v57;
	v3 =	vmov v35  }
0xb2: {  	v36 =	vld.idx.msk [tilespmem:v36+s2+$0x0], $0xffff;
	[tilespmem:$0x1FF30] =	vst v3;
	v3 =	vshrl.u32 v60, $0x10  }
0xb3: {  	v59 =	vunpack.i.u.bf16.f32 v59;
	v8 =	vld.idx.msk [tilespmem:v15+s2+$0x0], $0xffff;
	v28 =	vadd.s32 $0xA000, v3  }
0xb4: {  	v0 =	vand.u32 $0x3FFF8, v48;
	v16 =	vld.idx.msk [tilespmem:v49+s2+$0x0], $0xffff;
	v7 =	vand.u32 $0x1FFF8, v28;
	v28 =	vunpack.i.l.bf16.f32 v53  }
0xb5: {  	v51 =	vshrl.u32 v54, $0x10;
	v6 =	vmovc v26;
	v26 =	vunpack.i.u.bf16.f32 v53;
	v57 =	vand.u32 $0xFFFF, v62;
	[tilespmem:v34+s12+$0x0] =	vst.idx.add.f32.msk $0xffff, v28  }
0xb6: {  	v48 =	vand.u32 $0x7, v54;
	v54 =	vand.u32 $0x7, v51;
	v53 =	vadd.s32 $0xA000, v51;
	[tilespmem:v41+s12+$0x0] =	vst.idx.add.f32.msk $0xffff, v26  }
0xb7: {  	v25 =	vadd.s32 $0x2800, v57;
	v34 =	vand.u32 $0x1FFF8, v53;
	v28 =	vshrl.u32 v63, $0x10;
	v52 =	vld.idx.msk [tilespmem:v52+s2+$0x0], $0xffff  }
0xb8: {  	[tilespmem:v50+s12+$0x0] =	vst.idx.add.f32.msk $0xffff, v59;
	v53 =	vand.u32 $0x1FFF8, v25;
	v25 =	vadd.s32 $0xA000, v28;
	v21 =	vor.u32 v54, v34  }
0xb9: {  	v43 =	vld.idx.msk [tilespmem:v43+s2+$0x0], $0xffff;
	v26 =	vand.u32 $0x7, v28;
	v13 =	vadd.s32 $0x2800, v28;
	v34 =	vand.u32 $0x1FFF8, v25  }
0xba: {  	v9 =	vld.idx.msk [tilespmem:v57+s2+$0x0], $0xffff;
	v13 =	vand.u32 $0x1FFF8, v13;
	v11 =	vor.u32 v26, v34;
	v34 =	vadd.s32 $0x2800, v51  }
0xbb: {  	[tilespmem:v4+s12+$0x0] =	vst.idx.add.f32.msk $0xffff, v30;
	v18 =	vand.u32 $0x1FFF8, v34;
	v34 =	vor.u32 v26, v13;
	v13 =	vunpack.i.l.bf16.f32 v36  }
0xbc: {  	[tilespmem:v27+s12+$0x0] =	vst.idx.add.f32.msk $0xffff, v13;
	v17 =	vunpack.i.l.bf16.f32 v52  }
0xbd: {  	v13 =	vunpack.i.u.bf16.f32 v52;
	[tilespmem:v44+s12+$0x0] =	vst.idx.add.f32.msk $0xffff, v17  }
0xbe: {  	[tilespmem:v42+s12+$0x0] =	vst.idx.add.f32.msk $0xffff, v13  }
0xbf: {  	v56 =	vand.u32 $0xFFFF, v60;
	v44 =	vld.idx.msk [tilespmem:v55+s2+$0x0], $0xffff  }
0xc0: {  	[tilespmem:$0x1FF00] =	vst v1;
	v1 =	vmovc v22;
	v22 =	vmovc v19;
	v45 =	vadd.s32 $0x2800, v49;
	v19 =	vunpack.i.u.bf16.f32 v8;
	v8 =	vunpack.i.l.bf16.f32 v8;
	v55 =	vld [tilespmem:$0x1FF40]  }
0xc1: {  	v30 =	vand.u32 $0x1FFF8, v45;
	v38 =	vunpack.i.l.bf16.f32 v43;
	v13 =	vunpack.i.u.bf16.f32 v9;
	[tilespmem:v28+s12+$0x0] =	vst.idx.add.f32.msk $0xffff, v8  }
0xc2: {  	v8 =	vunpack.i.u.bf16.f32 v36;
	v36 =	vor.u32 v48, v30;
	v30 =	vunpack.i.l.bf16.f32 v9;
	v9 =	vld [tilespmem:$0x1FF70]  }
0xc3: {  	[tilespmem:v61+s12+$0x0] =	vst.idx.add.f32.msk $0xffff, v38  }
0xc4: {  	v61 =	vld.idx.msk [tilespmem:v56+s2+$0x0], $0xffff;
	_ =	sdelay $0x2  }
0xc5: {  	v46 =	vand.u32 $0x7, v60;
	v50 =	vshrl.u32 v62, $0x10;
	[tilespmem:v37+s12+$0x0] =	vst.idx.add.f32.msk $0xffff, v9  }
0xc6: {  	v58 =	vadd.s32 $0x2800, v15;
	v59 =	vadd.s32 $0x2800, v50;
	v60 =	vadd.s32 $0xA000, v50;
	v52 =	vld.idx.msk [tilespmem:v55+s2+$0x0], $0xffff  }
0xc7: {  	[tilespmem:$0x1FF20] =	vst v6;
	v6 =	vadd.s32 $0xC800, v50;
	v17 =	vunpack.i.l.bf16.f32 v61;
	v55 =	vunpack.i.u.bf16.f32 v61;
	v61 =	vld [tilespmem:$0x1FF50]  }
0xc8: {  	v4 =	vmovc v50;
	v25 =	vand.u32 $0x7, v62;
	v62 =	vand.u32 $0x1FFF8, v58;
	v58 =	vand.u32 $0x7, v50;
	v50 =	vld [tilespmem:$0x1FF60]  }
0xc9: {  	v0 =	vor.u32 v2, v0  }
0xca: {  	v39 =	vmov v0;
	v0 =	vadd.s32 $0x5000, v56;
	v12 =	vadd.s32 $0x5000, v49  }
0xcb: {  	v10 =	vand.u32 $0x7, v63;
	v12 =	vand.u32 $0x1FFF8, v12;
	v0 =	vand.u32 $0x1FFF8, v0  }
0xcc: {  	v12 =	vor.u32 v48, v12;
	v5 =	vand.u32 $0x7, v3;
	v6 =	vand.u32 $0x1FFF8, v6  }
0xcd: {  	v63 =	vadd.s32 $0x2800, v56;
	v7 =	vor.u32 v5, v7;
	v41 =	vadd.s32 $0xF000, v51;
	[tilespmem:v3+s12+$0x0] =	vst.idx.add.f32.msk $0xffff, v17  }
0xce: {  	v63 =	vand.u32 $0x1FFF8, v63;
	v14 =	vadd.s32 $0xC800, v28;
	v38 =	vadd.s32 $0xC800, v51;
	[tilespmem:v11+s12+$0x0] =	vst.idx.add.f32.msk $0xffff, v19  }
0xcf: {  	v53 =	vor.u32 v25, v53;
	v38 =	vand.u32 $0x1FFF8, v38;
	v27 =	vand.u32 $0x1FFF8, v59;
	[tilespmem:v61+s12+$0x0] =	vst.idx.add.f32.msk $0xffff, v8  }
0xd0: {  	v38 =	vor.u32 v54, v38;
	v37 =	vunpack.i.u.bf16.f32 v43;
	v61 =	vor.u32 v46, v63;
	v63 =	vld.idx.msk [tilespmem:v50+s2+$0x0], $0xffff  }
0xd1: {  	v14 =	vand.u32 $0x1FFF8, v14;
	v42 =	vor.u32 v58, v27;
	v27 =	vor.u32 v54, v18;
	[tilespmem:v47+s12+$0x0] =	vst.idx.add.f32.msk $0xffff, v37  }
0xd2: {  	v18 =	vunpack.i.l.bf16.f32 v16;
	v43 =	vadd.s32 $0x2800, v3;
	[tilespmem:v7+s12+$0x0] =	vst.idx.add.f32.msk $0xffff, v55;
	v7 =	vunpack.i.l.bf16.f32 v52  }
0xd3: {  	v6 =	vor.u32 v58, v6;
	v17 =	vadd.s32 $0x5000, v28;
	v45 =	vand.u32 $0x1FFF8, v43;
	[tilespmem:v22+s12+$0x0] =	vst.idx.add.f32.msk $0xffff, v7;
	v8 =	vmovc v38  }
0xd4: {  	v7 =	vadd.s32 $0x5000, v51;
	[tilespmem:$0x1FF50] =	vst v8;
	v8 =	vand.u32 $0x1FFF8, v41;
	v41 =	vor.u32 v26, v14  }
0xd5: {  	[tilespmem:v51+s12+$0x0] =	vst.idx.add.f32.msk $0xffff, v18;
	v14 =	vadd.s32 $0x7800, v56;
	v18 =	vmovc v6;
	v6 =	vand.u32 $0x1FFF8, v7;
	v11 =	vunpack.i.l.bf16.f32 v63  }
0xd6: {  	v59 =	vmovc v53;
	v7 =	vand.u32 $0x1FFF8, v14;
	v14 =	vand.u32 $0x1FFF8, v1;
	v1 =	vunpack.i.u.bf16.f32 v63;
	[tilespmem:v31+s12+$0x0] =	vst.idx.add.f32.msk $0xffff, v11  }
0xd7: {  	v53 =	vmovc v12;
	v43 =	vor.u32 v46, v0;
	v0 =	vunpack.i.l.bf16.f32 v44;
	[tilespmem:v24+s12+$0x0] =	vst.idx.add.f32.msk $0xffff, v1;
	v1 =	vand.u32 $0x1FFF8, v17  }
0xd8: {  	[tilespmem:$0x1FF60] =	vst v53;
	v53 =	vor.u32 v5, v45;
	v45 =	vunpack.i.u.bf16.f32 v44;
	v44 =	vor.u32 v26, v1;
	v1 =	vld [tilespmem:$0x1FED0];
	_ =	sdelay $0x1  }
0xd9: {  	v38 =	vunpack.i.u.bf16.f32 v16;
	v16 =	vld [tilespmem:$0x1FEC0];
	_ =	sdelay $0x3  }
0xda: {  	v35 =	vadd.s32 $0x11800, v3;
	v9 =	vmov v13  }
0xdb: {  	v60 =	vand.u32 $0x1FFF8, v60;
	v12 =	vadd.s32 $0x7800, v49;
	[tilespmem:$0x1FF70] =	vst v9;
	v9 =	vadd.s32 $0xC800, v3  }
0xdc: {  	v49 =	vadd.s32 $0xF000, v4;
	v12 =	vand.u32 $0x1FFF8, v12;
	v9 =	vand.u32 $0x1FFF8, v9;
	[tilespmem:v1+s12+$0x0] =	vst.idx.add.f32.msk $0xffff, v0  }
0xdd: {  	[tilespmem:$0x1FF40] =	vst v59;
	v13 =	vadd.s32 $0x5000, v57;
	v50 =	vor.u32 v5, v9;
	v9 =	vunpack.i.u.bf16.f32 v52;
	v0 =	vld [tilespmem:$0x1FEF0]  }
0xde: {  	v12 =	vor.u32 v48, v12;
	v59 =	vadd.s32 $0x7800, v4;
	v13 =	vand.u32 $0x1FFF8, v13;
	[tilespmem:v16+s12+$0x0] =	vst.idx.add.f32.msk $0xffff, v9  }
0xdf: {  	v48 =	vadd.s32 $0x11800, v4;
	v37 =	vor.u32 v58, v60;
	v13 =	vor.u32 v25, v13;
	v9 =	vld.idx.msk [tilespmem:v23+s2+$0x0], $0xffff  }
0xe0: {  	s18 =	sadd.s32 $0x4, s18;
	v60 =	vld.idx.msk [tilespmem:v32+s2+$0x0], $0xffff;
	v8 =	vor.u32 v54, v8;
	v7 =	vor.u32 v46, v7;
	v23 =	vmovc v13;
	v13 =	vadd.s32 $0x5000, v15  }
0xe1: {  	p0 =	slt.u32 s18, $0x78;
	v22 =	vmovc v59;
	v56 =	vor.u32 v2, v14;
	v59 =	vld.idx.msk [tilespmem:v61+s2+$0x0], $0xffff;
	v31 =	vor.u32 v54, v6;
	v13 =	vand.u32 $0x1FFF8, v13  }
.Ltmp1:
0xe2: {  	v32 =	vmovc v7;
	v7 =	vld [tilespmem:$0x1FF10];
	v6 =	vadd.s32 $0x7800, v51;
	v52 =	vor.u32 v10, v13;
	v13 =	vadd.s32 $0xF000, v28;
	(pc) =	sbr.rel @p0 .LBB2_5-.Ltmp1, $4  }
0xe3: {  	v2 =	vmovc v58;
	v58 =	vor.u32 v20, v33;
	v24 =	vmovc v8;
	v33 =	vand.u32 $0x1FFF8, v6;
	v6 =	vld [tilespmem:$0x1FEE0];
	v8 =	vand.u32 $0x1FFF8, v13  }
0xe4: {  	v19 =	vmovc v42;
	v47 =	vadd.s32 $0x7800, v57;
	v61 =	vld.idx.msk [tilespmem:v29+s2+$0x0], $0xffff;
	v42 =	vor.u32 v26, v8;
	v8 =	vunpack.i.l.bf16.f32 v9  }
0xe5: {  	v55 =	vor.u32 v10, v62;
	v20 =	vmovc v54;
	v46 =	vadd.s32 $0x11800, v51;
	v16 =	vmov v21;
	[tilespmem:v0+s12+$0x0] =	vst.idx.add.f32.msk $0xffff, v8  }
0xe6: {  	s19 =	sadd.s32 $0x40, s19;
	v11 =	vmovc v40;
	v29 =	vmovc v12;
	v12 =	vmov v39;
	v51 =	vunpack.i.l.bf16.f32 v59;
	v54 =	vunpack.i.u.bf16.f32 v9;
	v8 =	vld [tilespmem:$0x1FF00]  }
0xe7: {  	_ =	sdelay $0x3  }
0xe8: {  	[tilespmem:v53+s12+$0x0] =	vst.idx.add.f32.msk $0xffff, v51  }
0xe9: {  	v0 =	vunpack.i.l.bf16.f32 v60;
	[tilespmem:v6+s12+$0x0] =	vst.idx.add.f32.msk $0xffff, v54  }
0xea: {  	[tilespmem:v7+s12+$0x0] =	vst.idx.add.f32.msk $0xffff, v0;
	v6 =	vunpack.i.l.bf16.f32 v61  }
0xeb: {  	[tilespmem:v58+s12+$0x0] =	vst.idx.add.f32.msk $0xffff, v6;
	v6 =	vunpack.i.u.bf16.f32 v61  }
0xec: {  	[tilespmem:v11+s12+$0x0] =	vst.idx.add.f32.msk $0xffff, v6  }
0xed: {  	v9 =	vld [tilespmem:$0x1FF30];
	_ =	sdelay $0x4  }
0xee: {  	v7 =	vld.idx.msk [tilespmem:v55+s2+$0x0], $0xffff  }
0xef: {  	v0 =	vld.idx.msk [tilespmem:v8+s2+$0x0], $0xffff;
	v6 =	vunpack.i.u.bf16.f32 v59  }
0xf0: {  	v8 =	vunpack.i.u.bf16.f32 v60;
	[tilespmem:v50+s12+$0x0] =	vst.idx.add.f32.msk $0xffff, v6  }
0xf1: {  	[tilespmem:v9+s12+$0x0] =	vst.idx.add.f32.msk $0xffff, v8  }
0xf2: {  	v6 =	vld [tilespmem:$0x1FF20];
	_ =	sdelay $0x3  }
0xf3: {  	v8 =	vunpack.i.l.bf16.f32 v7  }
0xf4: {  	[tilespmem:v34+s12+$0x0] =	vst.idx.add.f32.msk $0xffff, v8  }
0xf5: {  	v7 =	vunpack.i.u.bf16.f32 v7;
	[tilespmem:v16+s12+$0x0] =	vst.idx.add.f32.msk $0xffff, v38  }
0xf6: {  	[tilespmem:v41+s12+$0x0] =	vst.idx.add.f32.msk $0xffff, v7  }
0xf7: {  	v9 =	vadd.s32 $0x5000, v3;
	[tilespmem:v6+s12+$0x0] =	vst.idx.add.f32.msk $0xffff, v45  }
0xf8: {  	v8 =	vand.u32 $0x1FFF8, v9;
	v6 =	vld.idx.msk [tilespmem:v43+s2+$0x0], $0xffff  }
0xf9: {  	v7 =	vor.u32 v5, v8;
	v8 =	vld.idx.msk [tilespmem:v52+s2+$0x0], $0xffff  }
0xfa: {  	v11 =	vld.idx.msk [tilespmem:v36+s2+$0x0], $0xffff  }
0xfb: {  	v9 =	vunpack.i.l.bf16.f32 v0;
	[tilespmem:v4+s12+$0x0] =	vst.idx.add.f32.msk $0xffff, v30  }
0xfc: {  	v0 =	vunpack.i.u.bf16.f32 v0;
	[tilespmem:v56+s12+$0x0] =	vst.idx.add.f32.msk $0xffff, v9  }
0xfd: {  	[tilespmem:v12+s12+$0x0] =	vst.idx.add.f32.msk $0xffff, v0;
	v0 =	vunpack.i.l.bf16.f32 v6  }
0xfe: {  	[tilespmem:v7+s12+$0x0] =	vst.idx.add.f32.msk $0xffff, v0;
	v0 =	vunpack.i.l.bf16.f32 v8  }
0xff: {  	v7 =	vunpack.i.l.bf16.f32 v11;
	[tilespmem:v44+s12+$0x0] =	vst.idx.add.f32.msk $0xffff, v0  }
0x100: {  	v9 =	vadd.s32 $0xF000, v3;
	[tilespmem:v27+s12+$0x0] =	vst.idx.add.f32.msk $0xffff, v7  }
0x101: {  	v7 =	vand.u32 $0x1FFF8, v9;
	v9 =	vld [tilespmem:$0x1FF70];
	_ =	sdelay $0x4  }
0x102: {  	[tilespmem:v37+s12+$0x0] =	vst.idx.add.f32.msk $0xffff, v9  }
0x103: {  	v8 =	vunpack.i.u.bf16.f32 v8;
	v0 =	vadd.s32 $0x7800, v15;
	v9 =	vld [tilespmem:$0x1FF40]  }
0x104: {  	v0 =	vand.u32 $0x1FFF8, v0;
	[tilespmem:v42+s12+$0x0] =	vst.idx.add.f32.msk $0xffff, v8  }
0x105: {  	v0 =	vor.u32 v10, v0;
	v10 =	vld [tilespmem:$0x1FF50];
	_ =	sdelay $0x6  }
0x106: {  	v8 =	vunpack.i.u.bf16.f32 v11;
	v9 =	vld.idx.msk [tilespmem:v9+s2+$0x0], $0xffff  }
0x107: {  	v7 =	vor.u32 v5, v7;
	[tilespmem:v10+s12+$0x0] =	vst.idx.add.f32.msk $0xffff, v8  }
0x108: {  	v8 =	vld [tilespmem:$0x1FF60];
	_ =	sdelay $0x2  }
0x109: {  	v6 =	vunpack.i.u.bf16.f32 v6  }
0x10a: {  	[tilespmem:v7+s12+$0x0] =	vst.idx.add.f32.msk $0xffff, v6;
	v6 =	vunpack.i.l.bf16.f32 v9  }
0x10b: {  	v9 =	vunpack.i.u.bf16.f32 v9;
	[tilespmem:v19+s12+$0x0] =	vst.idx.add.f32.msk $0xffff, v6  }
0x10c: {  	v4 =	vadd.s32 $0x5000, v4;
	[tilespmem:v18+s12+$0x0] =	vst.idx.add.f32.msk $0xffff, v9  }
0x10d: {  	v4 =	vand.u32 $0x1FFF8, v4;
	v9 =	vld.idx.msk [tilespmem:v23+s2+$0x0], $0xffff  }
0x10e: {  	v4 =	vor.u32 v2, v4;
	v8 =	vld.idx.msk [tilespmem:v8+s2+$0x0], $0xffff;
	_ =	sdelay $0x2  }
0x10f: {  	v7 =	vadd.s32 $0x7800, v28  }
0x110: {  	v11 =	vadd.s32 $0x11800, v28;
	v0 =	vld.idx.msk [tilespmem:v0+s2+$0x0], $0xffff;
	v6 =	vand.u32 $0x1FFF8, v7;
	v16 =	vunpack.i.l.bf16.f32 v9  }
0x111: {  	v10 =	vand.u32 $0x1FFF8, v49;
	v6 =	vor.u32 v26, v6;
	[tilespmem:v4+s12+$0x0] =	vst.idx.add.f32.msk $0xffff, v16;
	v7 =	vunpack.i.l.bf16.f32 v8  }
0x112: {  	v8 =	vunpack.i.u.bf16.f32 v8;
	[tilespmem:v31+s12+$0x0] =	vst.idx.add.f32.msk $0xffff, v7;
	v7 =	vor.u32 v2, v10;
	v10 =	vand.u32 $0x1FFF8, v47  }
0x113: {  	v3 =	vadd.s32 $0x7800, v3;
	v4 =	vand.u32 $0x3FFF8, v11;
	[tilespmem:v24+s12+$0x0] =	vst.idx.add.f32.msk $0xffff, v8;
	v8 =	vor.u32 v25, v10  }
0x114: {  	v3 =	vand.u32 $0x1FFF8, v3;
	v4 =	vor.u32 v26, v4;
	v10 =	vld.idx.msk [tilespmem:v32+s2+$0x0], $0xffff  }
0x115: {  	v3 =	vor.u32 v5, v3;
	v12 =	vunpack.i.l.bf16.f32 v0;
	v13 =	vld.idx.msk [tilespmem:v29+s2+$0x0], $0xffff  }
0x116: {  	v15 =	vor.u32 v20, v33;
	[tilespmem:v6+s12+$0x0] =	vst.idx.add.f32.msk $0xffff, v12;
	v6 =	vand.u32 $0x3FFF8, v35;
	v9 =	vunpack.i.u.bf16.f32 v9  }
0x117: {  	v14 =	vand.u32 $0x3FFF8, v46;
	v5 =	vor.u32 v5, v6;
	[tilespmem:v7+s12+$0x0] =	vst.idx.add.f32.msk $0xffff, v9  }
0x118: {  	v1 =	vor.u32 v20, v14;
	v0 =	vunpack.i.u.bf16.f32 v0;
	v6 =	vand.u32 $0x1FFF8, v22;
	v8 =	vld.idx.msk [tilespmem:v8+s2+$0x0], $0xffff  }
0x119: {  	v6 =	vor.u32 v2, v6;
	[tilespmem:v4+s12+$0x0] =	vst.idx.add.f32.msk $0xffff, v0;
	v9 =	vand.u32 $0x3FFF8, v48;
	v7 =	vunpack.i.l.bf16.f32 v10  }
0x11a: {  	v2 =	vor.u32 v2, v9;
	v11 =	vunpack.i.l.bf16.f32 v13;
	[tilespmem:v3+s12+$0x0] =	vst.idx.add.f32.msk $0xffff, v7  }
0x11b: {  	v7 =	vunpack.i.u.bf16.f32 v10;
	[tilespmem:v15+s12+$0x0] =	vst.idx.add.f32.msk $0xffff, v11  }
0x11c: {  	v3 =	vunpack.i.u.bf16.f32 v13;
	[tilespmem:v5+s12+$0x0] =	vst.idx.add.f32.msk $0xffff, v7  }
0x11d: {  	[tilespmem:v1+s12+$0x0] =	vst.idx.add.f32.msk $0xffff, v3;
	v0 =	vunpack.i.l.bf16.f32 v8  }
0x11e: {  	v1 =	vunpack.i.u.bf16.f32 v8;
	[tilespmem:v6+s12+$0x0] =	vst.idx.add.f32.msk $0xffff, v0  }
0x11f: {  	[tilespmem:v2+s12+$0x0] =	vst.idx.add.f32.msk $0xffff, v1  }
0x120: {  	v0 =	vld [tilespmem:$0x1E7C0];
	_ =	sdelay $0x4  }
0x121: {  	v1 =	vand.u32 $0xFFFF, v0;
	_ =	sdelay $0x3  }
0x122: {  	v2 =	vshrl.u32 v0, $0x10  }
0x123: {  	v4 =	vadd.s32 $0xA000, v2;
	v3 =	vld.idx.msk [tilespmem:v1+s2+$0x0], $0xffff  }
0x124: {  	v5 =	vand.u32 $0x7, v2;
	v6 =	vadd.s32 $0x2800, v1;
	v4 =	vand.u32 $0x1FFF8, v4  }
0x125: {  	v0 =	vand.u32 $0x7, v0;
	v6 =	vand.u32 $0x1FFF8, v6;
	v4 =	vor.u32 v5, v4  }
0x126: {  	v6 =	vor.u32 v0, v6;
	_ =	sdelay $0x1  }
0x127: {  	v7 =	vunpack.i.l.bf16.f32 v3  }
0x128: {  	v3 =	vunpack.i.u.bf16.f32 v3;
	[tilespmem:v2+s12+$0x0] =	vst.idx.add.f32.msk $0xffff, v7  }
0x129: {  	[tilespmem:v4+s12+$0x0] =	vst.idx.add.f32.msk $0xffff, v3;
	v3 =	vadd.s32 $0x2800, v2  }
0x12a: {  	v4 =	vld.idx.msk [tilespmem:v6+s2+$0x0], $0xffff;
	v3 =	vand.u32 $0x1FFF8, v3;
	v6 =	vadd.s32 $0xC800, v2  }
0x12b: {  	v7 =	vadd.s32 $0x5000, v1;
	v3 =	vor.u32 v5, v3;
	v6 =	vand.u32 $0x1FFF8, v6  }
0x12c: {  	v7 =	vand.u32 $0x1FFF8, v7;
	v6 =	vor.u32 v5, v6  }
0x12d: {  	v7 =	vor.u32 v0, v7;
	_ =	sdelay $0x1  }
0x12e: {  	v8 =	vunpack.i.l.bf16.f32 v4  }
0x12f: {  	v4 =	vunpack.i.u.bf16.f32 v4;
	[tilespmem:v3+s12+$0x0] =	vst.idx.add.f32.msk $0xffff, v8  }
0x130: {  	v3 =	vadd.s32 $0x5000, v2;
	[tilespmem:v6+s12+$0x0] =	vst.idx.add.f32.msk $0xffff, v4  }
0x131: {  	v3 =	vand.u32 $0x1FFF8, v3;
	v6 =	vadd.s32 $0xF000, v2;
	v4 =	vld.idx.msk [tilespmem:v7+s2+$0x0], $0xffff  }
0x132: {  	v1 =	vadd.s32 $0x7800, v1;
	v3 =	vor.u32 v5, v3;
	v6 =	vand.u32 $0x1FFF8, v6  }
0x133: {  	v1 =	vand.u32 $0x1FFF8, v1;
	v6 =	vor.u32 v5, v6  }
0x134: {  	v0 =	vor.u32 v0, v1;
	_ =	sdelay $0x1  }
0x135: {  	v1 =	vunpack.i.l.bf16.f32 v4  }
0x136: {  	v4 =	vunpack.i.u.bf16.f32 v4;
	[tilespmem:v3+s12+$0x0] =	vst.idx.add.f32.msk $0xffff, v1  }
0x137: {  	v1 =	vadd.s32 $0x7800, v2;
	[tilespmem:v6+s12+$0x0] =	vst.idx.add.f32.msk $0xffff, v4  }
0x138: {  	v2 =	vadd.s32 $0x11800, v2;
	v1 =	vand.u32 $0x1FFF8, v1;
	v0 =	vld.idx.msk [tilespmem:v0+s2+$0x0], $0xffff  }
0x139: {  	v2 =	vand.u32 $0x3FFF8, v2;
	v1 =	vor.u32 v5, v1  }
0x13a: {  	v2 =	vor.u32 v5, v2;
	_ =	sdelay $0x1  }
0x13b: {  	p0 =	seq.s32 s16, $0x4F  }
0x13c: {  	s17 =	sshrl.u32 @!p0 s17, $0x3;
	v3 =	vunpack.i.l.bf16.f32 v0  }
0x13d: {  	s17 =	sadd.s32 @!p0 s3, s17;
	v0 =	vunpack.i.u.bf16.f32 v0;
	[tilespmem:v1+s12+$0x0] =	vst.idx.add.f32.msk $0xffff, v3  }
0x13e: {  	s18 =	simm.s32 @!p0 $0x0;
	s19 =	simm.s32 @!p0 $0x1E000;
	s17 =	sadd.s32 @!p0 $0x1F4, s17;
	[tilespmem:v2+s12+$0x0] =	vst.idx.add.f32.msk $0xffff, v0  }
0x13f: {  	[tilespmem:s19], [sflag:$0x1] =	stream.linear.gather @!p0 [hbm4b:s17+s18], $0x7D0, $0x38;
	[tilespmem:$0x1EFA0] =	vst v63  }
0x140: {  	_ =	swait.ge [sflag:s13], $0x7D0  }
0x141: {  	[sflag:s13] =	ssyncset.done $0x0  }
0x142: {  	s30 =	simm.s32 $0x1E800;
	[sflag:s13] =	ssyncadd.s32 $0xFFFFF830  }
0x143: {  	v0 =	vld [tilespmem:s30+$0xFFFFFFD0]  }
0x144: {  	v2 =	vld [tilespmem:s30+$0xFFFFFFE0]  }
0x145: {  	v6 =	vld [tilespmem:s30+$0x0]  }
0x146: {  	v7 =	vld [tilespmem:s30+$0xFFFFFFF0];
	_ =	sdelay $0x2  }
0x147: {  	v8 =	vand.u32 $0x7, v2;
	v4 =	vshrl.u32 v2, $0x10;
	v9 =	vand.u32 $0xFFFF, v0  }
0x148: {  	v1 =	vand.u32 $0x7, v6;
	v10 =	vand.u32 $0x7, v0;
	v5 =	vand.u32 $0xFFFF, v6  }
0x149: {  	v12 =	vand.u32 $0xFFFF, v7;
	v19 =	vshrl.u32 v7, $0x10;
	v15 =	vand.u32 $0xFFFF, v2  }
0x14a: {  	v2 =	vshrl.u32 v0, $0x10;
	v6 =	vshrl.u32 v6, $0x10;
	v34 =	vand.u32 $0x7, v7  }
0x14b: {  	v11 =	vadd.s32 $0x2800, v9;
	v13 =	vadd.s32 $0x2800, v12;
	v14 =	vadd.s32 $0x2800, v19  }
0x14c: {  	v3 =	vand.u32 $0x7, v4;
	v16 =	vadd.s32 $0x5000, v15;
	v17 =	vadd.s32 $0xA000, v19  }
0x14d: {  	v18 =	vadd.s32 $0xA000, v4;
	v20 =	vadd.s32 $0xC800, v19;
	v0 =	vadd.s32 $0x2800, v5  }
0x14e: {  	v21 =	vadd.s32 $0xA000, v2;
	v51 =	vand.u32 $0x7, v2;
	v25 =	vadd.s32 $0x11800, v4  }
0x14f: {  	v26 =	vadd.s32 $0xF000, v2;
	v28 =	vand.u32 $0x7, v6;
	v23 =	vadd.s32 $0x2800, v15  }
0x150: {  	v39 =	vand.u32 $0x7, v19;
	v27 =	vadd.s32 $0x5000, v9;
	v24 =	vadd.s32 $0xC800, v2  }
0x151: {  	v55 =	vadd.s32 $0xC800, v6;
	v61 =	vadd.s32 $0x2800, v4;
	v62 =	vadd.s32 $0x11800, v6  }
0x152: {  	v18 =	vand.u32 $0x1FFF8, v18;
	v21 =	vand.u32 $0x1FFF8, v21;
	v22 =	vand.u32 $0x1FFF8, v13  }
0x153: {  	v0 =	vand.u32 $0x1FFF8, v0;
	v20 =	vand.u32 $0x1FFF8, v20;
	v54 =	vand.u32 $0x1FFF8, v23  }
0x154: {  	v23 =	vadd.s32 $0x2800, v6;
	v17 =	vand.u32 $0x1FFF8, v17;
	v58 =	vand.u32 $0x1FFF8, v55  }
0x155: {  	v14 =	vand.u32 $0x1FFF8, v14;
	v11 =	vand.u32 $0x1FFF8, v11;
	v26 =	vand.u32 $0x1FFF8, v26  }
0x156: {  	v16 =	vand.u32 $0x1FFF8, v16;
	v25 =	vand.u32 $0x3FFF8, v25;
	v29 =	vor.u32 v51, v21  }
0x157: {  	v21 =	vadd.s32 $0xA000, v6;
	v42 =	vor.u32 v34, v22;
	v13 =	vor.u32 v39, v20  }
0x158: {  	v20 =	vand.u32 $0x1FFF8, v24;
	v18 =	vor.u32 v3, v18;
	v37 =	vor.u32 v39, v14  }
0x159: {  	v14 =	vor.u32 v10, v11;
	v11 =	vadd.s32 $0xC800, v4;
	v16 =	vor.u32 v8, v16  }
0x15a: {  	v50 =	vor.u32 v28, v58;
	v0 =	vor.u32 v1, v0;
	v21 =	vand.u32 $0x1FFF8, v21  }
0x15b: {  	v24 =	vor.u32 v51, v20;
	v20 =	vand.u32 $0x1FFF8, v23;
	v11 =	vand.u32 $0x1FFF8, v11;
	v31 =	vld.idx.msk [tilespmem:v12+s2+$0x0], $0xffff  }
0x15c: {  	v63 =	vor.u32 v28, v21;
	v21 =	vadd.s32 $0x2800, v2;
	v30 =	vld.idx.msk [tilespmem:v15+s2+$0x0], $0xffff;
	v43 =	vor.u32 v28, v20  }
0x15d: {  	v7 =	vld.idx.msk [tilespmem:v5+s2+$0x0], $0xffff;
	[tilespmem:$0x1FE70] =	vst v13;
	v49 =	vor.u32 v3, v11;
	v40 =	vand.u32 $0x1FFF8, v21;
	v21 =	vand.u32 $0x1FFF8, v27  }
0x15e: {  	v11 =	vadd.s32 $0xF000, v19;
	v56 =	vld.idx.msk [tilespmem:v9+s2+$0x0], $0xffff;
	v9 =	vadd.s32 $0x7800, v9;
	v13 =	vor.u32 v10, v21  }
0x15f: {  	v11 =	vand.u32 $0x1FFF8, v11;
	v9 =	vand.u32 $0x1FFF8, v9;
	[tilespmem:$0x1FE50] =	vst v13;
	v13 =	vadd.s32 $0x7800, v19  }
0x160: {  	v22 =	vunpack.i.u.bf16.f32 v31;
	v27 =	vunpack.i.l.bf16.f32 v31;
	v31 =	vadd.s32 $0x5000, v12  }
0x161: {  	v59 =	vunpack.i.l.bf16.f32 v30;
	v60 =	vunpack.i.u.bf16.f32 v30;
	v30 =	vand.u32 $0x1FFF8, v31  }
0x162: {  	v23 =	vor.u32 v51, v40;
	v9 =	vor.u32 v10, v9;
	[tilespmem:$0x1FE90] =	vst v13;
	v13 =	vor.u32 v34, v30  }
0x163: {  	v57 =	vunpack.i.u.bf16.f32 v7;
	v7 =	vunpack.i.l.bf16.f32 v7;
	[tilespmem:$0x1FE80] =	vst v13;
	v13 =	vor.u32 v51, v26  }
0x164: {  	v12 =	vadd.s32 $0x7800, v12;
	v30 =	vand.u32 $0x1FFF8, v61;
	v26 =	vor.u32 v8, v54;
	[tilespmem:$0x1FEA0] =	vst v13  }
0x165: {  	v38 =	vor.u32 v3, v30;
	v30 =	vor.u32 v39, v17;
	v17 =	vadd.s32 $0x5000, v2;
	[tilespmem:v4+s12+$0x0] =	vst.idx.add.f32.msk $0xffff, v59  }
0x166: {  	v47 =	vunpack.i.l.bf16.f32 v56;
	v36 =	vunpack.i.u.bf16.f32 v56;
	v10 =	vand.u32 $0x1FFF8, v17;
	[tilespmem:v18+s12+$0x0] =	vst.idx.add.f32.msk $0xffff, v60  }
0x167: {  	v17 =	vadd.s32 $0x5000, v5;
	v5 =	vadd.s32 $0x7800, v5;
	[tilespmem:$0x1FEB0] =	vst v9;
	v9 =	vadd.s32 $0x7800, v15  }
0x168: {  	v44 =	vor.u32 v51, v10;
	v10 =	vadd.s32 $0x11800, v19;
	v9 =	vand.u32 $0x1FFF8, v9  }
0x169: {  	v46 =	vor.u32 v8, v9;
	v8 =	vand.u32 $0x1FFF8, v17;
	v9 =	vadd.s32 $0x5000, v6  }
0x16a: {  	v5 =	vand.u32 $0x1FFF8, v5;
	v15 =	vld.idx.msk [tilespmem:v26+s2+$0x0], $0xffff;
	v26 =	vor.u32 v1, v8;
	v8 =	vand.u32 $0x1FFF8, v9  }
0x16b: {  	v17 =	vadd.s32 $0xF000, v6;
	v45 =	vor.u32 v28, v8;
	v8 =	vadd.s32 $0x7800, v6  }
0x16c: {  	[tilespmem:v6+s12+$0x0] =	vst.idx.add.f32.msk $0xffff, v7;
	v6 =	vadd.s32 $0x7800, v4;
	v7 =	vand.u32 $0x1FFF8, v8;
	v8 =	vand.u32 $0x3FFF8, v62  }
0x16d: {  	[tilespmem:v63+s12+$0x0] =	vst.idx.add.f32.msk $0xffff, v57;
	v48 =	vor.u32 v28, v7;
	v7 =	vand.u32 $0x1FFF8, v6;
	v6 =	vor.u32 v28, v8  }
0x16e: {  	v18 =	vadd.s32 $0x5000, v19;
	v59 =	vor.u32 v1, v5;
	[tilespmem:$0x1FDD0] =	vst v6;
	v6 =	vor.u32 v3, v25  }
0x16f: {  	s31 =	simm.s32 $0x1E840;
	v63 =	vadd.s32 $0xF000, v4;
	v9 =	vand.u32 $0x1FFF8, v17;
	v17 =	vadd.s32 $0x7800, v2;
	[tilespmem:$0x1FDE0] =	vst v6  }
0x170: {  	v1 =	vand.u32 $0x1FFF8, v63;
	v53 =	vor.u32 v28, v9;
	v6 =	vor.u32 v39, v11;
	v25 =	vld [tilespmem:s31+$0xFFFFFFE0]  }
0x171: {  	v40 =	vand.u32 $0x1FFF8, v17;
	v4 =	vadd.s32 $0x5000, v4;
	v41 =	vor.u32 v3, v1;
	v35 =	vld [tilespmem:s31+$0xFFFFFFD0];
	[tilespmem:$0x1FDF0] =	vst v6  }
0x172: {  	v1 =	vand.u32 $0x3FFF8, v10;
	v4 =	vand.u32 $0x1FFF8, v4;
	v17 =	vunpack.i.l.bf16.f32 v15;
	v0 =	vld.idx.msk [tilespmem:v0+s2+$0x0], $0xffff  }
0x173: {  	v28 =	vunpack.i.u.bf16.f32 v15;
	v15 =	vand.u32 $0x1FFF8, v18;
	v7 =	vor.u32 v3, v7;
	v55 =	vld [tilespmem:s31+$0x0]  }
0x174: {  	v54 =	vor.u32 v39, v15;
	v11 =	vand.u32 $0x1FFF8, v12;
	v12 =	vor.u32 v39, v1;
	v58 =	vld [tilespmem:s31+$0xFFFFFFF0]  }
0x175: {  	v8 =	vor.u32 v34, v11;
	v34 =	vor.u32 v3, v4;
	[tilespmem:v38+s12+$0x0] =	vst.idx.add.f32.msk $0xffff, v17;
	v52 =	vand.u32 $0x7, v25  }
0x176: {  	[tilespmem:v49+s12+$0x0] =	vst.idx.add.f32.msk $0xffff, v28;
	v3 =	vshrl.u32 v25, $0x10;
	v60 =	vand.u32 $0xFFFF, v35;
	v56 =	vand.u32 $0x7, v35  }
0x177: {  	v21 =	vld.idx.msk [tilespmem:v16+s2+$0x0], $0xffff;
	v63 =	vand.u32 $0xFFFF, v25;
	v17 =	vunpack.i.u.bf16.f32 v0;
	v0 =	vunpack.i.l.bf16.f32 v0  }
0x178: {  	v57 =	vshrl.u32 v35, $0x10;
	v10 =	vand.u32 $0x7, v55;
	v15 =	vand.u32 $0xFFFF, v55;
	[tilespmem:v43+s12+$0x0] =	vst.idx.add.f32.msk $0xffff, v0  }
0x179: {  	v62 =	vand.u32 $0xFFFF, v58;
	v1 =	vadd.s32 $0xA000, v3;
	v28 =	vshrl.u32 v55, $0x10;
	[tilespmem:v50+s12+$0x0] =	vst.idx.add.f32.msk $0xffff, v17  }
0x17a: {  	v25 =	vadd.s32 $0x2800, v62;
	v35 =	vadd.s32 $0x2800, v15;
	v0 =	vadd.s32 $0xA000, v57;
	v43 =	vld.idx.msk [tilespmem:v26+s2+$0x0], $0xffff  }
0x17b: {  	[tilespmem:v2+s12+$0x0] =	vst.idx.add.f32.msk $0xffff, v47;
	v20 =	vand.u32 $0x1FFF8, v1;
	v1 =	vand.u32 $0x7, v57;
	v0 =	vand.u32 $0x1FFF8, v0  }
0x17c: {  	[tilespmem:v29+s12+$0x0] =	vst.idx.add.f32.msk $0xffff, v36;
	v17 =	vand.u32 $0x1FFF8, v25;
	v50 =	vunpack.i.l.bf16.f32 v21;
	v25 =	vand.u32 $0x7, v58  }
0x17d: {  	v55 =	vand.u32 $0x1FFF8, v35;
	v35 =	vld.idx.msk [tilespmem:v14+s2+$0x0], $0xffff;
	v11 =	vor.u32 v1, v0;
	v6 =	vor.u32 v25, v17  }
0x17e: {  	v0 =	vadd.s32 $0xA000, v28;
	v26 =	vand.u32 $0x7, v28;
	v17 =	vadd.s32 $0xC800, v57;
	[tilespmem:$0x1FE00] =	vst v6  }
0x17f: {  	v0 =	vand.u32 $0x1FFF8, v0;
	v17 =	vand.u32 $0x1FFF8, v17;
	[tilespmem:v34+s12+$0x0] =	vst.idx.add.f32.msk $0xffff, v50;
	v47 =	vunpack.i.l.bf16.f32 v43  }
0x180: {  	v32 =	vor.u32 v26, v0;
	v0 =	vor.u32 v1, v17;
	[tilespmem:v45+s12+$0x0] =	vst.idx.add.f32.msk $0xffff, v47  }
0x181: {  	v4 =	vshrl.u32 v58, $0x10;
	v58 =	vadd.s32 $0x5000, v60;
	v36 =	vld.idx.msk [tilespmem:v15+s2+$0x0], $0xffff;
	[tilespmem:$0x1FE10] =	vst v0  }
0x182: {  	v33 =	vunpack.i.l.bf16.f32 v35;
	[tilespmem:v19+s12+$0x0] =	vst.idx.add.f32.msk $0xffff, v27;
	v19 =	vand.u32 $0x1FFF8, v58  }
0x183: {  	v9 =	vadd.s32 $0x11800, v2;
	[tilespmem:v23+s12+$0x0] =	vst.idx.add.f32.msk $0xffff, v33;
	v0 =	vor.u32 v56, v19  }
0x184: {  	v38 =	vadd.s32 $0x2800, v4;
	v45 =	vld.idx.msk [tilespmem:v62+s2+$0x0], $0xffff;
	v27 =	vadd.s32 $0xC800, v28;
	v23 =	vunpack.i.u.bf16.f32 v43;
	[tilespmem:$0x1FE20] =	vst v0  }
0x185: {  	v2 =	vand.u32 $0x7, v4;
	v58 =	vand.u32 $0x1FFF8, v27;
	v27 =	vand.u32 $0x1FFF8, v38;
	[tilespmem:v53+s12+$0x0] =	vst.idx.add.f32.msk $0xffff, v23  }
0x186: {  	v0 =	vor.u32 v2, v27;
	[tilespmem:v30+s12+$0x0] =	vst.idx.add.f32.msk $0xffff, v22  }
0x187: {  	v43 =	vld.idx.msk [tilespmem:v63+s2+$0x0], $0xffff;
	[tilespmem:$0x1FE30] =	vst v0  }
0x188: {  	v35 =	vunpack.i.u.bf16.f32 v35;
	v42 =	vld.idx.msk [tilespmem:v42+s2+$0x0], $0xffff  }
0x189: {  	v21 =	vunpack.i.u.bf16.f32 v21;
	[tilespmem:v24+s12+$0x0] =	vst.idx.add.f32.msk $0xffff, v35;
	v24 =	vadd.s32 $0x5000, v62  }
0x18a: {  	[tilespmem:v41+s12+$0x0] =	vst.idx.add.f32.msk $0xffff, v21;
	v21 =	vand.u32 $0x1FFF8, v24  }
0x18b: {  	v53 =	vld.idx.msk [tilespmem:v60+s2+$0x0], $0xffff;
	v0 =	vor.u32 v25, v21  }
0x18c: {  	v50 =	vadd.s32 $0x2800, v28;
	v38 =	vunpack.i.l.bf16.f32 v36;
	v59 =	vld.idx.msk [tilespmem:v59+s2+$0x0], $0xffff;
	[tilespmem:$0x1FE40] =	vst v0  }
0x18d: {  	v34 =	vand.u32 $0x1FFF8, v50;
	v50 =	vunpack.i.u.bf16.f32 v36;
	[tilespmem:v28+s12+$0x0] =	vst.idx.add.f32.msk $0xffff, v38  }
0x18e: {  	[tilespmem:v32+s12+$0x0] =	vst.idx.add.f32.msk $0xffff, v50;
	v38 =	vunpack.i.l.bf16.f32 v42  }
0x18f: {  	[tilespmem:v37+s12+$0x0] =	vst.idx.add.f32.msk $0xffff, v38  }
0x190: {  	v6 =	vld [tilespmem:$0x1FE50];
	_ =	sdelay $0x7  }
0x191: {  	v61 =	vadd.s32 $0x2800, v60;
	v41 =	vadd.s32 $0x7800, v60;
	v60 =	vld.idx.msk [tilespmem:v6+s2+$0x0], $0xffff;
	v6 =	vadd.s32 $0x7800, v4  }
0x192: {  	[tilespmem:$0x1FE60] =	vst v6;
	v6 =	vld [tilespmem:$0x1FE70];
	_ =	sdelay $0x2  }
0x193: {  	v49 =	vadd.s32 $0xA000, v4  }
0x194: {  	v47 =	vand.u32 $0x1FFF8, v49;
	v49 =	vadd.s32 $0x2800, v57  }
0x195: {  	v49 =	vand.u32 $0x1FFF8, v49  }
0x196: {  	v27 =	vor.u32 v1, v49;
	v49 =	vunpack.i.l.bf16.f32 v43  }
0x197: {  	v42 =	vunpack.i.u.bf16.f32 v42;
	[tilespmem:v3+s12+$0x0] =	vst.idx.add.f32.msk $0xffff, v49  }
0x198: {  	[tilespmem:v6+s12+$0x0] =	vst.idx.add.f32.msk $0xffff, v42  }
0x199: {  	v5 =	vand.u32 $0x7, v3;
	v6 =	vld [tilespmem:$0x1FE80]  }
0x19a: {  	v31 =	vor.u32 v5, v20;
	_ =	sdelay $0x3  }
0x19b: {  	v22 =	vand.u32 $0x1FFF8, v61;
	v61 =	vunpack.i.u.bf16.f32 v43  }
0x19c: {  	[tilespmem:v31+s12+$0x0] =	vst.idx.add.f32.msk $0xffff, v61;
	v31 =	vunpack.i.l.bf16.f32 v60  }
0x19d: {  	[tilespmem:v44+s12+$0x0] =	vst.idx.add.f32.msk $0xffff, v31  }
0x19e: {  	v37 =	vor.u32 v2, v47;
	v47 =	vadd.s32 $0x7800, v62;
	v62 =	vld.idx.msk [tilespmem:v6+s2+$0x0], $0xffff  }
0x19f: {  	v6 =	vld [tilespmem:$0x1FE90];
	_ =	sdelay $0x1  }
0x1a0: {  	v29 =	vadd.s32 $0x2800, v63  }
0x1a1: {  	v29 =	vand.u32 $0x1FFF8, v29;
	v19 =	vunpack.i.u.bf16.f32 v45  }
0x1a2: {  	v30 =	vunpack.i.l.bf16.f32 v45;
	v45 =	vadd.s32 $0x5000, v63;
	v32 =	vand.u32 $0x1FFF8, v41  }
0x1a3: {  	v41 =	vor.u32 v26, v58;
	v58 =	vadd.s32 $0x7800, v63;
	v63 =	vand.u32 $0x1FFF8, v6;
	v6 =	vld [tilespmem:$0x1FEA0]  }
0x1a4: {  	v0 =	vor.u32 v52, v29  }
0x1a5: {  	v29 =	vadd.s32 $0xC800, v3  }
0x1a6: {  	v36 =	vor.u32 v56, v22;
	v29 =	vand.u32 $0x1FFF8, v29  }
0x1a7: {  	v43 =	vand.u32 $0x1FFF8, v45;
	v45 =	vunpack.i.u.bf16.f32 v59;
	v50 =	vor.u32 v5, v29  }
0x1a8: {  	v29 =	vor.u32 v56, v32;
	v42 =	vunpack.i.l.bf16.f32 v59;
	v59 =	vand.u32 $0x1FFF8, v58  }
0x1a9: {  	v32 =	vor.u32 v52, v59;
	v61 =	vunpack.i.u.bf16.f32 v60;
	v60 =	vadd.s32 $0x5000, v15;
	v59 =	vld.idx.msk [tilespmem:v0+s2+$0x0], $0xffff  }
0x1aa: {  	v43 =	vor.u32 v52, v43;
	v33 =	vunpack.i.l.bf16.f32 v53;
	v0 =	vand.u32 $0x1FFF8, v60;
	[tilespmem:v48+s12+$0x0] =	vst.idx.add.f32.msk $0xffff, v42  }
0x1ab: {  	v52 =	vor.u32 v10, v0;
	v0 =	vunpack.i.l.bf16.f32 v62;
	[tilespmem:v6+s12+$0x0] =	vst.idx.add.f32.msk $0xffff, v61;
	v61 =	vadd.s32 $0x5000, v28  }
0x1ac: {  	[tilespmem:v54+s12+$0x0] =	vst.idx.add.f32.msk $0xffff, v0;
	v56 =	vor.u32 v39, v63;
	v63 =	vadd.s32 $0xF000, v28;
	v0 =	vand.u32 $0x1FFF8, v61  }
0x1ad: {  	v13 =	vadd.s32 $0xC800, v4;
	[tilespmem:v57+s12+$0x0] =	vst.idx.add.f32.msk $0xffff, v33;
	v44 =	vor.u32 v26, v0;
	v0 =	vand.u32 $0x1FFF8, v63  }
0x1ae: {  	v9 =	vand.u32 $0x3FFF8, v9;
	v13 =	vand.u32 $0x1FFF8, v13;
	v42 =	vor.u32 v26, v0;
	v0 =	vld [tilespmem:$0x1FEB0]  }
0x1af: {  	v9 =	vor.u32 v51, v9;
	v18 =	vor.u32 v2, v13  }
0x1b0: {  	v55 =	vor.u32 v10, v55;
	v34 =	vor.u32 v26, v34;
	v22 =	vadd.s32 $0xF000, v57  }
0x1b1: {  	v22 =	vand.u32 $0x1FFF8, v22;
	v35 =	vadd.s32 $0x11800, v3;
	v21 =	vadd.s32 $0x2800, v3  }
0x1b2: {  	v23 =	vor.u32 v1, v22;
	v21 =	vand.u32 $0x1FFF8, v21;
	v38 =	vunpack.i.u.bf16.f32 v53  }
0x1b3: {  	v53 =	vor.u32 v5, v21;
	v49 =	vadd.s32 $0xF000, v4;
	v31 =	vadd.s32 $0x5000, v57  }
0x1b4: {  	v58 =	vor.u32 v51, v40;
	v60 =	vld.idx.msk [tilespmem:v46+s2+$0x0], $0xffff;
	v46 =	vadd.s32 $0x11800, v57;
	v31 =	vand.u32 $0x1FFF8, v31  }
0x1b5: {  	v31 =	vor.u32 v1, v31;
	v51 =	vunpack.i.l.bf16.f32 v59;
	v33 =	vadd.s32 $0x7800, v57  }
0x1b6: {  	s17 =	simm.s32 $0x4;
	s18 =	simm.s32 $0x1E880;
	v48 =	vadd.s32 $0x11800, v4;
	v54 =	vunpack.i.u.bf16.f32 v62;
	v33 =	vand.u32 $0x1FFF8, v33;
	v61 =	vld.idx.msk [tilespmem:v0+s2+$0x0], $0xffff  }
.LBB2_7:
0x1b7: {  	v6 =	vld [tilespmem:$0x1FDF0];
	_ =	sdelay $0x5  }
0x1b8: {  	v39 =	vadd.s32 $0x7800, v28  }
0x1b9: {  	[tilespmem:$0x1FD80] =	vst v18;
	v0 =	vadd.s32 $0x5000, v4;
	v39 =	vand.u32 $0x1FFF8, v39  }
0x1ba: {  	v18 =	vadd.s32 $0x7800, v3;
	v0 =	vand.u32 $0x1FFF8, v0;
	[tilespmem:v6+s12+$0x0] =	vst.idx.add.f32.msk $0xffff, v54;
	v6 =	vor.u32 v26, v39  }
0x1bb: {  	v18 =	vand.u32 $0x1FFF8, v18;
	v0 =	vor.u32 v2, v0  }
0x1bc: {  	v18 =	vor.u32 v5, v18;
	[tilespmem:$0x1FDB0] =	vst v0  }
0x1bd: {  	v47 =	vand.u32 $0x1FFF8, v47;
	v54 =	vld [tilespmem:s18+$0xFFFFFFD0];
	v39 =	vunpack.i.l.bf16.f32 v61;
	[tilespmem:$0x1FD90] =	vst v6;
	v6 =	vmovc v18;
	v18 =	vand.u32 $0x1FFF8, v49  }
0x1be: {  	[tilespmem:v58+s12+$0x0] =	vst.idx.add.f32.msk $0xffff, v39;
	v39 =	vor.u32 v25, v47;
	v25 =	vand.u32 $0x3FFF8, v46;
	v0 =	vor.u32 v2, v18  }
0x1bf: {  	[tilespmem:$0x1FDF0] =	vst v0;
	v0 =	vor.u32 v1, v25  }
0x1c0: {  	[tilespmem:$0x1FDA0] =	vst v0;
	v0 =	vld [tilespmem:$0x1FDE0];
	_ =	sdelay $0x1  }
0x1c1: {  	v28 =	vadd.s32 $0x11800, v28  }
0x1c2: {  	v63 =	vld [tilespmem:s18+$0x0];
	v28 =	vand.u32 $0x3FFF8, v28  }
0x1c3: {  	v57 =	vunpack.i.u.bf16.f32 v60;
	v26 =	vor.u32 v26, v28;
	v28 =	vunpack.i.l.bf16.f32 v60;
	v60 =	vld [tilespmem:s18+$0xFFFFFFE0]  }
0x1c4: {  	v62 =	vld [tilespmem:s18+$0xFFFFFFF0]  }
0x1c5: {  	v35 =	vand.u32 $0x3FFF8, v35;
	[tilespmem:v7+s12+$0x0] =	vst.idx.add.f32.msk $0xffff, v28  }
0x1c6: {  	v35 =	vor.u32 v5, v35;
	[tilespmem:v53+s12+$0x0] =	vst.idx.add.f32.msk $0xffff, v51  }
0x1c7: {  	[tilespmem:v0+s12+$0x0] =	vst.idx.add.f32.msk $0xffff, v57;
	v0 =	vmov v35  }
0x1c8: {  	[tilespmem:$0x1FDE0] =	vst v0;
	v0 =	vld [tilespmem:$0x1FDD0]  }
0x1c9: {  	v58 =	vld.idx.msk [tilespmem:v8+s2+$0x0], $0xffff  }
0x1ca: {  	v40 =	vunpack.i.u.bf16.f32 v61;
	v53 =	vld.idx.msk [tilespmem:v55+s2+$0x0], $0xffff  }
0x1cb: {  	[tilespmem:v9+s12+$0x0] =	vst.idx.add.f32.msk $0xffff, v40  }
0x1cc: {  	v15 =	vadd.s32 $0x7800, v15;
	[tilespmem:v11+s12+$0x0] =	vst.idx.add.f32.msk $0xffff, v38  }
0x1cd: {  	v59 =	vunpack.i.u.bf16.f32 v59;
	v15 =	vand.u32 $0x1FFF8, v15;
	v28 =	vadd.s32 $0xF000, v3;
	v36 =	vld.idx.msk [tilespmem:v36+s2+$0x0], $0xffff  }
0x1ce: {  	v3 =	vadd.s32 $0x5000, v3;
	v55 =	vor.u32 v10, v15;
	v15 =	vand.u32 $0xFFFF, v63;
	[tilespmem:v50+s12+$0x0] =	vst.idx.add.f32.msk $0xffff, v59  }
0x1cf: {  	v3 =	vand.u32 $0x1FFF8, v3;
	v43 =	vld.idx.msk [tilespmem:v43+s2+$0x0], $0xffff  }
0x1d0: {  	v61 =	vor.u32 v5, v3;
	v3 =	vand.u32 $0x1FFF8, v28;
	[tilespmem:v0+s12+$0x0] =	vst.idx.add.f32.msk $0xffff, v45;
	v0 =	vmovc v26;
	v26 =	vunpack.i.l.bf16.f32 v58  }
0x1d1: {  	v47 =	vor.u32 v5, v3;
	v3 =	vshrl.u32 v60, $0x10;
	v25 =	vunpack.i.u.bf16.f32 v58;
	[tilespmem:v56+s12+$0x0] =	vst.idx.add.f32.msk $0xffff, v26  }
0x1d2: {  	v57 =	vand.u32 $0xFFFF, v62;
	[tilespmem:v12+s12+$0x0] =	vst.idx.add.f32.msk $0xffff, v25;
	v25 =	vadd.s32 $0xA000, v3  }
0x1d3: {  	v51 =	vshrl.u32 v54, $0x10;
	v8 =	vld.idx.msk [tilespmem:v15+s2+$0x0], $0xffff;
	v7 =	vand.u32 $0x1FFF8, v25;
	v25 =	vunpack.i.l.bf16.f32 v53  }
0x1d4: {  	v28 =	vadd.s32 $0xA000, v51;
	v50 =	vunpack.i.u.bf16.f32 v53;
	[tilespmem:v34+s12+$0x0] =	vst.idx.add.f32.msk $0xffff, v25  }
0x1d5: {  	v56 =	vand.u32 $0xFFFF, v60;
	v25 =	vand.u32 $0x1FFF8, v28;
	v28 =	vshrl.u32 v63, $0x10;
	[tilespmem:v41+s12+$0x0] =	vst.idx.add.f32.msk $0xffff, v50  }
0x1d6: {  	v10 =	vand.u32 $0x7, v63;
	v63 =	vadd.s32 $0xA000, v28;
	v52 =	vld.idx.msk [tilespmem:v52+s2+$0x0], $0xffff  }
0x1d7: {  	v50 =	vunpack.i.l.bf16.f32 v43;
	v38 =	vand.u32 $0x1FFF8, v63;
	v63 =	vld.idx.msk [tilespmem:v57+s2+$0x0], $0xffff  }
0x1d8: {  	[tilespmem:v61+s12+$0x0] =	vst.idx.add.f32.msk $0xffff, v50  }
0x1d9: {  	[tilespmem:v4+s12+$0x0] =	vst.idx.add.f32.msk $0xffff, v30  }
0x1da: {  	v5 =	vand.u32 $0x3FFF8, v48;
	v49 =	vand.u32 $0xFFFF, v54;
	v61 =	vld.idx.msk [tilespmem:v56+s2+$0x0], $0xffff  }
0x1db: {  	v48 =	vand.u32 $0x7, v54;
	v54 =	vand.u32 $0x7, v51;
	v26 =	vadd.s32 $0x2800, v57;
	[tilespmem:v37+s12+$0x0] =	vst.idx.add.f32.msk $0xffff, v19  }
0x1dc: {  	v5 =	vor.u32 v2, v5;
	v34 =	vand.u32 $0x1FFF8, v26;
	v22 =	vor.u32 v54, v25;
	v19 =	vld [tilespmem:$0x1FE00]  }
0x1dd: {  	v26 =	vand.u32 $0x7, v28;
	v25 =	vand.u32 $0x7, v62;
	v12 =	vadd.s32 $0x2800, v28  }
0x1de: {  	v9 =	vor.u32 v25, v34;
	v34 =	vadd.s32 $0x2800, v51;
	v12 =	vand.u32 $0x1FFF8, v12  }
0x1df: {  	v14 =	vld.idx.msk [tilespmem:v49+s2+$0x0], $0xffff;
	v17 =	vand.u32 $0x1FFF8, v34;
	v34 =	vor.u32 v26, v12;
	v12 =	vunpack.i.l.bf16.f32 v36  }
0x1e0: {  	v21 =	vmov v5;
	v5 =	vand.u32 $0x7, v3;
	[tilespmem:v27+s12+$0x0] =	vst.idx.add.f32.msk $0xffff, v12;
	v16 =	vunpack.i.l.bf16.f32 v52  }
0x1e1: {  	v40 =	vadd.s32 $0x2800, v49;
	v7 =	vor.u32 v5, v7;
	[tilespmem:v44+s12+$0x0] =	vst.idx.add.f32.msk $0xffff, v16;
	v44 =	vunpack.i.l.bf16.f32 v61  }
0x1e2: {  	v45 =	vshrl.u32 v62, $0x10;
	v30 =	vand.u32 $0x1FFF8, v40;
	v40 =	vunpack.i.u.bf16.f32 v43;
	[tilespmem:v3+s12+$0x0] =	vst.idx.add.f32.msk $0xffff, v44  }
0x1e3: {  	v59 =	vadd.s32 $0x2800, v45;
	[tilespmem:v47+s12+$0x0] =	vst.idx.add.f32.msk $0xffff, v40  }
0x1e4: {  	v27 =	vand.u32 $0x1FFF8, v59;
	v59 =	vld.idx.msk [tilespmem:v19+s2+$0x0], $0xffff;
	v19 =	vmov v9  }
0x1e5: {  	v9 =	vunpack.i.u.bf16.f32 v61;
	[tilespmem:$0x1FE00] =	vst v19;
	v19 =	vld [tilespmem:$0x1FE10]  }
0x1e6: {  	[tilespmem:v7+s12+$0x0] =	vst.idx.add.f32.msk $0xffff, v9  }
0x1e7: {  	v58 =	vadd.s32 $0x2800, v15;
	v41 =	vadd.s32 $0xF000, v51;
	v12 =	vunpack.i.u.bf16.f32 v52;
	v9 =	vld [tilespmem:$0x1FE30]  }
0x1e8: {  	v62 =	vand.u32 $0x1FFF8, v58;
	v58 =	vand.u32 $0x7, v45;
	v13 =	vadd.s32 $0xC800, v28;
	[tilespmem:v42+s12+$0x0] =	vst.idx.add.f32.msk $0xffff, v12  }
0x1e9: {  	v50 =	vadd.s32 $0xC800, v51;
	v18 =	vunpack.i.u.bf16.f32 v8;
	v8 =	vunpack.i.l.bf16.f32 v8;
	v52 =	vld.idx.msk [tilespmem:v55+s2+$0x0], $0xffff  }
0x1ea: {  	v13 =	vand.u32 $0x1FFF8, v13;
	v50 =	vand.u32 $0x1FFF8, v50;
	[tilespmem:v28+s12+$0x0] =	vst.idx.add.f32.msk $0xffff, v8;
	v8 =	vunpack.i.u.bf16.f32 v36  }
0x1eb: {  	v11 =	vor.u32 v26, v38;
	v38 =	vadd.s32 $0x5000, v49;
	v50 =	vor.u32 v54, v50  }
0x1ec: {  	v16 =	vand.u32 $0x1FFF8, v38;
	v38 =	vunpack.i.u.bf16.f32 v14;
	v42 =	vor.u32 v58, v27  }
0x1ed: {  	v27 =	vor.u32 v54, v17;
	v17 =	vunpack.i.l.bf16.f32 v14;
	v14 =	vadd.s32 $0x7800, v49;
	[tilespmem:v19+s12+$0x0] =	vst.idx.add.f32.msk $0xffff, v8;
	v8 =	vmovc v50  }
0x1ee: {  	v20 =	vld [tilespmem:$0x1FE20];
	[tilespmem:$0x1FE10] =	vst v8;
	v8 =	vand.u32 $0x1FFF8, v41;
	v41 =	vor.u32 v26, v13;
	v13 =	vunpack.i.l.bf16.f32 v59  }
0x1ef: {  	v14 =	vand.u32 $0x1FFF8, v14;
	[tilespmem:v9+s12+$0x0] =	vst.idx.add.f32.msk $0xffff, v13  }
0x1f0: {  	v9 =	vor.u32 v48, v14;
	v14 =	vld [tilespmem:$0x1FD80]  }
0x1f1: {  	[tilespmem:$0x1FDC0] =	vst v6;
	v6 =	vadd.s32 $0xC800, v45  }
0x1f2: {  	v46 =	vand.u32 $0x7, v60;
	[tilespmem:$0x1FDD0] =	vst v0;
	v0 =	vadd.s32 $0xA000, v45;
	v6 =	vand.u32 $0x1FFF8, v6  }
0x1f3: {  	v0 =	vand.u32 $0x1FFF8, v0;
	v53 =	vadd.s32 $0x2800, v56;
	v12 =	vunpack.i.u.bf16.f32 v63  }
0x1f4: {  	v53 =	vand.u32 $0x1FFF8, v53;
	v6 =	vor.u32 v58, v6;
	v24 =	vmovc v12;
	v12 =	vadd.s32 $0xC800, v3  }
0x1f5: {  	v4 =	vmovc v45;
	v45 =	vadd.s32 $0x5000, v57;
	v12 =	vand.u32 $0x1FFF8, v12;
	[tilespmem:v11+s12+$0x0] =	vst.idx.add.f32.msk $0xffff, v18;
	v50 =	vadd.s32 $0x2800, v3  }
0x1f6: {  	v19 =	vor.u32 v46, v53;
	v53 =	vand.u32 $0x1FFF8, v50;
	v20 =	vld.idx.msk [tilespmem:v20+s2+$0x0], $0xffff;
	v13 =	vadd.s32 $0x7800, v56  }
0x1f7: {  	v18 =	vmovc v6;
	v50 =	vor.u32 v5, v12;
	v12 =	vunpack.i.u.bf16.f32 v59;
	v6 =	vand.u32 $0x1FFF8, v13;
	v13 =	vld [tilespmem:$0x1FE60]  }
0x1f8: {  	v37 =	vand.u32 $0x1FFF8, v45;
	v36 =	vor.u32 v48, v30;
	[tilespmem:v14+s12+$0x0] =	vst.idx.add.f32.msk $0xffff, v12  }
0x1f9: {  	v30 =	vunpack.i.l.bf16.f32 v63;
	v63 =	vor.u32 v25, v37;
	v37 =	vor.u32 v58, v0;
	v0 =	vmovc v42;
	v12 =	vld [tilespmem:$0x1FE40]  }
0x1fa: {  	v60 =	vadd.s32 $0x5000, v56;
	v16 =	vor.u32 v48, v16;
	[tilespmem:$0x1FE30] =	vst v0;
	v0 =	vadd.s32 $0x5000, v51  }
0x1fb: {  	v55 =	vmovc v16;
	v16 =	vand.u32 $0x1FFF8, v60;
	v0 =	vand.u32 $0x1FFF8, v0;
	[tilespmem:v51+s12+$0x0] =	vst.idx.add.f32.msk $0xffff, v17;
	v7 =	vunpack.i.l.bf16.f32 v20  }
0x1fc: {  	v17 =	vadd.s32 $0x5000, v28;
	[tilespmem:v31+s12+$0x0] =	vst.idx.add.f32.msk $0xffff, v7;
	v31 =	vor.u32 v54, v0;
	v13 =	vand.u32 $0x1FFF8, v13  }
0x1fd: {  	v7 =	vand.u32 $0x1FFF8, v17;
	v56 =	vor.u32 v2, v13;
	v13 =	vadd.s32 $0xF000, v28  }
0x1fe: {  	v0 =	vadd.s32 $0x7800, v51;
	v44 =	vor.u32 v26, v7;
	v7 =	vand.u32 $0x1FFF8, v13;
	v13 =	vld [tilespmem:$0x1FD90]  }
0x1ff: {  	v2 =	vmov v58;
	v58 =	vor.u32 v1, v33;
	v33 =	vand.u32 $0x1FFF8, v0;
	v0 =	vld [tilespmem:$0x1FDB0]  }
0x200: {  	v61 =	vadd.s32 $0x7800, v4;
	v60 =	vld.idx.msk [tilespmem:v32+s2+$0x0], $0xffff  }
0x201: {  	[tilespmem:$0x1FE20] =	vst v55;
	v43 =	vor.u32 v46, v16;
	v16 =	vmov v61;
	v12 =	vld.idx.msk [tilespmem:v12+s2+$0x0], $0xffff  }
0x202: {  	s17 =	sadd.s32 $0x4, s17;
	v35 =	vadd.s32 $0x11800, v3;
	v49 =	vadd.s32 $0xF000, v4;
	[tilespmem:$0x1FE60] =	vst v16;
	v59 =	vld.idx.msk [tilespmem:v19+s2+$0x0], $0xffff;
	v16 =	vunpack.i.u.bf16.f32 v20  }
0x203: {  	p0 =	slt.u32 s17, $0x78;
	v47 =	vadd.s32 $0x7800, v57;
	v55 =	vor.u32 v10, v62;
	v45 =	vunpack.i.u.bf16.f32 v52;
	[tilespmem:v23+s12+$0x0] =	vst.idx.add.f32.msk $0xffff, v16  }
.Ltmp2:
0x204: {  	v11 =	vunpack.i.l.bf16.f32 v52;
	v8 =	vor.u32 v54, v8;
	v53 =	vor.u32 v5, v53;
	v61 =	vld.idx.msk [tilespmem:v29+s2+$0x0], $0xffff;
	v14 =	vmovc v63;
	(pc) =	sbr.rel @p0 .LBB2_7-.Ltmp2, $4  }
0x205: {  	v48 =	vadd.s32 $0x11800, v4;
	v6 =	vor.u32 v46, v6;
	v46 =	vadd.s32 $0x11800, v51;
	v29 =	vmovc v9;
	v9 =	vld [tilespmem:$0x1FDA0];
	[tilespmem:$0x1FE40] =	vst v14  }
0x206: {  	v19 =	vmovc v24;
	v14 =	vadd.s32 $0x5000, v15;
	v42 =	vor.u32 v26, v7;
	[tilespmem:v13+s12+$0x0] =	vst.idx.add.f32.msk $0xffff, v11;
	v7 =	vunpack.i.l.bf16.f32 v12  }
0x207: {  	v32 =	vmovc v6;
	v23 =	vmovc v8;
	v8 =	vmov v39;
	v1 =	vmov v54;
	v14 =	vand.u32 $0x1FFF8, v14;
	[tilespmem:v0+s12+$0x0] =	vst.idx.add.f32.msk $0xffff, v7  }
0x208: {  	s18 =	sadd.s32 $0x40, s18;
	v51 =	vunpack.i.l.bf16.f32 v59;
	v52 =	vor.u32 v10, v14;
	v11 =	vmovc v22;
	v54 =	vunpack.i.u.bf16.f32 v12;
	v12 =	vmovc v21;
	v7 =	vld [tilespmem:$0x1FDC0]  }
0x209: {  	_ = 	snop  }
0x20a: {  	v0 =	vld [tilespmem:$0x1FDF0];
	_ =	sdelay $0x3  }
0x20b: {  	v6 =	vunpack.i.l.bf16.f32 v61;
	[tilespmem:v53+s12+$0x0] =	vst.idx.add.f32.msk $0xffff, v51  }
0x20c: {  	v22 =	vunpack.i.u.bf16.f32 v61;
	[tilespmem:v58+s12+$0x0] =	vst.idx.add.f32.msk $0xffff, v6  }
0x20d: {  	v20 =	vunpack.i.l.bf16.f32 v60;
	[tilespmem:v9+s12+$0x0] =	vst.idx.add.f32.msk $0xffff, v22  }
0x20e: {  	[tilespmem:v7+s12+$0x0] =	vst.idx.add.f32.msk $0xffff, v20  }
0x20f: {  	[tilespmem:v0+s12+$0x0] =	vst.idx.add.f32.msk $0xffff, v54  }
0x210: {  	v9 =	vld [tilespmem:$0x1FDE0];
	_ =	sdelay $0x5  }
0x211: {  	v40 =	vunpack.i.u.bf16.f32 v59;
	v21 =	vld.idx.msk [tilespmem:v8+s2+$0x0], $0xffff  }
0x212: {  	v39 =	vunpack.i.u.bf16.f32 v60;
	[tilespmem:v50+s12+$0x0] =	vst.idx.add.f32.msk $0xffff, v40  }
0x213: {  	[tilespmem:v9+s12+$0x0] =	vst.idx.add.f32.msk $0xffff, v39  }
0x214: {  	v6 =	vld [tilespmem:$0x1FDD0];
	_ =	sdelay $0x2  }
0x215: {  	v24 =	vld.idx.msk [tilespmem:v55+s2+$0x0], $0xffff  }
0x216: {  	v43 =	vld.idx.msk [tilespmem:v43+s2+$0x0], $0xffff  }
0x217: {  	v50 =	vadd.s32 $0x5000, v3;
	v55 =	vunpack.i.l.bf16.f32 v21;
	[tilespmem:v11+s12+$0x0] =	vst.idx.add.f32.msk $0xffff, v38  }
0x218: {  	v51 =	vand.u32 $0x1FFF8, v50;
	[tilespmem:v56+s12+$0x0] =	vst.idx.add.f32.msk $0xffff, v55  }
0x219: {  	v53 =	vor.u32 v5, v51;
	v11 =	vld.idx.msk [tilespmem:v36+s2+$0x0], $0xffff  }
0x21a: {  	[tilespmem:v6+s12+$0x0] =	vst.idx.add.f32.msk $0xffff, v45;
	v45 =	vunpack.i.l.bf16.f32 v24  }
0x21b: {  	v7 =	vunpack.i.u.bf16.f32 v24;
	[tilespmem:v34+s12+$0x0] =	vst.idx.add.f32.msk $0xffff, v45  }
0x21c: {  	[tilespmem:v41+s12+$0x0] =	vst.idx.add.f32.msk $0xffff, v7  }
0x21d: {  	v57 =	vunpack.i.l.bf16.f32 v43;
	v54 =	vld.idx.msk [tilespmem:v52+s2+$0x0], $0xffff  }
0x21e: {  	[tilespmem:v53+s12+$0x0] =	vst.idx.add.f32.msk $0xffff, v57  }
0x21f: {  	v0 =	vunpack.i.u.bf16.f32 v21;
	[tilespmem:v4+s12+$0x0] =	vst.idx.add.f32.msk $0xffff, v30  }
0x220: {  	[tilespmem:v12+s12+$0x0] =	vst.idx.add.f32.msk $0xffff, v0  }
0x221: {  	[tilespmem:v37+s12+$0x0] =	vst.idx.add.f32.msk $0xffff, v19;
	v60 =	vunpack.i.l.bf16.f32 v11  }
0x222: {  	[tilespmem:v27+s12+$0x0] =	vst.idx.add.f32.msk $0xffff, v60;
	v58 =	vunpack.i.l.bf16.f32 v54  }
0x223: {  	[tilespmem:v44+s12+$0x0] =	vst.idx.add.f32.msk $0xffff, v58  }
0x224: {  	v8 =	vunpack.i.u.bf16.f32 v54;
	v63 =	vld [tilespmem:$0x1FE00]  }
0x225: {  	[tilespmem:v42+s12+$0x0] =	vst.idx.add.f32.msk $0xffff, v8  }
0x226: {  	v13 =	vld [tilespmem:$0x1FE10];
	_ =	sdelay $0x2  }
0x227: {  	v61 =	vadd.s32 $0xF000, v3  }
0x228: {  	v62 =	vand.u32 $0x1FFF8, v61  }
0x229: {  	v7 =	vor.u32 v5, v62;
	_ =	sdelay $0x1  }
0x22a: {  	v12 =	vunpack.i.u.bf16.f32 v11  }
0x22b: {  	[tilespmem:v13+s12+$0x0] =	vst.idx.add.f32.msk $0xffff, v12  }
0x22c: {  	v59 =	vadd.s32 $0x7800, v15;
	v6 =	vunpack.i.u.bf16.f32 v43;
	v8 =	vld [tilespmem:$0x1FE20]  }
0x22d: {  	v0 =	vand.u32 $0x1FFF8, v59;
	[tilespmem:v7+s12+$0x0] =	vst.idx.add.f32.msk $0xffff, v6  }
0x22e: {  	v0 =	vor.u32 v10, v0;
	v10 =	vld [tilespmem:$0x1FE30];
	_ =	sdelay $0x1  }
0x22f: {  	v9 =	vld.idx.msk [tilespmem:v63+s2+$0x0], $0xffff;
	_ =	sdelay $0x4  }
0x230: {  	v14 =	vunpack.i.l.bf16.f32 v9  }
0x231: {  	v9 =	vunpack.i.u.bf16.f32 v9;
	[tilespmem:v10+s12+$0x0] =	vst.idx.add.f32.msk $0xffff, v14  }
0x232: {  	[tilespmem:v18+s12+$0x0] =	vst.idx.add.f32.msk $0xffff, v9  }
0x233: {  	v9 =	vld [tilespmem:$0x1FE40];
	_ =	sdelay $0x3  }
0x234: {  	v15 =	vadd.s32 $0x7800, v28  }
0x235: {  	v17 =	vand.u32 $0x1FFF8, v15;
	v0 =	vld.idx.msk [tilespmem:v0+s2+$0x0], $0xffff  }
0x236: {  	v6 =	vor.u32 v26, v17;
	v8 =	vld.idx.msk [tilespmem:v8+s2+$0x0], $0xffff  }
0x237: {  	v16 =	vadd.s32 $0x5000, v4  }
0x238: {  	v4 =	vand.u32 $0x1FFF8, v16;
	v9 =	vld.idx.msk [tilespmem:v9+s2+$0x0], $0xffff  }
0x239: {  	v20 =	vand.u32 $0x1FFF8, v49;
	v4 =	vor.u32 v2, v4  }
0x23a: {  	v22 =	vor.u32 v2, v20;
	v30 =	vld.idx.msk [tilespmem:v32+s2+$0x0], $0xffff;
	v32 =	vunpack.i.l.bf16.f32 v0  }
0x23b: {  	[tilespmem:v6+s12+$0x0] =	vst.idx.add.f32.msk $0xffff, v32;
	v19 =	vunpack.i.l.bf16.f32 v8  }
0x23c: {  	v8 =	vunpack.i.u.bf16.f32 v8;
	[tilespmem:v31+s12+$0x0] =	vst.idx.add.f32.msk $0xffff, v19  }
0x23d: {  	[tilespmem:v23+s12+$0x0] =	vst.idx.add.f32.msk $0xffff, v8;
	v16 =	vunpack.i.l.bf16.f32 v9  }
0x23e: {  	v9 =	vunpack.i.u.bf16.f32 v9;
	[tilespmem:v4+s12+$0x0] =	vst.idx.add.f32.msk $0xffff, v16  }
0x23f: {  	v21 =	vadd.s32 $0x7800, v3;
	v24 =	vand.u32 $0x1FFF8, v47;
	[tilespmem:v22+s12+$0x0] =	vst.idx.add.f32.msk $0xffff, v9  }
0x240: {  	v3 =	vand.u32 $0x1FFF8, v21;
	v27 =	vor.u32 v25, v24;
	v40 =	vld [tilespmem:$0x1FE60]  }
0x241: {  	v3 =	vor.u32 v5, v3;
	v13 =	vld.idx.msk [tilespmem:v29+s2+$0x0], $0xffff  }
0x242: {  	v34 =	vor.u32 v1, v33;
	v14 =	vand.u32 $0x3FFF8, v46  }
0x243: {  	v36 =	vand.u32 $0x3FFF8, v35;
	v37 =	vor.u32 v1, v14;
	v31 =	vadd.s32 $0x11800, v28  }
0x244: {  	v39 =	vor.u32 v5, v36;
	v38 =	vand.u32 $0x3FFF8, v31  }
0x245: {  	v41 =	vunpack.i.l.bf16.f32 v30;
	v4 =	vor.u32 v26, v38;
	v8 =	vld.idx.msk [tilespmem:v27+s2+$0x0], $0xffff;
	v6 =	vand.u32 $0x1FFF8, v40  }
0x246: {  	v42 =	vand.u32 $0x3FFF8, v48;
	v43 =	vunpack.i.l.bf16.f32 v13;
	[tilespmem:v3+s12+$0x0] =	vst.idx.add.f32.msk $0xffff, v41;
	v6 =	vor.u32 v2, v6  }
0x247: {  	v44 =	vor.u32 v2, v42;
	v45 =	vunpack.i.u.bf16.f32 v13;
	[tilespmem:v34+s12+$0x0] =	vst.idx.add.f32.msk $0xffff, v43  }
0x248: {  	v46 =	vunpack.i.u.bf16.f32 v30;
	[tilespmem:v37+s12+$0x0] =	vst.idx.add.f32.msk $0xffff, v45  }
0x249: {  	v0 =	vunpack.i.u.bf16.f32 v0;
	[tilespmem:v39+s12+$0x0] =	vst.idx.add.f32.msk $0xffff, v46  }
0x24a: {  	[tilespmem:v4+s12+$0x0] =	vst.idx.add.f32.msk $0xffff, v0;
	v47 =	vunpack.i.l.bf16.f32 v8  }
0x24b: {  	v48 =	vunpack.i.u.bf16.f32 v8;
	[tilespmem:v6+s12+$0x0] =	vst.idx.add.f32.msk $0xffff, v47  }
0x24c: {  	[tilespmem:v44+s12+$0x0] =	vst.idx.add.f32.msk $0xffff, v48  }
0x24d: {  	v0 =	vld [tilespmem:$0x1EF90];
	_ =	sdelay $0x4  }
0x24e: {  	v49 =	vand.u32 $0xFFFF, v0;
	_ =	sdelay $0x3  }
0x24f: {  	v50 =	vshrl.u32 v0, $0x10  }
0x250: {  	v51 =	vadd.s32 $0xA000, v50;
	v3 =	vld.idx.msk [tilespmem:v49+s2+$0x0], $0xffff  }
0x251: {  	v52 =	vand.u32 $0x7, v50;
	v53 =	vadd.s32 $0x2800, v49;
	v4 =	vand.u32 $0x1FFF8, v51  }
0x252: {  	v0 =	vand.u32 $0x7, v0;
	v6 =	vand.u32 $0x1FFF8, v53;
	v4 =	vor.u32 v52, v4  }
0x253: {  	v6 =	vor.u32 v0, v6;
	_ =	sdelay $0x1  }
0x254: {  	v54 =	vunpack.i.l.bf16.f32 v3  }
0x255: {  	v3 =	vunpack.i.u.bf16.f32 v3;
	[tilespmem:v50+s12+$0x0] =	vst.idx.add.f32.msk $0xffff, v54  }
0x256: {  	v55 =	vadd.s32 $0x2800, v50;
	[tilespmem:v4+s12+$0x0] =	vst.idx.add.f32.msk $0xffff, v3  }
0x257: {  	v56 =	vadd.s32 $0xC800, v50;
	v3 =	vand.u32 $0x1FFF8, v55;
	v4 =	vld.idx.msk [tilespmem:v6+s2+$0x0], $0xffff  }
0x258: {  	v57 =	vadd.s32 $0x5000, v49;
	v3 =	vor.u32 v52, v3;
	v6 =	vand.u32 $0x1FFF8, v56  }
0x259: {  	v7 =	vand.u32 $0x1FFF8, v57;
	v6 =	vor.u32 v52, v6  }
0x25a: {  	v7 =	vor.u32 v0, v7;
	_ =	sdelay $0x1  }
0x25b: {  	v58 =	vunpack.i.l.bf16.f32 v4  }
0x25c: {  	v4 =	vunpack.i.u.bf16.f32 v4;
	[tilespmem:v3+s12+$0x0] =	vst.idx.add.f32.msk $0xffff, v58  }
0x25d: {  	v59 =	vadd.s32 $0x5000, v50;
	[tilespmem:v6+s12+$0x0] =	vst.idx.add.f32.msk $0xffff, v4  }
0x25e: {  	v60 =	vadd.s32 $0xF000, v50;
	v3 =	vand.u32 $0x1FFF8, v59;
	v4 =	vld.idx.msk [tilespmem:v7+s2+$0x0], $0xffff  }
0x25f: {  	v1 =	vadd.s32 $0x7800, v49;
	v3 =	vor.u32 v52, v3;
	v6 =	vand.u32 $0x1FFF8, v60  }
0x260: {  	v1 =	vand.u32 $0x1FFF8, v1;
	v6 =	vor.u32 v52, v6  }
0x261: {  	v0 =	vor.u32 v0, v1;
	_ =	sdelay $0x1  }
0x262: {  	v61 =	vunpack.i.l.bf16.f32 v4  }
0x263: {  	v4 =	vunpack.i.u.bf16.f32 v4;
	[tilespmem:v3+s12+$0x0] =	vst.idx.add.f32.msk $0xffff, v61  }
0x264: {  	v62 =	vadd.s32 $0x7800, v50;
	[tilespmem:v6+s12+$0x0] =	vst.idx.add.f32.msk $0xffff, v4  }
0x265: {  	v2 =	vadd.s32 $0x11800, v50;
	v1 =	vand.u32 $0x1FFF8, v62;
	v0 =	vld.idx.msk [tilespmem:v0+s2+$0x0], $0xffff  }
0x266: {  	s16 =	sadd.s32 $0x1, s16;
	v2 =	vand.u32 $0x3FFF8, v2;
	v1 =	vor.u32 v52, v1  }
0x267: {  	p0 =	sne.s32 s16, $0x50;
	v2 =	vor.u32 v52, v2  }
.Ltmp3:
0x268: {  	_ = 	snop;
	(pc) =	sbr.rel @p0 .LBB2_4-.Ltmp3, $4  }
0x269: {  	_ = 	snop  }
0x26a: {  	v63 =	vunpack.i.l.bf16.f32 v0  }
0x26b: {  	v0 =	vunpack.i.u.bf16.f32 v0;
	[tilespmem:v1+s12+$0x0] =	vst.idx.add.f32.msk $0xffff, v63  }
0x26c: {  	[tilespmem:v2+s12+$0x0] =	vst.idx.add.f32.msk $0xffff, v0  }
0x26d: {  	[hbm4b:s5+s2] =	stream.linear.scatter [tilespmem:s12], [sflag:$0x3], $0xA000, $0x38;
	[tilespmem:$0x1EFA0] =	vst v63  }
0x26e: {  	s15 =	sadd.s32 $0x1, s15;
	_ =	swait.ge [sflag:s8], $0xA000  }
0x26f: {  	p0 =	sne.s32 s15, s7;
	[sflag:s8] =	ssyncset.done $0x0  }
.Ltmp4:
0x270: {  	[sflag:s8] =	ssyncadd.s32 $0xFFFF6000;
	(pc) =	sbr.rel @p0 .LBB2_1-.Ltmp4, $4  }
0x271: {  	[hbm4b:s6+s2] =	stream.linear.scatter [tilespmem:s14], [sflag:$0x3], $0xA000, $0x38;
	[tilespmem:$0x1EFA0] =	vst v63  }
0x272: {  	_ =	swait.ge [sflag:s8], $0xA000  }
0x273: {  	[sflag:s8] =	ssyncset.done $0x0  }
0x274: {  	v0 =	vimm.f32 $0.0e+00;
	[sflag:s8] =	ssyncadd.s32 $0xFFFF6000  }
0x275: {  	_ =	sfence.sel $0x180000  }
0x276: {  	[bflag:$0x0] =	sbarrier.arrive $0xFFFF  }
0x277: {  	p0 =	sne.s32 s0, $0x0;
	_ =	strace $0x9000004D  }
0x278: {  	s0 =	sadd.s32 @!p0 $0x100000, s1;
	[bflag:$0x2] =	sbarrier.arrive $0xFFFF  }
0x279: {  	[sflag:s0] =	ssyncadd.tile.s32 @!p0 $0x1;
	_ =	shalt  }
.Lfunc_end2:
_tile_overlayer_lowered:
.L_overlay_start_2:
0x27a: {  	(tag) =	ssettag $0x2  }
0x27b: {  	s0 =	rddreg [dreg:$0x0];
	s2 =	stileid.u32  }
0x27c: {  	s1 =	rddreg [dreg:$0x1];
	p0 =	sne.s32 s2, $0x0  }
0x27d: {  	s3 =	rddreg [dreg:$0x2];
	[bflag:$0x3] =	sbarrier.arrive $0xFFFF;
	s2 =	simm.s32 @!p0 $0x1C03  }
0x27e: {  	[timem:s3], [sflag:s2] =	dma.local @!p0 [hbm:s0], s1  }
0x27f: {  	s0 =	simm.s32 @!p0 $0x3  }
0x280: {  	_ =	swait.ge @!p0 [sflag:s0], s1  }
0x281: {  	s1 =	ssub.s32 @!p0 $0x0, s1;
	[sflag:s0] =	ssyncset.done @!p0 $0x0  }
0x282: {  	[sflag:s0] =	ssyncadd.s32 @!p0 s1  }
0x283: {  	[bflag:$0x3] =	sbarrier.arrive $0xFFFF  }
0x284: {  	_ =	shalt  }

// kernel: kernel.8.cloned.1.call-start
scs
__scs_entry_jumppad:
0x0: {  	(pc) =	sbr.rel $0x88, $3  }
0x1: {  	(tag) =	ssettag $0x0;
	lr =	simm.s32 $0x1  }
0x2: {  	[smem:$0x3F9B] =	sst lr;
	_ =	strace $0xD0000000  }
0x3: {  	_ = 	snop  }
0x4: {  	_ = 	snop  }
0x5: {  	_ = 	snop  }
0x6: {  	_ = 	snop  }
0x7: {  	_ = 	snop  }
__scs_overlays_trampoline_lowered:
0x8: {  	[smem:$0x3FAA] =	sst s0  }
0x9: {  	[smem:$0x3FAB] =	sst s1  }
0xa: {  	[smem:$0x3FAC] =	sst s2  }
0xb: {  	[smem:$0x3FAD] =	sst s3  }
0xc: {  	[smem:$0x3FAE] =	sst s4  }
0xd: {  	[smem:$0x3FAF] =	sst s5  }
0xe: {  	[smem:$0x3FB0] =	sst s6  }
0xf: {  	[smem:$0x3FB1] =	sst s7  }
0x10: {  	[smem:$0x3FB2] =	sst s8  }
0x11: {  	[smem:$0x3FB3] =	sst s9;
	s0 =	simm.s32 @!p0 $0x0  }
0x12: {  	s1 =	sld [smem:$0x3F99];
	s0 =	simm.s32 @p0 $0x1  }
0x13: {  	[smem:$0x3FB4] =	sst s0;
	s0 =	simm.s32 @!p1 $0x0  }
0x14: {  	s2 =	sld [smem:$0x3F98];
	s0 =	simm.s32 @p1 $0x1  }
0x15: {  	[smem:$0x3FB5] =	sst s0;
	s0 =	simm.s32 @!p2 $0x0  }
0x16: {  	s3 =	sld [smem:$0x3FDB];
	s0 =	simm.s32 @p2 $0x1  }
0x17: {  	s4 =	simm.s32 $0x1BF5;
	[smem:$0x3FB7] =	sst s0  }
0x18: {  	s0 =	sld [smem:$0x3F9A];
	_ =	swait.ge [sflag:s4], $0x0  }
0x19: {  	s7 =	sld [smem:$0x3F9B]  }
0x1a: {  	s8 =	sadd.s32 $0xFFFFE003, lr  }
0x1b: {  	s9 =	sadd.s32 $0xFFFFFEF7, lr;
	s5 =	simm.s32 $0xFFFFFFFF;
	p2 =	slt.u32 s8, $0xFFFFF086  }
0x1c: {  	p1 =	slt.u32 s9, $0xF7A;
	s5 =	simm.s32 @!p2 $0x0  }
0x1d: {  	s5 =	simm.s32 @p1 $0x1;
	p0 =	seq.s32 s7, s2  }
0x1e: {  	s7 =	smul.u32 @!p0 $0xF7A, s2;
	p2 =	seq.s32 @!p0 s5, $0x0  }
0x1f: {  	s9 =	smul.u32 $0xF7A, s1;
	s8 =	simm.s32 @!p0 $0x1BF5;
	p2 =	por !p2, p0  }
0x20: {  	[sflag:s8] =	ssyncset.s32 @!p0 $0xFFFFF086;
	s6 =	sadd.s32 @!p0 s3, s7;
	s7 =	simm.s32 @!p0 $0x108  }
0x21: {  	s3 =	sadd.s32 s3, s9;
	s6 =	sadd.s32 @!p0 $0x88, s6;
	s7 =	simm.s32 @p2 $0x1082  }
0x22: {  	[simem:s7], [sflag:s8] =	dma.local @!p0 [hbm:s6], $0xF7A  }
0x23: {  	s9 =	sor.u32 $0xD0000000, s2;
	s6 =	simm.s32 $0x108;
	_ =	swait.ge @!p0 [sflag:s8], $0x0  }
0x24: {  	s3 =	sadd.s32 $0x88, s3;
	s6 =	simm.s32 @!p1 $0x1082;
	[sflag:s4] =	ssyncset.s32 $0xFFFFF086  }
0x25: {  	[simem:s6], [sflag:s4] =	dma.local [hbm:s3], $0xF7A  }
0x26: {  	[smem:$0x3F9B] =	sst s1;
	(tag) =	ssettag s2;
	_ =	strace s9  }
0x27: {  	s1 =	sld [smem:$0x3FAB]  }
0x28: {  	s2 =	sld [smem:$0x3FAC]  }
0x29: {  	s4 =	sld [smem:$0x3FAE]  }
0x2a: {  	p0 =	seq.s32 s5, $0x0;
	s5 =	sld [smem:$0x3FAF]  }
0x2b: {  	s6 =	sld [smem:$0x3FB0]  }
0x2c: {  	s7 =	sld [smem:$0x3FB1]  }
0x2d: {  	s3 =	simm.s32 $0x108;
	s8 =	sld [smem:$0x3FB2]  }
0x2e: {  	s3 =	simm.s32 @!p0 $0x1082;
	s9 =	sld [smem:$0x3FB3]  }
0x2f: {  	lr =	sadd.s32 s0, s3;
	s0 =	sld [smem:$0x3FAA]  }
0x30: {  	s3 =	sld [smem:$0x3FAD]  }
0x31: {  	[smem:$0x3FB6] =	sst s10  }
0x32: {  	s10 =	sld [smem:$0x3FB4];
	_ =	sdelay $0x3  }
0x33: {  	p0 =	seq.s32 s10, $0x1;
	s10 =	sld [smem:$0x3FB6];
	_ =	sdelay $0x3  }
0x34: {  	[smem:$0x3FB6] =	sst s10  }
0x35: {  	s10 =	sld [smem:$0x3FB5];
	_ =	sdelay $0x3  }
0x36: {  	p1 =	seq.s32 s10, $0x1;
	s10 =	sld [smem:$0x3FB6];
	_ =	sdelay $0x3  }
0x37: {  	[smem:$0x3FB6] =	sst s10  }
0x38: {  	s10 =	sld [smem:$0x3FB7]  }
0x39: {  	_ = 	snop;
	(pc) =	sbr.ind lr, $3  }
0x3a: {  	_ = 	snop  }
0x3b: {  	_ = 	snop  }
0x3c: {  	p2 =	seq.s32 s10, $0x1;
	s10 =	sld [smem:$0x3FB6]  }
0x3d: {  	_ =	shalt  }
0x3e: {  	_ =	shalt  }
0x3f: {  	_ =	shalt  }
0x40: {  	_ =	shalt  }
0x41: {  	_ =	shalt  }
0x42: {  	_ =	shalt  }
0x43: {  	_ =	shalt  }
0x44: {  	_ =	shalt  }
0x45: {  	_ =	shalt  }
0x46: {  	_ =	shalt  }
0x47: {  	_ =	shalt  }
0x48: {  	_ =	shalt  }
0x49: {  	_ =	shalt  }
0x4a: {  	_ =	shalt  }
0x4b: {  	_ =	shalt  }
0x4c: {  	_ =	shalt  }
0x4d: {  	_ =	shalt  }
0x4e: {  	_ =	shalt  }
0x4f: {  	_ =	shalt  }
0x50: {  	_ =	shalt  }
0x51: {  	_ =	shalt  }
0x52: {  	_ =	shalt  }
0x53: {  	_ =	shalt  }
0x54: {  	_ =	shalt  }
0x55: {  	_ =	shalt  }
0x56: {  	_ =	shalt  }
0x57: {  	_ =	shalt  }
0x58: {  	_ =	shalt  }
0x59: {  	_ =	shalt  }
0x5a: {  	_ =	shalt  }
0x5b: {  	_ =	shalt  }
0x5c: {  	_ =	shalt  }
0x5d: {  	_ =	shalt  }
0x5e: {  	_ =	shalt  }
0x5f: {  	_ =	shalt  }
0x60: {  	_ =	shalt  }
0x61: {  	_ =	shalt  }
0x62: {  	_ =	shalt  }
0x63: {  	_ =	shalt  }
0x64: {  	_ =	shalt  }
0x65: {  	_ =	shalt  }
0x66: {  	_ =	shalt  }
0x67: {  	_ =	shalt  }
0x68: {  	_ =	shalt  }
0x69: {  	_ =	shalt  }
0x6a: {  	_ =	shalt  }
0x6b: {  	_ =	shalt  }
0x6c: {  	_ =	shalt  }
0x6d: {  	_ =	shalt  }
0x6e: {  	_ =	shalt  }
0x6f: {  	_ =	shalt  }
0x70: {  	_ =	shalt  }
0x71: {  	_ =	shalt  }
0x72: {  	_ =	shalt  }
0x73: {  	_ =	shalt  }
0x74: {  	_ =	shalt  }
0x75: {  	_ =	shalt  }
0x76: {  	_ =	shalt  }
0x77: {  	_ =	shalt  }
0x78: {  	_ =	shalt  }
0x79: {  	_ =	shalt  }
0x7a: {  	_ =	shalt  }
0x7b: {  	_ =	shalt  }
0x7c: {  	_ =	shalt  }
0x7d: {  	_ =	shalt  }
0x7e: {  	_ =	shalt  }
0x7f: {  	_ =	shalt  }
0x80: {  	_ =	shalt  }
0x81: {  	_ =	shalt  }
0x82: {  	_ =	shalt  }
0x83: {  	_ =	shalt  }
0x84: {  	_ =	shalt  }
0x85: {  	_ =	shalt  }
0x86: {  	_ =	shalt  }
0x87: {  	_ =	shalt  }
.Lfunc_end0:
.L_simem_size_0:
called_computation_lowered:
.L_overlay_start_0:
0x88: {  	s2 =	sld [smem:$0x3FD9]  }
0x89: {  	s3 =	sld [smem:$0x3FFE];
	_ =	sdelay $0x1  }
0x8a: {  	s1 =	srdreg.scid  }
0x8b: {  	s0 =	sand.u32 $0x1, s1  }
0x8c: {  	s17 =	sshll.u32 s0, $0xA;
	s2 =	sadd.s32 s3, s2  }
0x8d: {  	s2 =	sadd.s32 s2, s17  }
0x8e: {  	[smem:$0x3FC2] =	sst s2  }
0x8f: {  	_ = 	snop  }
0x90: {  	s2 =	sld [smem:$0x3FD0];
	(tm) =	ssettm $0x1  }
0x91: {  	s18 =	sld [smem:$0x3FFB];
	_ =	sdelay $0x3  }
0x92: {  	_ =	strace s18  }
0x93: {  	s3 =	sld [smem:$0x3FFC];
	_ =	sdelay $0x3  }
0x94: {  	_ =	strace s3  }
0x95: {  	s3 =	sld [smem:$0x3FFD];
	_ =	sdelay $0x3  }
0x96: {  	_ =	strace s3  }
0x97: {  	_ =	strace $0x8FFFFFFF  }
0x98: {  	s19 =	sld [smem:$0x3FDB];
	_ =	sdelay $0x1  }
0x99: {  	s4 =	simm.s32 $_scs_section_size  }
0x9a: {  	s5 =	simm.s32 $_size__tile_overlayer_lowered;
	s6 =	simm.s32 $_tile_overlayer_lowered  }
0x9b: {  	s22 =	simm.s32 $0x1BFF;
	s21 =	sshll.u32 s6, $0x1;
	s3 =	sadd.s32 s4, s19  }
0x9c: {  	s7 =	simm.s32 $0x0;
	s20 =	sshll.u32 s5, $0x1;
	s5 =	sadd.s32 s21, s3  }
0x9d: {  	[timem:s7], [sflag:s22] =	dma.local [hbm:s5], s20  }
0x9e: {  	_ =	swait.ge [sflag:s22], s20  }
0x9f: {  	s4 =	ssub.s32 $0x0, s20;
	[sflag:s22] =	ssyncset.done $0x0  }
0xa0: {  	[sflag:s22] =	ssyncadd.s32 s4;
	_ =	sdelay $0x1  }
0xa1: {  	s23 =	simm.s32 $0x1B8B  }
0xa2: {  	_ =	swait.ge [sflag:s23], $0x1  }
0xa3: {  	[sflag:s23] =	ssyncset.done $0x0  }
0xa4: {  	s25 =	simm.s32 $0x1B8E;
	s24 =	sld [smem:$0x3FFE];
	[sflag:s23] =	ssyncadd.s32 $0xFFFFFFFF  }
0xa5: {  	s26 =	simm.s32 $execute0_lowered;
	[smem:$0x3FD2] =	sst s25  }
0xa6: {  	s5 =	sshll.u32 s26, $0x1;
	_ =	strace $0x80000046;
	[dreg:$0x1] =	wrdreg $0xFFFFFFFF  }
0xa7: {  	s28 =	simm.s32 $_size_execute0_lowered;
	s3 =	sadd.s32 s3, s5;
	[dreg:$0x0] =	wrdreg $0x0  }
0xa8: {  	s5 =	sshll.u32 s28, $0x1;
	[dreg:$0x2] =	wrdreg s3  }
0xa9: {  	[dreg:$0x3] =	wrdreg s5  }
0xaa: {  	[dreg:$0x4] =	wrdreg $0xC0  }
0xab: {  	_ =	task [dreg:s7], $0x5FFFF  }
0xac: {  	[dreg:$0x1] =	wrdreg $0xFFFFFFFF  }
0xad: {  	[dreg:$0x0] =	wrdreg $0x60  }
0xae: {  	[dreg:$0x2] =	wrdreg s2  }
0xaf: {  	[dreg:$0x3] =	wrdreg s24  }
0xb0: {  	[dreg:$0x4] =	wrdreg $0x5BE00  }
0xb1: {  	[dreg:$0x5] =	wrdreg $0x9  }
0xb2: {  	_ =	task.clear_ibuf [dreg:s7], $0x6FFFF;
	_ =	strace $0x90000046  }
0xb3: {  	s29 =	simm.s32 $0x9;
	_ =	strace $0x80000048  }
0xb4: {  	_ =	swait.ge [sflag:s29], $0x1  }
0xb5: {  	[sflag:s29] =	ssyncadd.s32 $0xFFFFFFFF  }
0xb6: {  	_ =	strace $0x90000048  }
0xb7: {  	_ =	sfence  }
0xb8: {  	s30 =	sld [smem:$0x0];
	_ =	sdelay $0x2  }
0xb9: {  	s31 =	sshll.u32 s1, $0xD;
	s1 =	sshrl.u32 s1, $0x2  }
0xba: {  	s3 =	sand.u32 $0x4000, s31;
	s1 =	sadd.s32 s1, s30  }
0xbb: {  	s0 =	sor.u32 s3, s0;
	s1 =	sshll.u32 s1, $0x11  }
0xbc: {  	s0 =	sor.u32 s1, s0  }
0xbd: {  	s0 =	sadd.s32 $0x8F2B, s0  }
0xbe: {  	[sflag:s0] =	ssyncadd.remote.s32 $0x1  }
0xbf: {  	_ =	sfence.sel $0xFFFF  }
0xc0: {  	[dreg:$0x0] =	wrdreg $0xFFFFFFFF;
	(pc) =	sbr.abs _section_cstart, $3  }
0xc1: {  	[dreg:$0x1] =	wrdreg $0xFFFFFFFF  }
0xc2: {  	_ =	task.clear_ibuf [dreg:s7], $0x2FFFF;
	_ =	strace $0x9FFFFFFF  }
0xc3: {  	(tm) =	ssettm $0x7FFFFFFF  }
tec
execute0_lowered:
.L_overlay_start_1:
0x0: {  	(tag) =	ssettag $0x1  }
0x1: {  	s1 =	rddreg [dreg:$0x0]  }
0x2: {  	s0 =	rddreg [dreg:$0x1]  }
0x3: {  	s2 =	srdreg.scid;
	s11 =	stileid.u32  }
0x4: {  	s7 =	rddreg [dreg:$0x2];
	s3 =	simm.s32 $0x0;
	s28 =	simm.s32 $0x37A0  }
0x5: {  	s29 =	simm.s32 $0x1;
	s30 =	simm.s32 $0x5960;
	s6 =	smul.u32 $0x280, s11  }
0x6: {  	s2 =	sand.u32 $0x1, s2;
	[smem:$0x7FF] =	sst s3;
	s9 =	smul.u32 $0xA000, s11  }
0x7: {  	s4 =	smul.u32 $0x2800, s2;
	_ =	strace $0x80000047;
	s5 =	ssub.s32 $0x2, s2  }
0x8: {  	p0 =	seq.s32 s2, $0x0;
	p1 =	sne.s32 s2, $0x0;
	s2 =	simm.s32 $0x0  }
0x9: {  	s8 =	sshrl.u32 s5, $0x1;
	s21 =	sshrl.u32 s9, $0x2;
	s4 =	sadd.s32 s6, s4  }
0xa: {  	s13 =	ssub.s32 s5, s8;
	s6 =	sadd.s32 s6, s7;
	s7 =	sadd.s32 s21, s7  }
0xb: {  	s5 =	smul.u32 $0x4E20, s11;
	s4 =	sshrl.u32 s4, $0x3;
	[dreg:$0x4] =	wrdreg s7  }
0xc: {  	s22 =	sadd.s32 $0x2800, s6;
	s23 =	sadd.s32 $0x5000, s6;
	s24 =	sadd.s32 $0x7800, s6  }
0xd: {  	s25 =	sadd.s32 $0xA000, s6;
	s26 =	sadd.s32 $0xC800, s6;
	s31 =	sadd.s32 $0xF000, s6  }
0xe: {  	s14 =	sadd.s32 $0x11800, s6;
	s15 =	sadd.s32 $0x14000, s6;
	[dreg:$0x5] =	wrdreg s22  }
0xf: {  	s16 =	sadd.s32 $0x16800, s6;
	s17 =	sadd.s32 $0x19000, s6;
	[dreg:$0x6] =	wrdreg s23  }
0x10: {  	s18 =	sadd.s32 $0x1B800, s6;
	s19 =	sadd.s32 $0x1E000, s6;
	[dreg:$0x7] =	wrdreg s24  }
0x11: {  	s20 =	sadd.s32 $0x20800, s6;
	s21 =	sadd.s32 $0x23000, s6;
	[dreg:$0x8] =	wrdreg s25  }
0x12: {  	s10 =	sadd.s32 s4, s0;
	s4 =	sadd.s32 $0x2C00, s0;
	[dreg:$0x9] =	wrdreg s26  }
0x13: {  	[dreg:$0xa] =	wrdreg s31;
	s22 =	sadd.s32 $0x25800, s6;
	s24 =	smax.u32 s13, $0x1  }
0x14: {  	v0 =	vimm.f32 $0.0e+00;
	v1 =	vimm.f32 $1.000000000e+00;
	s25 =	simm.s32 $0x2800;
	s26 =	simm.s32 $0x2;
	s23 =	sadd.s32 $0x2200, s10  }
.LBB2_1:
0x15: {  	s0 =	simm.s32 $0x0  }
.LBB2_2:
0x16: {  	p2 =	sne.s32 s0, $0x9FC0  }
.Ltmp0:
0x17: {  	_ = 	snop;
	(pc) =	sbr.rel @p2 .LBB2_2-.Ltmp0, $3  }
0x18: {  	_ =	sdelay $0x1  }
0x19: {  	s7 =	sshra.s32 s0, $0x2  }
0x1a: {  	s0 =	sadd.s32 $0x40, s0;
	[tilespmem:s7+$0x0] =	vst v0  }
0x1b: {  	s0 =	simm.s32 $0x0;
	s31 =	simm.s32 $0x0  }
.LBB2_4:
0x1c: {  	s7 =	smul.u32 $0xFA0, s31;
	_ =	sdelay $0x1  }
0x1d: {  	s7 =	sadd.s32 s5, s7  }
0x1e: {  	s7 =	sshrl.u32 s7, $0x3  }
0x1f: {  	s8 =	sadd.s32 s1, s7  }
0x20: {  	[tilespmem:s25], [sflag:$0x2] =	stream.linear.gather [hbm4b:s8+s3], $0xFA0, $0x38;
	[tilespmem:$0x83E0] =	vst v63  }
0x21: {  	_ =	swait.ge [sflag:s26], $0xFA0  }
0x22: {  	[sflag:s26] =	ssyncset.done $0x0  }
0x23: {  	s8 =	sadd.s32 $0x9C40, s8;
	[sflag:s26] =	ssyncadd.s32 $0xFFFFF060  }
0x24: {  	[tilespmem:s28], [sflag:$0x2] =	stream.linear.gather [hbm4b:s8+s3], $0xFA0, $0x38;
	[tilespmem:$0x83E0] =	vst v63  }
0x25: {  	_ =	swait.ge [sflag:s26], $0xFA0  }
0x26: {  	[sflag:s26] =	ssyncset.done $0x0  }
0x27: {  	s12 =	simm.s32 $0x37C0;
	[sflag:s26] =	ssyncadd.s32 $0xFFFFF060  }
0x28: {  	s9 =	simm.s32 $0x2820;
	v6 =	vld [tilespmem:s12+$0xFFFFFFE0]  }
0x29: {  	v9 =	vld [tilespmem:s9+$0xFFFFFFF0]  }
0x2a: {  	v7 =	vld [tilespmem:s9+$0xFFFFFFE0]  }
0x2b: {  	v10 =	vld [tilespmem:s12+$0x0]  }
0x2c: {  	v8 =	vld [tilespmem:s12+$0x10]  }
0x2d: {  	v11 =	vld [tilespmem:s9+$0x10]  }
0x2e: {  	v12 =	vld [tilespmem:s9+$0x0]  }
0x2f: {  	s13 =	simm.s32 $0x3800;
	v14 =	vld [tilespmem:s12+$0xFFFFFFF0]  }
0x30: {  	v5 =	vld [tilespmem:s13+$0xFFFFFFE0];
	v13 =	vpsel p0, v7, v6  }
0x31: {  	v3 =	vld [tilespmem:s13+$0x0]  }
0x32: {  	s10 =	simm.s32 $0x2860;
	v4 =	vld [tilespmem:s13+$0x10];
	v15 =	vpsel p0, v11, v8;
	v6 =	vshll.u32 v6, $0x10  }
0x33: {  	v16 =	vpsel p0, v12, v10;
	v8 =	vshll.u32 v8, $0x10;
	v7 =	vor.u32 v7, v6;
	v6 =	vld [tilespmem:s10+$0xFFFFFFE0]  }
0x34: {  	v11 =	vor.u32 v11, v8;
	v8 =	vld [tilespmem:s10+$0x10]  }
0x35: {  	s8 =	simm.s32 $0x4760;
	[tilespmem:v13+s0+$0x0] =	vst.idx.add.f32.msk $0xffff, v1  }
0x36: {  	v13 =	vpsel p0, v9, v14;
	[tilespmem:s8+$0xFFFFFFE0] =	vst v7;
	v7 =	vld [tilespmem:s10+$0x0]  }
0x37: {  	[tilespmem:v15+s0+$0x0] =	vst.idx.add.f32.msk $0xffff, v1  }
0x38: {  	v10 =	vshll.u32 v10, $0x10;
	[tilespmem:v16+s0+$0x0] =	vst.idx.add.f32.msk $0xffff, v1  }
0x39: {  	v2 =	vld [tilespmem:s10+$0xFFFFFFF0];
	v12 =	vor.u32 v12, v10;
	[tilespmem:s8+$0x10] =	vst v11  }
0x3a: {  	s11 =	simm.s32 $0x4;
	v10 =	vld [tilespmem:s13+$0xFFFFFFF0];
	v11 =	vshll.u32 v14, $0x10;
	[tilespmem:s8+$0x0] =	vst v12;
	v12 =	vpsel p0, v6, v5  }
0x3b: {  	s9 =	simm.s32 $0x47A0;
	s12 =	simm.s32 $0x28A0;
	s13 =	simm.s32 $0x3840;
	v11 =	vor.u32 v9, v11;
	[tilespmem:v13+s0+$0x0] =	vst.idx.add.f32.msk $0xffff, v1;
	v9 =	vpsel p0, v7, v3  }
.LBB2_5:
0x3c: {  	v13 =	vld [tilespmem:s13+$0xFFFFFFE0];
	s11 =	sadd.s32 $0x4, s11;
	[tilespmem:s8+$0xFFFFFFF0] =	vst v11;
	s8 =	smov.u32 s9;
	s9 =	sadd.s32 $0x40, s9  }
0x3d: {  	v14 =	vld [tilespmem:s12+$0xFFFFFFF0];
	p2 =	slt.u32 s11, $0xF4;
	v15 =	vpsel p0, v8, v4  }
0x3e: {  	v16 =	vld [tilespmem:s13+$0x0]  }
0x3f: {  	s10 =	simm.s32 $0x0;
	v19 =	vshll.u32 v5, $0x10;
	v17 =	vld [tilespmem:s13+$0x10];
	v18 =	vpsel p0, v2, v10;
	v10 =	vshll.u32 v10, $0x10  }
0x40: {  	[tilespmem:v12+s10+$0x0] =	vst.idx.add.f32.msk $0xffff, v1;
	v12 =	vor.u32 v6, v19;
	v11 =	vor.u32 v2, v10  }
0x41: {  	v6 =	vld [tilespmem:s12+$0xFFFFFFE0];
	[tilespmem:s8+$0xFFFFFFE0] =	vst v12;
	v5 =	vmov v13  }
0x42: {  	v19 =	vshll.u32 v4, $0x10;
	v13 =	vld [tilespmem:s12+$0x0];
	v2 =	vmov v14  }
.Ltmp1:
0x43: {  	v12 =	vor.u32 v8, v19;
	[tilespmem:v15+s10+$0x0] =	vst.idx.add.f32.msk $0xffff, v1;
	(pc) =	sbr.rel @p2 .LBB2_5-.Ltmp1, $4  }
0x44: {  	v10 =	vshll.u32 v3, $0x10;
	v3 =	vmov v16;
	v8 =	vld [tilespmem:s12+$0x10];
	[tilespmem:s8+$0x10] =	vst v12;
	v4 =	vmov v17  }
0x45: {  	v14 =	vor.u32 v7, v10;
	[tilespmem:v9+s10+$0x0] =	vst.idx.add.f32.msk $0xffff, v1  }
0x46: {  	v12 =	vpsel p0, v6, v5;
	v10 =	vld [tilespmem:s13+$0xFFFFFFF0];
	[tilespmem:s8+$0x0] =	vst v14  }
0x47: {  	s12 =	sadd.s32 $0x40, s12;
	s13 =	sadd.s32 $0x40, s13;
	v9 =	vpsel p0, v13, v3;
	[tilespmem:v18+s10+$0x0] =	vst.idx.add.f32.msk $0xffff, v1;
	v7 =	vmov v13  }
0x48: {  	_ =	sdelay $0x2  }
0x49: {  	[tilespmem:s8+$0xFFFFFFF0] =	vst v11;
	v13 =	vpsel p0, v8, v4  }
0x4a: {  	v5 =	vshll.u32 v5, $0x10;
	[tilespmem:v12+s10+$0x0] =	vst.idx.add.f32.msk $0xffff, v1  }
0x4b: {  	v3 =	vshll.u32 v3, $0x10;
	[tilespmem:v9+s10+$0x0] =	vst.idx.add.f32.msk $0xffff, v1;
	v5 =	vor.u32 v6, v5;
	v61 =	vpsel p0, v2, v10  }
0x4c: {  	v3 =	vor.u32 v7, v3;
	[tilespmem:s9+$0xFFFFFFE0] =	vst v5  }
0x4d: {  	v62 =	vshll.u32 v4, $0x10;
	[tilespmem:s9+$0x0] =	vst v3  }
0x4e: {  	v4 =	vor.u32 v8, v62;
	[tilespmem:v13+s10+$0x0] =	vst.idx.add.f32.msk $0xffff, v1  }
0x4f: {  	v63 =	vshll.u32 v10, $0x10;
	[tilespmem:s9+$0x10] =	vst v4  }
0x50: {  	v2 =	vor.u32 v2, v63;
	[tilespmem:v61+s10+$0x0] =	vst.idx.add.f32.msk $0xffff, v1  }
0x51: {  	[tilespmem:s9+$0xFFFFFFF0] =	vst v2  }
.LBB2_7:
0x52: {  	s8 =	sshra.s32 s10, $0x2  }
0x53: {  	v2 =	vld [tilespmem:s8+$0x3780]  }
0x54: {  	v3 =	vld [tilespmem:s8+$0x4720];
	_ =	sdelay $0x4  }
0x55: {  	v4 =	vpsel p0, v2, v3  }
0x56: {  	p2 =	sne.s32 s10, $0x40  }
.Ltmp2:
0x57: {  	_ = 	snop;
	(pc) =	sbr.rel @p2 .LBB2_7-.Ltmp2, $4  }
0x58: {  	_ = 	snop  }
0x59: {  	v3 =	vshll.u32 v3, $0x10  }
0x5a: {  	v2 =	vor.u32 v2, v3;
	[tilespmem:v4+s3+$0x0] =	vst.idx.add.f32.msk $0xffff, v1  }
0x5b: {  	s10 =	sadd.s32 $0x40, s10;
	[tilespmem:s8+$0x56C0] =	vst v2  }
0x5c: {  	s7 =	sadd.s32 @!p1 s4, s7  }
0x5d: {  	s8 =	simm.s32 @!p1 $0x0;
	s9 =	simm.s32 @!p1 $0x4740;
	s31 =	sadd.s32 $0x1, s31  }
0x5e: {  	[hbm4b:s7+s8] =	stream.linear.scatter @!p1 [tilespmem:s9], [sflag:$0x1], $0xFA0, $0x38;
	[tilespmem:$0x83E0] =	vst v63  }
0x5f: {  	p2 =	sne.s32 s31, $0x5  }
.Ltmp3:
0x60: {  	_ = 	snop;
	(pc) =	sbr.rel @p2 .LBB2_4-.Ltmp3, $4  }
0x61: {  	s7 =	simm.s32 @!p1 $0x1  }
0x62: {  	_ =	swait.ge @!p1 [sflag:s7], $0xFA0  }
0x63: {  	[sflag:s7] =	ssyncset.done @!p1 $0x0  }
0x64: {  	[sflag:s7] =	ssyncadd.s32 @!p1 $0xFFFFF060  }
0x65: {  	s0 =	simm.s32 $0x0;
	s7 =	rddreg [dreg:$0x4]  }
0x66: {  	[spmem:s7] =	stream.linear.scatter [tilespmem:s0], [sflag:$0x1], $0x2800, $0x38;
	[tilespmem:$0x83E0] =	vst v63  }
0x67: {  	_ =	swait.ge [sflag:s29], $0x2800  }
0x68: {  	[sflag:s29] =	ssyncset.done $0x0  }
0x69: {  	[sflag:s29] =	ssyncadd.s32 $0xFFFFD800  }
0x6a: {  	[bflag:$0x0] =	sbarrier.arrive $0xFFFF  }
0x6b: {  	[tilespmem:$0x56E0] =	vst v0  }
0x6c: {  	[tilespmem:$0x56F0] =	vst v0  }
0x6d: {  	[tilespmem:$0x5700] =	vst v0  }
0x6e: {  	[tilespmem:$0x5710] =	vst v0  }
0x6f: {  	[tilespmem:$0x5720] =	vst v0  }
0x70: {  	[tilespmem:$0x5730] =	vst v0  }
0x71: {  	[tilespmem:$0x5740] =	vst v0  }
0x72: {  	[tilespmem:$0x5750] =	vst v0  }
0x73: {  	[tilespmem:$0x5760] =	vst v0  }
0x74: {  	[tilespmem:$0x5770] =	vst v0  }
0x75: {  	[tilespmem:$0x5780] =	vst v0  }
0x76: {  	[tilespmem:$0x5790] =	vst v0  }
0x77: {  	[tilespmem:$0x57A0] =	vst v0  }
0x78: {  	[tilespmem:$0x57B0] =	vst v0  }
0x79: {  	[tilespmem:$0x57C0] =	vst v0  }
0x7a: {  	[tilespmem:$0x57D0] =	vst v0  }
0x7b: {  	[tilespmem:$0x57E0] =	vst v0  }
0x7c: {  	[tilespmem:$0x57F0] =	vst v0  }
0x7d: {  	[tilespmem:$0x5800] =	vst v0  }
0x7e: {  	[tilespmem:$0x5810] =	vst v0  }
0x7f: {  	[tilespmem:$0x5820] =	vst v0  }
0x80: {  	[tilespmem:$0x5830] =	vst v0  }
0x81: {  	[tilespmem:$0x5840] =	vst v0  }
0x82: {  	[tilespmem:$0x5850] =	vst v0  }
0x83: {  	[tilespmem:$0x5860] =	vst v0  }
0x84: {  	[tilespmem:$0x5870] =	vst v0  }
0x85: {  	[tilespmem:$0x5880] =	vst v0  }
0x86: {  	[tilespmem:$0x5890] =	vst v0  }
0x87: {  	[tilespmem:$0x58A0] =	vst v0  }
0x88: {  	[tilespmem:$0x58B0] =	vst v0  }
0x89: {  	[tilespmem:$0x58C0] =	vst v0  }
0x8a: {  	[tilespmem:$0x58D0] =	vst v0  }
0x8b: {  	[tilespmem:$0x58E0] =	vst v0  }
0x8c: {  	[tilespmem:$0x58F0] =	vst v0  }
0x8d: {  	[tilespmem:$0x5900] =	vst v0  }
0x8e: {  	[tilespmem:$0x5910] =	vst v0  }
0x8f: {  	[tilespmem:$0x5920] =	vst v0  }
0x90: {  	[tilespmem:$0x5930] =	vst v0  }
0x91: {  	[tilespmem:$0x5940] =	vst v0  }
0x92: {  	[tilespmem:$0x5950] =	vst v0  }
0x93: {  	[tilespmem:s30], [sflag:$0x1] =	stream.linear.gather [spmem:s6], $0x280, $0x38;
	[tilespmem:$0x83E0] =	vst v63  }
0x94: {  	_ =	swait.ge [sflag:s29], $0x280  }
0x95: {  	[sflag:s29] =	ssyncset.done $0x0  }
0x96: {  	s0 =	simm.s32 $0x0;
	[sflag:s29] =	ssyncadd.s32 $0xFFFFFD80  }
0x97: {  	s7 =	simm.s32 $0x40;
	v2 =	vld [tilespmem:s0+$0x5960]  }
.LBB2_10:
0x98: {  	p2 =	sne.s32 s7, $0x9C0;
	v3 =	vld [tilespmem:s0+$0x56E0];
	_ =	sdelay $0x2  }
.Ltmp4:
0x99: {  	(pc) =	sbr.rel @p2 .LBB2_10-.Ltmp4, $4  }
0x9a: {  	_ = 	snop  }
0x9b: {  	v3 =	vadd.f32 v2, v3  }
0x9c: {  	s8 =	sshra.s32 s7, $0x2  }
0x9d: {  	s7 =	sadd.s32 $0x40, s7;
	v2 =	vld [tilespmem:s8+$0x5960];
	[tilespmem:s0+$0x56E0] =	vst v3;
	s0 =	smov.u32 s8  }
0x9e: {  	v3 =	vld [tilespmem:s0+$0x56E0];
	_ =	sdelay $0x4  }
0x9f: {  	v2 =	vadd.f32 v2, v3;
	_ =	sdelay $0x1  }
0xa0: {  	s31 =	rddreg [dreg:$0x5];
	[tilespmem:s0+$0x56E0] =	vst v2  }
0xa1: {  	[tilespmem:s30], [sflag:$0x1] =	stream.linear.gather [spmem:s31], $0x280, $0x38;
	[tilespmem:$0x83E0] =	vst v63  }
0xa2: {  	_ =	swait.ge [sflag:s29], $0x280  }
0xa3: {  	[sflag:s29] =	ssyncset.done $0x0  }
0xa4: {  	s0 =	simm.s32 $0x0;
	[sflag:s29] =	ssyncadd.s32 $0xFFFFFD80  }
0xa5: {  	s7 =	simm.s32 $0x40;
	v2 =	vld [tilespmem:s0+$0x5960]  }
.LBB2_12:
0xa6: {  	p2 =	sne.s32 s7, $0x9C0;
	v3 =	vld [tilespmem:s0+$0x56E0];
	_ =	sdelay $0x2  }
.Ltmp5:
0xa7: {  	(pc) =	sbr.rel @p2 .LBB2_12-.Ltmp5, $4  }
0xa8: {  	_ = 	snop  }
0xa9: {  	v3 =	vadd.f32 v2, v3  }
0xaa: {  	s8 =	sshra.s32 s7, $0x2  }
0xab: {  	s7 =	sadd.s32 $0x40, s7;
	v2 =	vld [tilespmem:s8+$0x5960];
	[tilespmem:s0+$0x56E0] =	vst v3;
	s0 =	smov.u32 s8  }
0xac: {  	v3 =	vld [tilespmem:s0+$0x56E0];
	_ =	sdelay $0x4  }
0xad: {  	v2 =	vadd.f32 v2, v3;
	_ =	sdelay $0x1  }
0xae: {  	s31 =	rddreg [dreg:$0x6];
	[tilespmem:s0+$0x56E0] =	vst v2  }
0xaf: {  	[tilespmem:s30], [sflag:$0x1] =	stream.linear.gather [spmem:s31], $0x280, $0x38;
	[tilespmem:$0x83E0] =	vst v63  }
0xb0: {  	_ =	swait.ge [sflag:s29], $0x280  }
0xb1: {  	[sflag:s29] =	ssyncset.done $0x0  }
0xb2: {  	s0 =	simm.s32 $0x0;
	[sflag:s29] =	ssyncadd.s32 $0xFFFFFD80  }
0xb3: {  	s7 =	simm.s32 $0x40;
	v2 =	vld [tilespmem:s0+$0x5960]  }
.LBB2_14:
0xb4: {  	p2 =	sne.s32 s7, $0x9C0;
	v3 =	vld [tilespmem:s0+$0x56E0];
	_ =	sdelay $0x2  }
.Ltmp6:
0xb5: {  	(pc) =	sbr.rel @p2 .LBB2_14-.Ltmp6, $4  }
0xb6: {  	_ = 	snop  }
0xb7: {  	v3 =	vadd.f32 v2, v3  }
0xb8: {  	s8 =	sshra.s32 s7, $0x2  }
0xb9: {  	s7 =	sadd.s32 $0x40, s7;
	v2 =	vld [tilespmem:s8+$0x5960];
	[tilespmem:s0+$0x56E0] =	vst v3;
	s0 =	smov.u32 s8  }
0xba: {  	v3 =	vld [tilespmem:s0+$0x56E0];
	_ =	sdelay $0x4  }
0xbb: {  	v2 =	vadd.f32 v2, v3;
	_ =	sdelay $0x1  }
0xbc: {  	s31 =	rddreg [dreg:$0x7];
	[tilespmem:s0+$0x56E0] =	vst v2  }
0xbd: {  	[tilespmem:s30], [sflag:$0x1] =	stream.linear.gather [spmem:s31], $0x280, $0x38;
	[tilespmem:$0x83E0] =	vst v63  }
0xbe: {  	_ =	swait.ge [sflag:s29], $0x280  }
0xbf: {  	[sflag:s29] =	ssyncset.done $0x0  }
0xc0: {  	s0 =	simm.s32 $0x0;
	[sflag:s29] =	ssyncadd.s32 $0xFFFFFD80  }
0xc1: {  	s7 =	simm.s32 $0x40;
	v2 =	vld [tilespmem:s0+$0x5960]  }
.LBB2_16:
0xc2: {  	p2 =	sne.s32 s7, $0x9C0;
	v3 =	vld [tilespmem:s0+$0x56E0];
	_ =	sdelay $0x2  }
.Ltmp7:
0xc3: {  	(pc) =	sbr.rel @p2 .LBB2_16-.Ltmp7, $4  }
0xc4: {  	_ = 	snop  }
0xc5: {  	v3 =	vadd.f32 v2, v3  }
0xc6: {  	s8 =	sshra.s32 s7, $0x2  }
0xc7: {  	s7 =	sadd.s32 $0x40, s7;
	v2 =	vld [tilespmem:s8+$0x5960];
	[tilespmem:s0+$0x56E0] =	vst v3;
	s0 =	smov.u32 s8  }
0xc8: {  	v3 =	vld [tilespmem:s0+$0x56E0];
	_ =	sdelay $0x4  }
0xc9: {  	v2 =	vadd.f32 v2, v3;
	_ =	sdelay $0x1  }
0xca: {  	s31 =	rddreg [dreg:$0x8];
	[tilespmem:s0+$0x56E0] =	vst v2  }
0xcb: {  	[tilespmem:s30], [sflag:$0x1] =	stream.linear.gather [spmem:s31], $0x280, $0x38;
	[tilespmem:$0x83E0] =	vst v63  }
0xcc: {  	_ =	swait.ge [sflag:s29], $0x280  }
0xcd: {  	[sflag:s29] =	ssyncset.done $0x0  }
0xce: {  	s0 =	simm.s32 $0x0;
	[sflag:s29] =	ssyncadd.s32 $0xFFFFFD80  }
0xcf: {  	s7 =	simm.s32 $0x40;
	v2 =	vld [tilespmem:s0+$0x5960]  }
.LBB2_18:
0xd0: {  	p2 =	sne.s32 s7, $0x9C0;
	v3 =	vld [tilespmem:s0+$0x56E0];
	_ =	sdelay $0x2  }
.Ltmp8:
0xd1: {  	(pc) =	sbr.rel @p2 .LBB2_18-.Ltmp8, $4  }
0xd2: {  	_ = 	snop  }
0xd3: {  	v3 =	vadd.f32 v2, v3  }
0xd4: {  	s8 =	sshra.s32 s7, $0x2  }
0xd5: {  	s7 =	sadd.s32 $0x40, s7;
	v2 =	vld [tilespmem:s8+$0x5960];
	[tilespmem:s0+$0x56E0] =	vst v3;
	s0 =	smov.u32 s8  }
0xd6: {  	v3 =	vld [tilespmem:s0+$0x56E0];
	_ =	sdelay $0x4  }
0xd7: {  	v2 =	vadd.f32 v2, v3;
	_ =	sdelay $0x1  }
0xd8: {  	s31 =	rddreg [dreg:$0x9];
	[tilespmem:s0+$0x56E0] =	vst v2  }
0xd9: {  	[tilespmem:s30], [sflag:$0x1] =	stream.linear.gather [spmem:s31], $0x280, $0x38;
	[tilespmem:$0x83E0] =	vst v63  }
0xda: {  	_ =	swait.ge [sflag:s29], $0x280  }
0xdb: {  	[sflag:s29] =	ssyncset.done $0x0  }
0xdc: {  	s0 =	simm.s32 $0x0;
	[sflag:s29] =	ssyncadd.s32 $0xFFFFFD80  }
0xdd: {  	s7 =	simm.s32 $0x40;
	v2 =	vld [tilespmem:s0+$0x5960]  }
.LBB2_20:
0xde: {  	p2 =	sne.s32 s7, $0x9C0;
	v3 =	vld [tilespmem:s0+$0x56E0];
	_ =	sdelay $0x2  }
.Ltmp9:
0xdf: {  	(pc) =	sbr.rel @p2 .LBB2_20-.Ltmp9, $4  }
0xe0: {  	_ = 	snop  }
0xe1: {  	v3 =	vadd.f32 v2, v3  }
0xe2: {  	s8 =	sshra.s32 s7, $0x2  }
0xe3: {  	s7 =	sadd.s32 $0x40, s7;
	v2 =	vld [tilespmem:s8+$0x5960];
	[tilespmem:s0+$0x56E0] =	vst v3;
	s0 =	smov.u32 s8  }
0xe4: {  	v3 =	vld [tilespmem:s0+$0x56E0];
	_ =	sdelay $0x4  }
0xe5: {  	v2 =	vadd.f32 v2, v3;
	_ =	sdelay $0x1  }
0xe6: {  	s31 =	rddreg [dreg:$0xa];
	[tilespmem:s0+$0x56E0] =	vst v2  }
0xe7: {  	[tilespmem:s30], [sflag:$0x1] =	stream.linear.gather [spmem:s31], $0x280, $0x38;
	[tilespmem:$0x83E0] =	vst v63  }
0xe8: {  	_ =	swait.ge [sflag:s29], $0x280  }
0xe9: {  	[sflag:s29] =	ssyncset.done $0x0  }
0xea: {  	s0 =	simm.s32 $0x0;
	[sflag:s29] =	ssyncadd.s32 $0xFFFFFD80  }
0xeb: {  	s7 =	simm.s32 $0x40;
	v2 =	vld [tilespmem:s0+$0x5960]  }
.LBB2_22:
0xec: {  	p2 =	sne.s32 s7, $0x9C0;
	v3 =	vld [tilespmem:s0+$0x56E0];
	_ =	sdelay $0x2  }
.Ltmp10:
0xed: {  	(pc) =	sbr.rel @p2 .LBB2_22-.Ltmp10, $4  }
0xee: {  	_ = 	snop  }
0xef: {  	v3 =	vadd.f32 v2, v3  }
0xf0: {  	s8 =	sshra.s32 s7, $0x2  }
0xf1: {  	s7 =	sadd.s32 $0x40, s7;
	v2 =	vld [tilespmem:s8+$0x5960];
	[tilespmem:s0+$0x56E0] =	vst v3;
	s0 =	smov.u32 s8  }
0xf2: {  	v3 =	vld [tilespmem:s0+$0x56E0];
	_ =	sdelay $0x4  }
0xf3: {  	v2 =	vadd.f32 v2, v3;
	_ =	sdelay $0x1  }
0xf4: {  	[tilespmem:s0+$0x56E0] =	vst v2  }
0xf5: {  	[tilespmem:s30], [sflag:$0x1] =	stream.linear.gather [spmem:s14], $0x280, $0x38;
	[tilespmem:$0x83E0] =	vst v63  }
0xf6: {  	_ =	swait.ge [sflag:s29], $0x280  }
0xf7: {  	[sflag:s29] =	ssyncset.done $0x0  }
0xf8: {  	s0 =	simm.s32 $0x0;
	[sflag:s29] =	ssyncadd.s32 $0xFFFFFD80  }
0xf9: {  	s7 =	simm.s32 $0x40;
	v2 =	vld [tilespmem:s0+$0x5960]  }
.LBB2_24:
0xfa: {  	p2 =	sne.s32 s7, $0x9C0;
	v3 =	vld [tilespmem:s0+$0x56E0];
	_ =	sdelay $0x2  }
.Ltmp11:
0xfb: {  	(pc) =	sbr.rel @p2 .LBB2_24-.Ltmp11, $4  }
0xfc: {  	_ = 	snop  }
0xfd: {  	v3 =	vadd.f32 v2, v3  }
0xfe: {  	s8 =	sshra.s32 s7, $0x2  }
0xff: {  	s7 =	sadd.s32 $0x40, s7;
	v2 =	vld [tilespmem:s8+$0x5960];
	[tilespmem:s0+$0x56E0] =	vst v3;
	s0 =	smov.u32 s8  }
0x100: {  	v3 =	vld [tilespmem:s0+$0x56E0];
	_ =	sdelay $0x4  }
0x101: {  	v2 =	vadd.f32 v2, v3;
	_ =	sdelay $0x1  }
0x102: {  	[tilespmem:s0+$0x56E0] =	vst v2  }
0x103: {  	[tilespmem:s30], [sflag:$0x1] =	stream.linear.gather [spmem:s15], $0x280, $0x38;
	[tilespmem:$0x83E0] =	vst v63  }
0x104: {  	_ =	swait.ge [sflag:s29], $0x280  }
0x105: {  	[sflag:s29] =	ssyncset.done $0x0  }
0x106: {  	s0 =	simm.s32 $0x0;
	[sflag:s29] =	ssyncadd.s32 $0xFFFFFD80  }
0x107: {  	s7 =	simm.s32 $0x40;
	v2 =	vld [tilespmem:s0+$0x5960]  }
.LBB2_26:
0x108: {  	p2 =	sne.s32 s7, $0x9C0;
	v3 =	vld [tilespmem:s0+$0x56E0];
	_ =	sdelay $0x2  }
.Ltmp12:
0x109: {  	(pc) =	sbr.rel @p2 .LBB2_26-.Ltmp12, $4  }
0x10a: {  	_ = 	snop  }
0x10b: {  	v3 =	vadd.f32 v2, v3  }
0x10c: {  	s8 =	sshra.s32 s7, $0x2  }
0x10d: {  	s7 =	sadd.s32 $0x40, s7;
	v2 =	vld [tilespmem:s8+$0x5960];
	[tilespmem:s0+$0x56E0] =	vst v3;
	s0 =	smov.u32 s8  }
0x10e: {  	v3 =	vld [tilespmem:s0+$0x56E0];
	_ =	sdelay $0x4  }
0x10f: {  	v2 =	vadd.f32 v2, v3;
	_ =	sdelay $0x1  }
0x110: {  	[tilespmem:s0+$0x56E0] =	vst v2  }
0x111: {  	[tilespmem:s30], [sflag:$0x1] =	stream.linear.gather [spmem:s16], $0x280, $0x38;
	[tilespmem:$0x83E0] =	vst v63  }
0x112: {  	_ =	swait.ge [sflag:s29], $0x280  }
0x113: {  	[sflag:s29] =	ssyncset.done $0x0  }
0x114: {  	s0 =	simm.s32 $0x0;
	[sflag:s29] =	ssyncadd.s32 $0xFFFFFD80  }
0x115: {  	s7 =	simm.s32 $0x40;
	v2 =	vld [tilespmem:s0+$0x5960]  }
.LBB2_28:
0x116: {  	p2 =	sne.s32 s7, $0x9C0;
	v3 =	vld [tilespmem:s0+$0x56E0];
	_ =	sdelay $0x2  }
.Ltmp13:
0x117: {  	(pc) =	sbr.rel @p2 .LBB2_28-.Ltmp13, $4  }
0x118: {  	_ = 	snop  }
0x119: {  	v3 =	vadd.f32 v2, v3  }
0x11a: {  	s8 =	sshra.s32 s7, $0x2  }
0x11b: {  	s7 =	sadd.s32 $0x40, s7;
	v2 =	vld [tilespmem:s8+$0x5960];
	[tilespmem:s0+$0x56E0] =	vst v3;
	s0 =	smov.u32 s8  }
0x11c: {  	v3 =	vld [tilespmem:s0+$0x56E0];
	_ =	sdelay $0x4  }
0x11d: {  	v2 =	vadd.f32 v2, v3;
	_ =	sdelay $0x1  }
0x11e: {  	[tilespmem:s0+$0x56E0] =	vst v2  }
0x11f: {  	[tilespmem:s30], [sflag:$0x1] =	stream.linear.gather [spmem:s17], $0x280, $0x38;
	[tilespmem:$0x83E0] =	vst v63  }
0x120: {  	_ =	swait.ge [sflag:s29], $0x280  }
0x121: {  	[sflag:s29] =	ssyncset.done $0x0  }
0x122: {  	s0 =	simm.s32 $0x0;
	[sflag:s29] =	ssyncadd.s32 $0xFFFFFD80  }
0x123: {  	s7 =	simm.s32 $0x40;
	v2 =	vld [tilespmem:s0+$0x5960]  }
.LBB2_30:
0x124: {  	p2 =	sne.s32 s7, $0x9C0;
	v3 =	vld [tilespmem:s0+$0x56E0];
	_ =	sdelay $0x2  }
.Ltmp14:
0x125: {  	(pc) =	sbr.rel @p2 .LBB2_30-.Ltmp14, $4  }
0x126: {  	_ = 	snop  }
0x127: {  	v3 =	vadd.f32 v2, v3  }
0x128: {  	s8 =	sshra.s32 s7, $0x2  }
0x129: {  	s7 =	sadd.s32 $0x40, s7;
	v2 =	vld [tilespmem:s8+$0x5960];
	[tilespmem:s0+$0x56E0] =	vst v3;
	s0 =	smov.u32 s8  }
0x12a: {  	v3 =	vld [tilespmem:s0+$0x56E0];
	_ =	sdelay $0x4  }
0x12b: {  	v2 =	vadd.f32 v2, v3;
	_ =	sdelay $0x1  }
0x12c: {  	[tilespmem:s0+$0x56E0] =	vst v2  }
0x12d: {  	[tilespmem:s30], [sflag:$0x1] =	stream.linear.gather [spmem:s18], $0x280, $0x38;
	[tilespmem:$0x83E0] =	vst v63  }
0x12e: {  	_ =	swait.ge [sflag:s29], $0x280  }
0x12f: {  	[sflag:s29] =	ssyncset.done $0x0  }
0x130: {  	s0 =	simm.s32 $0x0;
	[sflag:s29] =	ssyncadd.s32 $0xFFFFFD80  }
0x131: {  	s7 =	simm.s32 $0x40;
	v2 =	vld [tilespmem:s0+$0x5960]  }
.LBB2_32:
0x132: {  	p2 =	sne.s32 s7, $0x9C0;
	v3 =	vld [tilespmem:s0+$0x56E0];
	_ =	sdelay $0x2  }
.Ltmp15:
0x133: {  	(pc) =	sbr.rel @p2 .LBB2_32-.Ltmp15, $4  }
0x134: {  	_ = 	snop  }
0x135: {  	v3 =	vadd.f32 v2, v3  }
0x136: {  	s8 =	sshra.s32 s7, $0x2  }
0x137: {  	s7 =	sadd.s32 $0x40, s7;
	v2 =	vld [tilespmem:s8+$0x5960];
	[tilespmem:s0+$0x56E0] =	vst v3;
	s0 =	smov.u32 s8  }
0x138: {  	v3 =	vld [tilespmem:s0+$0x56E0];
	_ =	sdelay $0x4  }
0x139: {  	v2 =	vadd.f32 v2, v3;
	_ =	sdelay $0x1  }
0x13a: {  	[tilespmem:s0+$0x56E0] =	vst v2  }
0x13b: {  	[tilespmem:s30], [sflag:$0x1] =	stream.linear.gather [spmem:s19], $0x280, $0x38;
	[tilespmem:$0x83E0] =	vst v63  }
0x13c: {  	_ =	swait.ge [sflag:s29], $0x280  }
0x13d: {  	[sflag:s29] =	ssyncset.done $0x0  }
0x13e: {  	s0 =	simm.s32 $0x0;
	[sflag:s29] =	ssyncadd.s32 $0xFFFFFD80  }
0x13f: {  	s7 =	simm.s32 $0x40;
	v2 =	vld [tilespmem:s0+$0x5960]  }
.LBB2_34:
0x140: {  	p2 =	sne.s32 s7, $0x9C0;
	v3 =	vld [tilespmem:s0+$0x56E0];
	_ =	sdelay $0x2  }
.Ltmp16:
0x141: {  	(pc) =	sbr.rel @p2 .LBB2_34-.Ltmp16, $4  }
0x142: {  	_ = 	snop  }
0x143: {  	v3 =	vadd.f32 v2, v3  }
0x144: {  	s8 =	sshra.s32 s7, $0x2  }
0x145: {  	s7 =	sadd.s32 $0x40, s7;
	v2 =	vld [tilespmem:s8+$0x5960];
	[tilespmem:s0+$0x56E0] =	vst v3;
	s0 =	smov.u32 s8  }
0x146: {  	v3 =	vld [tilespmem:s0+$0x56E0];
	_ =	sdelay $0x4  }
0x147: {  	v2 =	vadd.f32 v2, v3;
	_ =	sdelay $0x1  }
0x148: {  	[tilespmem:s0+$0x56E0] =	vst v2  }
0x149: {  	[tilespmem:s30], [sflag:$0x1] =	stream.linear.gather [spmem:s20], $0x280, $0x38;
	[tilespmem:$0x83E0] =	vst v63  }
0x14a: {  	_ =	swait.ge [sflag:s29], $0x280  }
0x14b: {  	[sflag:s29] =	ssyncset.done $0x0  }
0x14c: {  	s0 =	simm.s32 $0x0;
	[sflag:s29] =	ssyncadd.s32 $0xFFFFFD80  }
0x14d: {  	s7 =	simm.s32 $0x40;
	v2 =	vld [tilespmem:s0+$0x5960]  }
.LBB2_36:
0x14e: {  	p2 =	sne.s32 s7, $0x9C0;
	v3 =	vld [tilespmem:s0+$0x56E0];
	_ =	sdelay $0x2  }
.Ltmp17:
0x14f: {  	(pc) =	sbr.rel @p2 .LBB2_36-.Ltmp17, $4  }
0x150: {  	_ = 	snop  }
0x151: {  	v3 =	vadd.f32 v2, v3  }
0x152: {  	s8 =	sshra.s32 s7, $0x2  }
0x153: {  	s7 =	sadd.s32 $0x40, s7;
	v2 =	vld [tilespmem:s8+$0x5960];
	[tilespmem:s0+$0x56E0] =	vst v3;
	s0 =	smov.u32 s8  }
0x154: {  	v3 =	vld [tilespmem:s0+$0x56E0];
	_ =	sdelay $0x4  }
0x155: {  	v2 =	vadd.f32 v2, v3;
	_ =	sdelay $0x1  }
0x156: {  	[tilespmem:s0+$0x56E0] =	vst v2  }
0x157: {  	[tilespmem:s30], [sflag:$0x1] =	stream.linear.gather [spmem:s21], $0x280, $0x38;
	[tilespmem:$0x83E0] =	vst v63  }
0x158: {  	_ =	swait.ge [sflag:s29], $0x280  }
0x159: {  	[sflag:s29] =	ssyncset.done $0x0  }
0x15a: {  	s0 =	simm.s32 $0x0;
	[sflag:s29] =	ssyncadd.s32 $0xFFFFFD80  }
0x15b: {  	s7 =	simm.s32 $0x40;
	v2 =	vld [tilespmem:s0+$0x5960]  }
.LBB2_38:
0x15c: {  	p2 =	sne.s32 s7, $0x9C0;
	v3 =	vld [tilespmem:s0+$0x56E0];
	_ =	sdelay $0x2  }
.Ltmp18:
0x15d: {  	(pc) =	sbr.rel @p2 .LBB2_38-.Ltmp18, $4  }
0x15e: {  	_ = 	snop  }
0x15f: {  	v3 =	vadd.f32 v2, v3  }
0x160: {  	s8 =	sshra.s32 s7, $0x2  }
0x161: {  	s7 =	sadd.s32 $0x40, s7;
	v2 =	vld [tilespmem:s8+$0x5960];
	[tilespmem:s0+$0x56E0] =	vst v3;
	s0 =	smov.u32 s8  }
0x162: {  	v3 =	vld [tilespmem:s0+$0x56E0];
	_ =	sdelay $0x4  }
0x163: {  	v2 =	vadd.f32 v2, v3;
	_ =	sdelay $0x1  }
0x164: {  	[tilespmem:s0+$0x56E0] =	vst v2  }
0x165: {  	[tilespmem:s30], [sflag:$0x1] =	stream.linear.gather [spmem:s22], $0x280, $0x38;
	[tilespmem:$0x83E0] =	vst v63  }
0x166: {  	_ =	swait.ge [sflag:s29], $0x280  }
0x167: {  	[sflag:s29] =	ssyncset.done $0x0  }
0x168: {  	s0 =	simm.s32 $0x0;
	[sflag:s29] =	ssyncadd.s32 $0xFFFFFD80  }
0x169: {  	s7 =	simm.s32 $0x40;
	v2 =	vld [tilespmem:s0+$0x5960]  }
.LBB2_40:
0x16a: {  	p2 =	sne.s32 s7, $0x9C0;
	v3 =	vld [tilespmem:s0+$0x56E0];
	_ =	sdelay $0x2  }
.Ltmp19:
0x16b: {  	(pc) =	sbr.rel @p2 .LBB2_40-.Ltmp19, $4  }
0x16c: {  	_ = 	snop  }
0x16d: {  	v3 =	vadd.f32 v2, v3  }
0x16e: {  	s8 =	sshra.s32 s7, $0x2  }
0x16f: {  	s7 =	sadd.s32 $0x40, s7;
	v2 =	vld [tilespmem:s8+$0x5960];
	[tilespmem:s0+$0x56E0] =	vst v3;
	s0 =	smov.u32 s8  }
0x170: {  	v3 =	vld [tilespmem:s0+$0x56E0];
	_ =	sdelay $0x4  }
0x171: {  	s2 =	sadd.s32 $0x1, s2;
	v2 =	vadd.f32 v2, v3  }
0x172: {  	p2 =	sne.s32 s2, s24  }
.Ltmp20:
0x173: {  	s31 =	simm.s32 $0x56E0;
	[tilespmem:s0+$0x56E0] =	vst v2;
	(pc) =	sbr.rel @p2 .LBB2_1-.Ltmp20, $4  }
0x174: {  	[hbm4b:s23+s3] =	stream.linear.scatter [tilespmem:s31], [sflag:$0x1], $0x280, $0x38;
	[tilespmem:$0x83E0] =	vst v63  }
0x175: {  	_ =	swait.ge [sflag:s29], $0x280  }
0x176: {  	[sflag:s29] =	ssyncset.done $0x0  }
0x177: {  	[sflag:s29] =	ssyncadd.s32 $0xFFFFFD80  }
0x178: {  	_ =	sfence.sel $0x180000  }
0x179: {  	[bflag:$0x0] =	sbarrier.arrive $0xFFFF  }
0x17a: {  	_ =	strace $0x90000047  }
0x17b: {  	s0 =	stileid.u32;
	[bflag:$0x2] =	sbarrier.arrive $0xFFFF  }
0x17c: {  	p0 =	sne.s32 s0, $0x0;
	s0 =	rddreg [dreg:$0x3]  }
0x17d: {  	s0 =	sadd.s32 @!p0 $0x100000, s0  }
0x17e: {  	[sflag:s0] =	ssyncadd.tile.s32 @!p0 $0x1;
	_ =	shalt  }
.Lfunc_end2:
_tile_overlayer_lowered:
.L_overlay_start_2:
0x17f: {  	(tag) =	ssettag $0x2  }
0x180: {  	s0 =	rddreg [dreg:$0x0];
	s2 =	stileid.u32  }
0x181: {  	s1 =	rddreg [dreg:$0x1];
	p0 =	sne.s32 s2, $0x0  }
0x182: {  	s3 =	rddreg [dreg:$0x2];
	[bflag:$0x3] =	sbarrier.arrive $0xFFFF;
	s2 =	simm.s32 @!p0 $0x1C01  }
0x183: {  	[timem:s3], [sflag:s2] =	dma.local @!p0 [hbm:s0], s1  }
0x184: {  	s0 =	simm.s32 @!p0 $0x1  }
0x185: {  	_ =	swait.ge @!p0 [sflag:s0], s1  }
0x186: {  	s1 =	ssub.s32 @!p0 $0x0, s1;
	[sflag:s0] =	ssyncset.done @!p0 $0x0  }
0x187: {  	[sflag:s0] =	ssyncadd.s32 @!p0 s1  }
0x188: {  	[bflag:$0x3] =	sbarrier.arrive $0xFFFF  }
0x189: {  	_ =	shalt  }

</sc_bundles>
